<compile_context>
chip_gen: v7x
topology: tpu7x:2x2x1
jax: 0.10.2.dev20260603
libtpu: 0.0.44.dev20260713+nightly
codegen_flags: <defaults>
</compile_context>

<pallas_src>
import functools

import jax
import jax.numpy as jnp
from jax import lax
from jax.experimental import pallas as pl
from jax.experimental.pallas import tpu as pltpu
from jax.experimental.pallas import tpu_sc as plsc

N = 50000
E = 800000
G = 64
DIN = 59

BLK = 512
NP = 50176
EP = 819200
NW = 32
NC = 2
NS = 16
EW = EP // NW
CH = 1024
NCH = EW // CH
CB = 64
NB = CH // CB
LANES = 16
GWC = 128

R1 = 12544
R23 = 25088
MAXPER = max(R1, R23) // NS


def _nsweeps(r):
    nr = -(-N // r)
    nr += nr % NC
    return nr // NC


def _npad(r):
    return _nsweeps(r) * NC * r



def _prep_first(xp, w, a_s, a_d):
    grid = NP // BLK
    din, dout = w.shape

    def body(x_ref, w_ref, as_v_ref, ad_v_ref, h_ref, as_ref, ad_ref, mx_ref):
        i = pl.program_id(0)
        h = jnp.dot(x_ref[...], w_ref[...], preferred_element_type=jnp.float32)
        h_ref[...] = h
        av = jnp.dot(h, as_v_ref[...], preferred_element_type=jnp.float32)
        dv = jnp.dot(h, ad_v_ref[...], preferred_element_type=jnp.float32)
        as_ref[...] = av
        ad_ref[...] = dv
        m = jnp.concatenate(
            [jnp.max(av).reshape(1, 1), jnp.max(dv).reshape(1, 1)], axis=1)
        prev = mx_ref[...]
        mx_ref[...] = jnp.where(i == 0, m, jnp.maximum(prev, m))

    return pl.pallas_call(
        body,
        grid=(grid,),
        in_specs=[
            pl.BlockSpec((BLK, din), lambda i: (i, 0)),
            pl.BlockSpec((din, dout), lambda i: (0, 0)),
            pl.BlockSpec((dout, 1), lambda i: (0, 0)),
            pl.BlockSpec((dout, 1), lambda i: (0, 0)),
        ],
        out_specs=[
            pl.BlockSpec((BLK, dout), lambda i: (i, 0)),
            pl.BlockSpec((BLK, 1), lambda i: (i, 0)),
            pl.BlockSpec((BLK, 1), lambda i: (i, 0)),
            pl.BlockSpec((1, 2), lambda i: (0, 0)),
        ],
        out_shape=[
            jax.ShapeDtypeStruct((NP, dout), jnp.float32),
            jax.ShapeDtypeStruct((NP, 1), jnp.float32),
            jax.ShapeDtypeStruct((NP, 1), jnp.float32),
            jax.ShapeDtypeStruct((1, 2), jnp.float32),
        ],
    )(xp, w, a_s, a_d)


def _prep_next(num, den, b, w, a_s, a_d):
    grid = NP // BLK
    dprev = num.shape[1]
    dout = w.shape[1]

    def body(num_ref, den_ref, b_ref, w_ref, as_v_ref, ad_v_ref,
             h_ref, as_ref, ad_ref, mx_ref):
        i = pl.program_id(0)
        den_v = den_ref[...]
        sm = jnp.where(den_v > 0.0, num_ref[...] / den_v, 0.0)
        act = jnp.maximum(sm + b_ref[...], 0.0)
        h = jnp.dot(act, w_ref[...], preferred_element_type=jnp.float32)
        h_ref[...] = h
        av = jnp.dot(h, as_v_ref[...], preferred_element_type=jnp.float32)
        dv = jnp.dot(h, ad_v_ref[...], preferred_element_type=jnp.float32)
        as_ref[...] = av
        ad_ref[...] = dv
        m = jnp.concatenate(
            [jnp.max(av).reshape(1, 1), jnp.max(dv).reshape(1, 1)], axis=1)
        prev = mx_ref[...]
        mx_ref[...] = jnp.where(i == 0, m, jnp.maximum(prev, m))

    return pl.pallas_call(
        body,
        grid=(grid,),
        in_specs=[
            pl.BlockSpec((BLK, dprev), lambda i: (i, 0)),
            pl.BlockSpec((BLK, 1), lambda i: (i, 0)),
            pl.BlockSpec((1, dprev), lambda i: (0, 0)),
            pl.BlockSpec((dprev, dout), lambda i: (0, 0)),
            pl.BlockSpec((dout, 1), lambda i: (0, 0)),
            pl.BlockSpec((dout, 1), lambda i: (0, 0)),
        ],
        out_specs=[
            pl.BlockSpec((BLK, dout), lambda i: (i, 0)),
            pl.BlockSpec((BLK, 1), lambda i: (i, 0)),
            pl.BlockSpec((BLK, 1), lambda i: (i, 0)),
            pl.BlockSpec((1, 2), lambda i: (0, 0)),
        ],
        out_shape=[
            jax.ShapeDtypeStruct((NP, dout), jnp.float32),
            jax.ShapeDtypeStruct((NP, 1), jnp.float32),
            jax.ShapeDtypeStruct((NP, 1), jnp.float32),
            jax.ShapeDtypeStruct((1, 2), jnp.float32),
        ],
    )(num, den, b, w, a_s, a_d)


def _final(num, den, b, batch2d, pol_params, val_params):
    grid = NP // BLK
    d = num.shape[1]

    pws = [wb[0] for wb in pol_params]
    pbs = [wb[1].reshape(1, -1) for wb in pol_params]
    vws = [wb[0] for wb in val_params]
    vbs = [wb[1].reshape(1, -1) for wb in val_params]

    def body(num_ref, den_ref, b_ref, batch_ref,
             pw0, pb0, pw1, pb1, pw2, pb2, pw3, pb3,
             vw0, vb0, vw1, vb1, vw2, vb2, vw3, vb3,
             pol_ref, val_ref, pooled):
        i = pl.program_id(0)
        den_v = den_ref[...]
        sm = jnp.where(den_v > 0.0, num_ref[...] / den_v, 0.0)
        act = jnp.maximum(sm + b_ref[...], 0.0)

        t = act
        for wref, bref, last in ((pw0, pb0, False), (pw1, pb1, False),
                                 (pw2, pb2, False), (pw3, pb3, True)):
            t = jnp.dot(t, wref[...], preferred_element_type=jnp.float32) + bref[...]
            if not last:
                t = jnp.maximum(t, 0.0)
        pol_ref[...] = t

        gids = jax.lax.broadcasted_iota(jnp.int32, (1, G), 1)
        oh = (batch_ref[...] == gids).astype(jnp.float32)
        contrib = jax.lax.dot_general(
            oh, act, (((0,), (0,)), ((), ())),
            preferred_element_type=jnp.float32)

        @pl.when(i == 0)
        def _():
            pooled[...] = jnp.zeros_like(pooled)

        pooled[...] += contrib

        @pl.when(i == grid - 1)
        def _():
            tv = pooled[...]
            for wref, bref, last in ((vw0, vb0, False), (vw1, vb1, False),
                                     (vw2, vb2, False), (vw3, vb3, True)):
                tv = jnp.dot(tv, wref[...], preferred_element_type=jnp.float32) + bref[...]
                if not last:
                    tv = jnp.maximum(tv, 0.0)
            val_ref[...] = tv

    full = lambda a: pl.BlockSpec(a.shape, lambda i: tuple(0 for _ in a.shape))
    wspecs = []
    for wb in list(zip(pws, pbs)) + list(zip(vws, vbs)):
        wspecs.append(full(wb[0]))
        wspecs.append(full(wb[1]))

    return pl.pallas_call(
        body,
        grid=(grid,),
        in_specs=[
            pl.BlockSpec((BLK, d), lambda i: (i, 0)),
            pl.BlockSpec((BLK, 1), lambda i: (i, 0)),
            pl.BlockSpec((1, d), lambda i: (0, 0)),
            pl.BlockSpec((BLK, 1), lambda i: (i, 0)),
        ] + wspecs,
        out_specs=[
            pl.BlockSpec((BLK, 1), lambda i: (i, 0)),
            pl.BlockSpec((G, 1), lambda i: (0, 0)),
        ],
        out_shape=[
            jax.ShapeDtypeStruct((NP, 1), jnp.float32),
            jax.ShapeDtypeStruct((G, 1), jnp.float32),
        ],
        scratch_shapes=[pltpu.VMEM((G, d), jnp.float32)],
    )(num, den, b, batch2d,
      pws[0], pbs[0], pws[1], pbs[1], pws[2], pbs[2], pws[3], pbs[3],
      vws[0], vbs[0], vws[1], vbs[1], vws[2], vbs[2], vws[3], vbs[3])



def _make_edge_kernel(d, r):
    nsweeps = _nsweeps(r)
    npad = _npad(r)
    per_acc = r // NS
    zrows = 16 if per_acc % 16 == 0 else per_acc
    assert per_acc % zrows == 0
    GW = GWC
    NG = CH // GW
    mesh = plsc.VectorSubcoreMesh(
        core_axis_name="c", subcore_axis_name="s",
        num_cores=NC, num_subcores=NS)

    @functools.partial(
        pl.kernel,
        out_type=[
            jax.ShapeDtypeStruct((npad, d), jnp.float32),
            jax.ShapeDtypeStruct((npad,), jnp.float32),
        ],
        mesh=mesh,
        scratch_types=[
            pltpu.VMEM((2 * CH // GW, GW), jnp.int32),
            pltpu.VMEM((CH,), jnp.float32),
            pltpu.VMEM((CH,), jnp.float32),
            pltpu.VMEM((CH + LANES,), jnp.int32),
            pltpu.VMEM((NB + 1, CB), jnp.int32),
            pltpu.VMEM((CH + LANES,), jnp.float32),
            pltpu.VMEM((CB, d), jnp.float32),
            pltpu.VMEM((zrows, d), jnp.float32),
            pltpu.VMEM((MAXPER,), jnp.float32),
            pltpu.VMEM((MAXPER,), jnp.float32),
            pltpu.VMEM((LANES,), jnp.float32),
            pltpu.VMEM_SHARED((NP,), jnp.float32),
            pltpu.VMEM_SHARED((NP,), jnp.float32),
            pltpu.VMEM_SHARED((r, d), jnp.float32),
            pltpu.VMEM_SHARED((r,), jnp.float32),
            pltpu.SemaphoreType.DMA,
        ],
        compiler_params=pltpu.CompilerParams(
            needs_layout_passes=False, use_tc_tiling_on_sc=False),
    )
    def edge_kernel(h_hbm, tab_hbm, ep_hbm,
                    num_hbm, den_hbm,
                    sd_t, av_t, dv_t, cidx, cdst, cw, rows,
                    zbuf, zdbuf, dbuf, cv, as_sh, ad_sh, acc, accd, sem):
        core = lax.axis_index("c")
        sid = lax.axis_index("s")
        nch2 = NCH * NC

        @pl.when(sid == 0)
        def _():
            pltpu.sync_copy(tab_hbm.at[pl.ds(0, NP)], as_sh)
            pltpu.sync_copy(tab_hbm.at[pl.ds(NP, NP)], ad_sh)
        pltpu.sync_copy(tab_hbm.at[pl.ds(2 * NP, LANES)], cv)
        cval = cv[...]

        def zb(j, _):
            for k in range(d // LANES):
                zbuf[j, pl.ds(k * LANES, LANES)] = jnp.zeros((LANES,), jnp.float32)
            return 0
        lax.fori_loop(0, zrows, zb, 0)

        def zd(j, _):
            z = jnp.zeros((LANES,), jnp.float32)
            zdbuf[pl.ds(j * LANES, LANES)] = z
            return 0
        lax.fori_loop(0, MAXPER // LANES, zd, 0)

        def zc(j, _):
            cidx[pl.ds(j * LANES, LANES)] = jnp.zeros((LANES,), jnp.int32)
            cw[pl.ds(j * LANES, LANES)] = jnp.zeros((LANES,), jnp.float32)
            return 0
        lax.fori_loop(0, (CH + LANES) // LANES, zc, 0)

        def zc2(j, _):
            for bb in range(NB + 1):
                cdst[bb, pl.ds(j * LANES, LANES)] = jnp.zeros((LANES,), jnp.int32)
            return 0
        lax.fori_loop(0, CB // LANES, zc2, 0)
        plsc.subcore_barrier()

        def sweep_body(s, _):
            def za(j, _2):
                pltpu.sync_copy(
                    zbuf, acc.at[pl.ds(sid * per_acc + j * zrows, zrows)])
                return 0
            lax.fori_loop(0, per_acc // zrows, za, 0)
            pltpu.sync_copy(zdbuf.at[pl.ds(0, per_acc)],
                            accd.at[pl.ds(sid * per_acc, per_acc)])
            plsc.subcore_barrier()

            base = (s * NC + core) * r
            lo_s = jnp.minimum(base, N)
            hi_s = jnp.minimum(base + r, N)
            lo16 = jnp.full((LANES,), lo_s, jnp.int32)
            hi16 = jnp.full((LANES,), hi_s, jnp.int32)

            def chunk_body(ci, _2):
                pltpu.sync_copy(ep_hbm.at[sid * nch2 + ci], sd_t)

                descs = []
                for j in range(NG):
                    descs.append(pltpu.async_copy(
                        as_sh.at[sd_t.at[j]],
                        av_t.at[pl.ds(j * GW, GW)], sem))
                    descs.append(pltpu.async_copy(
                        ad_sh.at[sd_t.at[NG + j]],
                        dv_t.at[pl.ds(j * GW, GW)], sem))
                for dsc in descs:
                    dsc.wait()

                def zw(j, c):
                    cw[pl.ds(j * LANES, LANES)] = jnp.zeros((LANES,), jnp.float32)
                    return c
                lax.fori_loop(0, CH // LANES, zw, 0)

                def comp(g, pos):
                    d16 = sd_t[lax.div(g, GW // LANES) + NG,
                               pl.ds(lax.rem(g, GW // LANES) * LANES, LANES)]
                    s16 = sd_t[lax.div(g, GW // LANES),
                               pl.ds(lax.rem(g, GW // LANES) * LANES, LANES)]
                    t = (av_t[pl.ds(g * LANES, LANES)]
                         + dv_t[pl.ds(g * LANES, LANES)])
                    e = jnp.maximum(t, 0.2 * t)
                    w = jnp.exp(e - cval)
                    m = (d16 >= lo16) & (d16 < hi16)
                    cm = plsc.cumsum(m.astype(jnp.int32))
                    lanes = jax.lax.iota(jnp.int32, LANES)
                    positions = jnp.where(m, pos + cm - 1, CH + lanes)
                    wm = jnp.where(m, w, 0.0)
                    dm = jnp.where(m, d16 - lo16, 0)
                    plsc.store_scatter(cidx, [positions], s16, mask=m)
                    plsc.store_scatter(cw, [positions], wm, mask=m)
                    prow = lax.shift_right_logical(
                        positions, jnp.full((LANES,), 6, jnp.int32))
                    pcol = positions & jnp.full((LANES,), CB - 1, jnp.int32)
                    plsc.store_scatter(cdst, [prow, pcol], dm, mask=m)
                    cnt = plsc.all_reduce_population_count(m)
                    return pos + cnt

                pos = lax.fori_loop(0, CH // LANES, comp,
                                    jnp.zeros((LANES,), jnp.int32))
                npos = jnp.max(pos)

                def flush(b, c):
                    @pl.when(b * CB < npos)
                    def _():
                        idx_ref = cidx.at[pl.ds(b * CB, CB)]
                        pltpu.async_copy(h_hbm.at[idx_ref], rows, sem).wait()

                        def scale(rr, c2):
                            widx = jnp.full((LANES,), b * CB + rr, jnp.int32)
                            wv = plsc.load_gather(cw, [widx])
                            for k in range(d // LANES):
                                rows[rr, pl.ds(k * LANES, LANES)] = (
                                    rows[rr, pl.ds(k * LANES, LANES)] * wv)
                            return c2
                        lax.fori_loop(0, CB, scale, 0)

                        pltpu.sync_copy(rows, acc.at[cdst.at[b]], add=True)
                        pltpu.sync_copy(cw.at[pl.ds(b * CB, CB)],
                                        accd.at[cdst.at[b]], add=True)
                    return c

                lax.fori_loop(0, NB, flush, 0)
                return 0

            @pl.when(lo_s < hi_s)
            def _():
                lax.fori_loop(0, nch2, chunk_body, 0)
            plsc.subcore_barrier()

            pltpu.sync_copy(
                acc.at[pl.ds(sid * per_acc, per_acc)],
                num_hbm.at[pl.ds(base + sid * per_acc, per_acc)])
            pltpu.sync_copy(accd.at[pl.ds(sid * per_acc, per_acc)],
                            dbuf.at[pl.ds(0, per_acc)])
            pltpu.sync_copy(dbuf.at[pl.ds(0, per_acc)],
                            den_hbm.at[pl.ds(base + sid * per_acc, per_acc)])

            plsc.subcore_barrier()
            return 0

        lax.fori_loop(0, nsweeps, sweep_body, 0)

    return edge_kernel


_edge1 = None
_edge23 = None


def _edge_kernels():
    global _edge1, _edge23
    if _edge1 is None:
        _edge1 = _make_edge_kernel(128, R1)
        _edge23 = _make_edge_kernel(64, R23)
    return _edge1, _edge23



def kernel(x, edge_index, batch, params):
    e1, e23 = _edge_kernels()

    xp = jnp.pad(x, ((0, NP - N), (0, 0)))
    src = jnp.pad(edge_index[0], (0, EP - E))
    dst = jnp.pad(edge_index[1], (0, EP - E), constant_values=N)
    epk = jnp.concatenate(
        [src.reshape(EP // CH, 1, CH), dst.reshape(EP // CH, 1, CH)],
        axis=1).reshape(EP // CH, 2 * CH // GWC, GWC)
    batch2d = jnp.pad(batch, (0, NP - N), constant_values=G).reshape(NP, 1)

    outs = []
    h_tab = None
    num = den = None
    for li, (pname, ek) in enumerate((("gat1", e1), ("gat2", e23),
                                      ("gat3", e23))):
        p = params[pname]
        w = p["W"]
        a_s = p["a_src"].reshape(-1, 1)
        a_d = p["a_dst"].reshape(-1, 1)
        if li == 0:
            h_tab, asv, adv, mx = _prep_first(xp, w, a_s, a_d)
        else:
            bprev = params["gat%d" % li]["b"].reshape(1, -1)
            h_tab, asv, adv, mx = _prep_next(num, den.reshape(-1, 1), bprev,
                                             w, a_s, a_d)
        c = jnp.maximum(mx[0, 0] + mx[0, 1], 0.0)
        tab = jnp.concatenate(
            [asv.reshape(NP), adv.reshape(NP),
             jnp.full((LANES,), c, jnp.float32)])
        num, den = ek(h_tab, tab, epk)

    b3 = params["gat3"]["b"].reshape(1, -1)
    policy_pad, value = _final(num, den.reshape(-1, 1), b3, batch2d,
                               params["policy"], params["value"])
    return policy_pad[:N], value

# --- scband reference (transcript-rebuilt; emitter-appended) ---
"""Pipeline reference for scband-my-net-7026566496735 (READ-ONLY COPY).

The authoritative reference and input builder live on the scoring server;
editing this copy changes nothing except your own understanding.
"""

import jax, jax.numpy as jnp
import numpy as np

N_NODES = 50000
N_EDGES = 800000
NUM_GRAPHS = 64
D = 128


def _glorot(key, shape):
    fan_in = shape[0]
    return jax.random.normal(key, shape, dtype=jnp.float32) * (1.0 / np.sqrt(fan_in))


def _gat_params(key, in_dim, out_dim):
    k1, k2, k3 = jax.random.split(key, 3)
    return {
        "W": _glorot(k1, (in_dim, out_dim)),
        "a_src": jax.random.normal(k2, (out_dim,), dtype=jnp.float32) * 0.1,
        "a_dst": jax.random.normal(k3, (out_dim,), dtype=jnp.float32) * 0.1,
        "b": jnp.zeros((out_dim,), dtype=jnp.float32),
    }


def _mlp_params(key, dims):
    layers = []
    ks = jax.random.split(key, len(dims) - 1)
    for i in range(len(dims) - 1):
        layers.append((_glorot(ks[i], (dims[i], dims[i + 1])), jnp.zeros((dims[i + 1],), dtype=jnp.float32)))
    return layers


def setup_inputs(seed: int = 0) -> dict:
    key = jax.random.key(seed)
    ks = jax.random.split(key, 8)
    x = jax.random.normal(ks[0], (N_NODES, 59), dtype=jnp.float32)
    edge_index = jax.random.randint(ks[1], (2, N_EDGES), 0, N_NODES, dtype=jnp.int32)
    batch = jnp.sort(jax.random.randint(ks[2], (N_NODES,), 0, NUM_GRAPHS, dtype=jnp.int32))
    params = {
        "gat1": _gat_params(ks[3], 59, D),
        "gat2": _gat_params(ks[4], D, D // 2),
        "gat3": _gat_params(ks[5], D // 2, D // 2),
        "policy": _mlp_params(ks[6], [D // 2, D // 2, D // 4, D // 8, 1]),
        "value": _mlp_params(ks[7], [D // 2, D // 2, D // 4, D // 8, 1]),
    }
    return {"x": x, "edge_index": edge_index, "batch": batch, "params": params}


def _gat_conv(x, edge_index, p, num_nodes):
    src, dst = edge_index[0], edge_index[1]
    h = x @ p["W"]
    alpha_src = h @ p["a_src"]
    alpha_dst = h @ p["a_dst"]
    e = jax.nn.leaky_relu(alpha_src[src] + alpha_dst[dst], negative_slope=0.2)
    e_max = jax.ops.segment_max(e, dst, num_segments=num_nodes)
    e_max = jnp.where(jnp.isfinite(e_max), e_max, 0.0)
    e_exp = jnp.exp(e - e_max[dst])
    denom = jax.ops.segment_sum(e_exp, dst, num_segments=num_nodes)
    alpha = e_exp / (denom[dst] + 1e-16)
    out = jax.ops.segment_sum(h[src] * alpha[:, None], dst, num_segments=num_nodes)
    return out + p["b"]


def _mlp(x, layers):
    n = len(layers)
    for i, (W, b) in enumerate(layers):
        x = x @ W + b
        if i < n - 1:
            x = jax.nn.relu(x)
    return x


def reference(x, edge_index, batch, params):
    h = jax.nn.relu(_gat_conv(x, edge_index, params["gat1"], N_NODES))
    h = jax.nn.relu(_gat_conv(h, edge_index, params["gat2"], N_NODES))
    h = jax.nn.relu(_gat_conv(h, edge_index, params["gat3"], N_NODES))
    policy = _mlp(h, params["policy"])
    pooled = jax.ops.segment_sum(h, batch, num_segments=NUM_GRAPHS)
    value = _mlp(pooled, params["value"])
    return (policy, value)

if __name__ == "__main__":
    import jax
    _d = setup_inputs()
    print(jax.jit(kernel)(*tuple(_d.values())))

</pallas_src>

<mosaic_0001>
#map = affine_map<(d0, d1) -> (0, 0)>
#map1 = affine_map<(d0, d1) -> (0)>
#map2 = affine_map<(d0, d1) -> (0, 0, 0)>
module attributes {stable_mosaic.version = 14 : i64} {
  func.func @edge_kernel(%arg0: i32, %arg1: i32, %arg2: memref<50176x128xf32, #tpu.memory_space<hbm>>, %arg3: memref<100368xf32, #tpu.memory_space<hbm>>, %arg4: memref<800x16x128xi32, #tpu.memory_space<hbm>>, %arg5: memref<50176x128xf32, #tpu.memory_space<hbm>>, %arg6: memref<50176xf32, #tpu.memory_space<hbm>>, %arg7: memref<16x128xi32, #tpu.memory_space<vmem>>, %arg8: memref<1024xf32, #tpu.memory_space<vmem>>, %arg9: memref<1024xf32, #tpu.memory_space<vmem>>, %arg10: memref<1040xi32, #tpu.memory_space<vmem>>, %arg11: memref<17x64xi32, #tpu.memory_space<vmem>>, %arg12: memref<1040xf32, #tpu.memory_space<vmem>>, %arg13: memref<64x128xf32, #tpu.memory_space<vmem>>, %arg14: memref<16x128xf32, #tpu.memory_space<vmem>>, %arg15: memref<1568xf32, #tpu.memory_space<vmem>>, %arg16: memref<1568xf32, #tpu.memory_space<vmem>>, %arg17: memref<16xf32, #tpu.memory_space<vmem>>, %arg18: memref<50176xf32, #tpu.memory_space<vmem_shared>>, %arg19: memref<50176xf32, #tpu.memory_space<vmem_shared>>, %arg20: memref<12544x128xf32, #tpu.memory_space<vmem_shared>>, %arg21: memref<12544xf32, #tpu.memory_space<vmem_shared>>, %arg22: memref<!tpu.dma_semaphore, #tpu.memory_space<semaphore_mem>>) attributes {dimension_semantics = [#tpu.dimension_semantics<core_parallel>, #tpu.dimension_semantics<subcore_parallel>], iteration_bounds = array<i64: 2, 16>, scalar_prefetch = 0 : i64, scratch_operands = 16 : i64, tpu.core_type = #tpu.core_type<sc_vector_subcore>, window_params = [{transform_indices = #map}, {transform_indices = #map1}, {transform_indices = #map2}, {transform_indices = #map}, {transform_indices = #map1}]} {
    %eq3A = arith.constant 0 : i32
    %eq3A_0 = arith.cmpi eq, %arg1, %eq3A : i32
    %convert_element_type3A = arith.extui %eq3A_0 : i1 to i32
    %cond3A = arith.constant 0 : i32
    %cond3A_1 = arith.cmpi ne, %convert_element_type3A, %cond3A : i32
    scf.if %cond3A_1 {
      "tpu.region"() ({
        %run_scoped3A = tpu.sem_alloc : memref<!tpu.dma_semaphore, #tpu.memory_space<semaphore_mem>>
        %dma_start3A = arith.constant 0 : i32
        %dma_start3A_37 = tpu.memref_slice %arg3[%dma_start3A] : memref<100368xf32, #tpu.memory_space<hbm>> -> memref<50176xf32, #tpu.memory_space<hbm>>
        tpu.enqueue_dma source(%dma_start3A_37 : memref<50176xf32, #tpu.memory_space<hbm>>) target(%arg18 : memref<50176xf32, #tpu.memory_space<vmem_shared>>) target_semaphore(%run_scoped3A : memref<!tpu.dma_semaphore, #tpu.memory_space<semaphore_mem>>)
        %dma_wait3A = arith.constant 0 : i32
        %dma_wait3A_38 = tpu.memref_slice %arg3[%dma_wait3A] : memref<100368xf32, #tpu.memory_space<hbm>> -> memref<50176xf32, #tpu.memory_space<hbm>>
        tpu.wait_dma2 semaphore(%run_scoped3A : memref<!tpu.dma_semaphore, #tpu.memory_space<semaphore_mem>>) src(%dma_wait3A_38 : memref<50176xf32, #tpu.memory_space<hbm>>) dst(%arg18 : memref<50176xf32, #tpu.memory_space<vmem_shared>>)
        tpu.yield
      }) : () -> ()
      "tpu.region"() ({
        %run_scoped3A = tpu.sem_alloc : memref<!tpu.dma_semaphore, #tpu.memory_space<semaphore_mem>>
        %dma_start3A = arith.constant 50176 : i32
        %dma_start3A_37 = tpu.memref_slice %arg3[%dma_start3A] : memref<100368xf32, #tpu.memory_space<hbm>> -> memref<50176xf32, #tpu.memory_space<hbm>>
        tpu.enqueue_dma source(%dma_start3A_37 : memref<50176xf32, #tpu.memory_space<hbm>>) target(%arg19 : memref<50176xf32, #tpu.memory_space<vmem_shared>>) target_semaphore(%run_scoped3A : memref<!tpu.dma_semaphore, #tpu.memory_space<semaphore_mem>>)
        %dma_wait3A = arith.constant 50176 : i32
        %dma_wait3A_38 = tpu.memref_slice %arg3[%dma_wait3A] : memref<100368xf32, #tpu.memory_space<hbm>> -> memref<50176xf32, #tpu.memory_space<hbm>>
        tpu.wait_dma2 semaphore(%run_scoped3A : memref<!tpu.dma_semaphore, #tpu.memory_space<semaphore_mem>>) src(%dma_wait3A_38 : memref<50176xf32, #tpu.memory_space<hbm>>) dst(%arg19 : memref<50176xf32, #tpu.memory_space<vmem_shared>>)
        tpu.yield
      }) : () -> ()
    } else {
    }
    "tpu.region"() ({
      %run_scoped3A = tpu.sem_alloc : memref<!tpu.dma_semaphore, #tpu.memory_space<semaphore_mem>>
      %dma_start3A = arith.constant 100352 : i32
      %dma_start3A_37 = tpu.memref_slice %arg3[%dma_start3A] : memref<100368xf32, #tpu.memory_space<hbm>> -> memref<16xf32, #tpu.memory_space<hbm>>
      %dma_start3A_38 = arith.constant 100352 : i32
      %dma_start3A_39 = tpu.memref_slice %arg3[%dma_start3A_38] : memref<100368xf32, #tpu.memory_space<hbm>> -> memref<16xf32, #tpu.memory_space<hbm>>
      tpu.enqueue_dma source(%dma_start3A_39 : memref<16xf32, #tpu.memory_space<hbm>>) target(%arg17 : memref<16xf32, #tpu.memory_space<vmem>>) target_semaphore(%run_scoped3A : memref<!tpu.dma_semaphore, #tpu.memory_space<semaphore_mem>>)
      %dma_wait3A = arith.constant 100352 : i32
      %dma_wait3A_40 = tpu.memref_slice %arg3[%dma_wait3A] : memref<100368xf32, #tpu.memory_space<hbm>> -> memref<16xf32, #tpu.memory_space<hbm>>
      %dma_wait3A_41 = arith.constant 100352 : i32
      %dma_wait3A_42 = tpu.memref_slice %arg3[%dma_wait3A_41] : memref<100368xf32, #tpu.memory_space<hbm>> -> memref<16xf32, #tpu.memory_space<hbm>>
      tpu.wait_dma2 semaphore(%run_scoped3A : memref<!tpu.dma_semaphore, #tpu.memory_space<semaphore_mem>>) src(%dma_wait3A_42 : memref<16xf32, #tpu.memory_space<hbm>>) dst(%arg17 : memref<16xf32, #tpu.memory_space<vmem>>)
      tpu.yield
    }) : () -> ()
    %get3A = arith.constant 0 : index
    %get3A_2 = tpu.vector_load %arg17[%get3A] {strides = array<i32>} : memref<16xf32, #tpu.memory_space<vmem>>, vector<16xf32>,
    %scan3A = arith.constant 0 : i32
    %scan3A_3 = arith.constant 0 : i32
    %scan3A_4 = arith.constant 16 : i32
    %scan3A_5 = arith.addi %scan3A_3, %scan3A_4 : i32
    %scan3A_6 = arith.constant 1 : i32
    %scan3A_7 = scf.for %scan3A_37 = %scan3A_3 to %scan3A_5 step %scan3A_6 iter_args(%scan3A_38 = %scan3A) -> (i32)  : i32 {
      %broadcast_in_dim3A = arith.constant 0.000000e+00 : f32
      %broadcast_in_dim3A_39 = vector.broadcast %broadcast_in_dim3A : f32 to vector<16xf32>
      %swap3A = arith.index_cast %scan3A_37 : i32 to index
      %swap3A_40 = arith.constant 0 : index
      %swap3A_41 = tpu.vector_load %arg14[%swap3A, %swap3A_40] {strides = array<i32>} : memref<16x128xf32, #tpu.memory_space<vmem>>, vector<16xf32>,
      tpu.vector_store %arg14[%swap3A, %swap3A_40], %broadcast_in_dim3A_39 {strides = array<i32>} : memref<16x128xf32, #tpu.memory_space<vmem>>, vector<16xf32>,
      %broadcast_in_dim3A_42 = arith.constant 0.000000e+00 : f32
      %broadcast_in_dim3A_43 = vector.broadcast %broadcast_in_dim3A_42 : f32 to vector<16xf32>
      %swap3A_44 = arith.index_cast %scan3A_37 : i32 to index
      %swap3A_45 = arith.constant 16 : index
      %swap3A_46 = tpu.vector_load %arg14[%swap3A_44, %swap3A_45] {strides = array<i32>} : memref<16x128xf32, #tpu.memory_space<vmem>>, vector<16xf32>,
      tpu.vector_store %arg14[%swap3A_44, %swap3A_45], %broadcast_in_dim3A_43 {strides = array<i32>} : memref<16x128xf32, #tpu.memory_space<vmem>>, vector<16xf32>,
      %broadcast_in_dim3A_47 = arith.constant 0.000000e+00 : f32
      %broadcast_in_dim3A_48 = vector.broadcast %broadcast_in_dim3A_47 : f32 to vector<16xf32>
      %swap3A_49 = arith.index_cast %scan3A_37 : i32 to index
      %swap3A_50 = arith.constant 32 : index
      %swap3A_51 = tpu.vector_load %arg14[%swap3A_49, %swap3A_50] {strides = array<i32>} : memref<16x128xf32, #tpu.memory_space<vmem>>, vector<16xf32>,
      tpu.vector_store %arg14[%swap3A_49, %swap3A_50], %broadcast_in_dim3A_48 {strides = array<i32>} : memref<16x128xf32, #tpu.memory_space<vmem>>, vector<16xf32>,
      %broadcast_in_dim3A_52 = arith.constant 0.000000e+00 : f32
      %broadcast_in_dim3A_53 = vector.broadcast %broadcast_in_dim3A_52 : f32 to vector<16xf32>
      %swap3A_54 = arith.index_cast %scan3A_37 : i32 to index
      %swap3A_55 = arith.constant 48 : index
      %swap3A_56 = tpu.vector_load %arg14[%swap3A_54, %swap3A_55] {strides = array<i32>} : memref<16x128xf32, #tpu.memory_space<vmem>>, vector<16xf32>,
      tpu.vector_store %arg14[%swap3A_54, %swap3A_55], %broadcast_in_dim3A_53 {strides = array<i32>} : memref<16x128xf32, #tpu.memory_space<vmem>>, vector<16xf32>,
      %broadcast_in_dim3A_57 = arith.constant 0.000000e+00 : f32
      %broadcast_in_dim3A_58 = vector.broadcast %broadcast_in_dim3A_57 : f32 to vector<16xf32>
      %swap3A_59 = arith.index_cast %scan3A_37 : i32 to index
      %swap3A_60 = arith.constant 64 : index
      %swap3A_61 = tpu.vector_load %arg14[%swap3A_59, %swap3A_60] {strides = array<i32>} : memref<16x128xf32, #tpu.memory_space<vmem>>, vector<16xf32>,
      tpu.vector_store %arg14[%swap3A_59, %swap3A_60], %broadcast_in_dim3A_58 {strides = array<i32>} : memref<16x128xf32, #tpu.memory_space<vmem>>, vector<16xf32>,
      %broadcast_in_dim3A_62 = arith.constant 0.000000e+00 : f32
      %broadcast_in_dim3A_63 = vector.broadcast %broadcast_in_dim3A_62 : f32 to vector<16xf32>
      %swap3A_64 = arith.index_cast %scan3A_37 : i32 to index
      %swap3A_65 = arith.constant 80 : index
      %swap3A_66 = tpu.vector_load %arg14[%swap3A_64, %swap3A_65] {strides = array<i32>} : memref<16x128xf32, #tpu.memory_space<vmem>>, vector<16xf32>,
      tpu.vector_store %arg14[%swap3A_64, %swap3A_65], %broadcast_in_dim3A_63 {strides = array<i32>} : memref<16x128xf32, #tpu.memory_space<vmem>>, vector<16xf32>,
      %broadcast_in_dim3A_67 = arith.constant 0.000000e+00 : f32
      %broadcast_in_dim3A_68 = vector.broadcast %broadcast_in_dim3A_67 : f32 to vector<16xf32>
      %swap3A_69 = arith.index_cast %scan3A_37 : i32 to index
      %swap3A_70 = arith.constant 96 : index
      %swap3A_71 = tpu.vector_load %arg14[%swap3A_69, %swap3A_70] {strides = array<i32>} : memref<16x128xf32, #tpu.memory_space<vmem>>, vector<16xf32>,
      tpu.vector_store %arg14[%swap3A_69, %swap3A_70], %broadcast_in_dim3A_68 {strides = array<i32>} : memref<16x128xf32, #tpu.memory_space<vmem>>, vector<16xf32>,
      %broadcast_in_dim3A_72 = arith.constant 0.000000e+00 : f32
      %broadcast_in_dim3A_73 = vector.broadcast %broadcast_in_dim3A_72 : f32 to vector<16xf32>
      %swap3A_74 = arith.index_cast %scan3A_37 : i32 to index
      %swap3A_75 = arith.constant 112 : index
      %swap3A_76 = tpu.vector_load %arg14[%swap3A_74, %swap3A_75] {strides = array<i32>} : memref<16x128xf32, #tpu.memory_space<vmem>>, vector<16xf32>,
      tpu.vector_store %arg14[%swap3A_74, %swap3A_75], %broadcast_in_dim3A_73 {strides = array<i32>} : memref<16x128xf32, #tpu.memory_space<vmem>>, vector<16xf32>,
      %scan3A_77 = arith.constant 0 : i32
      scf.yield %scan3A_77 : i32
    }
    %scan3A_8 = arith.constant 16 : i32
    %scan3A_9 = arith.constant 0 : i32
    %scan3A_10 = arith.constant 0 : i32
    %scan3A_11 = arith.constant 98 : i32
    %scan3A_12 = arith.addi %scan3A_10, %scan3A_11 : i32
    %scan3A_13 = arith.constant 1 : i32
    %scan3A_14 = scf.for %scan3A_37 = %scan3A_10 to %scan3A_12 step %scan3A_13 iter_args(%scan3A_38 = %scan3A_9) -> (i32)  : i32 {
      %broadcast_in_dim3A = arith.constant 0.000000e+00 : f32
      %broadcast_in_dim3A_39 = vector.broadcast %broadcast_in_dim3A : f32 to vector<16xf32>
      %mul3A = arith.constant 16 : i32
      %mul3A_40 = arith.muli %scan3A_37, %mul3A : i32
      %swap3A = arith.index_cast %mul3A_40 : i32 to index
      %swap3A_41 = tpu.vector_load %arg15[%swap3A] {strides = array<i32>} : memref<1568xf32, #tpu.memory_space<vmem>>, vector<16xf32>,
      tpu.vector_store %arg15[%swap3A], %broadcast_in_dim3A_39 {strides = array<i32>} : memref<1568xf32, #tpu.memory_space<vmem>>, vector<16xf32>,
      %scan3A_42 = arith.constant 0 : i32
      scf.yield %scan3A_42 : i32
    }
    %scan3A_15 = arith.constant 98 : i32
    %scan3A_16 = arith.constant 0 : i32
    %scan3A_17 = arith.constant 0 : i32
    %scan3A_18 = arith.constant 65 : i32
    %scan3A_19 = arith.addi %scan3A_17, %scan3A_18 : i32
    %scan3A_20 = arith.constant 1 : i32
    %scan3A_21 = scf.for %scan3A_37 = %scan3A_17 to %scan3A_19 step %scan3A_20 iter_args(%scan3A_38 = %scan3A_16) -> (i32)  : i32 {
      %broadcast_in_dim3A = arith.constant 0 : i32
      %broadcast_in_dim3A_39 = vector.broadcast %broadcast_in_dim3A : i32 to vector<16xi32>
      %mul3A = arith.constant 16 : i32
      %mul3A_40 = arith.muli %scan3A_37, %mul3A : i32
      %swap3A = arith.index_cast %mul3A_40 : i32 to index
      %swap3A_41 = tpu.vector_load %arg10[%swap3A] {strides = array<i32>} : memref<1040xi32, #tpu.memory_space<vmem>>, vector<16xi32>,
      tpu.vector_store %arg10[%swap3A], %broadcast_in_dim3A_39 {strides = array<i32>} : memref<1040xi32, #tpu.memory_space<vmem>>, vector<16xi32>,
      %broadcast_in_dim3A_42 = arith.constant 0.000000e+00 : f32
      %broadcast_in_dim3A_43 = vector.broadcast %broadcast_in_dim3A_42 : f32 to vector<16xf32>
      %mul3A_44 = arith.constant 16 : i32
      %mul3A_45 = arith.muli %scan3A_37, %mul3A_44 : i32
      %swap3A_46 = arith.index_cast %mul3A_45 : i32 to index
      %swap3A_47 = tpu.vector_load %arg12[%swap3A_46] {strides = array<i32>} : memref<1040xf32, #tpu.memory_space<vmem>>, vector<16xf32>,
      tpu.vector_store %arg12[%swap3A_46], %broadcast_in_dim3A_43 {strides = array<i32>} : memref<1040xf32, #tpu.memory_space<vmem>>, vector<16xf32>,
      %scan3A_48 = arith.constant 0 : i32
      scf.yield %scan3A_48 : i32
    }
    %scan3A_22 = arith.constant 65 : i32
    %scan3A_23 = arith.constant 0 : i32
    %scan3A_24 = arith.constant 0 : i32
    %scan3A_25 = arith.constant 4 : i32
    %scan3A_26 = arith.addi %scan3A_24, %scan3A_25 : i32
    %scan3A_27 = arith.constant 1 : i32
    %scan3A_28 = scf.for %scan3A_37 = %scan3A_24 to %scan3A_26 step %scan3A_27 iter_args(%scan3A_38 = %scan3A_23) -> (i32)  : i32 {
      %broadcast_in_dim3A = arith.constant 0 : i32
      %broadcast_in_dim3A_39 = vector.broadcast %broadcast_in_dim3A : i32 to vector<16xi32>
      %mul3A = arith.constant 16 : i32
      %mul3A_40 = arith.muli %scan3A_37, %mul3A : i32
      %swap3A = arith.constant 0 : i32
      %swap3A_41 = arith.index_cast %swap3A : i32 to index
      %swap3A_42 = arith.index_cast %mul3A_40 : i32 to index
      %swap3A_43 = tpu.vector_load %arg11[%swap3A_41, %swap3A_42] {strides = array<i32>} : memref<17x64xi32, #tpu.memory_space<vmem>>, vector<16xi32>,
      tpu.vector_store %arg11[%swap3A_41, %swap3A_42], %broadcast_in_dim3A_39 {strides = array<i32>} : memref<17x64xi32, #tpu.memory_space<vmem>>, vector<16xi32>,
      %broadcast_in_dim3A_44 = arith.constant 0 : i32
      %broadcast_in_dim3A_45 = vector.broadcast %broadcast_in_dim3A_44 : i32 to vector<16xi32>
      %mul3A_46 = arith.constant 16 : i32
      %mul3A_47 = arith.muli %scan3A_37, %mul3A_46 : i32
      %swap3A_48 = arith.constant 1 : i32
      %swap3A_49 = arith.index_cast %swap3A_48 : i32 to index
      %swap3A_50 = arith.index_cast %mul3A_47 : i32 to index
      %swap3A_51 = tpu.vector_load %arg11[%swap3A_49, %swap3A_50] {strides = array<i32>} : memref<17x64xi32, #tpu.memory_space<vmem>>, vector<16xi32>,
      tpu.vector_store %arg11[%swap3A_49, %swap3A_50], %broadcast_in_dim3A_45 {strides = array<i32>} : memref<17x64xi32, #tpu.memory_space<vmem>>, vector<16xi32>,
      %broadcast_in_dim3A_52 = arith.constant 0 : i32
      %broadcast_in_dim3A_53 = vector.broadcast %broadcast_in_dim3A_52 : i32 to vector<16xi32>
      %mul3A_54 = arith.constant 16 : i32
      %mul3A_55 = arith.muli %scan3A_37, %mul3A_54 : i32
      %swap3A_56 = arith.constant 2 : i32
      %swap3A_57 = arith.index_cast %swap3A_56 : i32 to index
      %swap3A_58 = arith.index_cast %mul3A_55 : i32 to index
      %swap3A_59 = tpu.vector_load %arg11[%swap3A_57, %swap3A_58] {strides = array<i32>} : memref<17x64xi32, #tpu.memory_space<vmem>>, vector<16xi32>,
      tpu.vector_store %arg11[%swap3A_57, %swap3A_58], %broadcast_in_dim3A_53 {strides = array<i32>} : memref<17x64xi32, #tpu.memory_space<vmem>>, vector<16xi32>,
      %broadcast_in_dim3A_60 = arith.constant 0 : i32
      %broadcast_in_dim3A_61 = vector.broadcast %broadcast_in_dim3A_60 : i32 to vector<16xi32>
      %mul3A_62 = arith.constant 16 : i32
      %mul3A_63 = arith.muli %scan3A_37, %mul3A_62 : i32
      %swap3A_64 = arith.constant 3 : i32
      %swap3A_65 = arith.index_cast %swap3A_64 : i32 to index
      %swap3A_66 = arith.index_cast %mul3A_63 : i32 to index
      %swap3A_67 = tpu.vector_load %arg11[%swap3A_65, %swap3A_66] {strides = array<i32>} : memref<17x64xi32, #tpu.memory_space<vmem>>, vector<16xi32>,
      tpu.vector_store %arg11[%swap3A_65, %swap3A_66], %broadcast_in_dim3A_61 {strides = array<i32>} : memref<17x64xi32, #tpu.memory_space<vmem>>, vector<16xi32>,
      %broadcast_in_dim3A_68 = arith.constant 0 : i32
      %broadcast_in_dim3A_69 = vector.broadcast %broadcast_in_dim3A_68 : i32 to vector<16xi32>
      %mul3A_70 = arith.constant 16 : i32
      %mul3A_71 = arith.muli %scan3A_37, %mul3A_70 : i32
      %swap3A_72 = arith.constant 4 : i32
      %swap3A_73 = arith.index_cast %swap3A_72 : i32 to index
      %swap3A_74 = arith.index_cast %mul3A_71 : i32 to index
      %swap3A_75 = tpu.vector_load %arg11[%swap3A_73, %swap3A_74] {strides = array<i32>} : memref<17x64xi32, #tpu.memory_space<vmem>>, vector<16xi32>,
      tpu.vector_store %arg11[%swap3A_73, %swap3A_74], %broadcast_in_dim3A_69 {strides = array<i32>} : memref<17x64xi32, #tpu.memory_space<vmem>>, vector<16xi32>,
      %broadcast_in_dim3A_76 = arith.constant 0 : i32
      %broadcast_in_dim3A_77 = vector.broadcast %broadcast_in_dim3A_76 : i32 to vector<16xi32>
      %mul3A_78 = arith.constant 16 : i32
      %mul3A_79 = arith.muli %scan3A_37, %mul3A_78 : i32
      %swap3A_80 = arith.constant 5 : i32
      %swap3A_81 = arith.index_cast %swap3A_80 : i32 to index
      %swap3A_82 = arith.index_cast %mul3A_79 : i32 to index
      %swap3A_83 = tpu.vector_load %arg11[%swap3A_81, %swap3A_82] {strides = array<i32>} : memref<17x64xi32, #tpu.memory_space<vmem>>, vector<16xi32>,
      tpu.vector_store %arg11[%swap3A_81, %swap3A_82], %broadcast_in_dim3A_77 {strides = array<i32>} : memref<17x64xi32, #tpu.memory_space<vmem>>, vector<16xi32>,
      %broadcast_in_dim3A_84 = arith.constant 0 : i32
      %broadcast_in_dim3A_85 = vector.broadcast %broadcast_in_dim3A_84 : i32 to vector<16xi32>
      %mul3A_86 = arith.constant 16 : i32
      %mul3A_87 = arith.muli %scan3A_37, %mul3A_86 : i32
      %swap3A_88 = arith.constant 6 : i32
      %swap3A_89 = arith.index_cast %swap3A_88 : i32 to index
      %swap3A_90 = arith.index_cast %mul3A_87 : i32 to index
      %swap3A_91 = tpu.vector_load %arg11[%swap3A_89, %swap3A_90] {strides = array<i32>} : memref<17x64xi32, #tpu.memory_space<vmem>>, vector<16xi32>,
      tpu.vector_store %arg11[%swap3A_89, %swap3A_90], %broadcast_in_dim3A_85 {strides = array<i32>} : memref<17x64xi32, #tpu.memory_space<vmem>>, vector<16xi32>,
      %broadcast_in_dim3A_92 = arith.constant 0 : i32
      %broadcast_in_dim3A_93 = vector.broadcast %broadcast_in_dim3A_92 : i32 to vector<16xi32>
      %mul3A_94 = arith.constant 16 : i32
      %mul3A_95 = arith.muli %scan3A_37, %mul3A_94 : i32
      %swap3A_96 = arith.constant 7 : i32
      %swap3A_97 = arith.index_cast %swap3A_96 : i32 to index
      %swap3A_98 = arith.index_cast %mul3A_95 : i32 to index
      %swap3A_99 = tpu.vector_load %arg11[%swap3A_97, %swap3A_98] {strides = array<i32>} : memref<17x64xi32, #tpu.memory_space<vmem>>, vector<16xi32>,
      tpu.vector_store %arg11[%swap3A_97, %swap3A_98], %broadcast_in_dim3A_93 {strides = array<i32>} : memref<17x64xi32, #tpu.memory_space<vmem>>, vector<16xi32>,
      %broadcast_in_dim3A_100 = arith.constant 0 : i32
      %broadcast_in_dim3A_101 = vector.broadcast %broadcast_in_dim3A_100 : i32 to vector<16xi32>
      %mul3A_102 = arith.constant 16 : i32
      %mul3A_103 = arith.muli %scan3A_37, %mul3A_102 : i32
      %swap3A_104 = arith.constant 8 : i32
      %swap3A_105 = arith.index_cast %swap3A_104 : i32 to index
      %swap3A_106 = arith.index_cast %mul3A_103 : i32 to index
      %swap3A_107 = tpu.vector_load %arg11[%swap3A_105, %swap3A_106] {strides = array<i32>} : memref<17x64xi32, #tpu.memory_space<vmem>>, vector<16xi32>,
      tpu.vector_store %arg11[%swap3A_105, %swap3A_106], %broadcast_in_dim3A_101 {strides = array<i32>} : memref<17x64xi32, #tpu.memory_space<vmem>>, vector<16xi32>,
      %broadcast_in_dim3A_108 = arith.constant 0 : i32
      %broadcast_in_dim3A_109 = vector.broadcast %broadcast_in_dim3A_108 : i32 to vector<16xi32>
      %mul3A_110 = arith.constant 16 : i32
      %mul3A_111 = arith.muli %scan3A_37, %mul3A_110 : i32
      %swap3A_112 = arith.constant 9 : i32
      %swap3A_113 = arith.index_cast %swap3A_112 : i32 to index
      %swap3A_114 = arith.index_cast %mul3A_111 : i32 to index
      %swap3A_115 = tpu.vector_load %arg11[%swap3A_113, %swap3A_114] {strides = array<i32>} : memref<17x64xi32, #tpu.memory_space<vmem>>, vector<16xi32>,
      tpu.vector_store %arg11[%swap3A_113, %swap3A_114], %broadcast_in_dim3A_109 {strides = array<i32>} : memref<17x64xi32, #tpu.memory_space<vmem>>, vector<16xi32>,
      %broadcast_in_dim3A_116 = arith.constant 0 : i32
      %broadcast_in_dim3A_117 = vector.broadcast %broadcast_in_dim3A_116 : i32 to vector<16xi32>
      %mul3A_118 = arith.constant 16 : i32
      %mul3A_119 = arith.muli %scan3A_37, %mul3A_118 : i32
      %swap3A_120 = arith.constant 10 : i32
      %swap3A_121 = arith.index_cast %swap3A_120 : i32 to index
      %swap3A_122 = arith.index_cast %mul3A_119 : i32 to index
      %swap3A_123 = tpu.vector_load %arg11[%swap3A_121, %swap3A_122] {strides = array<i32>} : memref<17x64xi32, #tpu.memory_space<vmem>>, vector<16xi32>,
      tpu.vector_store %arg11[%swap3A_121, %swap3A_122], %broadcast_in_dim3A_117 {strides = array<i32>} : memref<17x64xi32, #tpu.memory_space<vmem>>, vector<16xi32>,
      %broadcast_in_dim3A_124 = arith.constant 0 : i32
      %broadcast_in_dim3A_125 = vector.broadcast %broadcast_in_dim3A_124 : i32 to vector<16xi32>
      %mul3A_126 = arith.constant 16 : i32
      %mul3A_127 = arith.muli %scan3A_37, %mul3A_126 : i32
      %swap3A_128 = arith.constant 11 : i32
      %swap3A_129 = arith.index_cast %swap3A_128 : i32 to index
      %swap3A_130 = arith.index_cast %mul3A_127 : i32 to index
      %swap3A_131 = tpu.vector_load %arg11[%swap3A_129, %swap3A_130] {strides = array<i32>} : memref<17x64xi32, #tpu.memory_space<vmem>>, vector<16xi32>,
      tpu.vector_store %arg11[%swap3A_129, %swap3A_130], %broadcast_in_dim3A_125 {strides = array<i32>} : memref<17x64xi32, #tpu.memory_space<vmem>>, vector<16xi32>,
      %broadcast_in_dim3A_132 = arith.constant 0 : i32
      %broadcast_in_dim3A_133 = vector.broadcast %broadcast_in_dim3A_132 : i32 to vector<16xi32>
      %mul3A_134 = arith.constant 16 : i32
      %mul3A_135 = arith.muli %scan3A_37, %mul3A_134 : i32
      %swap3A_136 = arith.constant 12 : i32
      %swap3A_137 = arith.index_cast %swap3A_136 : i32 to index
      %swap3A_138 = arith.index_cast %mul3A_135 : i32 to index
      %swap3A_139 = tpu.vector_load %arg11[%swap3A_137, %swap3A_138] {strides = array<i32>} : memref<17x64xi32, #tpu.memory_space<vmem>>, vector<16xi32>,
      tpu.vector_store %arg11[%swap3A_137, %swap3A_138], %broadcast_in_dim3A_133 {strides = array<i32>} : memref<17x64xi32, #tpu.memory_space<vmem>>, vector<16xi32>,
      %broadcast_in_dim3A_140 = arith.constant 0 : i32
      %broadcast_in_dim3A_141 = vector.broadcast %broadcast_in_dim3A_140 : i32 to vector<16xi32>
      %mul3A_142 = arith.constant 16 : i32
      %mul3A_143 = arith.muli %scan3A_37, %mul3A_142 : i32
      %swap3A_144 = arith.constant 13 : i32
      %swap3A_145 = arith.index_cast %swap3A_144 : i32 to index
      %swap3A_146 = arith.index_cast %mul3A_143 : i32 to index
      %swap3A_147 = tpu.vector_load %arg11[%swap3A_145, %swap3A_146] {strides = array<i32>} : memref<17x64xi32, #tpu.memory_space<vmem>>, vector<16xi32>,
      tpu.vector_store %arg11[%swap3A_145, %swap3A_146], %broadcast_in_dim3A_141 {strides = array<i32>} : memref<17x64xi32, #tpu.memory_space<vmem>>, vector<16xi32>,
      %broadcast_in_dim3A_148 = arith.constant 0 : i32
      %broadcast_in_dim3A_149 = vector.broadcast %broadcast_in_dim3A_148 : i32 to vector<16xi32>
      %mul3A_150 = arith.constant 16 : i32
      %mul3A_151 = arith.muli %scan3A_37, %mul3A_150 : i32
      %swap3A_152 = arith.constant 14 : i32
      %swap3A_153 = arith.index_cast %swap3A_152 : i32 to index
      %swap3A_154 = arith.index_cast %mul3A_151 : i32 to index
      %swap3A_155 = tpu.vector_load %arg11[%swap3A_153, %swap3A_154] {strides = array<i32>} : memref<17x64xi32, #tpu.memory_space<vmem>>, vector<16xi32>,
      tpu.vector_store %arg11[%swap3A_153, %swap3A_154], %broadcast_in_dim3A_149 {strides = array<i32>} : memref<17x64xi32, #tpu.memory_space<vmem>>, vector<16xi32>,
      %broadcast_in_dim3A_156 = arith.constant 0 : i32
      %broadcast_in_dim3A_157 = vector.broadcast %broadcast_in_dim3A_156 : i32 to vector<16xi32>
      %mul3A_158 = arith.constant 16 : i32
      %mul3A_159 = arith.muli %scan3A_37, %mul3A_158 : i32
      %swap3A_160 = arith.constant 15 : i32
      %swap3A_161 = arith.index_cast %swap3A_160 : i32 to index
      %swap3A_162 = arith.index_cast %mul3A_159 : i32 to index
      %swap3A_163 = tpu.vector_load %arg11[%swap3A_161, %swap3A_162] {strides = array<i32>} : memref<17x64xi32, #tpu.memory_space<vmem>>, vector<16xi32>,
      tpu.vector_store %arg11[%swap3A_161, %swap3A_162], %broadcast_in_dim3A_157 {strides = array<i32>} : memref<17x64xi32, #tpu.memory_space<vmem>>, vector<16xi32>,
      %broadcast_in_dim3A_164 = arith.constant 0 : i32
      %broadcast_in_dim3A_165 = vector.broadcast %broadcast_in_dim3A_164 : i32 to vector<16xi32>
      %mul3A_166 = arith.constant 16 : i32
      %mul3A_167 = arith.muli %scan3A_37, %mul3A_166 : i32
      %swap3A_168 = arith.constant 16 : i32
      %swap3A_169 = arith.index_cast %swap3A_168 : i32 to index
      %swap3A_170 = arith.index_cast %mul3A_167 : i32 to index
      %swap3A_171 = tpu.vector_load %arg11[%swap3A_169, %swap3A_170] {strides = array<i32>} : memref<17x64xi32, #tpu.memory_space<vmem>>, vector<16xi32>,
      tpu.vector_store %arg11[%swap3A_169, %swap3A_170], %broadcast_in_dim3A_165 {strides = array<i32>} : memref<17x64xi32, #tpu.memory_space<vmem>>, vector<16xi32>,
      %scan3A_172 = arith.constant 0 : i32
      scf.yield %scan3A_172 : i32
    }
    %scan3A_29 = arith.constant 4 : i32
    %barrier3A = arith.constant 0 : index
    tpu.barrier barrier_id(%barrier3A)
    %scan3A_30 = arith.constant 0 : i32
    %scan3A_31 = arith.constant 0 : i32
    %scan3A_32 = arith.constant 2 : i32
    %scan3A_33 = arith.addi %scan3A_31, %scan3A_32 : i32
    %scan3A_34 = arith.constant 1 : i32
    %scan3A_35 = scf.for %scan3A_37 = %scan3A_31 to %scan3A_33 step %scan3A_34 iter_args(%scan3A_38 = %scan3A_30) -> (i32)  : i32 {
      %scan3A_39 = arith.constant 0 : i32
      %scan3A_40 = arith.constant 0 : i32
      %scan3A_41 = arith.constant 49 : i32
      %scan3A_42 = arith.addi %scan3A_40, %scan3A_41 : i32
      %scan3A_43 = arith.constant 1 : i32
      %scan3A_44 = scf.for %scan3A_74 = %scan3A_40 to %scan3A_42 step %scan3A_43 iter_args(%scan3A_75 = %scan3A_39) -> (i32)  : i32 {
        %mul3A_76 = arith.constant 784 : i32
        %mul3A_77 = arith.muli %arg1, %mul3A_76 : i32
        %mul3A_78 = arith.constant 16 : i32
        %mul3A_79 = arith.muli %scan3A_74, %mul3A_78 : i32
        %add3A_80 = arith.addi %mul3A_77, %mul3A_79 : i32
        "tpu.region"() ({
          %run_scoped3A = tpu.sem_alloc : memref<!tpu.dma_semaphore, #tpu.memory_space<semaphore_mem>>
          %dma_start3A = arith.constant 0 : i32
          %dma_start3A_82 = tpu.memref_slice %arg20[%add3A_80, %dma_start3A] : memref<12544x128xf32, #tpu.memory_space<vmem_shared>> -> memref<16x128xf32, #tpu.memory_space<vmem_shared>>
          %dma_start3A_83 = arith.constant 0 : i32
          %dma_start3A_84 = tpu.memref_slice %arg20[%add3A_80, %dma_start3A_83] : memref<12544x128xf32, #tpu.memory_space<vmem_shared>> -> memref<16x128xf32, #tpu.memory_space<vmem_shared>>
          tpu.enqueue_dma source(%arg14 : memref<16x128xf32, #tpu.memory_space<vmem>>) target(%dma_start3A_84 : memref<16x128xf32, #tpu.memory_space<vmem_shared>>) target_semaphore(%run_scoped3A : memref<!tpu.dma_semaphore, #tpu.memory_space<semaphore_mem>>)
          %dma_wait3A = arith.constant 0 : i32
          %dma_wait3A_85 = tpu.memref_slice %arg20[%add3A_80, %dma_wait3A] : memref<12544x128xf32, #tpu.memory_space<vmem_shared>> -> memref<16x128xf32, #tpu.memory_space<vmem_shared>>
          %dma_wait3A_86 = arith.constant 0 : i32
          %dma_wait3A_87 = tpu.memref_slice %arg20[%add3A_80, %dma_wait3A_86] : memref<12544x128xf32, #tpu.memory_space<vmem_shared>> -> memref<16x128xf32, #tpu.memory_space<vmem_shared>>
          tpu.wait_dma2 semaphore(%run_scoped3A : memref<!tpu.dma_semaphore, #tpu.memory_space<semaphore_mem>>) src(%arg14 : memref<16x128xf32, #tpu.memory_space<vmem>>) dst(%dma_wait3A_87 : memref<16x128xf32, #tpu.memory_space<vmem_shared>>)
          tpu.yield
        }) : () -> ()
        %scan3A_81 = arith.constant 0 : i32
        scf.yield %scan3A_81 : i32
      }
      %scan3A_45 = arith.constant 49 : i32
      %mul3A = arith.constant 784 : i32
      %mul3A_46 = arith.muli %arg1, %mul3A : i32
      "tpu.region"() ({
        %run_scoped3A = tpu.sem_alloc : memref<!tpu.dma_semaphore, #tpu.memory_space<semaphore_mem>>
        %dma_start3A = arith.constant 0 : i32
        %dma_start3A_74 = tpu.memref_slice %arg15[%dma_start3A] : memref<1568xf32, #tpu.memory_space<vmem>> -> memref<784xf32, #tpu.memory_space<vmem>>
        %dma_start3A_75 = tpu.memref_slice %arg21[%mul3A_46] : memref<12544xf32, #tpu.memory_space<vmem_shared>> -> memref<784xf32, #tpu.memory_space<vmem_shared>>
        %dma_start3A_76 = tpu.memref_slice %arg21[%mul3A_46] : memref<12544xf32, #tpu.memory_space<vmem_shared>> -> memref<784xf32, #tpu.memory_space<vmem_shared>>
        %dma_start3A_77 = arith.constant 0 : i32
        %dma_start3A_78 = tpu.memref_slice %arg15[%dma_start3A_77] : memref<1568xf32, #tpu.memory_space<vmem>> -> memref<784xf32, #tpu.memory_space<vmem>>
        tpu.enqueue_dma source(%dma_start3A_78 : memref<784xf32, #tpu.memory_space<vmem>>) target(%dma_start3A_76 : memref<784xf32, #tpu.memory_space<vmem_shared>>) target_semaphore(%run_scoped3A : memref<!tpu.dma_semaphore, #tpu.memory_space<semaphore_mem>>)
        %dma_wait3A = arith.constant 0 : i32
        %dma_wait3A_79 = tpu.memref_slice %arg15[%dma_wait3A] : memref<1568xf32, #tpu.memory_space<vmem>> -> memref<784xf32, #tpu.memory_space<vmem>>
        %dma_wait3A_80 = tpu.memref_slice %arg21[%mul3A_46] : memref<12544xf32, #tpu.memory_space<vmem_shared>> -> memref<784xf32, #tpu.memory_space<vmem_shared>>
        %dma_wait3A_81 = tpu.memref_slice %arg21[%mul3A_46] : memref<12544xf32, #tpu.memory_space<vmem_shared>> -> memref<784xf32, #tpu.memory_space<vmem_shared>>
        %dma_wait3A_82 = arith.constant 0 : i32
        %dma_wait3A_83 = tpu.memref_slice %arg15[%dma_wait3A_82] : memref<1568xf32, #tpu.memory_space<vmem>> -> memref<784xf32, #tpu.memory_space<vmem>>
        tpu.wait_dma2 semaphore(%run_scoped3A : memref<!tpu.dma_semaphore, #tpu.memory_space<semaphore_mem>>) src(%dma_wait3A_83 : memref<784xf32, #tpu.memory_space<vmem>>) dst(%dma_wait3A_81 : memref<784xf32, #tpu.memory_space<vmem_shared>>)
        tpu.yield
      }) : () -> ()
      %barrier3A_47 = arith.constant 0 : index
      tpu.barrier barrier_id(%barrier3A_47)
      %mul3A_48 = arith.constant 2 : i32
      %mul3A_49 = arith.muli %scan3A_37, %mul3A_48 : i32
      %add3A = arith.addi %mul3A_49, %arg0 : i32
      %mul3A_50 = arith.constant 12544 : i32
      %mul3A_51 = arith.muli %add3A, %mul3A_50 : i32
      %min3A = arith.constant 50000 : i32
      %min3A_52 = arith.minsi %mul3A_51, %min3A : i32
      %add3A_53 = arith.constant 12544 : i32
      %add3A_54 = arith.addi %mul3A_51, %add3A_53 : i32
      %min3A_55 = arith.constant 50000 : i32
      %min3A_56 = arith.minsi %add3A_54, %min3A_55 : i32
      %broadcast_in_dim3A = vector.broadcast %min3A_52 : i32 to vector<16xi32>
      %broadcast_in_dim3A_57 = vector.broadcast %min3A_56 : i32 to vector<16xi32>
      %lt3A = arith.cmpi slt, %min3A_52, %min3A_56 : i32
      %convert_element_type3A_58 = arith.extui %lt3A : i1 to i32
      %cond3A_59 = arith.constant 0 : i32
      %cond3A_60 = arith.cmpi ne, %convert_element_type3A_58, %cond3A_59 : i32
      scf.if %cond3A_60 {
        %scan3A_74 = arith.constant 0 : i32
        %scan3A_75 = arith.constant 0 : i32
        %scan3A_76 = arith.constant 50 : i32
        %scan3A_77 = arith.addi %scan3A_75, %scan3A_76 : i32
        %scan3A_78 = arith.constant 1 : i32
        %scan3A_79 = scf.for %scan3A_81 = %scan3A_75 to %scan3A_77 step %scan3A_78 iter_args(%scan3A_82 = %scan3A_74) -> (i32)  : i32 {
          %mul3A_83 = arith.constant 50 : i32
          %mul3A_84 = arith.muli %arg1, %mul3A_83 : i32
          %add3A_85 = arith.addi %mul3A_84, %scan3A_81 : i32
          "tpu.region"() ({
            %run_scoped3A = tpu.sem_alloc : memref<!tpu.dma_semaphore, #tpu.memory_space<semaphore_mem>>
            %dma_start3A_368 = arith.constant 0 : i32
            %dma_start3A_369 = arith.constant 0 : i32
            %dma_start3A_370 = tpu.memref_slice %arg4[%add3A_85, %dma_start3A_368, %dma_start3A_369] : memref<800x16x128xi32, #tpu.memory_space<hbm>> -> memref<1x16x128xi32, #tpu.memory_space<hbm>>
            %dma_start3A_371 = tpu.memref_squeeze %dma_start3A_370 : memref<1x16x128xi32, #tpu.memory_space<hbm>> -> memref<16x128xi32, #tpu.memory_space<hbm>>
            %dma_start3A_372 = arith.constant 0 : i32
            %dma_start3A_373 = arith.constant 0 : i32
            %dma_start3A_374 = tpu.memref_slice %arg4[%add3A_85, %dma_start3A_372, %dma_start3A_373] : memref<800x16x128xi32, #tpu.memory_space<hbm>> -> memref<1x16x128xi32, #tpu.memory_space<hbm>>
            %dma_start3A_375 = tpu.memref_squeeze %dma_start3A_374 : memref<1x16x128xi32, #tpu.memory_space<hbm>> -> memref<16x128xi32, #tpu.memory_space<hbm>>
            tpu.enqueue_dma source(%dma_start3A_375 : memref<16x128xi32, #tpu.memory_space<hbm>>) target(%arg7 : memref<16x128xi32, #tpu.memory_space<vmem>>) target_semaphore(%run_scoped3A : memref<!tpu.dma_semaphore, #tpu.memory_space<semaphore_mem>>)
            %dma_wait3A_376 = arith.constant 0 : i32
            %dma_wait3A_377 = arith.constant 0 : i32
            %dma_wait3A_378 = tpu.memref_slice %arg4[%add3A_85, %dma_wait3A_376, %dma_wait3A_377] : memref<800x16x128xi32, #tpu.memory_space<hbm>> -> memref<1x16x128xi32, #tpu.memory_space<hbm>>
            %dma_wait3A_379 = tpu.memref_squeeze %dma_wait3A_378 : memref<1x16x128xi32, #tpu.memory_space<hbm>> -> memref<16x128xi32, #tpu.memory_space<hbm>>
            %dma_wait3A_380 = arith.constant 0 : i32
            %dma_wait3A_381 = arith.constant 0 : i32
            %dma_wait3A_382 = tpu.memref_slice %arg4[%add3A_85, %dma_wait3A_380, %dma_wait3A_381] : memref<800x16x128xi32, #tpu.memory_space<hbm>> -> memref<1x16x128xi32, #tpu.memory_space<hbm>>
            %dma_wait3A_383 = tpu.memref_squeeze %dma_wait3A_382 : memref<1x16x128xi32, #tpu.memory_space<hbm>> -> memref<16x128xi32, #tpu.memory_space<hbm>>
            tpu.wait_dma2 semaphore(%run_scoped3A : memref<!tpu.dma_semaphore, #tpu.memory_space<semaphore_mem>>) src(%dma_wait3A_383 : memref<16x128xi32, #tpu.memory_space<hbm>>) dst(%arg7 : memref<16x128xi32, #tpu.memory_space<vmem>>)
            tpu.yield
          }) : () -> ()
          %dma_start3A = arith.constant 0 : i32
          %dma_start3A_86 = arith.constant 0 : i32
          %dma_start3A_87 = tpu.memref_slice %arg8[%dma_start3A_86] : memref<1024xf32, #tpu.memory_space<vmem>> -> memref<128xf32, #tpu.memory_space<vmem>>
          %dma_start3A_88 = arith.constant 0 : i32
          %dma_start3A_89 = tpu.memref_slice %arg7[%dma_start3A, %dma_start3A_88] : memref<16x128xi32, #tpu.memory_space<vmem>> -> memref<1x128xi32, #tpu.memory_space<vmem>>
          %dma_start3A_90 = tpu.memref_squeeze %dma_start3A_89 : memref<1x128xi32, #tpu.memory_space<vmem>> -> memref<128xi32, #tpu.memory_space<vmem>>
          %dma_start3A_91 = arith.constant 0 : i32
          %dma_start3A_92 = tpu.memref_slice %arg18[%dma_start3A_91] : memref<50176xf32, #tpu.memory_space<vmem_shared>> -> memref<50176xf32, #tpu.memory_space<vmem_shared>>
          tpu.enqueue_indirect_dma source(%dma_start3A_92 : memref<50176xf32, #tpu.memory_space<vmem_shared>>) target(%dma_start3A_87 : memref<128xf32, #tpu.memory_space<vmem>>) offsets(%dma_start3A_90 : memref<128xi32, #tpu.memory_space<vmem>>) semaphore(%arg22 : memref<!tpu.dma_semaphore, #tpu.memory_space<semaphore_mem>>)
          %dma_start3A_93 = arith.constant 8 : i32
          %dma_start3A_94 = arith.constant 0 : i32
          %dma_start3A_95 = tpu.memref_slice %arg9[%dma_start3A_94] : memref<1024xf32, #tpu.memory_space<vmem>> -> memref<128xf32, #tpu.memory_space<vmem>>
          %dma_start3A_96 = arith.constant 0 : i32
          %dma_start3A_97 = tpu.memref_slice %arg7[%dma_start3A_93, %dma_start3A_96] : memref<16x128xi32, #tpu.memory_space<vmem>> -> memref<1x128xi32, #tpu.memory_space<vmem>>
          %dma_start3A_98 = tpu.memref_squeeze %dma_start3A_97 : memref<1x128xi32, #tpu.memory_space<vmem>> -> memref<128xi32, #tpu.memory_space<vmem>>
          %dma_start3A_99 = arith.constant 0 : i32
          %dma_start3A_100 = tpu.memref_slice %arg19[%dma_start3A_99] : memref<50176xf32, #tpu.memory_space<vmem_shared>> -> memref<50176xf32, #tpu.memory_space<vmem_shared>>
          tpu.enqueue_indirect_dma source(%dma_start3A_100 : memref<50176xf32, #tpu.memory_space<vmem_shared>>) target(%dma_start3A_95 : memref<128xf32, #tpu.memory_space<vmem>>) offsets(%dma_start3A_98 : memref<128xi32, #tpu.memory_space<vmem>>) semaphore(%arg22 : memref<!tpu.dma_semaphore, #tpu.memory_space<semaphore_mem>>)
          %dma_start3A_101 = arith.constant 1 : i32
          %dma_start3A_102 = arith.constant 128 : i32
          %dma_start3A_103 = tpu.memref_slice %arg8[%dma_start3A_102] : memref<1024xf32, #tpu.memory_space<vmem>> -> memref<128xf32, #tpu.memory_space<vmem>>
          %dma_start3A_104 = arith.constant 0 : i32
          %dma_start3A_105 = tpu.memref_slice %arg7[%dma_start3A_101, %dma_start3A_104] : memref<16x128xi32, #tpu.memory_space<vmem>> -> memref<1x128xi32, #tpu.memory_space<vmem>>
          %dma_start3A_106 = tpu.memref_squeeze %dma_start3A_105 : memref<1x128xi32, #tpu.memory_space<vmem>> -> memref<128xi32, #tpu.memory_space<vmem>>
          %dma_start3A_107 = arith.constant 0 : i32
          %dma_start3A_108 = tpu.memref_slice %arg18[%dma_start3A_107] : memref<50176xf32, #tpu.memory_space<vmem_shared>> -> memref<50176xf32, #tpu.memory_space<vmem_shared>>
          tpu.enqueue_indirect_dma source(%dma_start3A_108 : memref<50176xf32, #tpu.memory_space<vmem_shared>>) target(%dma_start3A_103 : memref<128xf32, #tpu.memory_space<vmem>>) offsets(%dma_start3A_106 : memref<128xi32, #tpu.memory_space<vmem>>) semaphore(%arg22 : memref<!tpu.dma_semaphore, #tpu.memory_space<semaphore_mem>>)
          %dma_start3A_109 = arith.constant 9 : i32
          %dma_start3A_110 = arith.constant 128 : i32
          %dma_start3A_111 = tpu.memref_slice %arg9[%dma_start3A_110] : memref<1024xf32, #tpu.memory_space<vmem>> -> memref<128xf32, #tpu.memory_space<vmem>>
          %dma_start3A_112 = arith.constant 0 : i32
          %dma_start3A_113 = tpu.memref_slice %arg7[%dma_start3A_109, %dma_start3A_112] : memref<16x128xi32, #tpu.memory_space<vmem>> -> memref<1x128xi32, #tpu.memory_space<vmem>>
          %dma_start3A_114 = tpu.memref_squeeze %dma_start3A_113 : memref<1x128xi32, #tpu.memory_space<vmem>> -> memref<128xi32, #tpu.memory_space<vmem>>
          %dma_start3A_115 = arith.constant 0 : i32
          %dma_start3A_116 = tpu.memref_slice %arg19[%dma_start3A_115] : memref<50176xf32, #tpu.memory_space<vmem_shared>> -> memref<50176xf32, #tpu.memory_space<vmem_shared>>
          tpu.enqueue_indirect_dma source(%dma_start3A_116 : memref<50176xf32, #tpu.memory_space<vmem_shared>>) target(%dma_start3A_111 : memref<128xf32, #tpu.memory_space<vmem>>) offsets(%dma_start3A_114 : memref<128xi32, #tpu.memory_space<vmem>>) semaphore(%arg22 : memref<!tpu.dma_semaphore, #tpu.memory_space<semaphore_mem>>)
          %dma_start3A_117 = arith.constant 2 : i32
          %dma_start3A_118 = arith.constant 256 : i32
          %dma_start3A_119 = tpu.memref_slice %arg8[%dma_start3A_118] : memref<1024xf32, #tpu.memory_space<vmem>> -> memref<128xf32, #tpu.memory_space<vmem>>
          %dma_start3A_120 = arith.constant 0 : i32
          %dma_start3A_121 = tpu.memref_slice %arg7[%dma_start3A_117, %dma_start3A_120] : memref<16x128xi32, #tpu.memory_space<vmem>> -> memref<1x128xi32, #tpu.memory_space<vmem>>
          %dma_start3A_122 = tpu.memref_squeeze %dma_start3A_121 : memref<1x128xi32, #tpu.memory_space<vmem>> -> memref<128xi32, #tpu.memory_space<vmem>>
          %dma_start3A_123 = arith.constant 0 : i32
          %dma_start3A_124 = tpu.memref_slice %arg18[%dma_start3A_123] : memref<50176xf32, #tpu.memory_space<vmem_shared>> -> memref<50176xf32, #tpu.memory_space<vmem_shared>>
          tpu.enqueue_indirect_dma source(%dma_start3A_124 : memref<50176xf32, #tpu.memory_space<vmem_shared>>) target(%dma_start3A_119 : memref<128xf32, #tpu.memory_space<vmem>>) offsets(%dma_start3A_122 : memref<128xi32, #tpu.memory_space<vmem>>) semaphore(%arg22 : memref<!tpu.dma_semaphore, #tpu.memory_space<semaphore_mem>>)
          %dma_start3A_125 = arith.constant 10 : i32
          %dma_start3A_126 = arith.constant 256 : i32
          %dma_start3A_127 = tpu.memref_slice %arg9[%dma_start3A_126] : memref<1024xf32, #tpu.memory_space<vmem>> -> memref<128xf32, #tpu.memory_space<vmem>>
          %dma_start3A_128 = arith.constant 0 : i32
          %dma_start3A_129 = tpu.memref_slice %arg7[%dma_start3A_125, %dma_start3A_128] : memref<16x128xi32, #tpu.memory_space<vmem>> -> memref<1x128xi32, #tpu.memory_space<vmem>>
          %dma_start3A_130 = tpu.memref_squeeze %dma_start3A_129 : memref<1x128xi32, #tpu.memory_space<vmem>> -> memref<128xi32, #tpu.memory_space<vmem>>
          %dma_start3A_131 = arith.constant 0 : i32
          %dma_start3A_132 = tpu.memref_slice %arg19[%dma_start3A_131] : memref<50176xf32, #tpu.memory_space<vmem_shared>> -> memref<50176xf32, #tpu.memory_space<vmem_shared>>
          tpu.enqueue_indirect_dma source(%dma_start3A_132 : memref<50176xf32, #tpu.memory_space<vmem_shared>>) target(%dma_start3A_127 : memref<128xf32, #tpu.memory_space<vmem>>) offsets(%dma_start3A_130 : memref<128xi32, #tpu.memory_space<vmem>>) semaphore(%arg22 : memref<!tpu.dma_semaphore, #tpu.memory_space<semaphore_mem>>)
          %dma_start3A_133 = arith.constant 3 : i32
          %dma_start3A_134 = arith.constant 384 : i32
          %dma_start3A_135 = tpu.memref_slice %arg8[%dma_start3A_134] : memref<1024xf32, #tpu.memory_space<vmem>> -> memref<128xf32, #tpu.memory_space<vmem>>
          %dma_start3A_136 = arith.constant 0 : i32
          %dma_start3A_137 = tpu.memref_slice %arg7[%dma_start3A_133, %dma_start3A_136] : memref<16x128xi32, #tpu.memory_space<vmem>> -> memref<1x128xi32, #tpu.memory_space<vmem>>
          %dma_start3A_138 = tpu.memref_squeeze %dma_start3A_137 : memref<1x128xi32, #tpu.memory_space<vmem>> -> memref<128xi32, #tpu.memory_space<vmem>>
          %dma_start3A_139 = arith.constant 0 : i32
          %dma_start3A_140 = tpu.memref_slice %arg18[%dma_start3A_139] : memref<50176xf32, #tpu.memory_space<vmem_shared>> -> memref<50176xf32, #tpu.memory_space<vmem_shared>>
          tpu.enqueue_indirect_dma source(%dma_start3A_140 : memref<50176xf32, #tpu.memory_space<vmem_shared>>) target(%dma_start3A_135 : memref<128xf32, #tpu.memory_space<vmem>>) offsets(%dma_start3A_138 : memref<128xi32, #tpu.memory_space<vmem>>) semaphore(%arg22 : memref<!tpu.dma_semaphore, #tpu.memory_space<semaphore_mem>>)
          %dma_start3A_141 = arith.constant 11 : i32
          %dma_start3A_142 = arith.constant 384 : i32
          %dma_start3A_143 = tpu.memref_slice %arg9[%dma_start3A_142] : memref<1024xf32, #tpu.memory_space<vmem>> -> memref<128xf32, #tpu.memory_space<vmem>>
          %dma_start3A_144 = arith.constant 0 : i32
          %dma_start3A_145 = tpu.memref_slice %arg7[%dma_start3A_141, %dma_start3A_144] : memref<16x128xi32, #tpu.memory_space<vmem>> -> memref<1x128xi32, #tpu.memory_space<vmem>>
          %dma_start3A_146 = tpu.memref_squeeze %dma_start3A_145 : memref<1x128xi32, #tpu.memory_space<vmem>> -> memref<128xi32, #tpu.memory_space<vmem>>
          %dma_start3A_147 = arith.constant 0 : i32
          %dma_start3A_148 = tpu.memref_slice %arg19[%dma_start3A_147] : memref<50176xf32, #tpu.memory_space<vmem_shared>> -> memref<50176xf32, #tpu.memory_space<vmem_shared>>
          tpu.enqueue_indirect_dma source(%dma_start3A_148 : memref<50176xf32, #tpu.memory_space<vmem_shared>>) target(%dma_start3A_143 : memref<128xf32, #tpu.memory_space<vmem>>) offsets(%dma_start3A_146 : memref<128xi32, #tpu.memory_space<vmem>>) semaphore(%arg22 : memref<!tpu.dma_semaphore, #tpu.memory_space<semaphore_mem>>)
          %dma_start3A_149 = arith.constant 4 : i32
          %dma_start3A_150 = arith.constant 512 : i32
          %dma_start3A_151 = tpu.memref_slice %arg8[%dma_start3A_150] : memref<1024xf32, #tpu.memory_space<vmem>> -> memref<128xf32, #tpu.memory_space<vmem>>
          %dma_start3A_152 = arith.constant 0 : i32
          %dma_start3A_153 = tpu.memref_slice %arg7[%dma_start3A_149, %dma_start3A_152] : memref<16x128xi32, #tpu.memory_space<vmem>> -> memref<1x128xi32, #tpu.memory_space<vmem>>
          %dma_start3A_154 = tpu.memref_squeeze %dma_start3A_153 : memref<1x128xi32, #tpu.memory_space<vmem>> -> memref<128xi32, #tpu.memory_space<vmem>>
          %dma_start3A_155 = arith.constant 0 : i32
          %dma_start3A_156 = tpu.memref_slice %arg18[%dma_start3A_155] : memref<50176xf32, #tpu.memory_space<vmem_shared>> -> memref<50176xf32, #tpu.memory_space<vmem_shared>>
          tpu.enqueue_indirect_dma source(%dma_start3A_156 : memref<50176xf32, #tpu.memory_space<vmem_shared>>) target(%dma_start3A_151 : memref<128xf32, #tpu.memory_space<vmem>>) offsets(%dma_start3A_154 : memref<128xi32, #tpu.memory_space<vmem>>) semaphore(%arg22 : memref<!tpu.dma_semaphore, #tpu.memory_space<semaphore_mem>>)
          %dma_start3A_157 = arith.constant 12 : i32
          %dma_start3A_158 = arith.constant 512 : i32
          %dma_start3A_159 = tpu.memref_slice %arg9[%dma_start3A_158] : memref<1024xf32, #tpu.memory_space<vmem>> -> memref<128xf32, #tpu.memory_space<vmem>>
          %dma_start3A_160 = arith.constant 0 : i32
          %dma_start3A_161 = tpu.memref_slice %arg7[%dma_start3A_157, %dma_start3A_160] : memref<16x128xi32, #tpu.memory_space<vmem>> -> memref<1x128xi32, #tpu.memory_space<vmem>>
          %dma_start3A_162 = tpu.memref_squeeze %dma_start3A_161 : memref<1x128xi32, #tpu.memory_space<vmem>> -> memref<128xi32, #tpu.memory_space<vmem>>
          %dma_start3A_163 = arith.constant 0 : i32
          %dma_start3A_164 = tpu.memref_slice %arg19[%dma_start3A_163] : memref<50176xf32, #tpu.memory_space<vmem_shared>> -> memref<50176xf32, #tpu.memory_space<vmem_shared>>
          tpu.enqueue_indirect_dma source(%dma_start3A_164 : memref<50176xf32, #tpu.memory_space<vmem_shared>>) target(%dma_start3A_159 : memref<128xf32, #tpu.memory_space<vmem>>) offsets(%dma_start3A_162 : memref<128xi32, #tpu.memory_space<vmem>>) semaphore(%arg22 : memref<!tpu.dma_semaphore, #tpu.memory_space<semaphore_mem>>)
          %dma_start3A_165 = arith.constant 5 : i32
          %dma_start3A_166 = arith.constant 640 : i32
          %dma_start3A_167 = tpu.memref_slice %arg8[%dma_start3A_166] : memref<1024xf32, #tpu.memory_space<vmem>> -> memref<128xf32, #tpu.memory_space<vmem>>
          %dma_start3A_168 = arith.constant 0 : i32
          %dma_start3A_169 = tpu.memref_slice %arg7[%dma_start3A_165, %dma_start3A_168] : memref<16x128xi32, #tpu.memory_space<vmem>> -> memref<1x128xi32, #tpu.memory_space<vmem>>
          %dma_start3A_170 = tpu.memref_squeeze %dma_start3A_169 : memref<1x128xi32, #tpu.memory_space<vmem>> -> memref<128xi32, #tpu.memory_space<vmem>>
          %dma_start3A_171 = arith.constant 0 : i32
          %dma_start3A_172 = tpu.memref_slice %arg18[%dma_start3A_171] : memref<50176xf32, #tpu.memory_space<vmem_shared>> -> memref<50176xf32, #tpu.memory_space<vmem_shared>>
          tpu.enqueue_indirect_dma source(%dma_start3A_172 : memref<50176xf32, #tpu.memory_space<vmem_shared>>) target(%dma_start3A_167 : memref<128xf32, #tpu.memory_space<vmem>>) offsets(%dma_start3A_170 : memref<128xi32, #tpu.memory_space<vmem>>) semaphore(%arg22 : memref<!tpu.dma_semaphore, #tpu.memory_space<semaphore_mem>>)
          %dma_start3A_173 = arith.constant 13 : i32
          %dma_start3A_174 = arith.constant 640 : i32
          %dma_start3A_175 = tpu.memref_slice %arg9[%dma_start3A_174] : memref<1024xf32, #tpu.memory_space<vmem>> -> memref<128xf32, #tpu.memory_space<vmem>>
          %dma_start3A_176 = arith.constant 0 : i32
          %dma_start3A_177 = tpu.memref_slice %arg7[%dma_start3A_173, %dma_start3A_176] : memref<16x128xi32, #tpu.memory_space<vmem>> -> memref<1x128xi32, #tpu.memory_space<vmem>>
          %dma_start3A_178 = tpu.memref_squeeze %dma_start3A_177 : memref<1x128xi32, #tpu.memory_space<vmem>> -> memref<128xi32, #tpu.memory_space<vmem>>
          %dma_start3A_179 = arith.constant 0 : i32
          %dma_start3A_180 = tpu.memref_slice %arg19[%dma_start3A_179] : memref<50176xf32, #tpu.memory_space<vmem_shared>> -> memref<50176xf32, #tpu.memory_space<vmem_shared>>
          tpu.enqueue_indirect_dma source(%dma_start3A_180 : memref<50176xf32, #tpu.memory_space<vmem_shared>>) target(%dma_start3A_175 : memref<128xf32, #tpu.memory_space<vmem>>) offsets(%dma_start3A_178 : memref<128xi32, #tpu.memory_space<vmem>>) semaphore(%arg22 : memref<!tpu.dma_semaphore, #tpu.memory_space<semaphore_mem>>)
          %dma_start3A_181 = arith.constant 6 : i32
          %dma_start3A_182 = arith.constant 768 : i32
          %dma_start3A_183 = tpu.memref_slice %arg8[%dma_start3A_182] : memref<1024xf32, #tpu.memory_space<vmem>> -> memref<128xf32, #tpu.memory_space<vmem>>
          %dma_start3A_184 = arith.constant 0 : i32
          %dma_start3A_185 = tpu.memref_slice %arg7[%dma_start3A_181, %dma_start3A_184] : memref<16x128xi32, #tpu.memory_space<vmem>> -> memref<1x128xi32, #tpu.memory_space<vmem>>
          %dma_start3A_186 = tpu.memref_squeeze %dma_start3A_185 : memref<1x128xi32, #tpu.memory_space<vmem>> -> memref<128xi32, #tpu.memory_space<vmem>>
          %dma_start3A_187 = arith.constant 0 : i32
          %dma_start3A_188 = tpu.memref_slice %arg18[%dma_start3A_187] : memref<50176xf32, #tpu.memory_space<vmem_shared>> -> memref<50176xf32, #tpu.memory_space<vmem_shared>>
          tpu.enqueue_indirect_dma source(%dma_start3A_188 : memref<50176xf32, #tpu.memory_space<vmem_shared>>) target(%dma_start3A_183 : memref<128xf32, #tpu.memory_space<vmem>>) offsets(%dma_start3A_186 : memref<128xi32, #tpu.memory_space<vmem>>) semaphore(%arg22 : memref<!tpu.dma_semaphore, #tpu.memory_space<semaphore_mem>>)
          %dma_start3A_189 = arith.constant 14 : i32
          %dma_start3A_190 = arith.constant 768 : i32
          %dma_start3A_191 = tpu.memref_slice %arg9[%dma_start3A_190] : memref<1024xf32, #tpu.memory_space<vmem>> -> memref<128xf32, #tpu.memory_space<vmem>>
          %dma_start3A_192 = arith.constant 0 : i32
          %dma_start3A_193 = tpu.memref_slice %arg7[%dma_start3A_189, %dma_start3A_192] : memref<16x128xi32, #tpu.memory_space<vmem>> -> memref<1x128xi32, #tpu.memory_space<vmem>>
          %dma_start3A_194 = tpu.memref_squeeze %dma_start3A_193 : memref<1x128xi32, #tpu.memory_space<vmem>> -> memref<128xi32, #tpu.memory_space<vmem>>
          %dma_start3A_195 = arith.constant 0 : i32
          %dma_start3A_196 = tpu.memref_slice %arg19[%dma_start3A_195] : memref<50176xf32, #tpu.memory_space<vmem_shared>> -> memref<50176xf32, #tpu.memory_space<vmem_shared>>
          tpu.enqueue_indirect_dma source(%dma_start3A_196 : memref<50176xf32, #tpu.memory_space<vmem_shared>>) target(%dma_start3A_191 : memref<128xf32, #tpu.memory_space<vmem>>) offsets(%dma_start3A_194 : memref<128xi32, #tpu.memory_space<vmem>>) semaphore(%arg22 : memref<!tpu.dma_semaphore, #tpu.memory_space<semaphore_mem>>)
          %dma_start3A_197 = arith.constant 7 : i32
          %dma_start3A_198 = arith.constant 896 : i32
          %dma_start3A_199 = tpu.memref_slice %arg8[%dma_start3A_198] : memref<1024xf32, #tpu.memory_space<vmem>> -> memref<128xf32, #tpu.memory_space<vmem>>
          %dma_start3A_200 = arith.constant 0 : i32
          %dma_start3A_201 = tpu.memref_slice %arg7[%dma_start3A_197, %dma_start3A_200] : memref<16x128xi32, #tpu.memory_space<vmem>> -> memref<1x128xi32, #tpu.memory_space<vmem>>
          %dma_start3A_202 = tpu.memref_squeeze %dma_start3A_201 : memref<1x128xi32, #tpu.memory_space<vmem>> -> memref<128xi32, #tpu.memory_space<vmem>>
          %dma_start3A_203 = arith.constant 0 : i32
          %dma_start3A_204 = tpu.memref_slice %arg18[%dma_start3A_203] : memref<50176xf32, #tpu.memory_space<vmem_shared>> -> memref<50176xf32, #tpu.memory_space<vmem_shared>>
          tpu.enqueue_indirect_dma source(%dma_start3A_204 : memref<50176xf32, #tpu.memory_space<vmem_shared>>) target(%dma_start3A_199 : memref<128xf32, #tpu.memory_space<vmem>>) offsets(%dma_start3A_202 : memref<128xi32, #tpu.memory_space<vmem>>) semaphore(%arg22 : memref<!tpu.dma_semaphore, #tpu.memory_space<semaphore_mem>>)
          %dma_start3A_205 = arith.constant 15 : i32
          %dma_start3A_206 = arith.constant 896 : i32
          %dma_start3A_207 = tpu.memref_slice %arg9[%dma_start3A_206] : memref<1024xf32, #tpu.memory_space<vmem>> -> memref<128xf32, #tpu.memory_space<vmem>>
          %dma_start3A_208 = arith.constant 0 : i32
          %dma_start3A_209 = tpu.memref_slice %arg7[%dma_start3A_205, %dma_start3A_208] : memref<16x128xi32, #tpu.memory_space<vmem>> -> memref<1x128xi32, #tpu.memory_space<vmem>>
          %dma_start3A_210 = tpu.memref_squeeze %dma_start3A_209 : memref<1x128xi32, #tpu.memory_space<vmem>> -> memref<128xi32, #tpu.memory_space<vmem>>
          %dma_start3A_211 = arith.constant 0 : i32
          %dma_start3A_212 = tpu.memref_slice %arg19[%dma_start3A_211] : memref<50176xf32, #tpu.memory_space<vmem_shared>> -> memref<50176xf32, #tpu.memory_space<vmem_shared>>
          tpu.enqueue_indirect_dma source(%dma_start3A_212 : memref<50176xf32, #tpu.memory_space<vmem_shared>>) target(%dma_start3A_207 : memref<128xf32, #tpu.memory_space<vmem>>) offsets(%dma_start3A_210 : memref<128xi32, #tpu.memory_space<vmem>>) semaphore(%arg22 : memref<!tpu.dma_semaphore, #tpu.memory_space<semaphore_mem>>)
          %dma_wait3A = arith.constant 0 : i32
          %dma_wait3A_213 = arith.constant 0 : i32
          %dma_wait3A_214 = tpu.memref_slice %arg8[%dma_wait3A_213] : memref<1024xf32, #tpu.memory_space<vmem>> -> memref<128xf32, #tpu.memory_space<vmem>>
          %dma_wait3A_215 = arith.constant 0 : i32
          %dma_wait3A_216 = tpu.memref_slice %arg7[%dma_wait3A, %dma_wait3A_215] : memref<16x128xi32, #tpu.memory_space<vmem>> -> memref<1x128xi32, #tpu.memory_space<vmem>>
          %dma_wait3A_217 = tpu.memref_squeeze %dma_wait3A_216 : memref<1x128xi32, #tpu.memory_space<vmem>> -> memref<128xi32, #tpu.memory_space<vmem>>
          %dma_wait3A_218 = arith.constant 0 : i32
          %dma_wait3A_219 = tpu.memref_slice %arg18[%dma_wait3A_218] : memref<50176xf32, #tpu.memory_space<vmem_shared>> -> memref<50176xf32, #tpu.memory_space<vmem_shared>>
          tpu.wait_indirect_dma semaphore(%arg22 : memref<!tpu.dma_semaphore, #tpu.memory_space<semaphore_mem>>) src(%dma_wait3A_219 : memref<50176xf32, #tpu.memory_space<vmem_shared>>) dst(%dma_wait3A_214 : memref<128xf32, #tpu.memory_space<vmem>>)
          %dma_wait3A_220 = arith.constant 8 : i32
          %dma_wait3A_221 = arith.constant 0 : i32
          %dma_wait3A_222 = tpu.memref_slice %arg9[%dma_wait3A_221] : memref<1024xf32, #tpu.memory_space<vmem>> -> memref<128xf32, #tpu.memory_space<vmem>>
          %dma_wait3A_223 = arith.constant 0 : i32
          %dma_wait3A_224 = tpu.memref_slice %arg7[%dma_wait3A_220, %dma_wait3A_223] : memref<16x128xi32, #tpu.memory_space<vmem>> -> memref<1x128xi32, #tpu.memory_space<vmem>>
          %dma_wait3A_225 = tpu.memref_squeeze %dma_wait3A_224 : memref<1x128xi32, #tpu.memory_space<vmem>> -> memref<128xi32, #tpu.memory_space<vmem>>
          %dma_wait3A_226 = arith.constant 0 : i32
          %dma_wait3A_227 = tpu.memref_slice %arg19[%dma_wait3A_226] : memref<50176xf32, #tpu.memory_space<vmem_shared>> -> memref<50176xf32, #tpu.memory_space<vmem_shared>>
          tpu.wait_indirect_dma semaphore(%arg22 : memref<!tpu.dma_semaphore, #tpu.memory_space<semaphore_mem>>) src(%dma_wait3A_227 : memref<50176xf32, #tpu.memory_space<vmem_shared>>) dst(%dma_wait3A_222 : memref<128xf32, #tpu.memory_space<vmem>>)
          %dma_wait3A_228 = arith.constant 1 : i32
          %dma_wait3A_229 = arith.constant 128 : i32
          %dma_wait3A_230 = tpu.memref_slice %arg8[%dma_wait3A_229] : memref<1024xf32, #tpu.memory_space<vmem>> -> memref<128xf32, #tpu.memory_space<vmem>>
          %dma_wait3A_231 = arith.constant 0 : i32
          %dma_wait3A_232 = tpu.memref_slice %arg7[%dma_wait3A_228, %dma_wait3A_231] : memref<16x128xi32, #tpu.memory_space<vmem>> -> memref<1x128xi32, #tpu.memory_space<vmem>>
          %dma_wait3A_233 = tpu.memref_squeeze %dma_wait3A_232 : memref<1x128xi32, #tpu.memory_space<vmem>> -> memref<128xi32, #tpu.memory_space<vmem>>
          %dma_wait3A_234 = arith.constant 0 : i32
          %dma_wait3A_235 = tpu.memref_slice %arg18[%dma_wait3A_234] : memref<50176xf32, #tpu.memory_space<vmem_shared>> -> memref<50176xf32, #tpu.memory_space<vmem_shared>>
          tpu.wait_indirect_dma semaphore(%arg22 : memref<!tpu.dma_semaphore, #tpu.memory_space<semaphore_mem>>) src(%dma_wait3A_235 : memref<50176xf32, #tpu.memory_space<vmem_shared>>) dst(%dma_wait3A_230 : memref<128xf32, #tpu.memory_space<vmem>>)
          %dma_wait3A_236 = arith.constant 9 : i32
          %dma_wait3A_237 = arith.constant 128 : i32
          %dma_wait3A_238 = tpu.memref_slice %arg9[%dma_wait3A_237] : memref<1024xf32, #tpu.memory_space<vmem>> -> memref<128xf32, #tpu.memory_space<vmem>>
          %dma_wait3A_239 = arith.constant 0 : i32
          %dma_wait3A_240 = tpu.memref_slice %arg7[%dma_wait3A_236, %dma_wait3A_239] : memref<16x128xi32, #tpu.memory_space<vmem>> -> memref<1x128xi32, #tpu.memory_space<vmem>>
          %dma_wait3A_241 = tpu.memref_squeeze %dma_wait3A_240 : memref<1x128xi32, #tpu.memory_space<vmem>> -> memref<128xi32, #tpu.memory_space<vmem>>
          %dma_wait3A_242 = arith.constant 0 : i32
          %dma_wait3A_243 = tpu.memref_slice %arg19[%dma_wait3A_242] : memref<50176xf32, #tpu.memory_space<vmem_shared>> -> memref<50176xf32, #tpu.memory_space<vmem_shared>>
          tpu.wait_indirect_dma semaphore(%arg22 : memref<!tpu.dma_semaphore, #tpu.memory_space<semaphore_mem>>) src(%dma_wait3A_243 : memref<50176xf32, #tpu.memory_space<vmem_shared>>) dst(%dma_wait3A_238 : memref<128xf32, #tpu.memory_space<vmem>>)
          %dma_wait3A_244 = arith.constant 2 : i32
          %dma_wait3A_245 = arith.constant 256 : i32
          %dma_wait3A_246 = tpu.memref_slice %arg8[%dma_wait3A_245] : memref<1024xf32, #tpu.memory_space<vmem>> -> memref<128xf32, #tpu.memory_space<vmem>>
          %dma_wait3A_247 = arith.constant 0 : i32
          %dma_wait3A_248 = tpu.memref_slice %arg7[%dma_wait3A_244, %dma_wait3A_247] : memref<16x128xi32, #tpu.memory_space<vmem>> -> memref<1x128xi32, #tpu.memory_space<vmem>>
          %dma_wait3A_249 = tpu.memref_squeeze %dma_wait3A_248 : memref<1x128xi32, #tpu.memory_space<vmem>> -> memref<128xi32, #tpu.memory_space<vmem>>
          %dma_wait3A_250 = arith.constant 0 : i32
          %dma_wait3A_251 = tpu.memref_slice %arg18[%dma_wait3A_250] : memref<50176xf32, #tpu.memory_space<vmem_shared>> -> memref<50176xf32, #tpu.memory_space<vmem_shared>>
          tpu.wait_indirect_dma semaphore(%arg22 : memref<!tpu.dma_semaphore, #tpu.memory_space<semaphore_mem>>) src(%dma_wait3A_251 : memref<50176xf32, #tpu.memory_space<vmem_shared>>) dst(%dma_wait3A_246 : memref<128xf32, #tpu.memory_space<vmem>>)
          %dma_wait3A_252 = arith.constant 10 : i32
          %dma_wait3A_253 = arith.constant 256 : i32
          %dma_wait3A_254 = tpu.memref_slice %arg9[%dma_wait3A_253] : memref<1024xf32, #tpu.memory_space<vmem>> -> memref<128xf32, #tpu.memory_space<vmem>>
          %dma_wait3A_255 = arith.constant 0 : i32
          %dma_wait3A_256 = tpu.memref_slice %arg7[%dma_wait3A_252, %dma_wait3A_255] : memref<16x128xi32, #tpu.memory_space<vmem>> -> memref<1x128xi32, #tpu.memory_space<vmem>>
          %dma_wait3A_257 = tpu.memref_squeeze %dma_wait3A_256 : memref<1x128xi32, #tpu.memory_space<vmem>> -> memref<128xi32, #tpu.memory_space<vmem>>
          %dma_wait3A_258 = arith.constant 0 : i32
          %dma_wait3A_259 = tpu.memref_slice %arg19[%dma_wait3A_258] : memref<50176xf32, #tpu.memory_space<vmem_shared>> -> memref<50176xf32, #tpu.memory_space<vmem_shared>>
          tpu.wait_indirect_dma semaphore(%arg22 : memref<!tpu.dma_semaphore, #tpu.memory_space<semaphore_mem>>) src(%dma_wait3A_259 : memref<50176xf32, #tpu.memory_space<vmem_shared>>) dst(%dma_wait3A_254 : memref<128xf32, #tpu.memory_space<vmem>>)
          %dma_wait3A_260 = arith.constant 3 : i32
          %dma_wait3A_261 = arith.constant 384 : i32
          %dma_wait3A_262 = tpu.memref_slice %arg8[%dma_wait3A_261] : memref<1024xf32, #tpu.memory_space<vmem>> -> memref<128xf32, #tpu.memory_space<vmem>>
          %dma_wait3A_263 = arith.constant 0 : i32
          %dma_wait3A_264 = tpu.memref_slice %arg7[%dma_wait3A_260, %dma_wait3A_263] : memref<16x128xi32, #tpu.memory_space<vmem>> -> memref<1x128xi32, #tpu.memory_space<vmem>>
          %dma_wait3A_265 = tpu.memref_squeeze %dma_wait3A_264 : memref<1x128xi32, #tpu.memory_space<vmem>> -> memref<128xi32, #tpu.memory_space<vmem>>
          %dma_wait3A_266 = arith.constant 0 : i32
          %dma_wait3A_267 = tpu.memref_slice %arg18[%dma_wait3A_266] : memref<50176xf32, #tpu.memory_space<vmem_shared>> -> memref<50176xf32, #tpu.memory_space<vmem_shared>>
          tpu.wait_indirect_dma semaphore(%arg22 : memref<!tpu.dma_semaphore, #tpu.memory_space<semaphore_mem>>) src(%dma_wait3A_267 : memref<50176xf32, #tpu.memory_space<vmem_shared>>) dst(%dma_wait3A_262 : memref<128xf32, #tpu.memory_space<vmem>>)
          %dma_wait3A_268 = arith.constant 11 : i32
          %dma_wait3A_269 = arith.constant 384 : i32
          %dma_wait3A_270 = tpu.memref_slice %arg9[%dma_wait3A_269] : memref<1024xf32, #tpu.memory_space<vmem>> -> memref<128xf32, #tpu.memory_space<vmem>>
          %dma_wait3A_271 = arith.constant 0 : i32
          %dma_wait3A_272 = tpu.memref_slice %arg7[%dma_wait3A_268, %dma_wait3A_271] : memref<16x128xi32, #tpu.memory_space<vmem>> -> memref<1x128xi32, #tpu.memory_space<vmem>>
          %dma_wait3A_273 = tpu.memref_squeeze %dma_wait3A_272 : memref<1x128xi32, #tpu.memory_space<vmem>> -> memref<128xi32, #tpu.memory_space<vmem>>
          %dma_wait3A_274 = arith.constant 0 : i32
          %dma_wait3A_275 = tpu.memref_slice %arg19[%dma_wait3A_274] : memref<50176xf32, #tpu.memory_space<vmem_shared>> -> memref<50176xf32, #tpu.memory_space<vmem_shared>>
          tpu.wait_indirect_dma semaphore(%arg22 : memref<!tpu.dma_semaphore, #tpu.memory_space<semaphore_mem>>) src(%dma_wait3A_275 : memref<50176xf32, #tpu.memory_space<vmem_shared>>) dst(%dma_wait3A_270 : memref<128xf32, #tpu.memory_space<vmem>>)
          %dma_wait3A_276 = arith.constant 4 : i32
          %dma_wait3A_277 = arith.constant 512 : i32
          %dma_wait3A_278 = tpu.memref_slice %arg8[%dma_wait3A_277] : memref<1024xf32, #tpu.memory_space<vmem>> -> memref<128xf32, #tpu.memory_space<vmem>>
          %dma_wait3A_279 = arith.constant 0 : i32
          %dma_wait3A_280 = tpu.memref_slice %arg7[%dma_wait3A_276, %dma_wait3A_279] : memref<16x128xi32, #tpu.memory_space<vmem>> -> memref<1x128xi32, #tpu.memory_space<vmem>>
          %dma_wait3A_281 = tpu.memref_squeeze %dma_wait3A_280 : memref<1x128xi32, #tpu.memory_space<vmem>> -> memref<128xi32, #tpu.memory_space<vmem>>
          %dma_wait3A_282 = arith.constant 0 : i32
          %dma_wait3A_283 = tpu.memref_slice %arg18[%dma_wait3A_282] : memref<50176xf32, #tpu.memory_space<vmem_shared>> -> memref<50176xf32, #tpu.memory_space<vmem_shared>>
          tpu.wait_indirect_dma semaphore(%arg22 : memref<!tpu.dma_semaphore, #tpu.memory_space<semaphore_mem>>) src(%dma_wait3A_283 : memref<50176xf32, #tpu.memory_space<vmem_shared>>) dst(%dma_wait3A_278 : memref<128xf32, #tpu.memory_space<vmem>>)
          %dma_wait3A_284 = arith.constant 12 : i32
          %dma_wait3A_285 = arith.constant 512 : i32
          %dma_wait3A_286 = tpu.memref_slice %arg9[%dma_wait3A_285] : memref<1024xf32, #tpu.memory_space<vmem>> -> memref<128xf32, #tpu.memory_space<vmem>>
          %dma_wait3A_287 = arith.constant 0 : i32
          %dma_wait3A_288 = tpu.memref_slice %arg7[%dma_wait3A_284, %dma_wait3A_287] : memref<16x128xi32, #tpu.memory_space<vmem>> -> memref<1x128xi32, #tpu.memory_space<vmem>>
          %dma_wait3A_289 = tpu.memref_squeeze %dma_wait3A_288 : memref<1x128xi32, #tpu.memory_space<vmem>> -> memref<128xi32, #tpu.memory_space<vmem>>
          %dma_wait3A_290 = arith.constant 0 : i32
          %dma_wait3A_291 = tpu.memref_slice %arg19[%dma_wait3A_290] : memref<50176xf32, #tpu.memory_space<vmem_shared>> -> memref<50176xf32, #tpu.memory_space<vmem_shared>>
          tpu.wait_indirect_dma semaphore(%arg22 : memref<!tpu.dma_semaphore, #tpu.memory_space<semaphore_mem>>) src(%dma_wait3A_291 : memref<50176xf32, #tpu.memory_space<vmem_shared>>) dst(%dma_wait3A_286 : memref<128xf32, #tpu.memory_space<vmem>>)
          %dma_wait3A_292 = arith.constant 5 : i32
          %dma_wait3A_293 = arith.constant 640 : i32
          %dma_wait3A_294 = tpu.memref_slice %arg8[%dma_wait3A_293] : memref<1024xf32, #tpu.memory_space<vmem>> -> memref<128xf32, #tpu.memory_space<vmem>>
          %dma_wait3A_295 = arith.constant 0 : i32
          %dma_wait3A_296 = tpu.memref_slice %arg7[%dma_wait3A_292, %dma_wait3A_295] : memref<16x128xi32, #tpu.memory_space<vmem>> -> memref<1x128xi32, #tpu.memory_space<vmem>>
          %dma_wait3A_297 = tpu.memref_squeeze %dma_wait3A_296 : memref<1x128xi32, #tpu.memory_space<vmem>> -> memref<128xi32, #tpu.memory_space<vmem>>
          %dma_wait3A_298 = arith.constant 0 : i32
          %dma_wait3A_299 = tpu.memref_slice %arg18[%dma_wait3A_298] : memref<50176xf32, #tpu.memory_space<vmem_shared>> -> memref<50176xf32, #tpu.memory_space<vmem_shared>>
          tpu.wait_indirect_dma semaphore(%arg22 : memref<!tpu.dma_semaphore, #tpu.memory_space<semaphore_mem>>) src(%dma_wait3A_299 : memref<50176xf32, #tpu.memory_space<vmem_shared>>) dst(%dma_wait3A_294 : memref<128xf32, #tpu.memory_space<vmem>>)
          %dma_wait3A_300 = arith.constant 13 : i32
          %dma_wait3A_301 = arith.constant 640 : i32
          %dma_wait3A_302 = tpu.memref_slice %arg9[%dma_wait3A_301] : memref<1024xf32, #tpu.memory_space<vmem>> -> memref<128xf32, #tpu.memory_space<vmem>>
          %dma_wait3A_303 = arith.constant 0 : i32
          %dma_wait3A_304 = tpu.memref_slice %arg7[%dma_wait3A_300, %dma_wait3A_303] : memref<16x128xi32, #tpu.memory_space<vmem>> -> memref<1x128xi32, #tpu.memory_space<vmem>>
          %dma_wait3A_305 = tpu.memref_squeeze %dma_wait3A_304 : memref<1x128xi32, #tpu.memory_space<vmem>> -> memref<128xi32, #tpu.memory_space<vmem>>
          %dma_wait3A_306 = arith.constant 0 : i32
          %dma_wait3A_307 = tpu.memref_slice %arg19[%dma_wait3A_306] : memref<50176xf32, #tpu.memory_space<vmem_shared>> -> memref<50176xf32, #tpu.memory_space<vmem_shared>>
          tpu.wait_indirect_dma semaphore(%arg22 : memref<!tpu.dma_semaphore, #tpu.memory_space<semaphore_mem>>) src(%dma_wait3A_307 : memref<50176xf32, #tpu.memory_space<vmem_shared>>) dst(%dma_wait3A_302 : memref<128xf32, #tpu.memory_space<vmem>>)
          %dma_wait3A_308 = arith.constant 6 : i32
          %dma_wait3A_309 = arith.constant 768 : i32
          %dma_wait3A_310 = tpu.memref_slice %arg8[%dma_wait3A_309] : memref<1024xf32, #tpu.memory_space<vmem>> -> memref<128xf32, #tpu.memory_space<vmem>>
          %dma_wait3A_311 = arith.constant 0 : i32
          %dma_wait3A_312 = tpu.memref_slice %arg7[%dma_wait3A_308, %dma_wait3A_311] : memref<16x128xi32, #tpu.memory_space<vmem>> -> memref<1x128xi32, #tpu.memory_space<vmem>>
          %dma_wait3A_313 = tpu.memref_squeeze %dma_wait3A_312 : memref<1x128xi32, #tpu.memory_space<vmem>> -> memref<128xi32, #tpu.memory_space<vmem>>
          %dma_wait3A_314 = arith.constant 0 : i32
          %dma_wait3A_315 = tpu.memref_slice %arg18[%dma_wait3A_314] : memref<50176xf32, #tpu.memory_space<vmem_shared>> -> memref<50176xf32, #tpu.memory_space<vmem_shared>>
          tpu.wait_indirect_dma semaphore(%arg22 : memref<!tpu.dma_semaphore, #tpu.memory_space<semaphore_mem>>) src(%dma_wait3A_315 : memref<50176xf32, #tpu.memory_space<vmem_shared>>) dst(%dma_wait3A_310 : memref<128xf32, #tpu.memory_space<vmem>>)
          %dma_wait3A_316 = arith.constant 14 : i32
          %dma_wait3A_317 = arith.constant 768 : i32
          %dma_wait3A_318 = tpu.memref_slice %arg9[%dma_wait3A_317] : memref<1024xf32, #tpu.memory_space<vmem>> -> memref<128xf32, #tpu.memory_space<vmem>>
          %dma_wait3A_319 = arith.constant 0 : i32
          %dma_wait3A_320 = tpu.memref_slice %arg7[%dma_wait3A_316, %dma_wait3A_319] : memref<16x128xi32, #tpu.memory_space<vmem>> -> memref<1x128xi32, #tpu.memory_space<vmem>>
          %dma_wait3A_321 = tpu.memref_squeeze %dma_wait3A_320 : memref<1x128xi32, #tpu.memory_space<vmem>> -> memref<128xi32, #tpu.memory_space<vmem>>
          %dma_wait3A_322 = arith.constant 0 : i32
          %dma_wait3A_323 = tpu.memref_slice %arg19[%dma_wait3A_322] : memref<50176xf32, #tpu.memory_space<vmem_shared>> -> memref<50176xf32, #tpu.memory_space<vmem_shared>>
          tpu.wait_indirect_dma semaphore(%arg22 : memref<!tpu.dma_semaphore, #tpu.memory_space<semaphore_mem>>) src(%dma_wait3A_323 : memref<50176xf32, #tpu.memory_space<vmem_shared>>) dst(%dma_wait3A_318 : memref<128xf32, #tpu.memory_space<vmem>>)
          %dma_wait3A_324 = arith.constant 7 : i32
          %dma_wait3A_325 = arith.constant 896 : i32
          %dma_wait3A_326 = tpu.memref_slice %arg8[%dma_wait3A_325] : memref<1024xf32, #tpu.memory_space<vmem>> -> memref<128xf32, #tpu.memory_space<vmem>>
          %dma_wait3A_327 = arith.constant 0 : i32
          %dma_wait3A_328 = tpu.memref_slice %arg7[%dma_wait3A_324, %dma_wait3A_327] : memref<16x128xi32, #tpu.memory_space<vmem>> -> memref<1x128xi32, #tpu.memory_space<vmem>>
          %dma_wait3A_329 = tpu.memref_squeeze %dma_wait3A_328 : memref<1x128xi32, #tpu.memory_space<vmem>> -> memref<128xi32, #tpu.memory_space<vmem>>
          %dma_wait3A_330 = arith.constant 0 : i32
          %dma_wait3A_331 = tpu.memref_slice %arg18[%dma_wait3A_330] : memref<50176xf32, #tpu.memory_space<vmem_shared>> -> memref<50176xf32, #tpu.memory_space<vmem_shared>>
          tpu.wait_indirect_dma semaphore(%arg22 : memref<!tpu.dma_semaphore, #tpu.memory_space<semaphore_mem>>) src(%dma_wait3A_331 : memref<50176xf32, #tpu.memory_space<vmem_shared>>) dst(%dma_wait3A_326 : memref<128xf32, #tpu.memory_space<vmem>>)
          %dma_wait3A_332 = arith.constant 15 : i32
          %dma_wait3A_333 = arith.constant 896 : i32
          %dma_wait3A_334 = tpu.memref_slice %arg9[%dma_wait3A_333] : memref<1024xf32, #tpu.memory_space<vmem>> -> memref<128xf32, #tpu.memory_space<vmem>>
          %dma_wait3A_335 = arith.constant 0 : i32
          %dma_wait3A_336 = tpu.memref_slice %arg7[%dma_wait3A_332, %dma_wait3A_335] : memref<16x128xi32, #tpu.memory_space<vmem>> -> memref<1x128xi32, #tpu.memory_space<vmem>>
          %dma_wait3A_337 = tpu.memref_squeeze %dma_wait3A_336 : memref<1x128xi32, #tpu.memory_space<vmem>> -> memref<128xi32, #tpu.memory_space<vmem>>
          %dma_wait3A_338 = arith.constant 0 : i32
          %dma_wait3A_339 = tpu.memref_slice %arg19[%dma_wait3A_338] : memref<50176xf32, #tpu.memory_space<vmem_shared>> -> memref<50176xf32, #tpu.memory_space<vmem_shared>>
          tpu.wait_indirect_dma semaphore(%arg22 : memref<!tpu.dma_semaphore, #tpu.memory_space<semaphore_mem>>) src(%dma_wait3A_339 : memref<50176xf32, #tpu.memory_space<vmem_shared>>) dst(%dma_wait3A_334 : memref<128xf32, #tpu.memory_space<vmem>>)
          %scan3A_340 = arith.constant 0 : i32
          %scan3A_341 = arith.constant 0 : i32
          %scan3A_342 = arith.constant 64 : i32
          %scan3A_343 = arith.addi %scan3A_341, %scan3A_342 : i32
          %scan3A_344 = arith.constant 1 : i32
          scf.for %scan3A_368 = %scan3A_341 to %scan3A_343 step %scan3A_344  : i32 {
            %broadcast_in_dim3A_369 = arith.constant 0.000000e+00 : f32
            %broadcast_in_dim3A_370 = vector.broadcast %broadcast_in_dim3A_369 : f32 to vector<16xf32>
            %mul3A_371 = arith.constant 16 : i32
            %mul3A_372 = arith.muli %scan3A_368, %mul3A_371 : i32
            %swap3A = arith.index_cast %mul3A_372 : i32 to index
            %swap3A_373 = tpu.vector_load %arg12[%swap3A] {strides = array<i32>} : memref<1040xf32, #tpu.memory_space<vmem>>, vector<16xf32>,
            tpu.vector_store %arg12[%swap3A], %broadcast_in_dim3A_370 {strides = array<i32>} : memref<1040xf32, #tpu.memory_space<vmem>>, vector<16xf32>,
          }
          %scan3A_345 = arith.constant 64 : i32
          %broadcast_in_dim3A_346 = arith.constant 0 : i32
          %broadcast_in_dim3A_347 = vector.broadcast %broadcast_in_dim3A_346 : i32 to vector<16xi32>
          %scan3A_348 = arith.constant 0 : i32
          %scan3A_349 = arith.constant 64 : i32
          %scan3A_350 = arith.addi %scan3A_348, %scan3A_349 : i32
          %scan3A_351 = arith.constant 1 : i32
          %scan3A_352 = scf.for %scan3A_368 = %scan3A_348 to %scan3A_350 step %scan3A_351 iter_args(%scan3A_369 = %broadcast_in_dim3A_347) -> (vector<16xi32>)  : i32 {
            %div3A = arith.constant 8 : i32
            %div3A_370 = arith.divsi %scan3A_368, %div3A : i32
            %add3A_371 = arith.constant 8 : i32
            %add3A_372 = arith.addi %div3A_370, %add3A_371 : i32
            %rem3A = arith.constant 8 : i32
            %rem3A_373 = arith.remsi %scan3A_368, %rem3A : i32
            %mul3A_374 = arith.constant 16 : i32
            %mul3A_375 = arith.muli %rem3A_373, %mul3A_374 : i32
            %get3A_376 = arith.index_cast %add3A_372 : i32 to index
            %get3A_377 = arith.index_cast %mul3A_375 : i32 to index
            %get3A_378 = tpu.vector_load %arg7[%get3A_376, %get3A_377] {strides = array<i32>} : memref<16x128xi32, #tpu.memory_space<vmem>>, vector<16xi32>,
            %div3A_379 = arith.constant 8 : i32
            %div3A_380 = arith.divsi %scan3A_368, %div3A_379 : i32
            %rem3A_381 = arith.constant 8 : i32
            %rem3A_382 = arith.remsi %scan3A_368, %rem3A_381 : i32
            %mul3A_383 = arith.constant 16 : i32
            %mul3A_384 = arith.muli %rem3A_382, %mul3A_383 : i32
            %get3A_385 = arith.index_cast %div3A_380 : i32 to index
            %get3A_386 = arith.index_cast %mul3A_384 : i32 to index
            %get3A_387 = tpu.vector_load %arg7[%get3A_385, %get3A_386] {strides = array<i32>} : memref<16x128xi32, #tpu.memory_space<vmem>>, vector<16xi32>,
            %mul3A_388 = arith.constant 16 : i32
            %mul3A_389 = arith.muli %scan3A_368, %mul3A_388 : i32
            %get3A_390 = arith.index_cast %mul3A_389 : i32 to index
            %get3A_391 = tpu.vector_load %arg8[%get3A_390] {strides = array<i32>} : memref<1024xf32, #tpu.memory_space<vmem>>, vector<16xf32>,
            %mul3A_392 = arith.constant 16 : i32
            %mul3A_393 = arith.muli %scan3A_368, %mul3A_392 : i32
            %get3A_394 = arith.index_cast %mul3A_393 : i32 to index
            %get3A_395 = tpu.vector_load %arg9[%get3A_394] {strides = array<i32>} : memref<1024xf32, #tpu.memory_space<vmem>>, vector<16xf32>,
            %add3A_396 = arith.addf %get3A_391, %get3A_395 : vector<16xf32>
            %mul3A_397 = arith.constant 2.000000e-01 : f32
            %mul3A_398 = vector.broadcast %mul3A_397 : f32 to vector<16xf32>
            %mul3A_399 = arith.mulf %mul3A_398, %add3A_396 : vector<16xf32>
            %max3A = arith.maximumf %add3A_396, %mul3A_399 : vector<16xf32>
            %sub3A = arith.subf %max3A, %get3A_2 : vector<16xf32>
            %exp3A = math.exp %sub3A : vector<16xf32>
            %ge3A = arith.cmpi sge, %get3A_378, %broadcast_in_dim3A : vector<16xi32>
            %lt3A_400 = arith.cmpi slt, %get3A_378, %broadcast_in_dim3A_57 : vector<16xi32>
            %and3A = arith.andi %ge3A, %lt3A_400 : vector<16xi1>
            %convert_element_type3A_401 = arith.extui %and3A : vector<16xi1> to vector<16xi32>
            %broadcast_in_dim3A_402 = arith.constant true
            %broadcast_in_dim3A_403 = vector.broadcast %broadcast_in_dim3A_402 : i1 to vector<16xi1>
            %masked_cumsum3A = tpu.scan <sum>, %convert_element_type3A_401 masked %broadcast_in_dim3A_403 : vector<16xi32>, vector<16xi1> -> vector<16xi32>
            %iota3A = tpu.iota {dimensions = array<i32: 0>} : vector<16xi32>
            %add3A_404 = arith.addi %scan3A_369, %masked_cumsum3A : vector<16xi32>
            %sub3A_405 = arith.constant 1 : i32
            %sub3A_406 = vector.broadcast %sub3A_405 : i32 to vector<16xi32>
            %sub3A_407 = arith.subi %add3A_404, %sub3A_406 : vector<16xi32>
            %add3A_408 = arith.constant 1024 : i32
            %add3A_409 = vector.broadcast %add3A_408 : i32 to vector<16xi32>
            %add3A_410 = arith.addi %add3A_409, %iota3A : vector<16xi32>
            %select_n3A = arith.select %and3A, %sub3A_407, %add3A_410 : vector<16xi1>, vector<16xi32>
            %jit3A = arith.constant 0.000000e+00 : f32
            %broadcast_in_dim3A_411 = vector.broadcast %jit3A : f32 to vector<16xf32>
            %select_n3A_412 = arith.select %and3A, %exp3A, %broadcast_in_dim3A_411 : vector<16xi1>, vector<16xf32>
            %sub3A_413 = arith.subi %get3A_378, %broadcast_in_dim3A : vector<16xi32>
            %jit3A_414 = arith.constant 0 : i32
            %broadcast_in_dim3A_415 = vector.broadcast %jit3A_414 : i32 to vector<16xi32>
            %select_n3A_416 = arith.select %and3A, %sub3A_413, %broadcast_in_dim3A_415 : vector<16xi1>, vector<16xi32>
            tpu.vector_store_idx %arg10[%select_n3A], %get3A_387 masked %and3A : memref<1040xi32, #tpu.memory_space<vmem>>[vector<16xi32>], vector<16xi32>, vector<16xi1>
            tpu.vector_store_idx %arg12[%select_n3A], %select_n3A_412 masked %and3A : memref<1040xf32, #tpu.memory_space<vmem>>[vector<16xi32>], vector<16xf32>, vector<16xi1>
            %broadcast_in_dim3A_417 = arith.constant 6 : i32
            %broadcast_in_dim3A_418 = vector.broadcast %broadcast_in_dim3A_417 : i32 to vector<16xi32>
            %shift_right_logical3A = arith.shrui %select_n3A, %broadcast_in_dim3A_418 : vector<16xi32>
            %broadcast_in_dim3A_419 = arith.constant 63 : i32
            %broadcast_in_dim3A_420 = vector.broadcast %broadcast_in_dim3A_419 : i32 to vector<16xi32>
            %and3A_421 = arith.andi %select_n3A, %broadcast_in_dim3A_420 : vector<16xi32>
            tpu.vector_store_idx %arg11[%shift_right_logical3A, %and3A_421], %select_n3A_416 masked %and3A : memref<17x64xi32, #tpu.memory_space<vmem>>[vector<16xi32>, vector<16xi32>], vector<16xi32>, vector<16xi1>
            %all_reduce_population_count3A = tpu.all_reduce %and3A {dim = 0 : i64, kind = #tpu.reduction_kind<sum>} : vector<16xi1> -> vector<16xi32>
            %add3A_422 = arith.addi %scan3A_369, %all_reduce_population_count3A : vector<16xi32>
            scf.yield %add3A_422 : vector<16xi32>
          }
          %scan3A_353 = arith.constant 64 : i32
          %reduce_max3A = arith.constant true
          %reduce_max3A_354 = vector.broadcast %reduce_max3A : i1 to vector<16xi1>
          %reduce_max3A_355 = arith.constant -2147483648 : i32
          %reduce_max3A_356 = vector.broadcast %reduce_max3A_355 : i32 to vector<16xi32>
          %reduce_max3A_357 = arith.xori %scan3A_352, %reduce_max3A_356 : vector<16xi32>
          %reduce_max3A_358 = tpu.scan <max>, %reduce_max3A_357 masked %reduce_max3A_354 : vector<16xi32>, vector<16xi1> -> vector<16xi32>
          %reduce_max3A_359 = arith.xori %reduce_max3A_358, %reduce_max3A_356 : vector<16xi32>
          %reduce_max3A_360 = vector.extract %reduce_max3A_359[15] : i32 from vector<16xi32>
          %scan3A_361 = arith.constant 0 : i32
          %scan3A_362 = arith.constant 0 : i32
          %scan3A_363 = arith.constant 16 : i32
          %scan3A_364 = arith.addi %scan3A_362, %scan3A_363 : i32
          %scan3A_365 = arith.constant 1 : i32
          scf.for %scan3A_368 = %scan3A_362 to %scan3A_364 step %scan3A_365  : i32 {
            %mul3A_369 = arith.constant 64 : i32
            %mul3A_370 = arith.muli %scan3A_368, %mul3A_369 : i32
            %lt3A_371 = arith.cmpi slt, %mul3A_370, %reduce_max3A_360 : i32
            %convert_element_type3A_372 = arith.extui %lt3A_371 : i1 to i32
            %cond3A_373 = arith.constant 0 : i32
            %cond3A_374 = arith.cmpi ne, %convert_element_type3A_372, %cond3A_373 : i32
            scf.if %cond3A_374 {
              %mul3A_375 = arith.constant 64 : i32
              %mul3A_376 = arith.muli %scan3A_368, %mul3A_375 : i32
              %dma_start3A_377 = tpu.memref_slice %arg10[%mul3A_376] : memref<1040xi32, #tpu.memory_space<vmem>> -> memref<64xi32, #tpu.memory_space<vmem>>
              %dma_start3A_378 = arith.constant 0 : i32
              %dma_start3A_379 = arith.constant 0 : i32
              %dma_start3A_380 = tpu.memref_slice %arg2[%dma_start3A_378, %dma_start3A_379] : memref<50176x128xf32, #tpu.memory_space<hbm>> -> memref<50176x128xf32, #tpu.memory_space<hbm>>
              tpu.enqueue_indirect_dma source(%dma_start3A_380 : memref<50176x128xf32, #tpu.memory_space<hbm>>) target(%arg13 : memref<64x128xf32, #tpu.memory_space<vmem>>) offsets(%dma_start3A_377 : memref<64xi32, #tpu.memory_space<vmem>>) semaphore(%arg22 : memref<!tpu.dma_semaphore, #tpu.memory_space<semaphore_mem>>)
              %dma_wait3A_381 = tpu.memref_slice %arg10[%mul3A_376] : memref<1040xi32, #tpu.memory_space<vmem>> -> memref<64xi32, #tpu.memory_space<vmem>>
              %dma_wait3A_382 = arith.constant 0 : i32
              %dma_wait3A_383 = arith.constant 0 : i32
              %dma_wait3A_384 = tpu.memref_slice %arg2[%dma_wait3A_382, %dma_wait3A_383] : memref<50176x128xf32, #tpu.memory_space<hbm>> -> memref<50176x128xf32, #tpu.memory_space<hbm>>
              tpu.wait_indirect_dma semaphore(%arg22 : memref<!tpu.dma_semaphore, #tpu.memory_space<semaphore_mem>>) src(%dma_wait3A_384 : memref<50176x128xf32, #tpu.memory_space<hbm>>) dst(%arg13 : memref<64x128xf32, #tpu.memory_space<vmem>>)
              %scan3A_385 = arith.constant 0 : i32
              %scan3A_386 = arith.constant 0 : i32
              %scan3A_387 = arith.constant 64 : i32
              %scan3A_388 = arith.addi %scan3A_386, %scan3A_387 : i32
              %scan3A_389 = arith.constant 1 : i32
              scf.for %scan3A_393 = %scan3A_386 to %scan3A_388 step %scan3A_389  : i32 {
                %mul3A_394 = arith.constant 64 : i32
                %mul3A_395 = arith.muli %scan3A_368, %mul3A_394 : i32
                %add3A_396 = arith.addi %mul3A_395, %scan3A_393 : i32
                %broadcast_in_dim3A_397 = vector.broadcast %add3A_396 : i32 to vector<16xi32>
                %gather3A = tpu.vector_load_idx %arg12[%broadcast_in_dim3A_397] : memref<1040xf32, #tpu.memory_space<vmem>>[vector<16xi32>], vector<16xf32>,
                %get3A_398 = arith.index_cast %scan3A_393 : i32 to index
                %get3A_399 = arith.constant 0 : index
                %get3A_400 = tpu.vector_load %arg13[%get3A_398, %get3A_399] {strides = array<i32>} : memref<64x128xf32, #tpu.memory_space<vmem>>, vector<16xf32>,
                %mul3A_401 = arith.mulf %get3A_400, %gather3A : vector<16xf32>
                %swap3A = arith.index_cast %scan3A_393 : i32 to index
                %swap3A_402 = arith.constant 0 : index
                %swap3A_403 = tpu.vector_load %arg13[%swap3A, %swap3A_402] {strides = array<i32>} : memref<64x128xf32, #tpu.memory_space<vmem>>, vector<16xf32>,
                tpu.vector_store %arg13[%swap3A, %swap3A_402], %mul3A_401 {strides = array<i32>} : memref<64x128xf32, #tpu.memory_space<vmem>>, vector<16xf32>,
                %get3A_404 = arith.index_cast %scan3A_393 : i32 to index
                %get3A_405 = arith.constant 16 : index
                %get3A_406 = tpu.vector_load %arg13[%get3A_404, %get3A_405] {strides = array<i32>} : memref<64x128xf32, #tpu.memory_space<vmem>>, vector<16xf32>,
                %mul3A_407 = arith.mulf %get3A_406, %gather3A : vector<16xf32>
                %swap3A_408 = arith.index_cast %scan3A_393 : i32 to index
                %swap3A_409 = arith.constant 16 : index
                %swap3A_410 = tpu.vector_load %arg13[%swap3A_408, %swap3A_409] {strides = array<i32>} : memref<64x128xf32, #tpu.memory_space<vmem>>, vector<16xf32>,
                tpu.vector_store %arg13[%swap3A_408, %swap3A_409], %mul3A_407 {strides = array<i32>} : memref<64x128xf32, #tpu.memory_space<vmem>>, vector<16xf32>,
                %get3A_411 = arith.index_cast %scan3A_393 : i32 to index
                %get3A_412 = arith.constant 32 : index
                %get3A_413 = tpu.vector_load %arg13[%get3A_411, %get3A_412] {strides = array<i32>} : memref<64x128xf32, #tpu.memory_space<vmem>>, vector<16xf32>,
                %mul3A_414 = arith.mulf %get3A_413, %gather3A : vector<16xf32>
                %swap3A_415 = arith.index_cast %scan3A_393 : i32 to index
                %swap3A_416 = arith.constant 32 : index
                %swap3A_417 = tpu.vector_load %arg13[%swap3A_415, %swap3A_416] {strides = array<i32>} : memref<64x128xf32, #tpu.memory_space<vmem>>, vector<16xf32>,
                tpu.vector_store %arg13[%swap3A_415, %swap3A_416], %mul3A_414 {strides = array<i32>} : memref<64x128xf32, #tpu.memory_space<vmem>>, vector<16xf32>,
                %get3A_418 = arith.index_cast %scan3A_393 : i32 to index
                %get3A_419 = arith.constant 48 : index
                %get3A_420 = tpu.vector_load %arg13[%get3A_418, %get3A_419] {strides = array<i32>} : memref<64x128xf32, #tpu.memory_space<vmem>>, vector<16xf32>,
                %mul3A_421 = arith.mulf %get3A_420, %gather3A : vector<16xf32>
                %swap3A_422 = arith.index_cast %scan3A_393 : i32 to index
                %swap3A_423 = arith.constant 48 : index
                %swap3A_424 = tpu.vector_load %arg13[%swap3A_422, %swap3A_423] {strides = array<i32>} : memref<64x128xf32, #tpu.memory_space<vmem>>, vector<16xf32>,
                tpu.vector_store %arg13[%swap3A_422, %swap3A_423], %mul3A_421 {strides = array<i32>} : memref<64x128xf32, #tpu.memory_space<vmem>>, vector<16xf32>,
                %get3A_425 = arith.index_cast %scan3A_393 : i32 to index
                %get3A_426 = arith.constant 64 : index
                %get3A_427 = tpu.vector_load %arg13[%get3A_425, %get3A_426] {strides = array<i32>} : memref<64x128xf32, #tpu.memory_space<vmem>>, vector<16xf32>,
                %mul3A_428 = arith.mulf %get3A_427, %gather3A : vector<16xf32>
                %swap3A_429 = arith.index_cast %scan3A_393 : i32 to index
                %swap3A_430 = arith.constant 64 : index
                %swap3A_431 = tpu.vector_load %arg13[%swap3A_429, %swap3A_430] {strides = array<i32>} : memref<64x128xf32, #tpu.memory_space<vmem>>, vector<16xf32>,
                tpu.vector_store %arg13[%swap3A_429, %swap3A_430], %mul3A_428 {strides = array<i32>} : memref<64x128xf32, #tpu.memory_space<vmem>>, vector<16xf32>,
                %get3A_432 = arith.index_cast %scan3A_393 : i32 to index
                %get3A_433 = arith.constant 80 : index
                %get3A_434 = tpu.vector_load %arg13[%get3A_432, %get3A_433] {strides = array<i32>} : memref<64x128xf32, #tpu.memory_space<vmem>>, vector<16xf32>,
                %mul3A_435 = arith.mulf %get3A_434, %gather3A : vector<16xf32>
                %swap3A_436 = arith.index_cast %scan3A_393 : i32 to index
                %swap3A_437 = arith.constant 80 : index
                %swap3A_438 = tpu.vector_load %arg13[%swap3A_436, %swap3A_437] {strides = array<i32>} : memref<64x128xf32, #tpu.memory_space<vmem>>, vector<16xf32>,
                tpu.vector_store %arg13[%swap3A_436, %swap3A_437], %mul3A_435 {strides = array<i32>} : memref<64x128xf32, #tpu.memory_space<vmem>>, vector<16xf32>,
                %get3A_439 = arith.index_cast %scan3A_393 : i32 to index
                %get3A_440 = arith.constant 96 : index
                %get3A_441 = tpu.vector_load %arg13[%get3A_439, %get3A_440] {strides = array<i32>} : memref<64x128xf32, #tpu.memory_space<vmem>>, vector<16xf32>,
                %mul3A_442 = arith.mulf %get3A_441, %gather3A : vector<16xf32>
                %swap3A_443 = arith.index_cast %scan3A_393 : i32 to index
                %swap3A_444 = arith.constant 96 : index
                %swap3A_445 = tpu.vector_load %arg13[%swap3A_443, %swap3A_444] {strides = array<i32>} : memref<64x128xf32, #tpu.memory_space<vmem>>, vector<16xf32>,
                tpu.vector_store %arg13[%swap3A_443, %swap3A_444], %mul3A_442 {strides = array<i32>} : memref<64x128xf32, #tpu.memory_space<vmem>>, vector<16xf32>,
                %get3A_446 = arith.index_cast %scan3A_393 : i32 to index
                %get3A_447 = arith.constant 112 : index
                %get3A_448 = tpu.vector_load %arg13[%get3A_446, %get3A_447] {strides = array<i32>} : memref<64x128xf32, #tpu.memory_space<vmem>>, vector<16xf32>,
                %mul3A_449 = arith.mulf %get3A_448, %gather3A : vector<16xf32>
                %swap3A_450 = arith.index_cast %scan3A_393 : i32 to index
                %swap3A_451 = arith.constant 112 : index
                %swap3A_452 = tpu.vector_load %arg13[%swap3A_450, %swap3A_451] {strides = array<i32>} : memref<64x128xf32, #tpu.memory_space<vmem>>, vector<16xf32>,
                tpu.vector_store %arg13[%swap3A_450, %swap3A_451], %mul3A_449 {strides = array<i32>} : memref<64x128xf32, #tpu.memory_space<vmem>>, vector<16xf32>,
              }
              %scan3A_390 = arith.constant 64 : i32
              "tpu.region"() ({
                %run_scoped3A = tpu.sem_alloc : memref<!tpu.dma_semaphore, #tpu.memory_space<semaphore_mem>>
                %dma_start3A_393 = arith.constant 0 : i32
                %dma_start3A_394 = tpu.memref_slice %arg11[%scan3A_368, %dma_start3A_393] : memref<17x64xi32, #tpu.memory_space<vmem>> -> memref<1x64xi32, #tpu.memory_space<vmem>>
                %dma_start3A_395 = tpu.memref_squeeze %dma_start3A_394 : memref<1x64xi32, #tpu.memory_space<vmem>> -> memref<64xi32, #tpu.memory_space<vmem>>
                %dma_start3A_396 = arith.constant 0 : i32
                %dma_start3A_397 = arith.constant 0 : i32
                %dma_start3A_398 = tpu.memref_slice %arg20[%dma_start3A_396, %dma_start3A_397] : memref<12544x128xf32, #tpu.memory_space<vmem_shared>> -> memref<12544x128xf32, #tpu.memory_space<vmem_shared>>
                tpu.enqueue_indirect_dma source(%arg13 : memref<64x128xf32, #tpu.memory_space<vmem>>) target(%dma_start3A_398 : memref<12544x128xf32, #tpu.memory_space<vmem_shared>>) offsets(%dma_start3A_395 : memref<64xi32, #tpu.memory_space<vmem>>) semaphore(%run_scoped3A : memref<!tpu.dma_semaphore, #tpu.memory_space<semaphore_mem>>) {add = true}
                %dma_wait3A_399 = arith.constant 0 : i32
                %dma_wait3A_400 = tpu.memref_slice %arg11[%scan3A_368, %dma_wait3A_399] : memref<17x64xi32, #tpu.memory_space<vmem>> -> memref<1x64xi32, #tpu.memory_space<vmem>>
                %dma_wait3A_401 = tpu.memref_squeeze %dma_wait3A_400 : memref<1x64xi32, #tpu.memory_space<vmem>> -> memref<64xi32, #tpu.memory_space<vmem>>
                %dma_wait3A_402 = arith.constant 0 : i32
                %dma_wait3A_403 = arith.constant 0 : i32
                %dma_wait3A_404 = tpu.memref_slice %arg20[%dma_wait3A_402, %dma_wait3A_403] : memref<12544x128xf32, #tpu.memory_space<vmem_shared>> -> memref<12544x128xf32, #tpu.memory_space<vmem_shared>>
                tpu.wait_indirect_dma semaphore(%run_scoped3A : memref<!tpu.dma_semaphore, #tpu.memory_space<semaphore_mem>>) src(%arg13 : memref<64x128xf32, #tpu.memory_space<vmem>>) dst(%dma_wait3A_404 : memref<12544x128xf32, #tpu.memory_space<vmem_shared>>)
                tpu.yield
              }) : () -> ()
              %mul3A_391 = arith.constant 64 : i32
              %mul3A_392 = arith.muli %scan3A_368, %mul3A_391 : i32
              "tpu.region"() ({
                %run_scoped3A = tpu.sem_alloc : memref<!tpu.dma_semaphore, #tpu.memory_space<semaphore_mem>>
                %dma_start3A_393 = tpu.memref_slice %arg12[%mul3A_392] : memref<1040xf32, #tpu.memory_space<vmem>> -> memref<64xf32, #tpu.memory_space<vmem>>
                %dma_start3A_394 = arith.constant 0 : i32
                %dma_start3A_395 = tpu.memref_slice %arg11[%scan3A_368, %dma_start3A_394] : memref<17x64xi32, #tpu.memory_space<vmem>> -> memref<1x64xi32, #tpu.memory_space<vmem>>
                %dma_start3A_396 = tpu.memref_squeeze %dma_start3A_395 : memref<1x64xi32, #tpu.memory_space<vmem>> -> memref<64xi32, #tpu.memory_space<vmem>>
                %dma_start3A_397 = arith.constant 0 : i32
                %dma_start3A_398 = tpu.memref_slice %arg21[%dma_start3A_397] : memref<12544xf32, #tpu.memory_space<vmem_shared>> -> memref<12544xf32, #tpu.memory_space<vmem_shared>>
                tpu.enqueue_indirect_dma source(%dma_start3A_393 : memref<64xf32, #tpu.memory_space<vmem>>) target(%dma_start3A_398 : memref<12544xf32, #tpu.memory_space<vmem_shared>>) offsets(%dma_start3A_396 : memref<64xi32, #tpu.memory_space<vmem>>) semaphore(%run_scoped3A : memref<!tpu.dma_semaphore, #tpu.memory_space<semaphore_mem>>) {add = true}
                %dma_wait3A_399 = tpu.memref_slice %arg12[%mul3A_392] : memref<1040xf32, #tpu.memory_space<vmem>> -> memref<64xf32, #tpu.memory_space<vmem>>
                %dma_wait3A_400 = arith.constant 0 : i32
                %dma_wait3A_401 = tpu.memref_slice %arg11[%scan3A_368, %dma_wait3A_400] : memref<17x64xi32, #tpu.memory_space<vmem>> -> memref<1x64xi32, #tpu.memory_space<vmem>>
                %dma_wait3A_402 = tpu.memref_squeeze %dma_wait3A_401 : memref<1x64xi32, #tpu.memory_space<vmem>> -> memref<64xi32, #tpu.memory_space<vmem>>
                %dma_wait3A_403 = arith.constant 0 : i32
                %dma_wait3A_404 = tpu.memref_slice %arg21[%dma_wait3A_403] : memref<12544xf32, #tpu.memory_space<vmem_shared>> -> memref<12544xf32, #tpu.memory_space<vmem_shared>>
                tpu.wait_indirect_dma semaphore(%run_scoped3A : memref<!tpu.dma_semaphore, #tpu.memory_space<semaphore_mem>>) src(%dma_wait3A_399 : memref<64xf32, #tpu.memory_space<vmem>>) dst(%dma_wait3A_404 : memref<12544xf32, #tpu.memory_space<vmem_shared>>)
                tpu.yield
              }) : () -> ()
            } else {
            }
          }
          %scan3A_366 = arith.constant 16 : i32
          %scan3A_367 = arith.constant 0 : i32
          scf.yield %scan3A_367 : i32
        }
        %scan3A_80 = arith.constant 50 : i32
      } else {
      }
      %barrier3A_61 = arith.constant 0 : index
      tpu.barrier barrier_id(%barrier3A_61)
      %mul3A_62 = arith.constant 784 : i32
      %mul3A_63 = arith.muli %arg1, %mul3A_62 : i32
      %mul3A_64 = arith.constant 784 : i32
      %mul3A_65 = arith.muli %arg1, %mul3A_64 : i32
      %add3A_66 = arith.addi %mul3A_51, %mul3A_65 : i32
      "tpu.region"() ({
        %run_scoped3A = tpu.sem_alloc : memref<!tpu.dma_semaphore, #tpu.memory_space<semaphore_mem>>
        %dma_start3A = arith.constant 0 : i32
        %dma_start3A_74 = tpu.memref_slice %arg5[%add3A_66, %dma_start3A] : memref<50176x128xf32, #tpu.memory_space<hbm>> -> memref<784x128xf32, #tpu.memory_space<hbm>>
        %dma_start3A_75 = arith.constant 0 : i32
        %dma_start3A_76 = tpu.memref_slice %arg20[%mul3A_63, %dma_start3A_75] : memref<12544x128xf32, #tpu.memory_space<vmem_shared>> -> memref<784x128xf32, #tpu.memory_space<vmem_shared>>
        tpu.enqueue_dma source(%dma_start3A_76 : memref<784x128xf32, #tpu.memory_space<vmem_shared>>) target(%dma_start3A_74 : memref<784x128xf32, #tpu.memory_space<hbm>>) target_semaphore(%run_scoped3A : memref<!tpu.dma_semaphore, #tpu.memory_space<semaphore_mem>>)
        %dma_wait3A = arith.constant 0 : i32
        %dma_wait3A_77 = tpu.memref_slice %arg5[%add3A_66, %dma_wait3A] : memref<50176x128xf32, #tpu.memory_space<hbm>> -> memref<784x128xf32, #tpu.memory_space<hbm>>
        %dma_wait3A_78 = arith.constant 0 : i32
        %dma_wait3A_79 = tpu.memref_slice %arg20[%mul3A_63, %dma_wait3A_78] : memref<12544x128xf32, #tpu.memory_space<vmem_shared>> -> memref<784x128xf32, #tpu.memory_space<vmem_shared>>
        tpu.wait_dma2 semaphore(%run_scoped3A : memref<!tpu.dma_semaphore, #tpu.memory_space<semaphore_mem>>) src(%dma_wait3A_79 : memref<784x128xf32, #tpu.memory_space<vmem_shared>>) dst(%dma_wait3A_77 : memref<784x128xf32, #tpu.memory_space<hbm>>)
        tpu.yield
      }) : () -> ()
      %mul3A_67 = arith.constant 784 : i32
      %mul3A_68 = arith.muli %arg1, %mul3A_67 : i32
      "tpu.region"() ({
        %run_scoped3A = tpu.sem_alloc : memref<!tpu.dma_semaphore, #tpu.memory_space<semaphore_mem>>
        %dma_start3A = arith.constant 0 : i32
        %dma_start3A_74 = tpu.memref_slice %arg16[%dma_start3A] : memref<1568xf32, #tpu.memory_space<vmem>> -> memref<784xf32, #tpu.memory_space<vmem>>
        %dma_start3A_75 = tpu.memref_slice %arg21[%mul3A_68] : memref<12544xf32, #tpu.memory_space<vmem_shared>> -> memref<784xf32, #tpu.memory_space<vmem_shared>>
        %dma_start3A_76 = arith.constant 0 : i32
        %dma_start3A_77 = tpu.memref_slice %arg16[%dma_start3A_76] : memref<1568xf32, #tpu.memory_space<vmem>> -> memref<784xf32, #tpu.memory_space<vmem>>
        %dma_start3A_78 = tpu.memref_slice %arg21[%mul3A_68] : memref<12544xf32, #tpu.memory_space<vmem_shared>> -> memref<784xf32, #tpu.memory_space<vmem_shared>>
        tpu.enqueue_dma source(%dma_start3A_78 : memref<784xf32, #tpu.memory_space<vmem_shared>>) target(%dma_start3A_77 : memref<784xf32, #tpu.memory_space<vmem>>) target_semaphore(%run_scoped3A : memref<!tpu.dma_semaphore, #tpu.memory_space<semaphore_mem>>)
        %dma_wait3A = arith.constant 0 : i32
        %dma_wait3A_79 = tpu.memref_slice %arg16[%dma_wait3A] : memref<1568xf32, #tpu.memory_space<vmem>> -> memref<784xf32, #tpu.memory_space<vmem>>
        %dma_wait3A_80 = tpu.memref_slice %arg21[%mul3A_68] : memref<12544xf32, #tpu.memory_space<vmem_shared>> -> memref<784xf32, #tpu.memory_space<vmem_shared>>
        %dma_wait3A_81 = arith.constant 0 : i32
        %dma_wait3A_82 = tpu.memref_slice %arg16[%dma_wait3A_81] : memref<1568xf32, #tpu.memory_space<vmem>> -> memref<784xf32, #tpu.memory_space<vmem>>
        %dma_wait3A_83 = tpu.memref_slice %arg21[%mul3A_68] : memref<12544xf32, #tpu.memory_space<vmem_shared>> -> memref<784xf32, #tpu.memory_space<vmem_shared>>
        tpu.wait_dma2 semaphore(%run_scoped3A : memref<!tpu.dma_semaphore, #tpu.memory_space<semaphore_mem>>) src(%dma_wait3A_83 : memref<784xf32, #tpu.memory_space<vmem_shared>>) dst(%dma_wait3A_82 : memref<784xf32, #tpu.memory_space<vmem>>)
        tpu.yield
      }) : () -> ()
      %mul3A_69 = arith.constant 784 : i32
      %mul3A_70 = arith.muli %arg1, %mul3A_69 : i32
      %add3A_71 = arith.addi %mul3A_51, %mul3A_70 : i32
      "tpu.region"() ({
        %run_scoped3A = tpu.sem_alloc : memref<!tpu.dma_semaphore, #tpu.memory_space<semaphore_mem>>
        %dma_start3A = arith.constant 0 : i32
        %dma_start3A_74 = tpu.memref_slice %arg16[%dma_start3A] : memref<1568xf32, #tpu.memory_space<vmem>> -> memref<784xf32, #tpu.memory_space<vmem>>
        %dma_start3A_75 = tpu.memref_slice %arg6[%add3A_71] : memref<50176xf32, #tpu.memory_space<hbm>> -> memref<784xf32, #tpu.memory_space<hbm>>
        %dma_start3A_76 = tpu.memref_slice %arg6[%add3A_71] : memref<50176xf32, #tpu.memory_space<hbm>> -> memref<784xf32, #tpu.memory_space<hbm>>
        %dma_start3A_77 = arith.constant 0 : i32
        %dma_start3A_78 = tpu.memref_slice %arg16[%dma_start3A_77] : memref<1568xf32, #tpu.memory_space<vmem>> -> memref<784xf32, #tpu.memory_space<vmem>>
        tpu.enqueue_dma source(%dma_start3A_78 : memref<784xf32, #tpu.memory_space<vmem>>) target(%dma_start3A_76 : memref<784xf32, #tpu.memory_space<hbm>>) target_semaphore(%run_scoped3A : memref<!tpu.dma_semaphore, #tpu.memory_space<semaphore_mem>>)
        %dma_wait3A = arith.constant 0 : i32
        %dma_wait3A_79 = tpu.memref_slice %arg16[%dma_wait3A] : memref<1568xf32, #tpu.memory_space<vmem>> -> memref<784xf32, #tpu.memory_space<vmem>>
        %dma_wait3A_80 = tpu.memref_slice %arg6[%add3A_71] : memref<50176xf32, #tpu.memory_space<hbm>> -> memref<784xf32, #tpu.memory_space<hbm>>
        %dma_wait3A_81 = tpu.memref_slice %arg6[%add3A_71] : memref<50176xf32, #tpu.memory_space<hbm>> -> memref<784xf32, #tpu.memory_space<hbm>>
        %dma_wait3A_82 = arith.constant 0 : i32
        %dma_wait3A_83 = tpu.memref_slice %arg16[%dma_wait3A_82] : memref<1568xf32, #tpu.memory_space<vmem>> -> memref<784xf32, #tpu.memory_space<vmem>>
        tpu.wait_dma2 semaphore(%run_scoped3A : memref<!tpu.dma_semaphore, #tpu.memory_space<semaphore_mem>>) src(%dma_wait3A_83 : memref<784xf32, #tpu.memory_space<vmem>>) dst(%dma_wait3A_81 : memref<784xf32, #tpu.memory_space<hbm>>)
        tpu.yield
      }) : () -> ()
      %barrier3A_72 = arith.constant 0 : index
      tpu.barrier barrier_id(%barrier3A_72)
      %scan3A_73 = arith.constant 0 : i32
      scf.yield %scan3A_73 : i32
    }
    %scan3A_36 = arith.constant 2 : i32
    return
  }
}

#map = affine_map<(d0, d1) -> (0, 0)>
#map1 = affine_map<(d0, d1) -> (0)>
#map2 = affine_map<(d0, d1) -> (0, 0, 0)>
module attributes {stable_mosaic.version = 14 : i64} {
  func.func @edge_kernel(%arg0: i32, %arg1: i32, %arg2: memref<50176x64xf32, #tpu.memory_space<hbm>>, %arg3: memref<100368xf32, #tpu.memory_space<hbm>>, %arg4: memref<800x16x128xi32, #tpu.memory_space<hbm>>, %arg5: memref<50176x64xf32, #tpu.memory_space<hbm>>, %arg6: memref<50176xf32, #tpu.memory_space<hbm>>, %arg7: memref<16x128xi32, #tpu.memory_space<vmem>>, %arg8: memref<1024xf32, #tpu.memory_space<vmem>>, %arg9: memref<1024xf32, #tpu.memory_space<vmem>>, %arg10: memref<1040xi32, #tpu.memory_space<vmem>>, %arg11: memref<17x64xi32, #tpu.memory_space<vmem>>, %arg12: memref<1040xf32, #tpu.memory_space<vmem>>, %arg13: memref<64x64xf32, #tpu.memory_space<vmem>>, %arg14: memref<16x64xf32, #tpu.memory_space<vmem>>, %arg15: memref<1568xf32, #tpu.memory_space<vmem>>, %arg16: memref<1568xf32, #tpu.memory_space<vmem>>, %arg17: memref<16xf32, #tpu.memory_space<vmem>>, %arg18: memref<50176xf32, #tpu.memory_space<vmem_shared>>, %arg19: memref<50176xf32, #tpu.memory_space<vmem_shared>>, %arg20: memref<25088x64xf32, #tpu.memory_space<vmem_shared>>, %arg21: memref<25088xf32, #tpu.memory_space<vmem_shared>>, %arg22: memref<!tpu.dma_semaphore, #tpu.memory_space<semaphore_mem>>) attributes {dimension_semantics = [#tpu.dimension_semantics<core_parallel>, #tpu.dimension_semantics<subcore_parallel>], iteration_bounds = array<i64: 2, 16>, scalar_prefetch = 0 : i64, scratch_operands = 16 : i64, tpu.core_type = #tpu.core_type<sc_vector_subcore>, window_params = [{transform_indices = #map}, {transform_indices = #map1}, {transform_indices = #map2}, {transform_indices = #map}, {transform_indices = #map1}]} {
    %eq3A = arith.constant 0 : i32
    %eq3A_0 = arith.cmpi eq, %arg1, %eq3A : i32
    %convert_element_type3A = arith.extui %eq3A_0 : i1 to i32
    %cond3A = arith.constant 0 : i32
    %cond3A_1 = arith.cmpi ne, %convert_element_type3A, %cond3A : i32
    scf.if %cond3A_1 {
      "tpu.region"() ({
        %run_scoped3A = tpu.sem_alloc : memref<!tpu.dma_semaphore, #tpu.memory_space<semaphore_mem>>
        %dma_start3A = arith.constant 0 : i32
        %dma_start3A_68 = tpu.memref_slice %arg3[%dma_start3A] : memref<100368xf32, #tpu.memory_space<hbm>> -> memref<50176xf32, #tpu.memory_space<hbm>>
        tpu.enqueue_dma source(%dma_start3A_68 : memref<50176xf32, #tpu.memory_space<hbm>>) target(%arg18 : memref<50176xf32, #tpu.memory_space<vmem_shared>>) target_semaphore(%run_scoped3A : memref<!tpu.dma_semaphore, #tpu.memory_space<semaphore_mem>>)
        %dma_wait3A = arith.constant 0 : i32
        %dma_wait3A_69 = tpu.memref_slice %arg3[%dma_wait3A] : memref<100368xf32, #tpu.memory_space<hbm>> -> memref<50176xf32, #tpu.memory_space<hbm>>
        tpu.wait_dma2 semaphore(%run_scoped3A : memref<!tpu.dma_semaphore, #tpu.memory_space<semaphore_mem>>) src(%dma_wait3A_69 : memref<50176xf32, #tpu.memory_space<hbm>>) dst(%arg18 : memref<50176xf32, #tpu.memory_space<vmem_shared>>)
        tpu.yield
      }) : () -> ()
      "tpu.region"() ({
        %run_scoped3A = tpu.sem_alloc : memref<!tpu.dma_semaphore, #tpu.memory_space<semaphore_mem>>
        %dma_start3A = arith.constant 50176 : i32
        %dma_start3A_68 = tpu.memref_slice %arg3[%dma_start3A] : memref<100368xf32, #tpu.memory_space<hbm>> -> memref<50176xf32, #tpu.memory_space<hbm>>
        tpu.enqueue_dma source(%dma_start3A_68 : memref<50176xf32, #tpu.memory_space<hbm>>) target(%arg19 : memref<50176xf32, #tpu.memory_space<vmem_shared>>) target_semaphore(%run_scoped3A : memref<!tpu.dma_semaphore, #tpu.memory_space<semaphore_mem>>)
        %dma_wait3A = arith.constant 50176 : i32
        %dma_wait3A_69 = tpu.memref_slice %arg3[%dma_wait3A] : memref<100368xf32, #tpu.memory_space<hbm>> -> memref<50176xf32, #tpu.memory_space<hbm>>
        tpu.wait_dma2 semaphore(%run_scoped3A : memref<!tpu.dma_semaphore, #tpu.memory_space<semaphore_mem>>) src(%dma_wait3A_69 : memref<50176xf32, #tpu.memory_space<hbm>>) dst(%arg19 : memref<50176xf32, #tpu.memory_space<vmem_shared>>)
        tpu.yield
      }) : () -> ()
    } else {
    }
    "tpu.region"() ({
      %run_scoped3A = tpu.sem_alloc : memref<!tpu.dma_semaphore, #tpu.memory_space<semaphore_mem>>
      %dma_start3A = arith.constant 100352 : i32
      %dma_start3A_68 = tpu.memref_slice %arg3[%dma_start3A] : memref<100368xf32, #tpu.memory_space<hbm>> -> memref<16xf32, #tpu.memory_space<hbm>>
      %dma_start3A_69 = arith.constant 100352 : i32
      %dma_start3A_70 = tpu.memref_slice %arg3[%dma_start3A_69] : memref<100368xf32, #tpu.memory_space<hbm>> -> memref<16xf32, #tpu.memory_space<hbm>>
      tpu.enqueue_dma source(%dma_start3A_70 : memref<16xf32, #tpu.memory_space<hbm>>) target(%arg17 : memref<16xf32, #tpu.memory_space<vmem>>) target_semaphore(%run_scoped3A : memref<!tpu.dma_semaphore, #tpu.memory_space<semaphore_mem>>)
      %dma_wait3A = arith.constant 100352 : i32
      %dma_wait3A_71 = tpu.memref_slice %arg3[%dma_wait3A] : memref<100368xf32, #tpu.memory_space<hbm>> -> memref<16xf32, #tpu.memory_space<hbm>>
      %dma_wait3A_72 = arith.constant 100352 : i32
      %dma_wait3A_73 = tpu.memref_slice %arg3[%dma_wait3A_72] : memref<100368xf32, #tpu.memory_space<hbm>> -> memref<16xf32, #tpu.memory_space<hbm>>
      tpu.wait_dma2 semaphore(%run_scoped3A : memref<!tpu.dma_semaphore, #tpu.memory_space<semaphore_mem>>) src(%dma_wait3A_73 : memref<16xf32, #tpu.memory_space<hbm>>) dst(%arg17 : memref<16xf32, #tpu.memory_space<vmem>>)
      tpu.yield
    }) : () -> ()
    %get3A = arith.constant 0 : index
    %get3A_2 = tpu.vector_load %arg17[%get3A] {strides = array<i32>} : memref<16xf32, #tpu.memory_space<vmem>>, vector<16xf32>,
    %scan3A = arith.constant 0 : i32
    %scan3A_3 = arith.constant 0 : i32
    %scan3A_4 = arith.constant 16 : i32
    %scan3A_5 = arith.addi %scan3A_3, %scan3A_4 : i32
    %scan3A_6 = arith.constant 1 : i32
    %scan3A_7 = scf.for %scan3A_68 = %scan3A_3 to %scan3A_5 step %scan3A_6 iter_args(%scan3A_69 = %scan3A) -> (i32)  : i32 {
      %broadcast_in_dim3A_70 = arith.constant 0.000000e+00 : f32
      %broadcast_in_dim3A_71 = vector.broadcast %broadcast_in_dim3A_70 : f32 to vector<16xf32>
      %swap3A = arith.index_cast %scan3A_68 : i32 to index
      %swap3A_72 = arith.constant 0 : index
      %swap3A_73 = tpu.vector_load %arg14[%swap3A, %swap3A_72] {strides = array<i32>} : memref<16x64xf32, #tpu.memory_space<vmem>>, vector<16xf32>,
      tpu.vector_store %arg14[%swap3A, %swap3A_72], %broadcast_in_dim3A_71 {strides = array<i32>} : memref<16x64xf32, #tpu.memory_space<vmem>>, vector<16xf32>,
      %broadcast_in_dim3A_74 = arith.constant 0.000000e+00 : f32
      %broadcast_in_dim3A_75 = vector.broadcast %broadcast_in_dim3A_74 : f32 to vector<16xf32>
      %swap3A_76 = arith.index_cast %scan3A_68 : i32 to index
      %swap3A_77 = arith.constant 16 : index
      %swap3A_78 = tpu.vector_load %arg14[%swap3A_76, %swap3A_77] {strides = array<i32>} : memref<16x64xf32, #tpu.memory_space<vmem>>, vector<16xf32>,
      tpu.vector_store %arg14[%swap3A_76, %swap3A_77], %broadcast_in_dim3A_75 {strides = array<i32>} : memref<16x64xf32, #tpu.memory_space<vmem>>, vector<16xf32>,
      %broadcast_in_dim3A_79 = arith.constant 0.000000e+00 : f32
      %broadcast_in_dim3A_80 = vector.broadcast %broadcast_in_dim3A_79 : f32 to vector<16xf32>
      %swap3A_81 = arith.index_cast %scan3A_68 : i32 to index
      %swap3A_82 = arith.constant 32 : index
      %swap3A_83 = tpu.vector_load %arg14[%swap3A_81, %swap3A_82] {strides = array<i32>} : memref<16x64xf32, #tpu.memory_space<vmem>>, vector<16xf32>,
      tpu.vector_store %arg14[%swap3A_81, %swap3A_82], %broadcast_in_dim3A_80 {strides = array<i32>} : memref<16x64xf32, #tpu.memory_space<vmem>>, vector<16xf32>,
      %broadcast_in_dim3A_84 = arith.constant 0.000000e+00 : f32
      %broadcast_in_dim3A_85 = vector.broadcast %broadcast_in_dim3A_84 : f32 to vector<16xf32>
      %swap3A_86 = arith.index_cast %scan3A_68 : i32 to index
      %swap3A_87 = arith.constant 48 : index
      %swap3A_88 = tpu.vector_load %arg14[%swap3A_86, %swap3A_87] {strides = array<i32>} : memref<16x64xf32, #tpu.memory_space<vmem>>, vector<16xf32>,
      tpu.vector_store %arg14[%swap3A_86, %swap3A_87], %broadcast_in_dim3A_85 {strides = array<i32>} : memref<16x64xf32, #tpu.memory_space<vmem>>, vector<16xf32>,
      %scan3A_89 = arith.constant 0 : i32
      scf.yield %scan3A_89 : i32
    }
    %scan3A_8 = arith.constant 16 : i32
    %scan3A_9 = arith.constant 0 : i32
    %scan3A_10 = arith.constant 0 : i32
    %scan3A_11 = arith.constant 98 : i32
    %scan3A_12 = arith.addi %scan3A_10, %scan3A_11 : i32
    %scan3A_13 = arith.constant 1 : i32
    %scan3A_14 = scf.for %scan3A_68 = %scan3A_10 to %scan3A_12 step %scan3A_13 iter_args(%scan3A_69 = %scan3A_9) -> (i32)  : i32 {
      %broadcast_in_dim3A_70 = arith.constant 0.000000e+00 : f32
      %broadcast_in_dim3A_71 = vector.broadcast %broadcast_in_dim3A_70 : f32 to vector<16xf32>
      %mul3A_72 = arith.constant 16 : i32
      %mul3A_73 = arith.muli %scan3A_68, %mul3A_72 : i32
      %swap3A = arith.index_cast %mul3A_73 : i32 to index
      %swap3A_74 = tpu.vector_load %arg15[%swap3A] {strides = array<i32>} : memref<1568xf32, #tpu.memory_space<vmem>>, vector<16xf32>,
      tpu.vector_store %arg15[%swap3A], %broadcast_in_dim3A_71 {strides = array<i32>} : memref<1568xf32, #tpu.memory_space<vmem>>, vector<16xf32>,
      %scan3A_75 = arith.constant 0 : i32
      scf.yield %scan3A_75 : i32
    }
    %scan3A_15 = arith.constant 98 : i32
    %scan3A_16 = arith.constant 0 : i32
    %scan3A_17 = arith.constant 0 : i32
    %scan3A_18 = arith.constant 65 : i32
    %scan3A_19 = arith.addi %scan3A_17, %scan3A_18 : i32
    %scan3A_20 = arith.constant 1 : i32
    %scan3A_21 = scf.for %scan3A_68 = %scan3A_17 to %scan3A_19 step %scan3A_20 iter_args(%scan3A_69 = %scan3A_16) -> (i32)  : i32 {
      %broadcast_in_dim3A_70 = arith.constant 0 : i32
      %broadcast_in_dim3A_71 = vector.broadcast %broadcast_in_dim3A_70 : i32 to vector<16xi32>
      %mul3A_72 = arith.constant 16 : i32
      %mul3A_73 = arith.muli %scan3A_68, %mul3A_72 : i32
      %swap3A = arith.index_cast %mul3A_73 : i32 to index
      %swap3A_74 = tpu.vector_load %arg10[%swap3A] {strides = array<i32>} : memref<1040xi32, #tpu.memory_space<vmem>>, vector<16xi32>,
      tpu.vector_store %arg10[%swap3A], %broadcast_in_dim3A_71 {strides = array<i32>} : memref<1040xi32, #tpu.memory_space<vmem>>, vector<16xi32>,
      %broadcast_in_dim3A_75 = arith.constant 0.000000e+00 : f32
      %broadcast_in_dim3A_76 = vector.broadcast %broadcast_in_dim3A_75 : f32 to vector<16xf32>
      %mul3A_77 = arith.constant 16 : i32
      %mul3A_78 = arith.muli %scan3A_68, %mul3A_77 : i32
      %swap3A_79 = arith.index_cast %mul3A_78 : i32 to index
      %swap3A_80 = tpu.vector_load %arg12[%swap3A_79] {strides = array<i32>} : memref<1040xf32, #tpu.memory_space<vmem>>, vector<16xf32>,
      tpu.vector_store %arg12[%swap3A_79], %broadcast_in_dim3A_76 {strides = array<i32>} : memref<1040xf32, #tpu.memory_space<vmem>>, vector<16xf32>,
      %scan3A_81 = arith.constant 0 : i32
      scf.yield %scan3A_81 : i32
    }
    %scan3A_22 = arith.constant 65 : i32
    %scan3A_23 = arith.constant 0 : i32
    %scan3A_24 = arith.constant 0 : i32
    %scan3A_25 = arith.constant 4 : i32
    %scan3A_26 = arith.addi %scan3A_24, %scan3A_25 : i32
    %scan3A_27 = arith.constant 1 : i32
    %scan3A_28 = scf.for %scan3A_68 = %scan3A_24 to %scan3A_26 step %scan3A_27 iter_args(%scan3A_69 = %scan3A_23) -> (i32)  : i32 {
      %broadcast_in_dim3A_70 = arith.constant 0 : i32
      %broadcast_in_dim3A_71 = vector.broadcast %broadcast_in_dim3A_70 : i32 to vector<16xi32>
      %mul3A_72 = arith.constant 16 : i32
      %mul3A_73 = arith.muli %scan3A_68, %mul3A_72 : i32
      %swap3A = arith.constant 0 : i32
      %swap3A_74 = arith.index_cast %swap3A : i32 to index
      %swap3A_75 = arith.index_cast %mul3A_73 : i32 to index
      %swap3A_76 = tpu.vector_load %arg11[%swap3A_74, %swap3A_75] {strides = array<i32>} : memref<17x64xi32, #tpu.memory_space<vmem>>, vector<16xi32>,
      tpu.vector_store %arg11[%swap3A_74, %swap3A_75], %broadcast_in_dim3A_71 {strides = array<i32>} : memref<17x64xi32, #tpu.memory_space<vmem>>, vector<16xi32>,
      %broadcast_in_dim3A_77 = arith.constant 0 : i32
      %broadcast_in_dim3A_78 = vector.broadcast %broadcast_in_dim3A_77 : i32 to vector<16xi32>
      %mul3A_79 = arith.constant 16 : i32
      %mul3A_80 = arith.muli %scan3A_68, %mul3A_79 : i32
      %swap3A_81 = arith.constant 1 : i32
      %swap3A_82 = arith.index_cast %swap3A_81 : i32 to index
      %swap3A_83 = arith.index_cast %mul3A_80 : i32 to index
      %swap3A_84 = tpu.vector_load %arg11[%swap3A_82, %swap3A_83] {strides = array<i32>} : memref<17x64xi32, #tpu.memory_space<vmem>>, vector<16xi32>,
      tpu.vector_store %arg11[%swap3A_82, %swap3A_83], %broadcast_in_dim3A_78 {strides = array<i32>} : memref<17x64xi32, #tpu.memory_space<vmem>>, vector<16xi32>,
      %broadcast_in_dim3A_85 = arith.constant 0 : i32
      %broadcast_in_dim3A_86 = vector.broadcast %broadcast_in_dim3A_85 : i32 to vector<16xi32>
      %mul3A_87 = arith.constant 16 : i32
      %mul3A_88 = arith.muli %scan3A_68, %mul3A_87 : i32
      %swap3A_89 = arith.constant 2 : i32
      %swap3A_90 = arith.index_cast %swap3A_89 : i32 to index
      %swap3A_91 = arith.index_cast %mul3A_88 : i32 to index
      %swap3A_92 = tpu.vector_load %arg11[%swap3A_90, %swap3A_91] {strides = array<i32>} : memref<17x64xi32, #tpu.memory_space<vmem>>, vector<16xi32>,
      tpu.vector_store %arg11[%swap3A_90, %swap3A_91], %broadcast_in_dim3A_86 {strides = array<i32>} : memref<17x64xi32, #tpu.memory_space<vmem>>, vector<16xi32>,
      %broadcast_in_dim3A_93 = arith.constant 0 : i32
      %broadcast_in_dim3A_94 = vector.broadcast %broadcast_in_dim3A_93 : i32 to vector<16xi32>
      %mul3A_95 = arith.constant 16 : i32
      %mul3A_96 = arith.muli %scan3A_68, %mul3A_95 : i32
      %swap3A_97 = arith.constant 3 : i32
      %swap3A_98 = arith.index_cast %swap3A_97 : i32 to index
      %swap3A_99 = arith.index_cast %mul3A_96 : i32 to index
      %swap3A_100 = tpu.vector_load %arg11[%swap3A_98, %swap3A_99] {strides = array<i32>} : memref<17x64xi32, #tpu.memory_space<vmem>>, vector<16xi32>,
      tpu.vector_store %arg11[%swap3A_98, %swap3A_99], %broadcast_in_dim3A_94 {strides = array<i32>} : memref<17x64xi32, #tpu.memory_space<vmem>>, vector<16xi32>,
      %broadcast_in_dim3A_101 = arith.constant 0 : i32
      %broadcast_in_dim3A_102 = vector.broadcast %broadcast_in_dim3A_101 : i32 to vector<16xi32>
      %mul3A_103 = arith.constant 16 : i32
      %mul3A_104 = arith.muli %scan3A_68, %mul3A_103 : i32
      %swap3A_105 = arith.constant 4 : i32
      %swap3A_106 = arith.index_cast %swap3A_105 : i32 to index
      %swap3A_107 = arith.index_cast %mul3A_104 : i32 to index
      %swap3A_108 = tpu.vector_load %arg11[%swap3A_106, %swap3A_107] {strides = array<i32>} : memref<17x64xi32, #tpu.memory_space<vmem>>, vector<16xi32>,
      tpu.vector_store %arg11[%swap3A_106, %swap3A_107], %broadcast_in_dim3A_102 {strides = array<i32>} : memref<17x64xi32, #tpu.memory_space<vmem>>, vector<16xi32>,
      %broadcast_in_dim3A_109 = arith.constant 0 : i32
      %broadcast_in_dim3A_110 = vector.broadcast %broadcast_in_dim3A_109 : i32 to vector<16xi32>
      %mul3A_111 = arith.constant 16 : i32
      %mul3A_112 = arith.muli %scan3A_68, %mul3A_111 : i32
      %swap3A_113 = arith.constant 5 : i32
      %swap3A_114 = arith.index_cast %swap3A_113 : i32 to index
      %swap3A_115 = arith.index_cast %mul3A_112 : i32 to index
      %swap3A_116 = tpu.vector_load %arg11[%swap3A_114, %swap3A_115] {strides = array<i32>} : memref<17x64xi32, #tpu.memory_space<vmem>>, vector<16xi32>,
      tpu.vector_store %arg11[%swap3A_114, %swap3A_115], %broadcast_in_dim3A_110 {strides = array<i32>} : memref<17x64xi32, #tpu.memory_space<vmem>>, vector<16xi32>,
      %broadcast_in_dim3A_117 = arith.constant 0 : i32
      %broadcast_in_dim3A_118 = vector.broadcast %broadcast_in_dim3A_117 : i32 to vector<16xi32>
      %mul3A_119 = arith.constant 16 : i32
      %mul3A_120 = arith.muli %scan3A_68, %mul3A_119 : i32
      %swap3A_121 = arith.constant 6 : i32
      %swap3A_122 = arith.index_cast %swap3A_121 : i32 to index
      %swap3A_123 = arith.index_cast %mul3A_120 : i32 to index
      %swap3A_124 = tpu.vector_load %arg11[%swap3A_122, %swap3A_123] {strides = array<i32>} : memref<17x64xi32, #tpu.memory_space<vmem>>, vector<16xi32>,
      tpu.vector_store %arg11[%swap3A_122, %swap3A_123], %broadcast_in_dim3A_118 {strides = array<i32>} : memref<17x64xi32, #tpu.memory_space<vmem>>, vector<16xi32>,
      %broadcast_in_dim3A_125 = arith.constant 0 : i32
      %broadcast_in_dim3A_126 = vector.broadcast %broadcast_in_dim3A_125 : i32 to vector<16xi32>
      %mul3A_127 = arith.constant 16 : i32
      %mul3A_128 = arith.muli %scan3A_68, %mul3A_127 : i32
      %swap3A_129 = arith.constant 7 : i32
      %swap3A_130 = arith.index_cast %swap3A_129 : i32 to index
      %swap3A_131 = arith.index_cast %mul3A_128 : i32 to index
      %swap3A_132 = tpu.vector_load %arg11[%swap3A_130, %swap3A_131] {strides = array<i32>} : memref<17x64xi32, #tpu.memory_space<vmem>>, vector<16xi32>,
      tpu.vector_store %arg11[%swap3A_130, %swap3A_131], %broadcast_in_dim3A_126 {strides = array<i32>} : memref<17x64xi32, #tpu.memory_space<vmem>>, vector<16xi32>,
      %broadcast_in_dim3A_133 = arith.constant 0 : i32
      %broadcast_in_dim3A_134 = vector.broadcast %broadcast_in_dim3A_133 : i32 to vector<16xi32>
      %mul3A_135 = arith.constant 16 : i32
      %mul3A_136 = arith.muli %scan3A_68, %mul3A_135 : i32
      %swap3A_137 = arith.constant 8 : i32
      %swap3A_138 = arith.index_cast %swap3A_137 : i32 to index
      %swap3A_139 = arith.index_cast %mul3A_136 : i32 to index
      %swap3A_140 = tpu.vector_load %arg11[%swap3A_138, %swap3A_139] {strides = array<i32>} : memref<17x64xi32, #tpu.memory_space<vmem>>, vector<16xi32>,
      tpu.vector_store %arg11[%swap3A_138, %swap3A_139], %broadcast_in_dim3A_134 {strides = array<i32>} : memref<17x64xi32, #tpu.memory_space<vmem>>, vector<16xi32>,
      %broadcast_in_dim3A_141 = arith.constant 0 : i32
      %broadcast_in_dim3A_142 = vector.broadcast %broadcast_in_dim3A_141 : i32 to vector<16xi32>
      %mul3A_143 = arith.constant 16 : i32
      %mul3A_144 = arith.muli %scan3A_68, %mul3A_143 : i32
      %swap3A_145 = arith.constant 9 : i32
      %swap3A_146 = arith.index_cast %swap3A_145 : i32 to index
      %swap3A_147 = arith.index_cast %mul3A_144 : i32 to index
      %swap3A_148 = tpu.vector_load %arg11[%swap3A_146, %swap3A_147] {strides = array<i32>} : memref<17x64xi32, #tpu.memory_space<vmem>>, vector<16xi32>,
      tpu.vector_store %arg11[%swap3A_146, %swap3A_147], %broadcast_in_dim3A_142 {strides = array<i32>} : memref<17x64xi32, #tpu.memory_space<vmem>>, vector<16xi32>,
      %broadcast_in_dim3A_149 = arith.constant 0 : i32
      %broadcast_in_dim3A_150 = vector.broadcast %broadcast_in_dim3A_149 : i32 to vector<16xi32>
      %mul3A_151 = arith.constant 16 : i32
      %mul3A_152 = arith.muli %scan3A_68, %mul3A_151 : i32
      %swap3A_153 = arith.constant 10 : i32
      %swap3A_154 = arith.index_cast %swap3A_153 : i32 to index
      %swap3A_155 = arith.index_cast %mul3A_152 : i32 to index
      %swap3A_156 = tpu.vector_load %arg11[%swap3A_154, %swap3A_155] {strides = array<i32>} : memref<17x64xi32, #tpu.memory_space<vmem>>, vector<16xi32>,
      tpu.vector_store %arg11[%swap3A_154, %swap3A_155], %broadcast_in_dim3A_150 {strides = array<i32>} : memref<17x64xi32, #tpu.memory_space<vmem>>, vector<16xi32>,
      %broadcast_in_dim3A_157 = arith.constant 0 : i32
      %broadcast_in_dim3A_158 = vector.broadcast %broadcast_in_dim3A_157 : i32 to vector<16xi32>
      %mul3A_159 = arith.constant 16 : i32
      %mul3A_160 = arith.muli %scan3A_68, %mul3A_159 : i32
      %swap3A_161 = arith.constant 11 : i32
      %swap3A_162 = arith.index_cast %swap3A_161 : i32 to index
      %swap3A_163 = arith.index_cast %mul3A_160 : i32 to index
      %swap3A_164 = tpu.vector_load %arg11[%swap3A_162, %swap3A_163] {strides = array<i32>} : memref<17x64xi32, #tpu.memory_space<vmem>>, vector<16xi32>,
      tpu.vector_store %arg11[%swap3A_162, %swap3A_163], %broadcast_in_dim3A_158 {strides = array<i32>} : memref<17x64xi32, #tpu.memory_space<vmem>>, vector<16xi32>,
      %broadcast_in_dim3A_165 = arith.constant 0 : i32
      %broadcast_in_dim3A_166 = vector.broadcast %broadcast_in_dim3A_165 : i32 to vector<16xi32>
      %mul3A_167 = arith.constant 16 : i32
      %mul3A_168 = arith.muli %scan3A_68, %mul3A_167 : i32
      %swap3A_169 = arith.constant 12 : i32
      %swap3A_170 = arith.index_cast %swap3A_169 : i32 to index
      %swap3A_171 = arith.index_cast %mul3A_168 : i32 to index
      %swap3A_172 = tpu.vector_load %arg11[%swap3A_170, %swap3A_171] {strides = array<i32>} : memref<17x64xi32, #tpu.memory_space<vmem>>, vector<16xi32>,
      tpu.vector_store %arg11[%swap3A_170, %swap3A_171], %broadcast_in_dim3A_166 {strides = array<i32>} : memref<17x64xi32, #tpu.memory_space<vmem>>, vector<16xi32>,
      %broadcast_in_dim3A_173 = arith.constant 0 : i32
      %broadcast_in_dim3A_174 = vector.broadcast %broadcast_in_dim3A_173 : i32 to vector<16xi32>
      %mul3A_175 = arith.constant 16 : i32
      %mul3A_176 = arith.muli %scan3A_68, %mul3A_175 : i32
      %swap3A_177 = arith.constant 13 : i32
      %swap3A_178 = arith.index_cast %swap3A_177 : i32 to index
      %swap3A_179 = arith.index_cast %mul3A_176 : i32 to index
      %swap3A_180 = tpu.vector_load %arg11[%swap3A_178, %swap3A_179] {strides = array<i32>} : memref<17x64xi32, #tpu.memory_space<vmem>>, vector<16xi32>,
      tpu.vector_store %arg11[%swap3A_178, %swap3A_179], %broadcast_in_dim3A_174 {strides = array<i32>} : memref<17x64xi32, #tpu.memory_space<vmem>>, vector<16xi32>,
      %broadcast_in_dim3A_181 = arith.constant 0 : i32
      %broadcast_in_dim3A_182 = vector.broadcast %broadcast_in_dim3A_181 : i32 to vector<16xi32>
      %mul3A_183 = arith.constant 16 : i32
      %mul3A_184 = arith.muli %scan3A_68, %mul3A_183 : i32
      %swap3A_185 = arith.constant 14 : i32
      %swap3A_186 = arith.index_cast %swap3A_185 : i32 to index
      %swap3A_187 = arith.index_cast %mul3A_184 : i32 to index
      %swap3A_188 = tpu.vector_load %arg11[%swap3A_186, %swap3A_187] {strides = array<i32>} : memref<17x64xi32, #tpu.memory_space<vmem>>, vector<16xi32>,
      tpu.vector_store %arg11[%swap3A_186, %swap3A_187], %broadcast_in_dim3A_182 {strides = array<i32>} : memref<17x64xi32, #tpu.memory_space<vmem>>, vector<16xi32>,
      %broadcast_in_dim3A_189 = arith.constant 0 : i32
      %broadcast_in_dim3A_190 = vector.broadcast %broadcast_in_dim3A_189 : i32 to vector<16xi32>
      %mul3A_191 = arith.constant 16 : i32
      %mul3A_192 = arith.muli %scan3A_68, %mul3A_191 : i32
      %swap3A_193 = arith.constant 15 : i32
      %swap3A_194 = arith.index_cast %swap3A_193 : i32 to index
      %swap3A_195 = arith.index_cast %mul3A_192 : i32 to index
      %swap3A_196 = tpu.vector_load %arg11[%swap3A_194, %swap3A_195] {strides = array<i32>} : memref<17x64xi32, #tpu.memory_space<vmem>>, vector<16xi32>,
      tpu.vector_store %arg11[%swap3A_194, %swap3A_195], %broadcast_in_dim3A_190 {strides = array<i32>} : memref<17x64xi32, #tpu.memory_space<vmem>>, vector<16xi32>,
      %broadcast_in_dim3A_197 = arith.constant 0 : i32
      %broadcast_in_dim3A_198 = vector.broadcast %broadcast_in_dim3A_197 : i32 to vector<16xi32>
      %mul3A_199 = arith.constant 16 : i32
      %mul3A_200 = arith.muli %scan3A_68, %mul3A_199 : i32
      %swap3A_201 = arith.constant 16 : i32
      %swap3A_202 = arith.index_cast %swap3A_201 : i32 to index
      %swap3A_203 = arith.index_cast %mul3A_200 : i32 to index
      %swap3A_204 = tpu.vector_load %arg11[%swap3A_202, %swap3A_203] {strides = array<i32>} : memref<17x64xi32, #tpu.memory_space<vmem>>, vector<16xi32>,
      tpu.vector_store %arg11[%swap3A_202, %swap3A_203], %broadcast_in_dim3A_198 {strides = array<i32>} : memref<17x64xi32, #tpu.memory_space<vmem>>, vector<16xi32>,
      %scan3A_205 = arith.constant 0 : i32
      scf.yield %scan3A_205 : i32
    }
    %scan3A_29 = arith.constant 4 : i32
    %barrier3A = arith.constant 0 : index
    tpu.barrier barrier_id(%barrier3A)
    %scan3A_30 = arith.constant 0 : i32
    %scan3A_31 = arith.constant 0 : i32
    %scan3A_32 = arith.constant 0 : i32
    %scan3A_33 = arith.constant 0 : i32
    %scan3A_34 = arith.constant 98 : i32
    %scan3A_35 = arith.addi %scan3A_33, %scan3A_34 : i32
    %scan3A_36 = arith.constant 1 : i32
    %scan3A_37 = scf.for %scan3A_68 = %scan3A_33 to %scan3A_35 step %scan3A_36 iter_args(%scan3A_69 = %scan3A_32) -> (i32)  : i32 {
      %mul3A_70 = arith.constant 1568 : i32
      %mul3A_71 = arith.muli %arg1, %mul3A_70 : i32
      %mul3A_72 = arith.constant 16 : i32
      %mul3A_73 = arith.muli %scan3A_68, %mul3A_72 : i32
      %add3A_74 = arith.addi %mul3A_71, %mul3A_73 : i32
      "tpu.region"() ({
        %run_scoped3A = tpu.sem_alloc : memref<!tpu.dma_semaphore, #tpu.memory_space<semaphore_mem>>
        %dma_start3A = arith.constant 0 : i32
        %dma_start3A_76 = tpu.memref_slice %arg20[%add3A_74, %dma_start3A] : memref<25088x64xf32, #tpu.memory_space<vmem_shared>> -> memref<16x64xf32, #tpu.memory_space<vmem_shared>>
        %dma_start3A_77 = arith.constant 0 : i32
        %dma_start3A_78 = tpu.memref_slice %arg20[%add3A_74, %dma_start3A_77] : memref<25088x64xf32, #tpu.memory_space<vmem_shared>> -> memref<16x64xf32, #tpu.memory_space<vmem_shared>>
        tpu.enqueue_dma source(%arg14 : memref<16x64xf32, #tpu.memory_space<vmem>>) target(%dma_start3A_78 : memref<16x64xf32, #tpu.memory_space<vmem_shared>>) target_semaphore(%run_scoped3A : memref<!tpu.dma_semaphore, #tpu.memory_space<semaphore_mem>>)
        %dma_wait3A = arith.constant 0 : i32
        %dma_wait3A_79 = tpu.memref_slice %arg20[%add3A_74, %dma_wait3A] : memref<25088x64xf32, #tpu.memory_space<vmem_shared>> -> memref<16x64xf32, #tpu.memory_space<vmem_shared>>
        %dma_wait3A_80 = arith.constant 0 : i32
        %dma_wait3A_81 = tpu.memref_slice %arg20[%add3A_74, %dma_wait3A_80] : memref<25088x64xf32, #tpu.memory_space<vmem_shared>> -> memref<16x64xf32, #tpu.memory_space<vmem_shared>>
        tpu.wait_dma2 semaphore(%run_scoped3A : memref<!tpu.dma_semaphore, #tpu.memory_space<semaphore_mem>>) src(%arg14 : memref<16x64xf32, #tpu.memory_space<vmem>>) dst(%dma_wait3A_81 : memref<16x64xf32, #tpu.memory_space<vmem_shared>>)
        tpu.yield
      }) : () -> ()
      %scan3A_75 = arith.constant 0 : i32
      scf.yield %scan3A_75 : i32
    }
    %scan3A_38 = arith.constant 98 : i32
    %mul3A = arith.constant 1568 : i32
    %mul3A_39 = arith.muli %arg1, %mul3A : i32
    "tpu.region"() ({
      %run_scoped3A = tpu.sem_alloc : memref<!tpu.dma_semaphore, #tpu.memory_space<semaphore_mem>>
      %dma_start3A = arith.constant 0 : i32
      %dma_start3A_68 = tpu.memref_slice %arg15[%dma_start3A] : memref<1568xf32, #tpu.memory_space<vmem>> -> memref<1568xf32, #tpu.memory_space<vmem>>
      %dma_start3A_69 = tpu.memref_slice %arg21[%mul3A_39] : memref<25088xf32, #tpu.memory_space<vmem_shared>> -> memref<1568xf32, #tpu.memory_space<vmem_shared>>
      %dma_start3A_70 = tpu.memref_slice %arg21[%mul3A_39] : memref<25088xf32, #tpu.memory_space<vmem_shared>> -> memref<1568xf32, #tpu.memory_space<vmem_shared>>
      %dma_start3A_71 = arith.constant 0 : i32
      %dma_start3A_72 = tpu.memref_slice %arg15[%dma_start3A_71] : memref<1568xf32, #tpu.memory_space<vmem>> -> memref<1568xf32, #tpu.memory_space<vmem>>
      tpu.enqueue_dma source(%dma_start3A_72 : memref<1568xf32, #tpu.memory_space<vmem>>) target(%dma_start3A_70 : memref<1568xf32, #tpu.memory_space<vmem_shared>>) target_semaphore(%run_scoped3A : memref<!tpu.dma_semaphore, #tpu.memory_space<semaphore_mem>>)
      %dma_wait3A = arith.constant 0 : i32
      %dma_wait3A_73 = tpu.memref_slice %arg15[%dma_wait3A] : memref<1568xf32, #tpu.memory_space<vmem>> -> memref<1568xf32, #tpu.memory_space<vmem>>
      %dma_wait3A_74 = tpu.memref_slice %arg21[%mul3A_39] : memref<25088xf32, #tpu.memory_space<vmem_shared>> -> memref<1568xf32, #tpu.memory_space<vmem_shared>>
      %dma_wait3A_75 = tpu.memref_slice %arg21[%mul3A_39] : memref<25088xf32, #tpu.memory_space<vmem_shared>> -> memref<1568xf32, #tpu.memory_space<vmem_shared>>
      %dma_wait3A_76 = arith.constant 0 : i32
      %dma_wait3A_77 = tpu.memref_slice %arg15[%dma_wait3A_76] : memref<1568xf32, #tpu.memory_space<vmem>> -> memref<1568xf32, #tpu.memory_space<vmem>>
      tpu.wait_dma2 semaphore(%run_scoped3A : memref<!tpu.dma_semaphore, #tpu.memory_space<semaphore_mem>>) src(%dma_wait3A_77 : memref<1568xf32, #tpu.memory_space<vmem>>) dst(%dma_wait3A_75 : memref<1568xf32, #tpu.memory_space<vmem_shared>>)
      tpu.yield
    }) : () -> ()
    %barrier3A_40 = arith.constant 0 : index
    tpu.barrier barrier_id(%barrier3A_40)
    %mul3A_41 = arith.constant 2 : i32
    %mul3A_42 = arith.muli %scan3A_31, %mul3A_41 : i32
    %add3A = arith.addi %mul3A_42, %arg0 : i32
    %mul3A_43 = arith.constant 25088 : i32
    %mul3A_44 = arith.muli %add3A, %mul3A_43 : i32
    %min3A = arith.constant 50000 : i32
    %min3A_45 = arith.minsi %mul3A_44, %min3A : i32
    %add3A_46 = arith.constant 25088 : i32
    %add3A_47 = arith.addi %mul3A_44, %add3A_46 : i32
    %min3A_48 = arith.constant 50000 : i32
    %min3A_49 = arith.minsi %add3A_47, %min3A_48 : i32
    %broadcast_in_dim3A = vector.broadcast %min3A_45 : i32 to vector<16xi32>
    %broadcast_in_dim3A_50 = vector.broadcast %min3A_49 : i32 to vector<16xi32>
    %lt3A = arith.cmpi slt, %min3A_45, %min3A_49 : i32
    %convert_element_type3A_51 = arith.extui %lt3A : i1 to i32
    %cond3A_52 = arith.constant 0 : i32
    %cond3A_53 = arith.cmpi ne, %convert_element_type3A_51, %cond3A_52 : i32
    scf.if %cond3A_53 {
      %scan3A_68 = arith.constant 0 : i32
      %scan3A_69 = arith.constant 0 : i32
      %scan3A_70 = arith.constant 50 : i32
      %scan3A_71 = arith.addi %scan3A_69, %scan3A_70 : i32
      %scan3A_72 = arith.constant 1 : i32
      %scan3A_73 = scf.for %scan3A_75 = %scan3A_69 to %scan3A_71 step %scan3A_72 iter_args(%scan3A_76 = %scan3A_68) -> (i32)  : i32 {
        %mul3A_77 = arith.constant 50 : i32
        %mul3A_78 = arith.muli %arg1, %mul3A_77 : i32
        %add3A_79 = arith.addi %mul3A_78, %scan3A_75 : i32
        "tpu.region"() ({
          %run_scoped3A = tpu.sem_alloc : memref<!tpu.dma_semaphore, #tpu.memory_space<semaphore_mem>>
          %dma_start3A_362 = arith.constant 0 : i32
          %dma_start3A_363 = arith.constant 0 : i32
          %dma_start3A_364 = tpu.memref_slice %arg4[%add3A_79, %dma_start3A_362, %dma_start3A_363] : memref<800x16x128xi32, #tpu.memory_space<hbm>> -> memref<1x16x128xi32, #tpu.memory_space<hbm>>
          %dma_start3A_365 = tpu.memref_squeeze %dma_start3A_364 : memref<1x16x128xi32, #tpu.memory_space<hbm>> -> memref<16x128xi32, #tpu.memory_space<hbm>>
          %dma_start3A_366 = arith.constant 0 : i32
          %dma_start3A_367 = arith.constant 0 : i32
          %dma_start3A_368 = tpu.memref_slice %arg4[%add3A_79, %dma_start3A_366, %dma_start3A_367] : memref<800x16x128xi32, #tpu.memory_space<hbm>> -> memref<1x16x128xi32, #tpu.memory_space<hbm>>
          %dma_start3A_369 = tpu.memref_squeeze %dma_start3A_368 : memref<1x16x128xi32, #tpu.memory_space<hbm>> -> memref<16x128xi32, #tpu.memory_space<hbm>>
          tpu.enqueue_dma source(%dma_start3A_369 : memref<16x128xi32, #tpu.memory_space<hbm>>) target(%arg7 : memref<16x128xi32, #tpu.memory_space<vmem>>) target_semaphore(%run_scoped3A : memref<!tpu.dma_semaphore, #tpu.memory_space<semaphore_mem>>)
          %dma_wait3A_370 = arith.constant 0 : i32
          %dma_wait3A_371 = arith.constant 0 : i32
          %dma_wait3A_372 = tpu.memref_slice %arg4[%add3A_79, %dma_wait3A_370, %dma_wait3A_371] : memref<800x16x128xi32, #tpu.memory_space<hbm>> -> memref<1x16x128xi32, #tpu.memory_space<hbm>>
          %dma_wait3A_373 = tpu.memref_squeeze %dma_wait3A_372 : memref<1x16x128xi32, #tpu.memory_space<hbm>> -> memref<16x128xi32, #tpu.memory_space<hbm>>
          %dma_wait3A_374 = arith.constant 0 : i32
          %dma_wait3A_375 = arith.constant 0 : i32
          %dma_wait3A_376 = tpu.memref_slice %arg4[%add3A_79, %dma_wait3A_374, %dma_wait3A_375] : memref<800x16x128xi32, #tpu.memory_space<hbm>> -> memref<1x16x128xi32, #tpu.memory_space<hbm>>
          %dma_wait3A_377 = tpu.memref_squeeze %dma_wait3A_376 : memref<1x16x128xi32, #tpu.memory_space<hbm>> -> memref<16x128xi32, #tpu.memory_space<hbm>>
          tpu.wait_dma2 semaphore(%run_scoped3A : memref<!tpu.dma_semaphore, #tpu.memory_space<semaphore_mem>>) src(%dma_wait3A_377 : memref<16x128xi32, #tpu.memory_space<hbm>>) dst(%arg7 : memref<16x128xi32, #tpu.memory_space<vmem>>)
          tpu.yield
        }) : () -> ()
        %dma_start3A = arith.constant 0 : i32
        %dma_start3A_80 = arith.constant 0 : i32
        %dma_start3A_81 = tpu.memref_slice %arg8[%dma_start3A_80] : memref<1024xf32, #tpu.memory_space<vmem>> -> memref<128xf32, #tpu.memory_space<vmem>>
        %dma_start3A_82 = arith.constant 0 : i32
        %dma_start3A_83 = tpu.memref_slice %arg7[%dma_start3A, %dma_start3A_82] : memref<16x128xi32, #tpu.memory_space<vmem>> -> memref<1x128xi32, #tpu.memory_space<vmem>>
        %dma_start3A_84 = tpu.memref_squeeze %dma_start3A_83 : memref<1x128xi32, #tpu.memory_space<vmem>> -> memref<128xi32, #tpu.memory_space<vmem>>
        %dma_start3A_85 = arith.constant 0 : i32
        %dma_start3A_86 = tpu.memref_slice %arg18[%dma_start3A_85] : memref<50176xf32, #tpu.memory_space<vmem_shared>> -> memref<50176xf32, #tpu.memory_space<vmem_shared>>
        tpu.enqueue_indirect_dma source(%dma_start3A_86 : memref<50176xf32, #tpu.memory_space<vmem_shared>>) target(%dma_start3A_81 : memref<128xf32, #tpu.memory_space<vmem>>) offsets(%dma_start3A_84 : memref<128xi32, #tpu.memory_space<vmem>>) semaphore(%arg22 : memref<!tpu.dma_semaphore, #tpu.memory_space<semaphore_mem>>)
        %dma_start3A_87 = arith.constant 8 : i32
        %dma_start3A_88 = arith.constant 0 : i32
        %dma_start3A_89 = tpu.memref_slice %arg9[%dma_start3A_88] : memref<1024xf32, #tpu.memory_space<vmem>> -> memref<128xf32, #tpu.memory_space<vmem>>
        %dma_start3A_90 = arith.constant 0 : i32
        %dma_start3A_91 = tpu.memref_slice %arg7[%dma_start3A_87, %dma_start3A_90] : memref<16x128xi32, #tpu.memory_space<vmem>> -> memref<1x128xi32, #tpu.memory_space<vmem>>
        %dma_start3A_92 = tpu.memref_squeeze %dma_start3A_91 : memref<1x128xi32, #tpu.memory_space<vmem>> -> memref<128xi32, #tpu.memory_space<vmem>>
        %dma_start3A_93 = arith.constant 0 : i32
        %dma_start3A_94 = tpu.memref_slice %arg19[%dma_start3A_93] : memref<50176xf32, #tpu.memory_space<vmem_shared>> -> memref<50176xf32, #tpu.memory_space<vmem_shared>>
        tpu.enqueue_indirect_dma source(%dma_start3A_94 : memref<50176xf32, #tpu.memory_space<vmem_shared>>) target(%dma_start3A_89 : memref<128xf32, #tpu.memory_space<vmem>>) offsets(%dma_start3A_92 : memref<128xi32, #tpu.memory_space<vmem>>) semaphore(%arg22 : memref<!tpu.dma_semaphore, #tpu.memory_space<semaphore_mem>>)
        %dma_start3A_95 = arith.constant 1 : i32
        %dma_start3A_96 = arith.constant 128 : i32
        %dma_start3A_97 = tpu.memref_slice %arg8[%dma_start3A_96] : memref<1024xf32, #tpu.memory_space<vmem>> -> memref<128xf32, #tpu.memory_space<vmem>>
        %dma_start3A_98 = arith.constant 0 : i32
        %dma_start3A_99 = tpu.memref_slice %arg7[%dma_start3A_95, %dma_start3A_98] : memref<16x128xi32, #tpu.memory_space<vmem>> -> memref<1x128xi32, #tpu.memory_space<vmem>>
        %dma_start3A_100 = tpu.memref_squeeze %dma_start3A_99 : memref<1x128xi32, #tpu.memory_space<vmem>> -> memref<128xi32, #tpu.memory_space<vmem>>
        %dma_start3A_101 = arith.constant 0 : i32
        %dma_start3A_102 = tpu.memref_slice %arg18[%dma_start3A_101] : memref<50176xf32, #tpu.memory_space<vmem_shared>> -> memref<50176xf32, #tpu.memory_space<vmem_shared>>
        tpu.enqueue_indirect_dma source(%dma_start3A_102 : memref<50176xf32, #tpu.memory_space<vmem_shared>>) target(%dma_start3A_97 : memref<128xf32, #tpu.memory_space<vmem>>) offsets(%dma_start3A_100 : memref<128xi32, #tpu.memory_space<vmem>>) semaphore(%arg22 : memref<!tpu.dma_semaphore, #tpu.memory_space<semaphore_mem>>)
        %dma_start3A_103 = arith.constant 9 : i32
        %dma_start3A_104 = arith.constant 128 : i32
        %dma_start3A_105 = tpu.memref_slice %arg9[%dma_start3A_104] : memref<1024xf32, #tpu.memory_space<vmem>> -> memref<128xf32, #tpu.memory_space<vmem>>
        %dma_start3A_106 = arith.constant 0 : i32
        %dma_start3A_107 = tpu.memref_slice %arg7[%dma_start3A_103, %dma_start3A_106] : memref<16x128xi32, #tpu.memory_space<vmem>> -> memref<1x128xi32, #tpu.memory_space<vmem>>
        %dma_start3A_108 = tpu.memref_squeeze %dma_start3A_107 : memref<1x128xi32, #tpu.memory_space<vmem>> -> memref<128xi32, #tpu.memory_space<vmem>>
        %dma_start3A_109 = arith.constant 0 : i32
        %dma_start3A_110 = tpu.memref_slice %arg19[%dma_start3A_109] : memref<50176xf32, #tpu.memory_space<vmem_shared>> -> memref<50176xf32, #tpu.memory_space<vmem_shared>>
        tpu.enqueue_indirect_dma source(%dma_start3A_110 : memref<50176xf32, #tpu.memory_space<vmem_shared>>) target(%dma_start3A_105 : memref<128xf32, #tpu.memory_space<vmem>>) offsets(%dma_start3A_108 : memref<128xi32, #tpu.memory_space<vmem>>) semaphore(%arg22 : memref<!tpu.dma_semaphore, #tpu.memory_space<semaphore_mem>>)
        %dma_start3A_111 = arith.constant 2 : i32
        %dma_start3A_112 = arith.constant 256 : i32
        %dma_start3A_113 = tpu.memref_slice %arg8[%dma_start3A_112] : memref<1024xf32, #tpu.memory_space<vmem>> -> memref<128xf32, #tpu.memory_space<vmem>>
        %dma_start3A_114 = arith.constant 0 : i32
        %dma_start3A_115 = tpu.memref_slice %arg7[%dma_start3A_111, %dma_start3A_114] : memref<16x128xi32, #tpu.memory_space<vmem>> -> memref<1x128xi32, #tpu.memory_space<vmem>>
        %dma_start3A_116 = tpu.memref_squeeze %dma_start3A_115 : memref<1x128xi32, #tpu.memory_space<vmem>> -> memref<128xi32, #tpu.memory_space<vmem>>
        %dma_start3A_117 = arith.constant 0 : i32
        %dma_start3A_118 = tpu.memref_slice %arg18[%dma_start3A_117] : memref<50176xf32, #tpu.memory_space<vmem_shared>> -> memref<50176xf32, #tpu.memory_space<vmem_shared>>
        tpu.enqueue_indirect_dma source(%dma_start3A_118 : memref<50176xf32, #tpu.memory_space<vmem_shared>>) target(%dma_start3A_113 : memref<128xf32, #tpu.memory_space<vmem>>) offsets(%dma_start3A_116 : memref<128xi32, #tpu.memory_space<vmem>>) semaphore(%arg22 : memref<!tpu.dma_semaphore, #tpu.memory_space<semaphore_mem>>)
        %dma_start3A_119 = arith.constant 10 : i32
        %dma_start3A_120 = arith.constant 256 : i32
        %dma_start3A_121 = tpu.memref_slice %arg9[%dma_start3A_120] : memref<1024xf32, #tpu.memory_space<vmem>> -> memref<128xf32, #tpu.memory_space<vmem>>
        %dma_start3A_122 = arith.constant 0 : i32
        %dma_start3A_123 = tpu.memref_slice %arg7[%dma_start3A_119, %dma_start3A_122] : memref<16x128xi32, #tpu.memory_space<vmem>> -> memref<1x128xi32, #tpu.memory_space<vmem>>
        %dma_start3A_124 = tpu.memref_squeeze %dma_start3A_123 : memref<1x128xi32, #tpu.memory_space<vmem>> -> memref<128xi32, #tpu.memory_space<vmem>>
        %dma_start3A_125 = arith.constant 0 : i32
        %dma_start3A_126 = tpu.memref_slice %arg19[%dma_start3A_125] : memref<50176xf32, #tpu.memory_space<vmem_shared>> -> memref<50176xf32, #tpu.memory_space<vmem_shared>>
        tpu.enqueue_indirect_dma source(%dma_start3A_126 : memref<50176xf32, #tpu.memory_space<vmem_shared>>) target(%dma_start3A_121 : memref<128xf32, #tpu.memory_space<vmem>>) offsets(%dma_start3A_124 : memref<128xi32, #tpu.memory_space<vmem>>) semaphore(%arg22 : memref<!tpu.dma_semaphore, #tpu.memory_space<semaphore_mem>>)
        %dma_start3A_127 = arith.constant 3 : i32
        %dma_start3A_128 = arith.constant 384 : i32
        %dma_start3A_129 = tpu.memref_slice %arg8[%dma_start3A_128] : memref<1024xf32, #tpu.memory_space<vmem>> -> memref<128xf32, #tpu.memory_space<vmem>>
        %dma_start3A_130 = arith.constant 0 : i32
        %dma_start3A_131 = tpu.memref_slice %arg7[%dma_start3A_127, %dma_start3A_130] : memref<16x128xi32, #tpu.memory_space<vmem>> -> memref<1x128xi32, #tpu.memory_space<vmem>>
        %dma_start3A_132 = tpu.memref_squeeze %dma_start3A_131 : memref<1x128xi32, #tpu.memory_space<vmem>> -> memref<128xi32, #tpu.memory_space<vmem>>
        %dma_start3A_133 = arith.constant 0 : i32
        %dma_start3A_134 = tpu.memref_slice %arg18[%dma_start3A_133] : memref<50176xf32, #tpu.memory_space<vmem_shared>> -> memref<50176xf32, #tpu.memory_space<vmem_shared>>
        tpu.enqueue_indirect_dma source(%dma_start3A_134 : memref<50176xf32, #tpu.memory_space<vmem_shared>>) target(%dma_start3A_129 : memref<128xf32, #tpu.memory_space<vmem>>) offsets(%dma_start3A_132 : memref<128xi32, #tpu.memory_space<vmem>>) semaphore(%arg22 : memref<!tpu.dma_semaphore, #tpu.memory_space<semaphore_mem>>)
        %dma_start3A_135 = arith.constant 11 : i32
        %dma_start3A_136 = arith.constant 384 : i32
        %dma_start3A_137 = tpu.memref_slice %arg9[%dma_start3A_136] : memref<1024xf32, #tpu.memory_space<vmem>> -> memref<128xf32, #tpu.memory_space<vmem>>
        %dma_start3A_138 = arith.constant 0 : i32
        %dma_start3A_139 = tpu.memref_slice %arg7[%dma_start3A_135, %dma_start3A_138] : memref<16x128xi32, #tpu.memory_space<vmem>> -> memref<1x128xi32, #tpu.memory_space<vmem>>
        %dma_start3A_140 = tpu.memref_squeeze %dma_start3A_139 : memref<1x128xi32, #tpu.memory_space<vmem>> -> memref<128xi32, #tpu.memory_space<vmem>>
        %dma_start3A_141 = arith.constant 0 : i32
        %dma_start3A_142 = tpu.memref_slice %arg19[%dma_start3A_141] : memref<50176xf32, #tpu.memory_space<vmem_shared>> -> memref<50176xf32, #tpu.memory_space<vmem_shared>>
        tpu.enqueue_indirect_dma source(%dma_start3A_142 : memref<50176xf32, #tpu.memory_space<vmem_shared>>) target(%dma_start3A_137 : memref<128xf32, #tpu.memory_space<vmem>>) offsets(%dma_start3A_140 : memref<128xi32, #tpu.memory_space<vmem>>) semaphore(%arg22 : memref<!tpu.dma_semaphore, #tpu.memory_space<semaphore_mem>>)
        %dma_start3A_143 = arith.constant 4 : i32
        %dma_start3A_144 = arith.constant 512 : i32
        %dma_start3A_145 = tpu.memref_slice %arg8[%dma_start3A_144] : memref<1024xf32, #tpu.memory_space<vmem>> -> memref<128xf32, #tpu.memory_space<vmem>>
        %dma_start3A_146 = arith.constant 0 : i32
        %dma_start3A_147 = tpu.memref_slice %arg7[%dma_start3A_143, %dma_start3A_146] : memref<16x128xi32, #tpu.memory_space<vmem>> -> memref<1x128xi32, #tpu.memory_space<vmem>>
        %dma_start3A_148 = tpu.memref_squeeze %dma_start3A_147 : memref<1x128xi32, #tpu.memory_space<vmem>> -> memref<128xi32, #tpu.memory_space<vmem>>
        %dma_start3A_149 = arith.constant 0 : i32
        %dma_start3A_150 = tpu.memref_slice %arg18[%dma_start3A_149] : memref<50176xf32, #tpu.memory_space<vmem_shared>> -> memref<50176xf32, #tpu.memory_space<vmem_shared>>
        tpu.enqueue_indirect_dma source(%dma_start3A_150 : memref<50176xf32, #tpu.memory_space<vmem_shared>>) target(%dma_start3A_145 : memref<128xf32, #tpu.memory_space<vmem>>) offsets(%dma_start3A_148 : memref<128xi32, #tpu.memory_space<vmem>>) semaphore(%arg22 : memref<!tpu.dma_semaphore, #tpu.memory_space<semaphore_mem>>)
        %dma_start3A_151 = arith.constant 12 : i32
        %dma_start3A_152 = arith.constant 512 : i32
        %dma_start3A_153 = tpu.memref_slice %arg9[%dma_start3A_152] : memref<1024xf32, #tpu.memory_space<vmem>> -> memref<128xf32, #tpu.memory_space<vmem>>
        %dma_start3A_154 = arith.constant 0 : i32
        %dma_start3A_155 = tpu.memref_slice %arg7[%dma_start3A_151, %dma_start3A_154] : memref<16x128xi32, #tpu.memory_space<vmem>> -> memref<1x128xi32, #tpu.memory_space<vmem>>
        %dma_start3A_156 = tpu.memref_squeeze %dma_start3A_155 : memref<1x128xi32, #tpu.memory_space<vmem>> -> memref<128xi32, #tpu.memory_space<vmem>>
        %dma_start3A_157 = arith.constant 0 : i32
        %dma_start3A_158 = tpu.memref_slice %arg19[%dma_start3A_157] : memref<50176xf32, #tpu.memory_space<vmem_shared>> -> memref<50176xf32, #tpu.memory_space<vmem_shared>>
        tpu.enqueue_indirect_dma source(%dma_start3A_158 : memref<50176xf32, #tpu.memory_space<vmem_shared>>) target(%dma_start3A_153 : memref<128xf32, #tpu.memory_space<vmem>>) offsets(%dma_start3A_156 : memref<128xi32, #tpu.memory_space<vmem>>) semaphore(%arg22 : memref<!tpu.dma_semaphore, #tpu.memory_space<semaphore_mem>>)
        %dma_start3A_159 = arith.constant 5 : i32
        %dma_start3A_160 = arith.constant 640 : i32
        %dma_start3A_161 = tpu.memref_slice %arg8[%dma_start3A_160] : memref<1024xf32, #tpu.memory_space<vmem>> -> memref<128xf32, #tpu.memory_space<vmem>>
        %dma_start3A_162 = arith.constant 0 : i32
        %dma_start3A_163 = tpu.memref_slice %arg7[%dma_start3A_159, %dma_start3A_162] : memref<16x128xi32, #tpu.memory_space<vmem>> -> memref<1x128xi32, #tpu.memory_space<vmem>>
        %dma_start3A_164 = tpu.memref_squeeze %dma_start3A_163 : memref<1x128xi32, #tpu.memory_space<vmem>> -> memref<128xi32, #tpu.memory_space<vmem>>
        %dma_start3A_165 = arith.constant 0 : i32
        %dma_start3A_166 = tpu.memref_slice %arg18[%dma_start3A_165] : memref<50176xf32, #tpu.memory_space<vmem_shared>> -> memref<50176xf32, #tpu.memory_space<vmem_shared>>
        tpu.enqueue_indirect_dma source(%dma_start3A_166 : memref<50176xf32, #tpu.memory_space<vmem_shared>>) target(%dma_start3A_161 : memref<128xf32, #tpu.memory_space<vmem>>) offsets(%dma_start3A_164 : memref<128xi32, #tpu.memory_space<vmem>>) semaphore(%arg22 : memref<!tpu.dma_semaphore, #tpu.memory_space<semaphore_mem>>)
        %dma_start3A_167 = arith.constant 13 : i32
        %dma_start3A_168 = arith.constant 640 : i32
        %dma_start3A_169 = tpu.memref_slice %arg9[%dma_start3A_168] : memref<1024xf32, #tpu.memory_space<vmem>> -> memref<128xf32, #tpu.memory_space<vmem>>
        %dma_start3A_170 = arith.constant 0 : i32
        %dma_start3A_171 = tpu.memref_slice %arg7[%dma_start3A_167, %dma_start3A_170] : memref<16x128xi32, #tpu.memory_space<vmem>> -> memref<1x128xi32, #tpu.memory_space<vmem>>
        %dma_start3A_172 = tpu.memref_squeeze %dma_start3A_171 : memref<1x128xi32, #tpu.memory_space<vmem>> -> memref<128xi32, #tpu.memory_space<vmem>>
        %dma_start3A_173 = arith.constant 0 : i32
        %dma_start3A_174 = tpu.memref_slice %arg19[%dma_start3A_173] : memref<50176xf32, #tpu.memory_space<vmem_shared>> -> memref<50176xf32, #tpu.memory_space<vmem_shared>>
        tpu.enqueue_indirect_dma source(%dma_start3A_174 : memref<50176xf32, #tpu.memory_space<vmem_shared>>) target(%dma_start3A_169 : memref<128xf32, #tpu.memory_space<vmem>>) offsets(%dma_start3A_172 : memref<128xi32, #tpu.memory_space<vmem>>) semaphore(%arg22 : memref<!tpu.dma_semaphore, #tpu.memory_space<semaphore_mem>>)
        %dma_start3A_175 = arith.constant 6 : i32
        %dma_start3A_176 = arith.constant 768 : i32
        %dma_start3A_177 = tpu.memref_slice %arg8[%dma_start3A_176] : memref<1024xf32, #tpu.memory_space<vmem>> -> memref<128xf32, #tpu.memory_space<vmem>>
        %dma_start3A_178 = arith.constant 0 : i32
        %dma_start3A_179 = tpu.memref_slice %arg7[%dma_start3A_175, %dma_start3A_178] : memref<16x128xi32, #tpu.memory_space<vmem>> -> memref<1x128xi32, #tpu.memory_space<vmem>>
        %dma_start3A_180 = tpu.memref_squeeze %dma_start3A_179 : memref<1x128xi32, #tpu.memory_space<vmem>> -> memref<128xi32, #tpu.memory_space<vmem>>
        %dma_start3A_181 = arith.constant 0 : i32
        %dma_start3A_182 = tpu.memref_slice %arg18[%dma_start3A_181] : memref<50176xf32, #tpu.memory_space<vmem_shared>> -> memref<50176xf32, #tpu.memory_space<vmem_shared>>
        tpu.enqueue_indirect_dma source(%dma_start3A_182 : memref<50176xf32, #tpu.memory_space<vmem_shared>>) target(%dma_start3A_177 : memref<128xf32, #tpu.memory_space<vmem>>) offsets(%dma_start3A_180 : memref<128xi32, #tpu.memory_space<vmem>>) semaphore(%arg22 : memref<!tpu.dma_semaphore, #tpu.memory_space<semaphore_mem>>)
        %dma_start3A_183 = arith.constant 14 : i32
        %dma_start3A_184 = arith.constant 768 : i32
        %dma_start3A_185 = tpu.memref_slice %arg9[%dma_start3A_184] : memref<1024xf32, #tpu.memory_space<vmem>> -> memref<128xf32, #tpu.memory_space<vmem>>
        %dma_start3A_186 = arith.constant 0 : i32
        %dma_start3A_187 = tpu.memref_slice %arg7[%dma_start3A_183, %dma_start3A_186] : memref<16x128xi32, #tpu.memory_space<vmem>> -> memref<1x128xi32, #tpu.memory_space<vmem>>
        %dma_start3A_188 = tpu.memref_squeeze %dma_start3A_187 : memref<1x128xi32, #tpu.memory_space<vmem>> -> memref<128xi32, #tpu.memory_space<vmem>>
        %dma_start3A_189 = arith.constant 0 : i32
        %dma_start3A_190 = tpu.memref_slice %arg19[%dma_start3A_189] : memref<50176xf32, #tpu.memory_space<vmem_shared>> -> memref<50176xf32, #tpu.memory_space<vmem_shared>>
        tpu.enqueue_indirect_dma source(%dma_start3A_190 : memref<50176xf32, #tpu.memory_space<vmem_shared>>) target(%dma_start3A_185 : memref<128xf32, #tpu.memory_space<vmem>>) offsets(%dma_start3A_188 : memref<128xi32, #tpu.memory_space<vmem>>) semaphore(%arg22 : memref<!tpu.dma_semaphore, #tpu.memory_space<semaphore_mem>>)
        %dma_start3A_191 = arith.constant 7 : i32
        %dma_start3A_192 = arith.constant 896 : i32
        %dma_start3A_193 = tpu.memref_slice %arg8[%dma_start3A_192] : memref<1024xf32, #tpu.memory_space<vmem>> -> memref<128xf32, #tpu.memory_space<vmem>>
        %dma_start3A_194 = arith.constant 0 : i32
        %dma_start3A_195 = tpu.memref_slice %arg7[%dma_start3A_191, %dma_start3A_194] : memref<16x128xi32, #tpu.memory_space<vmem>> -> memref<1x128xi32, #tpu.memory_space<vmem>>
        %dma_start3A_196 = tpu.memref_squeeze %dma_start3A_195 : memref<1x128xi32, #tpu.memory_space<vmem>> -> memref<128xi32, #tpu.memory_space<vmem>>
        %dma_start3A_197 = arith.constant 0 : i32
        %dma_start3A_198 = tpu.memref_slice %arg18[%dma_start3A_197] : memref<50176xf32, #tpu.memory_space<vmem_shared>> -> memref<50176xf32, #tpu.memory_space<vmem_shared>>
        tpu.enqueue_indirect_dma source(%dma_start3A_198 : memref<50176xf32, #tpu.memory_space<vmem_shared>>) target(%dma_start3A_193 : memref<128xf32, #tpu.memory_space<vmem>>) offsets(%dma_start3A_196 : memref<128xi32, #tpu.memory_space<vmem>>) semaphore(%arg22 : memref<!tpu.dma_semaphore, #tpu.memory_space<semaphore_mem>>)
        %dma_start3A_199 = arith.constant 15 : i32
        %dma_start3A_200 = arith.constant 896 : i32
        %dma_start3A_201 = tpu.memref_slice %arg9[%dma_start3A_200] : memref<1024xf32, #tpu.memory_space<vmem>> -> memref<128xf32, #tpu.memory_space<vmem>>
        %dma_start3A_202 = arith.constant 0 : i32
        %dma_start3A_203 = tpu.memref_slice %arg7[%dma_start3A_199, %dma_start3A_202] : memref<16x128xi32, #tpu.memory_space<vmem>> -> memref<1x128xi32, #tpu.memory_space<vmem>>
        %dma_start3A_204 = tpu.memref_squeeze %dma_start3A_203 : memref<1x128xi32, #tpu.memory_space<vmem>> -> memref<128xi32, #tpu.memory_space<vmem>>
        %dma_start3A_205 = arith.constant 0 : i32
        %dma_start3A_206 = tpu.memref_slice %arg19[%dma_start3A_205] : memref<50176xf32, #tpu.memory_space<vmem_shared>> -> memref<50176xf32, #tpu.memory_space<vmem_shared>>
        tpu.enqueue_indirect_dma source(%dma_start3A_206 : memref<50176xf32, #tpu.memory_space<vmem_shared>>) target(%dma_start3A_201 : memref<128xf32, #tpu.memory_space<vmem>>) offsets(%dma_start3A_204 : memref<128xi32, #tpu.memory_space<vmem>>) semaphore(%arg22 : memref<!tpu.dma_semaphore, #tpu.memory_space<semaphore_mem>>)
        %dma_wait3A = arith.constant 0 : i32
        %dma_wait3A_207 = arith.constant 0 : i32
        %dma_wait3A_208 = tpu.memref_slice %arg8[%dma_wait3A_207] : memref<1024xf32, #tpu.memory_space<vmem>> -> memref<128xf32, #tpu.memory_space<vmem>>
        %dma_wait3A_209 = arith.constant 0 : i32
        %dma_wait3A_210 = tpu.memref_slice %arg7[%dma_wait3A, %dma_wait3A_209] : memref<16x128xi32, #tpu.memory_space<vmem>> -> memref<1x128xi32, #tpu.memory_space<vmem>>
        %dma_wait3A_211 = tpu.memref_squeeze %dma_wait3A_210 : memref<1x128xi32, #tpu.memory_space<vmem>> -> memref<128xi32, #tpu.memory_space<vmem>>
        %dma_wait3A_212 = arith.constant 0 : i32
        %dma_wait3A_213 = tpu.memref_slice %arg18[%dma_wait3A_212] : memref<50176xf32, #tpu.memory_space<vmem_shared>> -> memref<50176xf32, #tpu.memory_space<vmem_shared>>
        tpu.wait_indirect_dma semaphore(%arg22 : memref<!tpu.dma_semaphore, #tpu.memory_space<semaphore_mem>>) src(%dma_wait3A_213 : memref<50176xf32, #tpu.memory_space<vmem_shared>>) dst(%dma_wait3A_208 : memref<128xf32, #tpu.memory_space<vmem>>)
        %dma_wait3A_214 = arith.constant 8 : i32
        %dma_wait3A_215 = arith.constant 0 : i32
        %dma_wait3A_216 = tpu.memref_slice %arg9[%dma_wait3A_215] : memref<1024xf32, #tpu.memory_space<vmem>> -> memref<128xf32, #tpu.memory_space<vmem>>
        %dma_wait3A_217 = arith.constant 0 : i32
        %dma_wait3A_218 = tpu.memref_slice %arg7[%dma_wait3A_214, %dma_wait3A_217] : memref<16x128xi32, #tpu.memory_space<vmem>> -> memref<1x128xi32, #tpu.memory_space<vmem>>
        %dma_wait3A_219 = tpu.memref_squeeze %dma_wait3A_218 : memref<1x128xi32, #tpu.memory_space<vmem>> -> memref<128xi32, #tpu.memory_space<vmem>>
        %dma_wait3A_220 = arith.constant 0 : i32
        %dma_wait3A_221 = tpu.memref_slice %arg19[%dma_wait3A_220] : memref<50176xf32, #tpu.memory_space<vmem_shared>> -> memref<50176xf32, #tpu.memory_space<vmem_shared>>
        tpu.wait_indirect_dma semaphore(%arg22 : memref<!tpu.dma_semaphore, #tpu.memory_space<semaphore_mem>>) src(%dma_wait3A_221 : memref<50176xf32, #tpu.memory_space<vmem_shared>>) dst(%dma_wait3A_216 : memref<128xf32, #tpu.memory_space<vmem>>)
        %dma_wait3A_222 = arith.constant 1 : i32
        %dma_wait3A_223 = arith.constant 128 : i32
        %dma_wait3A_224 = tpu.memref_slice %arg8[%dma_wait3A_223] : memref<1024xf32, #tpu.memory_space<vmem>> -> memref<128xf32, #tpu.memory_space<vmem>>
        %dma_wait3A_225 = arith.constant 0 : i32
        %dma_wait3A_226 = tpu.memref_slice %arg7[%dma_wait3A_222, %dma_wait3A_225] : memref<16x128xi32, #tpu.memory_space<vmem>> -> memref<1x128xi32, #tpu.memory_space<vmem>>
        %dma_wait3A_227 = tpu.memref_squeeze %dma_wait3A_226 : memref<1x128xi32, #tpu.memory_space<vmem>> -> memref<128xi32, #tpu.memory_space<vmem>>
        %dma_wait3A_228 = arith.constant 0 : i32
        %dma_wait3A_229 = tpu.memref_slice %arg18[%dma_wait3A_228] : memref<50176xf32, #tpu.memory_space<vmem_shared>> -> memref<50176xf32, #tpu.memory_space<vmem_shared>>
        tpu.wait_indirect_dma semaphore(%arg22 : memref<!tpu.dma_semaphore, #tpu.memory_space<semaphore_mem>>) src(%dma_wait3A_229 : memref<50176xf32, #tpu.memory_space<vmem_shared>>) dst(%dma_wait3A_224 : memref<128xf32, #tpu.memory_space<vmem>>)
        %dma_wait3A_230 = arith.constant 9 : i32
        %dma_wait3A_231 = arith.constant 128 : i32
        %dma_wait3A_232 = tpu.memref_slice %arg9[%dma_wait3A_231] : memref<1024xf32, #tpu.memory_space<vmem>> -> memref<128xf32, #tpu.memory_space<vmem>>
        %dma_wait3A_233 = arith.constant 0 : i32
        %dma_wait3A_234 = tpu.memref_slice %arg7[%dma_wait3A_230, %dma_wait3A_233] : memref<16x128xi32, #tpu.memory_space<vmem>> -> memref<1x128xi32, #tpu.memory_space<vmem>>
        %dma_wait3A_235 = tpu.memref_squeeze %dma_wait3A_234 : memref<1x128xi32, #tpu.memory_space<vmem>> -> memref<128xi32, #tpu.memory_space<vmem>>
        %dma_wait3A_236 = arith.constant 0 : i32
        %dma_wait3A_237 = tpu.memref_slice %arg19[%dma_wait3A_236] : memref<50176xf32, #tpu.memory_space<vmem_shared>> -> memref<50176xf32, #tpu.memory_space<vmem_shared>>
        tpu.wait_indirect_dma semaphore(%arg22 : memref<!tpu.dma_semaphore, #tpu.memory_space<semaphore_mem>>) src(%dma_wait3A_237 : memref<50176xf32, #tpu.memory_space<vmem_shared>>) dst(%dma_wait3A_232 : memref<128xf32, #tpu.memory_space<vmem>>)
        %dma_wait3A_238 = arith.constant 2 : i32
        %dma_wait3A_239 = arith.constant 256 : i32
        %dma_wait3A_240 = tpu.memref_slice %arg8[%dma_wait3A_239] : memref<1024xf32, #tpu.memory_space<vmem>> -> memref<128xf32, #tpu.memory_space<vmem>>
        %dma_wait3A_241 = arith.constant 0 : i32
        %dma_wait3A_242 = tpu.memref_slice %arg7[%dma_wait3A_238, %dma_wait3A_241] : memref<16x128xi32, #tpu.memory_space<vmem>> -> memref<1x128xi32, #tpu.memory_space<vmem>>
        %dma_wait3A_243 = tpu.memref_squeeze %dma_wait3A_242 : memref<1x128xi32, #tpu.memory_space<vmem>> -> memref<128xi32, #tpu.memory_space<vmem>>
        %dma_wait3A_244 = arith.constant 0 : i32
        %dma_wait3A_245 = tpu.memref_slice %arg18[%dma_wait3A_244] : memref<50176xf32, #tpu.memory_space<vmem_shared>> -> memref<50176xf32, #tpu.memory_space<vmem_shared>>
        tpu.wait_indirect_dma semaphore(%arg22 : memref<!tpu.dma_semaphore, #tpu.memory_space<semaphore_mem>>) src(%dma_wait3A_245 : memref<50176xf32, #tpu.memory_space<vmem_shared>>) dst(%dma_wait3A_240 : memref<128xf32, #tpu.memory_space<vmem>>)
        %dma_wait3A_246 = arith.constant 10 : i32
        %dma_wait3A_247 = arith.constant 256 : i32
        %dma_wait3A_248 = tpu.memref_slice %arg9[%dma_wait3A_247] : memref<1024xf32, #tpu.memory_space<vmem>> -> memref<128xf32, #tpu.memory_space<vmem>>
        %dma_wait3A_249 = arith.constant 0 : i32
        %dma_wait3A_250 = tpu.memref_slice %arg7[%dma_wait3A_246, %dma_wait3A_249] : memref<16x128xi32, #tpu.memory_space<vmem>> -> memref<1x128xi32, #tpu.memory_space<vmem>>
        %dma_wait3A_251 = tpu.memref_squeeze %dma_wait3A_250 : memref<1x128xi32, #tpu.memory_space<vmem>> -> memref<128xi32, #tpu.memory_space<vmem>>
        %dma_wait3A_252 = arith.constant 0 : i32
        %dma_wait3A_253 = tpu.memref_slice %arg19[%dma_wait3A_252] : memref<50176xf32, #tpu.memory_space<vmem_shared>> -> memref<50176xf32, #tpu.memory_space<vmem_shared>>
        tpu.wait_indirect_dma semaphore(%arg22 : memref<!tpu.dma_semaphore, #tpu.memory_space<semaphore_mem>>) src(%dma_wait3A_253 : memref<50176xf32, #tpu.memory_space<vmem_shared>>) dst(%dma_wait3A_248 : memref<128xf32, #tpu.memory_space<vmem>>)
        %dma_wait3A_254 = arith.constant 3 : i32
        %dma_wait3A_255 = arith.constant 384 : i32
        %dma_wait3A_256 = tpu.memref_slice %arg8[%dma_wait3A_255] : memref<1024xf32, #tpu.memory_space<vmem>> -> memref<128xf32, #tpu.memory_space<vmem>>
        %dma_wait3A_257 = arith.constant 0 : i32
        %dma_wait3A_258 = tpu.memref_slice %arg7[%dma_wait3A_254, %dma_wait3A_257] : memref<16x128xi32, #tpu.memory_space<vmem>> -> memref<1x128xi32, #tpu.memory_space<vmem>>
        %dma_wait3A_259 = tpu.memref_squeeze %dma_wait3A_258 : memref<1x128xi32, #tpu.memory_space<vmem>> -> memref<128xi32, #tpu.memory_space<vmem>>
        %dma_wait3A_260 = arith.constant 0 : i32
        %dma_wait3A_261 = tpu.memref_slice %arg18[%dma_wait3A_260] : memref<50176xf32, #tpu.memory_space<vmem_shared>> -> memref<50176xf32, #tpu.memory_space<vmem_shared>>
        tpu.wait_indirect_dma semaphore(%arg22 : memref<!tpu.dma_semaphore, #tpu.memory_space<semaphore_mem>>) src(%dma_wait3A_261 : memref<50176xf32, #tpu.memory_space<vmem_shared>>) dst(%dma_wait3A_256 : memref<128xf32, #tpu.memory_space<vmem>>)
        %dma_wait3A_262 = arith.constant 11 : i32
        %dma_wait3A_263 = arith.constant 384 : i32
        %dma_wait3A_264 = tpu.memref_slice %arg9[%dma_wait3A_263] : memref<1024xf32, #tpu.memory_space<vmem>> -> memref<128xf32, #tpu.memory_space<vmem>>
        %dma_wait3A_265 = arith.constant 0 : i32
        %dma_wait3A_266 = tpu.memref_slice %arg7[%dma_wait3A_262, %dma_wait3A_265] : memref<16x128xi32, #tpu.memory_space<vmem>> -> memref<1x128xi32, #tpu.memory_space<vmem>>
        %dma_wait3A_267 = tpu.memref_squeeze %dma_wait3A_266 : memref<1x128xi32, #tpu.memory_space<vmem>> -> memref<128xi32, #tpu.memory_space<vmem>>
        %dma_wait3A_268 = arith.constant 0 : i32
        %dma_wait3A_269 = tpu.memref_slice %arg19[%dma_wait3A_268] : memref<50176xf32, #tpu.memory_space<vmem_shared>> -> memref<50176xf32, #tpu.memory_space<vmem_shared>>
        tpu.wait_indirect_dma semaphore(%arg22 : memref<!tpu.dma_semaphore, #tpu.memory_space<semaphore_mem>>) src(%dma_wait3A_269 : memref<50176xf32, #tpu.memory_space<vmem_shared>>) dst(%dma_wait3A_264 : memref<128xf32, #tpu.memory_space<vmem>>)
        %dma_wait3A_270 = arith.constant 4 : i32
        %dma_wait3A_271 = arith.constant 512 : i32
        %dma_wait3A_272 = tpu.memref_slice %arg8[%dma_wait3A_271] : memref<1024xf32, #tpu.memory_space<vmem>> -> memref<128xf32, #tpu.memory_space<vmem>>
        %dma_wait3A_273 = arith.constant 0 : i32
        %dma_wait3A_274 = tpu.memref_slice %arg7[%dma_wait3A_270, %dma_wait3A_273] : memref<16x128xi32, #tpu.memory_space<vmem>> -> memref<1x128xi32, #tpu.memory_space<vmem>>
        %dma_wait3A_275 = tpu.memref_squeeze %dma_wait3A_274 : memref<1x128xi32, #tpu.memory_space<vmem>> -> memref<128xi32, #tpu.memory_space<vmem>>
        %dma_wait3A_276 = arith.constant 0 : i32
        %dma_wait3A_277 = tpu.memref_slice %arg18[%dma_wait3A_276] : memref<50176xf32, #tpu.memory_space<vmem_shared>> -> memref<50176xf32, #tpu.memory_space<vmem_shared>>
        tpu.wait_indirect_dma semaphore(%arg22 : memref<!tpu.dma_semaphore, #tpu.memory_space<semaphore_mem>>) src(%dma_wait3A_277 : memref<50176xf32, #tpu.memory_space<vmem_shared>>) dst(%dma_wait3A_272 : memref<128xf32, #tpu.memory_space<vmem>>)
        %dma_wait3A_278 = arith.constant 12 : i32
        %dma_wait3A_279 = arith.constant 512 : i32
        %dma_wait3A_280 = tpu.memref_slice %arg9[%dma_wait3A_279] : memref<1024xf32, #tpu.memory_space<vmem>> -> memref<128xf32, #tpu.memory_space<vmem>>
        %dma_wait3A_281 = arith.constant 0 : i32
        %dma_wait3A_282 = tpu.memref_slice %arg7[%dma_wait3A_278, %dma_wait3A_281] : memref<16x128xi32, #tpu.memory_space<vmem>> -> memref<1x128xi32, #tpu.memory_space<vmem>>
        %dma_wait3A_283 = tpu.memref_squeeze %dma_wait3A_282 : memref<1x128xi32, #tpu.memory_space<vmem>> -> memref<128xi32, #tpu.memory_space<vmem>>
        %dma_wait3A_284 = arith.constant 0 : i32
        %dma_wait3A_285 = tpu.memref_slice %arg19[%dma_wait3A_284] : memref<50176xf32, #tpu.memory_space<vmem_shared>> -> memref<50176xf32, #tpu.memory_space<vmem_shared>>
        tpu.wait_indirect_dma semaphore(%arg22 : memref<!tpu.dma_semaphore, #tpu.memory_space<semaphore_mem>>) src(%dma_wait3A_285 : memref<50176xf32, #tpu.memory_space<vmem_shared>>) dst(%dma_wait3A_280 : memref<128xf32, #tpu.memory_space<vmem>>)
        %dma_wait3A_286 = arith.constant 5 : i32
        %dma_wait3A_287 = arith.constant 640 : i32
        %dma_wait3A_288 = tpu.memref_slice %arg8[%dma_wait3A_287] : memref<1024xf32, #tpu.memory_space<vmem>> -> memref<128xf32, #tpu.memory_space<vmem>>
        %dma_wait3A_289 = arith.constant 0 : i32
        %dma_wait3A_290 = tpu.memref_slice %arg7[%dma_wait3A_286, %dma_wait3A_289] : memref<16x128xi32, #tpu.memory_space<vmem>> -> memref<1x128xi32, #tpu.memory_space<vmem>>
        %dma_wait3A_291 = tpu.memref_squeeze %dma_wait3A_290 : memref<1x128xi32, #tpu.memory_space<vmem>> -> memref<128xi32, #tpu.memory_space<vmem>>
        %dma_wait3A_292 = arith.constant 0 : i32
        %dma_wait3A_293 = tpu.memref_slice %arg18[%dma_wait3A_292] : memref<50176xf32, #tpu.memory_space<vmem_shared>> -> memref<50176xf32, #tpu.memory_space<vmem_shared>>
        tpu.wait_indirect_dma semaphore(%arg22 : memref<!tpu.dma_semaphore, #tpu.memory_space<semaphore_mem>>) src(%dma_wait3A_293 : memref<50176xf32, #tpu.memory_space<vmem_shared>>) dst(%dma_wait3A_288 : memref<128xf32, #tpu.memory_space<vmem>>)
        %dma_wait3A_294 = arith.constant 13 : i32
        %dma_wait3A_295 = arith.constant 640 : i32
        %dma_wait3A_296 = tpu.memref_slice %arg9[%dma_wait3A_295] : memref<1024xf32, #tpu.memory_space<vmem>> -> memref<128xf32, #tpu.memory_space<vmem>>
        %dma_wait3A_297 = arith.constant 0 : i32
        %dma_wait3A_298 = tpu.memref_slice %arg7[%dma_wait3A_294, %dma_wait3A_297] : memref<16x128xi32, #tpu.memory_space<vmem>> -> memref<1x128xi32, #tpu.memory_space<vmem>>
        %dma_wait3A_299 = tpu.memref_squeeze %dma_wait3A_298 : memref<1x128xi32, #tpu.memory_space<vmem>> -> memref<128xi32, #tpu.memory_space<vmem>>
        %dma_wait3A_300 = arith.constant 0 : i32
        %dma_wait3A_301 = tpu.memref_slice %arg19[%dma_wait3A_300] : memref<50176xf32, #tpu.memory_space<vmem_shared>> -> memref<50176xf32, #tpu.memory_space<vmem_shared>>
        tpu.wait_indirect_dma semaphore(%arg22 : memref<!tpu.dma_semaphore, #tpu.memory_space<semaphore_mem>>) src(%dma_wait3A_301 : memref<50176xf32, #tpu.memory_space<vmem_shared>>) dst(%dma_wait3A_296 : memref<128xf32, #tpu.memory_space<vmem>>)
        %dma_wait3A_302 = arith.constant 6 : i32
        %dma_wait3A_303 = arith.constant 768 : i32
        %dma_wait3A_304 = tpu.memref_slice %arg8[%dma_wait3A_303] : memref<1024xf32, #tpu.memory_space<vmem>> -> memref<128xf32, #tpu.memory_space<vmem>>
        %dma_wait3A_305 = arith.constant 0 : i32
        %dma_wait3A_306 = tpu.memref_slice %arg7[%dma_wait3A_302, %dma_wait3A_305] : memref<16x128xi32, #tpu.memory_space<vmem>> -> memref<1x128xi32, #tpu.memory_space<vmem>>
        %dma_wait3A_307 = tpu.memref_squeeze %dma_wait3A_306 : memref<1x128xi32, #tpu.memory_space<vmem>> -> memref<128xi32, #tpu.memory_space<vmem>>
        %dma_wait3A_308 = arith.constant 0 : i32
        %dma_wait3A_309 = tpu.memref_slice %arg18[%dma_wait3A_308] : memref<50176xf32, #tpu.memory_space<vmem_shared>> -> memref<50176xf32, #tpu.memory_space<vmem_shared>>
        tpu.wait_indirect_dma semaphore(%arg22 : memref<!tpu.dma_semaphore, #tpu.memory_space<semaphore_mem>>) src(%dma_wait3A_309 : memref<50176xf32, #tpu.memory_space<vmem_shared>>) dst(%dma_wait3A_304 : memref<128xf32, #tpu.memory_space<vmem>>)
        %dma_wait3A_310 = arith.constant 14 : i32
        %dma_wait3A_311 = arith.constant 768 : i32
        %dma_wait3A_312 = tpu.memref_slice %arg9[%dma_wait3A_311] : memref<1024xf32, #tpu.memory_space<vmem>> -> memref<128xf32, #tpu.memory_space<vmem>>
        %dma_wait3A_313 = arith.constant 0 : i32
        %dma_wait3A_314 = tpu.memref_slice %arg7[%dma_wait3A_310, %dma_wait3A_313] : memref<16x128xi32, #tpu.memory_space<vmem>> -> memref<1x128xi32, #tpu.memory_space<vmem>>
        %dma_wait3A_315 = tpu.memref_squeeze %dma_wait3A_314 : memref<1x128xi32, #tpu.memory_space<vmem>> -> memref<128xi32, #tpu.memory_space<vmem>>
        %dma_wait3A_316 = arith.constant 0 : i32
        %dma_wait3A_317 = tpu.memref_slice %arg19[%dma_wait3A_316] : memref<50176xf32, #tpu.memory_space<vmem_shared>> -> memref<50176xf32, #tpu.memory_space<vmem_shared>>
        tpu.wait_indirect_dma semaphore(%arg22 : memref<!tpu.dma_semaphore, #tpu.memory_space<semaphore_mem>>) src(%dma_wait3A_317 : memref<50176xf32, #tpu.memory_space<vmem_shared>>) dst(%dma_wait3A_312 : memref<128xf32, #tpu.memory_space<vmem>>)
        %dma_wait3A_318 = arith.constant 7 : i32
        %dma_wait3A_319 = arith.constant 896 : i32
        %dma_wait3A_320 = tpu.memref_slice %arg8[%dma_wait3A_319] : memref<1024xf32, #tpu.memory_space<vmem>> -> memref<128xf32, #tpu.memory_space<vmem>>
        %dma_wait3A_321 = arith.constant 0 : i32
        %dma_wait3A_322 = tpu.memref_slice %arg7[%dma_wait3A_318, %dma_wait3A_321] : memref<16x128xi32, #tpu.memory_space<vmem>> -> memref<1x128xi32, #tpu.memory_space<vmem>>
        %dma_wait3A_323 = tpu.memref_squeeze %dma_wait3A_322 : memref<1x128xi32, #tpu.memory_space<vmem>> -> memref<128xi32, #tpu.memory_space<vmem>>
        %dma_wait3A_324 = arith.constant 0 : i32
        %dma_wait3A_325 = tpu.memref_slice %arg18[%dma_wait3A_324] : memref<50176xf32, #tpu.memory_space<vmem_shared>> -> memref<50176xf32, #tpu.memory_space<vmem_shared>>
        tpu.wait_indirect_dma semaphore(%arg22 : memref<!tpu.dma_semaphore, #tpu.memory_space<semaphore_mem>>) src(%dma_wait3A_325 : memref<50176xf32, #tpu.memory_space<vmem_shared>>) dst(%dma_wait3A_320 : memref<128xf32, #tpu.memory_space<vmem>>)
        %dma_wait3A_326 = arith.constant 15 : i32
        %dma_wait3A_327 = arith.constant 896 : i32
        %dma_wait3A_328 = tpu.memref_slice %arg9[%dma_wait3A_327] : memref<1024xf32, #tpu.memory_space<vmem>> -> memref<128xf32, #tpu.memory_space<vmem>>
        %dma_wait3A_329 = arith.constant 0 : i32
        %dma_wait3A_330 = tpu.memref_slice %arg7[%dma_wait3A_326, %dma_wait3A_329] : memref<16x128xi32, #tpu.memory_space<vmem>> -> memref<1x128xi32, #tpu.memory_space<vmem>>
        %dma_wait3A_331 = tpu.memref_squeeze %dma_wait3A_330 : memref<1x128xi32, #tpu.memory_space<vmem>> -> memref<128xi32, #tpu.memory_space<vmem>>
        %dma_wait3A_332 = arith.constant 0 : i32
        %dma_wait3A_333 = tpu.memref_slice %arg19[%dma_wait3A_332] : memref<50176xf32, #tpu.memory_space<vmem_shared>> -> memref<50176xf32, #tpu.memory_space<vmem_shared>>
        tpu.wait_indirect_dma semaphore(%arg22 : memref<!tpu.dma_semaphore, #tpu.memory_space<semaphore_mem>>) src(%dma_wait3A_333 : memref<50176xf32, #tpu.memory_space<vmem_shared>>) dst(%dma_wait3A_328 : memref<128xf32, #tpu.memory_space<vmem>>)
        %scan3A_334 = arith.constant 0 : i32
        %scan3A_335 = arith.constant 0 : i32
        %scan3A_336 = arith.constant 64 : i32
        %scan3A_337 = arith.addi %scan3A_335, %scan3A_336 : i32
        %scan3A_338 = arith.constant 1 : i32
        scf.for %scan3A_362 = %scan3A_335 to %scan3A_337 step %scan3A_338  : i32 {
          %broadcast_in_dim3A_363 = arith.constant 0.000000e+00 : f32
          %broadcast_in_dim3A_364 = vector.broadcast %broadcast_in_dim3A_363 : f32 to vector<16xf32>
          %mul3A_365 = arith.constant 16 : i32
          %mul3A_366 = arith.muli %scan3A_362, %mul3A_365 : i32
          %swap3A = arith.index_cast %mul3A_366 : i32 to index
          %swap3A_367 = tpu.vector_load %arg12[%swap3A] {strides = array<i32>} : memref<1040xf32, #tpu.memory_space<vmem>>, vector<16xf32>,
          tpu.vector_store %arg12[%swap3A], %broadcast_in_dim3A_364 {strides = array<i32>} : memref<1040xf32, #tpu.memory_space<vmem>>, vector<16xf32>,
        }
        %scan3A_339 = arith.constant 64 : i32
        %broadcast_in_dim3A_340 = arith.constant 0 : i32
        %broadcast_in_dim3A_341 = vector.broadcast %broadcast_in_dim3A_340 : i32 to vector<16xi32>
        %scan3A_342 = arith.constant 0 : i32
        %scan3A_343 = arith.constant 64 : i32
        %scan3A_344 = arith.addi %scan3A_342, %scan3A_343 : i32
        %scan3A_345 = arith.constant 1 : i32
        %scan3A_346 = scf.for %scan3A_362 = %scan3A_342 to %scan3A_344 step %scan3A_345 iter_args(%scan3A_363 = %broadcast_in_dim3A_341) -> (vector<16xi32>)  : i32 {
          %div3A = arith.constant 8 : i32
          %div3A_364 = arith.divsi %scan3A_362, %div3A : i32
          %add3A_365 = arith.constant 8 : i32
          %add3A_366 = arith.addi %div3A_364, %add3A_365 : i32
          %rem3A = arith.constant 8 : i32
          %rem3A_367 = arith.remsi %scan3A_362, %rem3A : i32
          %mul3A_368 = arith.constant 16 : i32
          %mul3A_369 = arith.muli %rem3A_367, %mul3A_368 : i32
          %get3A_370 = arith.index_cast %add3A_366 : i32 to index
          %get3A_371 = arith.index_cast %mul3A_369 : i32 to index
          %get3A_372 = tpu.vector_load %arg7[%get3A_370, %get3A_371] {strides = array<i32>} : memref<16x128xi32, #tpu.memory_space<vmem>>, vector<16xi32>,
          %div3A_373 = arith.constant 8 : i32
          %div3A_374 = arith.divsi %scan3A_362, %div3A_373 : i32
          %rem3A_375 = arith.constant 8 : i32
          %rem3A_376 = arith.remsi %scan3A_362, %rem3A_375 : i32
          %mul3A_377 = arith.constant 16 : i32
          %mul3A_378 = arith.muli %rem3A_376, %mul3A_377 : i32
          %get3A_379 = arith.index_cast %div3A_374 : i32 to index
          %get3A_380 = arith.index_cast %mul3A_378 : i32 to index
          %get3A_381 = tpu.vector_load %arg7[%get3A_379, %get3A_380] {strides = array<i32>} : memref<16x128xi32, #tpu.memory_space<vmem>>, vector<16xi32>,
          %mul3A_382 = arith.constant 16 : i32
          %mul3A_383 = arith.muli %scan3A_362, %mul3A_382 : i32
          %get3A_384 = arith.index_cast %mul3A_383 : i32 to index
          %get3A_385 = tpu.vector_load %arg8[%get3A_384] {strides = array<i32>} : memref<1024xf32, #tpu.memory_space<vmem>>, vector<16xf32>,
          %mul3A_386 = arith.constant 16 : i32
          %mul3A_387 = arith.muli %scan3A_362, %mul3A_386 : i32
          %get3A_388 = arith.index_cast %mul3A_387 : i32 to index
          %get3A_389 = tpu.vector_load %arg9[%get3A_388] {strides = array<i32>} : memref<1024xf32, #tpu.memory_space<vmem>>, vector<16xf32>,
          %add3A_390 = arith.addf %get3A_385, %get3A_389 : vector<16xf32>
          %mul3A_391 = arith.constant 2.000000e-01 : f32
          %mul3A_392 = vector.broadcast %mul3A_391 : f32 to vector<16xf32>
          %mul3A_393 = arith.mulf %mul3A_392, %add3A_390 : vector<16xf32>
          %max3A = arith.maximumf %add3A_390, %mul3A_393 : vector<16xf32>
          %sub3A = arith.subf %max3A, %get3A_2 : vector<16xf32>
          %exp3A = math.exp %sub3A : vector<16xf32>
          %ge3A = arith.cmpi sge, %get3A_372, %broadcast_in_dim3A : vector<16xi32>
          %lt3A_394 = arith.cmpi slt, %get3A_372, %broadcast_in_dim3A_50 : vector<16xi32>
          %and3A = arith.andi %ge3A, %lt3A_394 : vector<16xi1>
          %convert_element_type3A_395 = arith.extui %and3A : vector<16xi1> to vector<16xi32>
          %broadcast_in_dim3A_396 = arith.constant true
          %broadcast_in_dim3A_397 = vector.broadcast %broadcast_in_dim3A_396 : i1 to vector<16xi1>
          %masked_cumsum3A = tpu.scan <sum>, %convert_element_type3A_395 masked %broadcast_in_dim3A_397 : vector<16xi32>, vector<16xi1> -> vector<16xi32>
          %iota3A = tpu.iota {dimensions = array<i32: 0>} : vector<16xi32>
          %add3A_398 = arith.addi %scan3A_363, %masked_cumsum3A : vector<16xi32>
          %sub3A_399 = arith.constant 1 : i32
          %sub3A_400 = vector.broadcast %sub3A_399 : i32 to vector<16xi32>
          %sub3A_401 = arith.subi %add3A_398, %sub3A_400 : vector<16xi32>
          %add3A_402 = arith.constant 1024 : i32
          %add3A_403 = vector.broadcast %add3A_402 : i32 to vector<16xi32>
          %add3A_404 = arith.addi %add3A_403, %iota3A : vector<16xi32>
          %select_n3A = arith.select %and3A, %sub3A_401, %add3A_404 : vector<16xi1>, vector<16xi32>
          %jit3A = arith.constant 0.000000e+00 : f32
          %broadcast_in_dim3A_405 = vector.broadcast %jit3A : f32 to vector<16xf32>
          %select_n3A_406 = arith.select %and3A, %exp3A, %broadcast_in_dim3A_405 : vector<16xi1>, vector<16xf32>
          %sub3A_407 = arith.subi %get3A_372, %broadcast_in_dim3A : vector<16xi32>
          %jit3A_408 = arith.constant 0 : i32
          %broadcast_in_dim3A_409 = vector.broadcast %jit3A_408 : i32 to vector<16xi32>
          %select_n3A_410 = arith.select %and3A, %sub3A_407, %broadcast_in_dim3A_409 : vector<16xi1>, vector<16xi32>
          tpu.vector_store_idx %arg10[%select_n3A], %get3A_381 masked %and3A : memref<1040xi32, #tpu.memory_space<vmem>>[vector<16xi32>], vector<16xi32>, vector<16xi1>
          tpu.vector_store_idx %arg12[%select_n3A], %select_n3A_406 masked %and3A : memref<1040xf32, #tpu.memory_space<vmem>>[vector<16xi32>], vector<16xf32>, vector<16xi1>
          %broadcast_in_dim3A_411 = arith.constant 6 : i32
          %broadcast_in_dim3A_412 = vector.broadcast %broadcast_in_dim3A_411 : i32 to vector<16xi32>
          %shift_right_logical3A = arith.shrui %select_n3A, %broadcast_in_dim3A_412 : vector<16xi32>
          %broadcast_in_dim3A_413 = arith.constant 63 : i32
          %broadcast_in_dim3A_414 = vector.broadcast %broadcast_in_dim3A_413 : i32 to vector<16xi32>
          %and3A_415 = arith.andi %select_n3A, %broadcast_in_dim3A_414 : vector<16xi32>
          tpu.vector_store_idx %arg11[%shift_right_logical3A, %and3A_415], %select_n3A_410 masked %and3A : memref<17x64xi32, #tpu.memory_space<vmem>>[vector<16xi32>, vector<16xi32>], vector<16xi32>, vector<16xi1>
          %all_reduce_population_count3A = tpu.all_reduce %and3A {dim = 0 : i64, kind = #tpu.reduction_kind<sum>} : vector<16xi1> -> vector<16xi32>
          %add3A_416 = arith.addi %scan3A_363, %all_reduce_population_count3A : vector<16xi32>
          scf.yield %add3A_416 : vector<16xi32>
        }
        %scan3A_347 = arith.constant 64 : i32
        %reduce_max3A = arith.constant true
        %reduce_max3A_348 = vector.broadcast %reduce_max3A : i1 to vector<16xi1>
        %reduce_max3A_349 = arith.constant -2147483648 : i32
        %reduce_max3A_350 = vector.broadcast %reduce_max3A_349 : i32 to vector<16xi32>
        %reduce_max3A_351 = arith.xori %scan3A_346, %reduce_max3A_350 : vector<16xi32>
        %reduce_max3A_352 = tpu.scan <max>, %reduce_max3A_351 masked %reduce_max3A_348 : vector<16xi32>, vector<16xi1> -> vector<16xi32>
        %reduce_max3A_353 = arith.xori %reduce_max3A_352, %reduce_max3A_350 : vector<16xi32>
        %reduce_max3A_354 = vector.extract %reduce_max3A_353[15] : i32 from vector<16xi32>
        %scan3A_355 = arith.constant 0 : i32
        %scan3A_356 = arith.constant 0 : i32
        %scan3A_357 = arith.constant 16 : i32
        %scan3A_358 = arith.addi %scan3A_356, %scan3A_357 : i32
        %scan3A_359 = arith.constant 1 : i32
        scf.for %scan3A_362 = %scan3A_356 to %scan3A_358 step %scan3A_359  : i32 {
          %mul3A_363 = arith.constant 64 : i32
          %mul3A_364 = arith.muli %scan3A_362, %mul3A_363 : i32
          %lt3A_365 = arith.cmpi slt, %mul3A_364, %reduce_max3A_354 : i32
          %convert_element_type3A_366 = arith.extui %lt3A_365 : i1 to i32
          %cond3A_367 = arith.constant 0 : i32
          %cond3A_368 = arith.cmpi ne, %convert_element_type3A_366, %cond3A_367 : i32
          scf.if %cond3A_368 {
            %mul3A_369 = arith.constant 64 : i32
            %mul3A_370 = arith.muli %scan3A_362, %mul3A_369 : i32
            %dma_start3A_371 = tpu.memref_slice %arg10[%mul3A_370] : memref<1040xi32, #tpu.memory_space<vmem>> -> memref<64xi32, #tpu.memory_space<vmem>>
            %dma_start3A_372 = arith.constant 0 : i32
            %dma_start3A_373 = arith.constant 0 : i32
            %dma_start3A_374 = tpu.memref_slice %arg2[%dma_start3A_372, %dma_start3A_373] : memref<50176x64xf32, #tpu.memory_space<hbm>> -> memref<50176x64xf32, #tpu.memory_space<hbm>>
            tpu.enqueue_indirect_dma source(%dma_start3A_374 : memref<50176x64xf32, #tpu.memory_space<hbm>>) target(%arg13 : memref<64x64xf32, #tpu.memory_space<vmem>>) offsets(%dma_start3A_371 : memref<64xi32, #tpu.memory_space<vmem>>) semaphore(%arg22 : memref<!tpu.dma_semaphore, #tpu.memory_space<semaphore_mem>>)
            %dma_wait3A_375 = tpu.memref_slice %arg10[%mul3A_370] : memref<1040xi32, #tpu.memory_space<vmem>> -> memref<64xi32, #tpu.memory_space<vmem>>
            %dma_wait3A_376 = arith.constant 0 : i32
            %dma_wait3A_377 = arith.constant 0 : i32
            %dma_wait3A_378 = tpu.memref_slice %arg2[%dma_wait3A_376, %dma_wait3A_377] : memref<50176x64xf32, #tpu.memory_space<hbm>> -> memref<50176x64xf32, #tpu.memory_space<hbm>>
            tpu.wait_indirect_dma semaphore(%arg22 : memref<!tpu.dma_semaphore, #tpu.memory_space<semaphore_mem>>) src(%dma_wait3A_378 : memref<50176x64xf32, #tpu.memory_space<hbm>>) dst(%arg13 : memref<64x64xf32, #tpu.memory_space<vmem>>)
            %scan3A_379 = arith.constant 0 : i32
            %scan3A_380 = arith.constant 0 : i32
            %scan3A_381 = arith.constant 64 : i32
            %scan3A_382 = arith.addi %scan3A_380, %scan3A_381 : i32
            %scan3A_383 = arith.constant 1 : i32
            scf.for %scan3A_387 = %scan3A_380 to %scan3A_382 step %scan3A_383  : i32 {
              %mul3A_388 = arith.constant 64 : i32
              %mul3A_389 = arith.muli %scan3A_362, %mul3A_388 : i32
              %add3A_390 = arith.addi %mul3A_389, %scan3A_387 : i32
              %broadcast_in_dim3A_391 = vector.broadcast %add3A_390 : i32 to vector<16xi32>
              %gather3A = tpu.vector_load_idx %arg12[%broadcast_in_dim3A_391] : memref<1040xf32, #tpu.memory_space<vmem>>[vector<16xi32>], vector<16xf32>,
              %get3A_392 = arith.index_cast %scan3A_387 : i32 to index
              %get3A_393 = arith.constant 0 : index
              %get3A_394 = tpu.vector_load %arg13[%get3A_392, %get3A_393] {strides = array<i32>} : memref<64x64xf32, #tpu.memory_space<vmem>>, vector<16xf32>,
              %mul3A_395 = arith.mulf %get3A_394, %gather3A : vector<16xf32>
              %swap3A = arith.index_cast %scan3A_387 : i32 to index
              %swap3A_396 = arith.constant 0 : index
              %swap3A_397 = tpu.vector_load %arg13[%swap3A, %swap3A_396] {strides = array<i32>} : memref<64x64xf32, #tpu.memory_space<vmem>>, vector<16xf32>,
              tpu.vector_store %arg13[%swap3A, %swap3A_396], %mul3A_395 {strides = array<i32>} : memref<64x64xf32, #tpu.memory_space<vmem>>, vector<16xf32>,
              %get3A_398 = arith.index_cast %scan3A_387 : i32 to index
              %get3A_399 = arith.constant 16 : index
              %get3A_400 = tpu.vector_load %arg13[%get3A_398, %get3A_399] {strides = array<i32>} : memref<64x64xf32, #tpu.memory_space<vmem>>, vector<16xf32>,
              %mul3A_401 = arith.mulf %get3A_400, %gather3A : vector<16xf32>
              %swap3A_402 = arith.index_cast %scan3A_387 : i32 to index
              %swap3A_403 = arith.constant 16 : index
              %swap3A_404 = tpu.vector_load %arg13[%swap3A_402, %swap3A_403] {strides = array<i32>} : memref<64x64xf32, #tpu.memory_space<vmem>>, vector<16xf32>,
              tpu.vector_store %arg13[%swap3A_402, %swap3A_403], %mul3A_401 {strides = array<i32>} : memref<64x64xf32, #tpu.memory_space<vmem>>, vector<16xf32>,
              %get3A_405 = arith.index_cast %scan3A_387 : i32 to index
              %get3A_406 = arith.constant 32 : index
              %get3A_407 = tpu.vector_load %arg13[%get3A_405, %get3A_406] {strides = array<i32>} : memref<64x64xf32, #tpu.memory_space<vmem>>, vector<16xf32>,
              %mul3A_408 = arith.mulf %get3A_407, %gather3A : vector<16xf32>
              %swap3A_409 = arith.index_cast %scan3A_387 : i32 to index
              %swap3A_410 = arith.constant 32 : index
              %swap3A_411 = tpu.vector_load %arg13[%swap3A_409, %swap3A_410] {strides = array<i32>} : memref<64x64xf32, #tpu.memory_space<vmem>>, vector<16xf32>,
              tpu.vector_store %arg13[%swap3A_409, %swap3A_410], %mul3A_408 {strides = array<i32>} : memref<64x64xf32, #tpu.memory_space<vmem>>, vector<16xf32>,
              %get3A_412 = arith.index_cast %scan3A_387 : i32 to index
              %get3A_413 = arith.constant 48 : index
              %get3A_414 = tpu.vector_load %arg13[%get3A_412, %get3A_413] {strides = array<i32>} : memref<64x64xf32, #tpu.memory_space<vmem>>, vector<16xf32>,
              %mul3A_415 = arith.mulf %get3A_414, %gather3A : vector<16xf32>
              %swap3A_416 = arith.index_cast %scan3A_387 : i32 to index
              %swap3A_417 = arith.constant 48 : index
              %swap3A_418 = tpu.vector_load %arg13[%swap3A_416, %swap3A_417] {strides = array<i32>} : memref<64x64xf32, #tpu.memory_space<vmem>>, vector<16xf32>,
              tpu.vector_store %arg13[%swap3A_416, %swap3A_417], %mul3A_415 {strides = array<i32>} : memref<64x64xf32, #tpu.memory_space<vmem>>, vector<16xf32>,
            }
            %scan3A_384 = arith.constant 64 : i32
            "tpu.region"() ({
              %run_scoped3A = tpu.sem_alloc : memref<!tpu.dma_semaphore, #tpu.memory_space<semaphore_mem>>
              %dma_start3A_387 = arith.constant 0 : i32
              %dma_start3A_388 = tpu.memref_slice %arg11[%scan3A_362, %dma_start3A_387] : memref<17x64xi32, #tpu.memory_space<vmem>> -> memref<1x64xi32, #tpu.memory_space<vmem>>
              %dma_start3A_389 = tpu.memref_squeeze %dma_start3A_388 : memref<1x64xi32, #tpu.memory_space<vmem>> -> memref<64xi32, #tpu.memory_space<vmem>>
              %dma_start3A_390 = arith.constant 0 : i32
              %dma_start3A_391 = arith.constant 0 : i32
              %dma_start3A_392 = tpu.memref_slice %arg20[%dma_start3A_390, %dma_start3A_391] : memref<25088x64xf32, #tpu.memory_space<vmem_shared>> -> memref<25088x64xf32, #tpu.memory_space<vmem_shared>>
              tpu.enqueue_indirect_dma source(%arg13 : memref<64x64xf32, #tpu.memory_space<vmem>>) target(%dma_start3A_392 : memref<25088x64xf32, #tpu.memory_space<vmem_shared>>) offsets(%dma_start3A_389 : memref<64xi32, #tpu.memory_space<vmem>>) semaphore(%run_scoped3A : memref<!tpu.dma_semaphore, #tpu.memory_space<semaphore_mem>>) {add = true}
              %dma_wait3A_393 = arith.constant 0 : i32
              %dma_wait3A_394 = tpu.memref_slice %arg11[%scan3A_362, %dma_wait3A_393] : memref<17x64xi32, #tpu.memory_space<vmem>> -> memref<1x64xi32, #tpu.memory_space<vmem>>
              %dma_wait3A_395 = tpu.memref_squeeze %dma_wait3A_394 : memref<1x64xi32, #tpu.memory_space<vmem>> -> memref<64xi32, #tpu.memory_space<vmem>>
              %dma_wait3A_396 = arith.constant 0 : i32
              %dma_wait3A_397 = arith.constant 0 : i32
              %dma_wait3A_398 = tpu.memref_slice %arg20[%dma_wait3A_396, %dma_wait3A_397] : memref<25088x64xf32, #tpu.memory_space<vmem_shared>> -> memref<25088x64xf32, #tpu.memory_space<vmem_shared>>
              tpu.wait_indirect_dma semaphore(%run_scoped3A : memref<!tpu.dma_semaphore, #tpu.memory_space<semaphore_mem>>) src(%arg13 : memref<64x64xf32, #tpu.memory_space<vmem>>) dst(%dma_wait3A_398 : memref<25088x64xf32, #tpu.memory_space<vmem_shared>>)
              tpu.yield
            }) : () -> ()
            %mul3A_385 = arith.constant 64 : i32
            %mul3A_386 = arith.muli %scan3A_362, %mul3A_385 : i32
            "tpu.region"() ({
              %run_scoped3A = tpu.sem_alloc : memref<!tpu.dma_semaphore, #tpu.memory_space<semaphore_mem>>
              %dma_start3A_387 = tpu.memref_slice %arg12[%mul3A_386] : memref<1040xf32, #tpu.memory_space<vmem>> -> memref<64xf32, #tpu.memory_space<vmem>>
              %dma_start3A_388 = arith.constant 0 : i32
              %dma_start3A_389 = tpu.memref_slice %arg11[%scan3A_362, %dma_start3A_388] : memref<17x64xi32, #tpu.memory_space<vmem>> -> memref<1x64xi32, #tpu.memory_space<vmem>>
              %dma_start3A_390 = tpu.memref_squeeze %dma_start3A_389 : memref<1x64xi32, #tpu.memory_space<vmem>> -> memref<64xi32, #tpu.memory_space<vmem>>
              %dma_start3A_391 = arith.constant 0 : i32
              %dma_start3A_392 = tpu.memref_slice %arg21[%dma_start3A_391] : memref<25088xf32, #tpu.memory_space<vmem_shared>> -> memref<25088xf32, #tpu.memory_space<vmem_shared>>
              tpu.enqueue_indirect_dma source(%dma_start3A_387 : memref<64xf32, #tpu.memory_space<vmem>>) target(%dma_start3A_392 : memref<25088xf32, #tpu.memory_space<vmem_shared>>) offsets(%dma_start3A_390 : memref<64xi32, #tpu.memory_space<vmem>>) semaphore(%run_scoped3A : memref<!tpu.dma_semaphore, #tpu.memory_space<semaphore_mem>>) {add = true}
              %dma_wait3A_393 = tpu.memref_slice %arg12[%mul3A_386] : memref<1040xf32, #tpu.memory_space<vmem>> -> memref<64xf32, #tpu.memory_space<vmem>>
              %dma_wait3A_394 = arith.constant 0 : i32
              %dma_wait3A_395 = tpu.memref_slice %arg11[%scan3A_362, %dma_wait3A_394] : memref<17x64xi32, #tpu.memory_space<vmem>> -> memref<1x64xi32, #tpu.memory_space<vmem>>
              %dma_wait3A_396 = tpu.memref_squeeze %dma_wait3A_395 : memref<1x64xi32, #tpu.memory_space<vmem>> -> memref<64xi32, #tpu.memory_space<vmem>>
              %dma_wait3A_397 = arith.constant 0 : i32
              %dma_wait3A_398 = tpu.memref_slice %arg21[%dma_wait3A_397] : memref<25088xf32, #tpu.memory_space<vmem_shared>> -> memref<25088xf32, #tpu.memory_space<vmem_shared>>
              tpu.wait_indirect_dma semaphore(%run_scoped3A : memref<!tpu.dma_semaphore, #tpu.memory_space<semaphore_mem>>) src(%dma_wait3A_393 : memref<64xf32, #tpu.memory_space<vmem>>) dst(%dma_wait3A_398 : memref<25088xf32, #tpu.memory_space<vmem_shared>>)
              tpu.yield
            }) : () -> ()
          } else {
          }
        }
        %scan3A_360 = arith.constant 16 : i32
        %scan3A_361 = arith.constant 0 : i32
        scf.yield %scan3A_361 : i32
      }
      %scan3A_74 = arith.constant 50 : i32
    } else {
    }
    %barrier3A_54 = arith.constant 0 : index
    tpu.barrier barrier_id(%barrier3A_54)
    %mul3A_55 = arith.constant 1568 : i32
    %mul3A_56 = arith.muli %arg1, %mul3A_55 : i32
    %mul3A_57 = arith.constant 1568 : i32
    %mul3A_58 = arith.muli %arg1, %mul3A_57 : i32
    %add3A_59 = arith.addi %mul3A_44, %mul3A_58 : i32
    "tpu.region"() ({
      %run_scoped3A = tpu.sem_alloc : memref<!tpu.dma_semaphore, #tpu.memory_space<semaphore_mem>>
      %dma_start3A = arith.constant 0 : i32
      %dma_start3A_68 = tpu.memref_slice %arg5[%add3A_59, %dma_start3A] : memref<50176x64xf32, #tpu.memory_space<hbm>> -> memref<1568x64xf32, #tpu.memory_space<hbm>>
      %dma_start3A_69 = arith.constant 0 : i32
      %dma_start3A_70 = tpu.memref_slice %arg20[%mul3A_56, %dma_start3A_69] : memref<25088x64xf32, #tpu.memory_space<vmem_shared>> -> memref<1568x64xf32, #tpu.memory_space<vmem_shared>>
      tpu.enqueue_dma source(%dma_start3A_70 : memref<1568x64xf32, #tpu.memory_space<vmem_shared>>) target(%dma_start3A_68 : memref<1568x64xf32, #tpu.memory_space<hbm>>) target_semaphore(%run_scoped3A : memref<!tpu.dma_semaphore, #tpu.memory_space<semaphore_mem>>)
      %dma_wait3A = arith.constant 0 : i32
      %dma_wait3A_71 = tpu.memref_slice %arg5[%add3A_59, %dma_wait3A] : memref<50176x64xf32, #tpu.memory_space<hbm>> -> memref<1568x64xf32, #tpu.memory_space<hbm>>
      %dma_wait3A_72 = arith.constant 0 : i32
      %dma_wait3A_73 = tpu.memref_slice %arg20[%mul3A_56, %dma_wait3A_72] : memref<25088x64xf32, #tpu.memory_space<vmem_shared>> -> memref<1568x64xf32, #tpu.memory_space<vmem_shared>>
      tpu.wait_dma2 semaphore(%run_scoped3A : memref<!tpu.dma_semaphore, #tpu.memory_space<semaphore_mem>>) src(%dma_wait3A_73 : memref<1568x64xf32, #tpu.memory_space<vmem_shared>>) dst(%dma_wait3A_71 : memref<1568x64xf32, #tpu.memory_space<hbm>>)
      tpu.yield
    }) : () -> ()
    %mul3A_60 = arith.constant 1568 : i32
    %mul3A_61 = arith.muli %arg1, %mul3A_60 : i32
    "tpu.region"() ({
      %run_scoped3A = tpu.sem_alloc : memref<!tpu.dma_semaphore, #tpu.memory_space<semaphore_mem>>
      %dma_start3A = arith.constant 0 : i32
      %dma_start3A_68 = tpu.memref_slice %arg16[%dma_start3A] : memref<1568xf32, #tpu.memory_space<vmem>> -> memref<1568xf32, #tpu.memory_space<vmem>>
      %dma_start3A_69 = tpu.memref_slice %arg21[%mul3A_61] : memref<25088xf32, #tpu.memory_space<vmem_shared>> -> memref<1568xf32, #tpu.memory_space<vmem_shared>>
      %dma_start3A_70 = arith.constant 0 : i32
      %dma_start3A_71 = tpu.memref_slice %arg16[%dma_start3A_70] : memref<1568xf32, #tpu.memory_space<vmem>> -> memref<1568xf32, #tpu.memory_space<vmem>>
      %dma_start3A_72 = tpu.memref_slice %arg21[%mul3A_61] : memref<25088xf32, #tpu.memory_space<vmem_shared>> -> memref<1568xf32, #tpu.memory_space<vmem_shared>>
      tpu.enqueue_dma source(%dma_start3A_72 : memref<1568xf32, #tpu.memory_space<vmem_shared>>) target(%dma_start3A_71 : memref<1568xf32, #tpu.memory_space<vmem>>) target_semaphore(%run_scoped3A : memref<!tpu.dma_semaphore, #tpu.memory_space<semaphore_mem>>)
      %dma_wait3A = arith.constant 0 : i32
      %dma_wait3A_73 = tpu.memref_slice %arg16[%dma_wait3A] : memref<1568xf32, #tpu.memory_space<vmem>> -> memref<1568xf32, #tpu.memory_space<vmem>>
      %dma_wait3A_74 = tpu.memref_slice %arg21[%mul3A_61] : memref<25088xf32, #tpu.memory_space<vmem_shared>> -> memref<1568xf32, #tpu.memory_space<vmem_shared>>
      %dma_wait3A_75 = arith.constant 0 : i32
      %dma_wait3A_76 = tpu.memref_slice %arg16[%dma_wait3A_75] : memref<1568xf32, #tpu.memory_space<vmem>> -> memref<1568xf32, #tpu.memory_space<vmem>>
      %dma_wait3A_77 = tpu.memref_slice %arg21[%mul3A_61] : memref<25088xf32, #tpu.memory_space<vmem_shared>> -> memref<1568xf32, #tpu.memory_space<vmem_shared>>
      tpu.wait_dma2 semaphore(%run_scoped3A : memref<!tpu.dma_semaphore, #tpu.memory_space<semaphore_mem>>) src(%dma_wait3A_77 : memref<1568xf32, #tpu.memory_space<vmem_shared>>) dst(%dma_wait3A_76 : memref<1568xf32, #tpu.memory_space<vmem>>)
      tpu.yield
    }) : () -> ()
    %mul3A_62 = arith.constant 1568 : i32
    %mul3A_63 = arith.muli %arg1, %mul3A_62 : i32
    %add3A_64 = arith.addi %mul3A_44, %mul3A_63 : i32
    "tpu.region"() ({
      %run_scoped3A = tpu.sem_alloc : memref<!tpu.dma_semaphore, #tpu.memory_space<semaphore_mem>>
      %dma_start3A = arith.constant 0 : i32
      %dma_start3A_68 = tpu.memref_slice %arg16[%dma_start3A] : memref<1568xf32, #tpu.memory_space<vmem>> -> memref<1568xf32, #tpu.memory_space<vmem>>
      %dma_start3A_69 = tpu.memref_slice %arg6[%add3A_64] : memref<50176xf32, #tpu.memory_space<hbm>> -> memref<1568xf32, #tpu.memory_space<hbm>>
      %dma_start3A_70 = tpu.memref_slice %arg6[%add3A_64] : memref<50176xf32, #tpu.memory_space<hbm>> -> memref<1568xf32, #tpu.memory_space<hbm>>
      %dma_start3A_71 = arith.constant 0 : i32
      %dma_start3A_72 = tpu.memref_slice %arg16[%dma_start3A_71] : memref<1568xf32, #tpu.memory_space<vmem>> -> memref<1568xf32, #tpu.memory_space<vmem>>
      tpu.enqueue_dma source(%dma_start3A_72 : memref<1568xf32, #tpu.memory_space<vmem>>) target(%dma_start3A_70 : memref<1568xf32, #tpu.memory_space<hbm>>) target_semaphore(%run_scoped3A : memref<!tpu.dma_semaphore, #tpu.memory_space<semaphore_mem>>)
      %dma_wait3A = arith.constant 0 : i32
      %dma_wait3A_73 = tpu.memref_slice %arg16[%dma_wait3A] : memref<1568xf32, #tpu.memory_space<vmem>> -> memref<1568xf32, #tpu.memory_space<vmem>>
      %dma_wait3A_74 = tpu.memref_slice %arg6[%add3A_64] : memref<50176xf32, #tpu.memory_space<hbm>> -> memref<1568xf32, #tpu.memory_space<hbm>>
      %dma_wait3A_75 = tpu.memref_slice %arg6[%add3A_64] : memref<50176xf32, #tpu.memory_space<hbm>> -> memref<1568xf32, #tpu.memory_space<hbm>>
      %dma_wait3A_76 = arith.constant 0 : i32
      %dma_wait3A_77 = tpu.memref_slice %arg16[%dma_wait3A_76] : memref<1568xf32, #tpu.memory_space<vmem>> -> memref<1568xf32, #tpu.memory_space<vmem>>
      tpu.wait_dma2 semaphore(%run_scoped3A : memref<!tpu.dma_semaphore, #tpu.memory_space<semaphore_mem>>) src(%dma_wait3A_77 : memref<1568xf32, #tpu.memory_space<vmem>>) dst(%dma_wait3A_75 : memref<1568xf32, #tpu.memory_space<hbm>>)
      tpu.yield
    }) : () -> ()
    %barrier3A_65 = arith.constant 0 : index
    tpu.barrier barrier_id(%barrier3A_65)
    %scan3A_66 = arith.constant 0 : i32
    %scan3A_67 = arith.constant 1 : i32
    return
  }
}

#map = affine_map<(d0, d1) -> (0, 0)>
#map1 = affine_map<(d0, d1) -> (0)>
#map2 = affine_map<(d0, d1) -> (0, 0, 0)>
module attributes {stable_mosaic.version = 14 : i64} {
  func.func @edge_kernel(%arg0: i32, %arg1: i32, %arg2: memref<50176x64xf32, #tpu.memory_space<hbm>>, %arg3: memref<100368xf32, #tpu.memory_space<hbm>>, %arg4: memref<800x16x128xi32, #tpu.memory_space<hbm>>, %arg5: memref<50176x64xf32, #tpu.memory_space<hbm>>, %arg6: memref<50176xf32, #tpu.memory_space<hbm>>, %arg7: memref<16x128xi32, #tpu.memory_space<vmem>>, %arg8: memref<1024xf32, #tpu.memory_space<vmem>>, %arg9: memref<1024xf32, #tpu.memory_space<vmem>>, %arg10: memref<1040xi32, #tpu.memory_space<vmem>>, %arg11: memref<17x64xi32, #tpu.memory_space<vmem>>, %arg12: memref<1040xf32, #tpu.memory_space<vmem>>, %arg13: memref<64x64xf32, #tpu.memory_space<vmem>>, %arg14: memref<16x64xf32, #tpu.memory_space<vmem>>, %arg15: memref<1568xf32, #tpu.memory_space<vmem>>, %arg16: memref<1568xf32, #tpu.memory_space<vmem>>, %arg17: memref<16xf32, #tpu.memory_space<vmem>>, %arg18: memref<50176xf32, #tpu.memory_space<vmem_shared>>, %arg19: memref<50176xf32, #tpu.memory_space<vmem_shared>>, %arg20: memref<25088x64xf32, #tpu.memory_space<vmem_shared>>, %arg21: memref<25088xf32, #tpu.memory_space<vmem_shared>>, %arg22: memref<!tpu.dma_semaphore, #tpu.memory_space<semaphore_mem>>) attributes {dimension_semantics = [#tpu.dimension_semantics<core_parallel>, #tpu.dimension_semantics<subcore_parallel>], iteration_bounds = array<i64: 2, 16>, scalar_prefetch = 0 : i64, scratch_operands = 16 : i64, tpu.core_type = #tpu.core_type<sc_vector_subcore>, window_params = [{transform_indices = #map}, {transform_indices = #map1}, {transform_indices = #map2}, {transform_indices = #map}, {transform_indices = #map1}]} {
    %eq3A = arith.constant 0 : i32
    %eq3A_0 = arith.cmpi eq, %arg1, %eq3A : i32
    %convert_element_type3A = arith.extui %eq3A_0 : i1 to i32
    %cond3A = arith.constant 0 : i32
    %cond3A_1 = arith.cmpi ne, %convert_element_type3A, %cond3A : i32
    scf.if %cond3A_1 {
      "tpu.region"() ({
        %run_scoped3A = tpu.sem_alloc : memref<!tpu.dma_semaphore, #tpu.memory_space<semaphore_mem>>
        %dma_start3A = arith.constant 0 : i32
        %dma_start3A_68 = tpu.memref_slice %arg3[%dma_start3A] : memref<100368xf32, #tpu.memory_space<hbm>> -> memref<50176xf32, #tpu.memory_space<hbm>>
        tpu.enqueue_dma source(%dma_start3A_68 : memref<50176xf32, #tpu.memory_space<hbm>>) target(%arg18 : memref<50176xf32, #tpu.memory_space<vmem_shared>>) target_semaphore(%run_scoped3A : memref<!tpu.dma_semaphore, #tpu.memory_space<semaphore_mem>>)
        %dma_wait3A = arith.constant 0 : i32
        %dma_wait3A_69 = tpu.memref_slice %arg3[%dma_wait3A] : memref<100368xf32, #tpu.memory_space<hbm>> -> memref<50176xf32, #tpu.memory_space<hbm>>
        tpu.wait_dma2 semaphore(%run_scoped3A : memref<!tpu.dma_semaphore, #tpu.memory_space<semaphore_mem>>) src(%dma_wait3A_69 : memref<50176xf32, #tpu.memory_space<hbm>>) dst(%arg18 : memref<50176xf32, #tpu.memory_space<vmem_shared>>)
        tpu.yield
      }) : () -> ()
      "tpu.region"() ({
        %run_scoped3A = tpu.sem_alloc : memref<!tpu.dma_semaphore, #tpu.memory_space<semaphore_mem>>
        %dma_start3A = arith.constant 50176 : i32
        %dma_start3A_68 = tpu.memref_slice %arg3[%dma_start3A] : memref<100368xf32, #tpu.memory_space<hbm>> -> memref<50176xf32, #tpu.memory_space<hbm>>
        tpu.enqueue_dma source(%dma_start3A_68 : memref<50176xf32, #tpu.memory_space<hbm>>) target(%arg19 : memref<50176xf32, #tpu.memory_space<vmem_shared>>) target_semaphore(%run_scoped3A : memref<!tpu.dma_semaphore, #tpu.memory_space<semaphore_mem>>)
        %dma_wait3A = arith.constant 50176 : i32
        %dma_wait3A_69 = tpu.memref_slice %arg3[%dma_wait3A] : memref<100368xf32, #tpu.memory_space<hbm>> -> memref<50176xf32, #tpu.memory_space<hbm>>
        tpu.wait_dma2 semaphore(%run_scoped3A : memref<!tpu.dma_semaphore, #tpu.memory_space<semaphore_mem>>) src(%dma_wait3A_69 : memref<50176xf32, #tpu.memory_space<hbm>>) dst(%arg19 : memref<50176xf32, #tpu.memory_space<vmem_shared>>)
        tpu.yield
      }) : () -> ()
    } else {
    }
    "tpu.region"() ({
      %run_scoped3A = tpu.sem_alloc : memref<!tpu.dma_semaphore, #tpu.memory_space<semaphore_mem>>
      %dma_start3A = arith.constant 100352 : i32
      %dma_start3A_68 = tpu.memref_slice %arg3[%dma_start3A] : memref<100368xf32, #tpu.memory_space<hbm>> -> memref<16xf32, #tpu.memory_space<hbm>>
      %dma_start3A_69 = arith.constant 100352 : i32
      %dma_start3A_70 = tpu.memref_slice %arg3[%dma_start3A_69] : memref<100368xf32, #tpu.memory_space<hbm>> -> memref<16xf32, #tpu.memory_space<hbm>>
      tpu.enqueue_dma source(%dma_start3A_70 : memref<16xf32, #tpu.memory_space<hbm>>) target(%arg17 : memref<16xf32, #tpu.memory_space<vmem>>) target_semaphore(%run_scoped3A : memref<!tpu.dma_semaphore, #tpu.memory_space<semaphore_mem>>)
      %dma_wait3A = arith.constant 100352 : i32
      %dma_wait3A_71 = tpu.memref_slice %arg3[%dma_wait3A] : memref<100368xf32, #tpu.memory_space<hbm>> -> memref<16xf32, #tpu.memory_space<hbm>>
      %dma_wait3A_72 = arith.constant 100352 : i32
      %dma_wait3A_73 = tpu.memref_slice %arg3[%dma_wait3A_72] : memref<100368xf32, #tpu.memory_space<hbm>> -> memref<16xf32, #tpu.memory_space<hbm>>
      tpu.wait_dma2 semaphore(%run_scoped3A : memref<!tpu.dma_semaphore, #tpu.memory_space<semaphore_mem>>) src(%dma_wait3A_73 : memref<16xf32, #tpu.memory_space<hbm>>) dst(%arg17 : memref<16xf32, #tpu.memory_space<vmem>>)
      tpu.yield
    }) : () -> ()
    %get3A = arith.constant 0 : index
    %get3A_2 = tpu.vector_load %arg17[%get3A] {strides = array<i32>} : memref<16xf32, #tpu.memory_space<vmem>>, vector<16xf32>,
    %scan3A = arith.constant 0 : i32
    %scan3A_3 = arith.constant 0 : i32
    %scan3A_4 = arith.constant 16 : i32
    %scan3A_5 = arith.addi %scan3A_3, %scan3A_4 : i32
    %scan3A_6 = arith.constant 1 : i32
    %scan3A_7 = scf.for %scan3A_68 = %scan3A_3 to %scan3A_5 step %scan3A_6 iter_args(%scan3A_69 = %scan3A) -> (i32)  : i32 {
      %broadcast_in_dim3A_70 = arith.constant 0.000000e+00 : f32
      %broadcast_in_dim3A_71 = vector.broadcast %broadcast_in_dim3A_70 : f32 to vector<16xf32>
      %swap3A = arith.index_cast %scan3A_68 : i32 to index
      %swap3A_72 = arith.constant 0 : index
      %swap3A_73 = tpu.vector_load %arg14[%swap3A, %swap3A_72] {strides = array<i32>} : memref<16x64xf32, #tpu.memory_space<vmem>>, vector<16xf32>,
      tpu.vector_store %arg14[%swap3A, %swap3A_72], %broadcast_in_dim3A_71 {strides = array<i32>} : memref<16x64xf32, #tpu.memory_space<vmem>>, vector<16xf32>,
      %broadcast_in_dim3A_74 = arith.constant 0.000000e+00 : f32
      %broadcast_in_dim3A_75 = vector.broadcast %broadcast_in_dim3A_74 : f32 to vector<16xf32>
      %swap3A_76 = arith.index_cast %scan3A_68 : i32 to index
      %swap3A_77 = arith.constant 16 : index
      %swap3A_78 = tpu.vector_load %arg14[%swap3A_76, %swap3A_77] {strides = array<i32>} : memref<16x64xf32, #tpu.memory_space<vmem>>, vector<16xf32>,
      tpu.vector_store %arg14[%swap3A_76, %swap3A_77], %broadcast_in_dim3A_75 {strides = array<i32>} : memref<16x64xf32, #tpu.memory_space<vmem>>, vector<16xf32>,
      %broadcast_in_dim3A_79 = arith.constant 0.000000e+00 : f32
      %broadcast_in_dim3A_80 = vector.broadcast %broadcast_in_dim3A_79 : f32 to vector<16xf32>
      %swap3A_81 = arith.index_cast %scan3A_68 : i32 to index
      %swap3A_82 = arith.constant 32 : index
      %swap3A_83 = tpu.vector_load %arg14[%swap3A_81, %swap3A_82] {strides = array<i32>} : memref<16x64xf32, #tpu.memory_space<vmem>>, vector<16xf32>,
      tpu.vector_store %arg14[%swap3A_81, %swap3A_82], %broadcast_in_dim3A_80 {strides = array<i32>} : memref<16x64xf32, #tpu.memory_space<vmem>>, vector<16xf32>,
      %broadcast_in_dim3A_84 = arith.constant 0.000000e+00 : f32
      %broadcast_in_dim3A_85 = vector.broadcast %broadcast_in_dim3A_84 : f32 to vector<16xf32>
      %swap3A_86 = arith.index_cast %scan3A_68 : i32 to index
      %swap3A_87 = arith.constant 48 : index
      %swap3A_88 = tpu.vector_load %arg14[%swap3A_86, %swap3A_87] {strides = array<i32>} : memref<16x64xf32, #tpu.memory_space<vmem>>, vector<16xf32>,
      tpu.vector_store %arg14[%swap3A_86, %swap3A_87], %broadcast_in_dim3A_85 {strides = array<i32>} : memref<16x64xf32, #tpu.memory_space<vmem>>, vector<16xf32>,
      %scan3A_89 = arith.constant 0 : i32
      scf.yield %scan3A_89 : i32
    }
    %scan3A_8 = arith.constant 16 : i32
    %scan3A_9 = arith.constant 0 : i32
    %scan3A_10 = arith.constant 0 : i32
    %scan3A_11 = arith.constant 98 : i32
    %scan3A_12 = arith.addi %scan3A_10, %scan3A_11 : i32
    %scan3A_13 = arith.constant 1 : i32
    %scan3A_14 = scf.for %scan3A_68 = %scan3A_10 to %scan3A_12 step %scan3A_13 iter_args(%scan3A_69 = %scan3A_9) -> (i32)  : i32 {
      %broadcast_in_dim3A_70 = arith.constant 0.000000e+00 : f32
      %broadcast_in_dim3A_71 = vector.broadcast %broadcast_in_dim3A_70 : f32 to vector<16xf32>
      %mul3A_72 = arith.constant 16 : i32
      %mul3A_73 = arith.muli %scan3A_68, %mul3A_72 : i32
      %swap3A = arith.index_cast %mul3A_73 : i32 to index
      %swap3A_74 = tpu.vector_load %arg15[%swap3A] {strides = array<i32>} : memref<1568xf32, #tpu.memory_space<vmem>>, vector<16xf32>,
      tpu.vector_store %arg15[%swap3A], %broadcast_in_dim3A_71 {strides = array<i32>} : memref<1568xf32, #tpu.memory_space<vmem>>, vector<16xf32>,
      %scan3A_75 = arith.constant 0 : i32
      scf.yield %scan3A_75 : i32
    }
    %scan3A_15 = arith.constant 98 : i32
    %scan3A_16 = arith.constant 0 : i32
    %scan3A_17 = arith.constant 0 : i32
    %scan3A_18 = arith.constant 65 : i32
    %scan3A_19 = arith.addi %scan3A_17, %scan3A_18 : i32
    %scan3A_20 = arith.constant 1 : i32
    %scan3A_21 = scf.for %scan3A_68 = %scan3A_17 to %scan3A_19 step %scan3A_20 iter_args(%scan3A_69 = %scan3A_16) -> (i32)  : i32 {
      %broadcast_in_dim3A_70 = arith.constant 0 : i32
      %broadcast_in_dim3A_71 = vector.broadcast %broadcast_in_dim3A_70 : i32 to vector<16xi32>
      %mul3A_72 = arith.constant 16 : i32
      %mul3A_73 = arith.muli %scan3A_68, %mul3A_72 : i32
      %swap3A = arith.index_cast %mul3A_73 : i32 to index
      %swap3A_74 = tpu.vector_load %arg10[%swap3A] {strides = array<i32>} : memref<1040xi32, #tpu.memory_space<vmem>>, vector<16xi32>,
      tpu.vector_store %arg10[%swap3A], %broadcast_in_dim3A_71 {strides = array<i32>} : memref<1040xi32, #tpu.memory_space<vmem>>, vector<16xi32>,
      %broadcast_in_dim3A_75 = arith.constant 0.000000e+00 : f32
      %broadcast_in_dim3A_76 = vector.broadcast %broadcast_in_dim3A_75 : f32 to vector<16xf32>
      %mul3A_77 = arith.constant 16 : i32
      %mul3A_78 = arith.muli %scan3A_68, %mul3A_77 : i32
      %swap3A_79 = arith.index_cast %mul3A_78 : i32 to index
      %swap3A_80 = tpu.vector_load %arg12[%swap3A_79] {strides = array<i32>} : memref<1040xf32, #tpu.memory_space<vmem>>, vector<16xf32>,
      tpu.vector_store %arg12[%swap3A_79], %broadcast_in_dim3A_76 {strides = array<i32>} : memref<1040xf32, #tpu.memory_space<vmem>>, vector<16xf32>,
      %scan3A_81 = arith.constant 0 : i32
      scf.yield %scan3A_81 : i32
    }
    %scan3A_22 = arith.constant 65 : i32
    %scan3A_23 = arith.constant 0 : i32
    %scan3A_24 = arith.constant 0 : i32
    %scan3A_25 = arith.constant 4 : i32
    %scan3A_26 = arith.addi %scan3A_24, %scan3A_25 : i32
    %scan3A_27 = arith.constant 1 : i32
    %scan3A_28 = scf.for %scan3A_68 = %scan3A_24 to %scan3A_26 step %scan3A_27 iter_args(%scan3A_69 = %scan3A_23) -> (i32)  : i32 {
      %broadcast_in_dim3A_70 = arith.constant 0 : i32
      %broadcast_in_dim3A_71 = vector.broadcast %broadcast_in_dim3A_70 : i32 to vector<16xi32>
      %mul3A_72 = arith.constant 16 : i32
      %mul3A_73 = arith.muli %scan3A_68, %mul3A_72 : i32
      %swap3A = arith.constant 0 : i32
      %swap3A_74 = arith.index_cast %swap3A : i32 to index
      %swap3A_75 = arith.index_cast %mul3A_73 : i32 to index
      %swap3A_76 = tpu.vector_load %arg11[%swap3A_74, %swap3A_75] {strides = array<i32>} : memref<17x64xi32, #tpu.memory_space<vmem>>, vector<16xi32>,
      tpu.vector_store %arg11[%swap3A_74, %swap3A_75], %broadcast_in_dim3A_71 {strides = array<i32>} : memref<17x64xi32, #tpu.memory_space<vmem>>, vector<16xi32>,
      %broadcast_in_dim3A_77 = arith.constant 0 : i32
      %broadcast_in_dim3A_78 = vector.broadcast %broadcast_in_dim3A_77 : i32 to vector<16xi32>
      %mul3A_79 = arith.constant 16 : i32
      %mul3A_80 = arith.muli %scan3A_68, %mul3A_79 : i32
      %swap3A_81 = arith.constant 1 : i32
      %swap3A_82 = arith.index_cast %swap3A_81 : i32 to index
      %swap3A_83 = arith.index_cast %mul3A_80 : i32 to index
      %swap3A_84 = tpu.vector_load %arg11[%swap3A_82, %swap3A_83] {strides = array<i32>} : memref<17x64xi32, #tpu.memory_space<vmem>>, vector<16xi32>,
      tpu.vector_store %arg11[%swap3A_82, %swap3A_83], %broadcast_in_dim3A_78 {strides = array<i32>} : memref<17x64xi32, #tpu.memory_space<vmem>>, vector<16xi32>,
      %broadcast_in_dim3A_85 = arith.constant 0 : i32
      %broadcast_in_dim3A_86 = vector.broadcast %broadcast_in_dim3A_85 : i32 to vector<16xi32>
      %mul3A_87 = arith.constant 16 : i32
      %mul3A_88 = arith.muli %scan3A_68, %mul3A_87 : i32
      %swap3A_89 = arith.constant 2 : i32
      %swap3A_90 = arith.index_cast %swap3A_89 : i32 to index
      %swap3A_91 = arith.index_cast %mul3A_88 : i32 to index
      %swap3A_92 = tpu.vector_load %arg11[%swap3A_90, %swap3A_91] {strides = array<i32>} : memref<17x64xi32, #tpu.memory_space<vmem>>, vector<16xi32>,
      tpu.vector_store %arg11[%swap3A_90, %swap3A_91], %broadcast_in_dim3A_86 {strides = array<i32>} : memref<17x64xi32, #tpu.memory_space<vmem>>, vector<16xi32>,
      %broadcast_in_dim3A_93 = arith.constant 0 : i32
      %broadcast_in_dim3A_94 = vector.broadcast %broadcast_in_dim3A_93 : i32 to vector<16xi32>
      %mul3A_95 = arith.constant 16 : i32
      %mul3A_96 = arith.muli %scan3A_68, %mul3A_95 : i32
      %swap3A_97 = arith.constant 3 : i32
      %swap3A_98 = arith.index_cast %swap3A_97 : i32 to index
      %swap3A_99 = arith.index_cast %mul3A_96 : i32 to index
      %swap3A_100 = tpu.vector_load %arg11[%swap3A_98, %swap3A_99] {strides = array<i32>} : memref<17x64xi32, #tpu.memory_space<vmem>>, vector<16xi32>,
      tpu.vector_store %arg11[%swap3A_98, %swap3A_99], %broadcast_in_dim3A_94 {strides = array<i32>} : memref<17x64xi32, #tpu.memory_space<vmem>>, vector<16xi32>,
      %broadcast_in_dim3A_101 = arith.constant 0 : i32
      %broadcast_in_dim3A_102 = vector.broadcast %broadcast_in_dim3A_101 : i32 to vector<16xi32>
      %mul3A_103 = arith.constant 16 : i32
      %mul3A_104 = arith.muli %scan3A_68, %mul3A_103 : i32
      %swap3A_105 = arith.constant 4 : i32
      %swap3A_106 = arith.index_cast %swap3A_105 : i32 to index
      %swap3A_107 = arith.index_cast %mul3A_104 : i32 to index
      %swap3A_108 = tpu.vector_load %arg11[%swap3A_106, %swap3A_107] {strides = array<i32>} : memref<17x64xi32, #tpu.memory_space<vmem>>, vector<16xi32>,
      tpu.vector_store %arg11[%swap3A_106, %swap3A_107], %broadcast_in_dim3A_102 {strides = array<i32>} : memref<17x64xi32, #tpu.memory_space<vmem>>, vector<16xi32>,
      %broadcast_in_dim3A_109 = arith.constant 0 : i32
      %broadcast_in_dim3A_110 = vector.broadcast %broadcast_in_dim3A_109 : i32 to vector<16xi32>
      %mul3A_111 = arith.constant 16 : i32
      %mul3A_112 = arith.muli %scan3A_68, %mul3A_111 : i32
      %swap3A_113 = arith.constant 5 : i32
      %swap3A_114 = arith.index_cast %swap3A_113 : i32 to index
      %swap3A_115 = arith.index_cast %mul3A_112 : i32 to index
      %swap3A_116 = tpu.vector_load %arg11[%swap3A_114, %swap3A_115] {strides = array<i32>} : memref<17x64xi32, #tpu.memory_space<vmem>>, vector<16xi32>,
      tpu.vector_store %arg11[%swap3A_114, %swap3A_115], %broadcast_in_dim3A_110 {strides = array<i32>} : memref<17x64xi32, #tpu.memory_space<vmem>>, vector<16xi32>,
      %broadcast_in_dim3A_117 = arith.constant 0 : i32
      %broadcast_in_dim3A_118 = vector.broadcast %broadcast_in_dim3A_117 : i32 to vector<16xi32>
      %mul3A_119 = arith.constant 16 : i32
      %mul3A_120 = arith.muli %scan3A_68, %mul3A_119 : i32
      %swap3A_121 = arith.constant 6 : i32
      %swap3A_122 = arith.index_cast %swap3A_121 : i32 to index
      %swap3A_123 = arith.index_cast %mul3A_120 : i32 to index
      %swap3A_124 = tpu.vector_load %arg11[%swap3A_122, %swap3A_123] {strides = array<i32>} : memref<17x64xi32, #tpu.memory_space<vmem>>, vector<16xi32>,
      tpu.vector_store %arg11[%swap3A_122, %swap3A_123], %broadcast_in_dim3A_118 {strides = array<i32>} : memref<17x64xi32, #tpu.memory_space<vmem>>, vector<16xi32>,
      %broadcast_in_dim3A_125 = arith.constant 0 : i32
      %broadcast_in_dim3A_126 = vector.broadcast %broadcast_in_dim3A_125 : i32 to vector<16xi32>
      %mul3A_127 = arith.constant 16 : i32
      %mul3A_128 = arith.muli %scan3A_68, %mul3A_127 : i32
      %swap3A_129 = arith.constant 7 : i32
      %swap3A_130 = arith.index_cast %swap3A_129 : i32 to index
      %swap3A_131 = arith.index_cast %mul3A_128 : i32 to index
      %swap3A_132 = tpu.vector_load %arg11[%swap3A_130, %swap3A_131] {strides = array<i32>} : memref<17x64xi32, #tpu.memory_space<vmem>>, vector<16xi32>,
      tpu.vector_store %arg11[%swap3A_130, %swap3A_131], %broadcast_in_dim3A_126 {strides = array<i32>} : memref<17x64xi32, #tpu.memory_space<vmem>>, vector<16xi32>,
      %broadcast_in_dim3A_133 = arith.constant 0 : i32
      %broadcast_in_dim3A_134 = vector.broadcast %broadcast_in_dim3A_133 : i32 to vector<16xi32>
      %mul3A_135 = arith.constant 16 : i32
      %mul3A_136 = arith.muli %scan3A_68, %mul3A_135 : i32
      %swap3A_137 = arith.constant 8 : i32
      %swap3A_138 = arith.index_cast %swap3A_137 : i32 to index
      %swap3A_139 = arith.index_cast %mul3A_136 : i32 to index
      %swap3A_140 = tpu.vector_load %arg11[%swap3A_138, %swap3A_139] {strides = array<i32>} : memref<17x64xi32, #tpu.memory_space<vmem>>, vector<16xi32>,
      tpu.vector_store %arg11[%swap3A_138, %swap3A_139], %broadcast_in_dim3A_134 {strides = array<i32>} : memref<17x64xi32, #tpu.memory_space<vmem>>, vector<16xi32>,
      %broadcast_in_dim3A_141 = arith.constant 0 : i32
      %broadcast_in_dim3A_142 = vector.broadcast %broadcast_in_dim3A_141 : i32 to vector<16xi32>
      %mul3A_143 = arith.constant 16 : i32
      %mul3A_144 = arith.muli %scan3A_68, %mul3A_143 : i32
      %swap3A_145 = arith.constant 9 : i32
      %swap3A_146 = arith.index_cast %swap3A_145 : i32 to index
      %swap3A_147 = arith.index_cast %mul3A_144 : i32 to index
      %swap3A_148 = tpu.vector_load %arg11[%swap3A_146, %swap3A_147] {strides = array<i32>} : memref<17x64xi32, #tpu.memory_space<vmem>>, vector<16xi32>,
      tpu.vector_store %arg11[%swap3A_146, %swap3A_147], %broadcast_in_dim3A_142 {strides = array<i32>} : memref<17x64xi32, #tpu.memory_space<vmem>>, vector<16xi32>,
      %broadcast_in_dim3A_149 = arith.constant 0 : i32
      %broadcast_in_dim3A_150 = vector.broadcast %broadcast_in_dim3A_149 : i32 to vector<16xi32>
      %mul3A_151 = arith.constant 16 : i32
      %mul3A_152 = arith.muli %scan3A_68, %mul3A_151 : i32
      %swap3A_153 = arith.constant 10 : i32
      %swap3A_154 = arith.index_cast %swap3A_153 : i32 to index
      %swap3A_155 = arith.index_cast %mul3A_152 : i32 to index
      %swap3A_156 = tpu.vector_load %arg11[%swap3A_154, %swap3A_155] {strides = array<i32>} : memref<17x64xi32, #tpu.memory_space<vmem>>, vector<16xi32>,
      tpu.vector_store %arg11[%swap3A_154, %swap3A_155], %broadcast_in_dim3A_150 {strides = array<i32>} : memref<17x64xi32, #tpu.memory_space<vmem>>, vector<16xi32>,
      %broadcast_in_dim3A_157 = arith.constant 0 : i32
      %broadcast_in_dim3A_158 = vector.broadcast %broadcast_in_dim3A_157 : i32 to vector<16xi32>
      %mul3A_159 = arith.constant 16 : i32
      %mul3A_160 = arith.muli %scan3A_68, %mul3A_159 : i32
      %swap3A_161 = arith.constant 11 : i32
      %swap3A_162 = arith.index_cast %swap3A_161 : i32 to index
      %swap3A_163 = arith.index_cast %mul3A_160 : i32 to index
      %swap3A_164 = tpu.vector_load %arg11[%swap3A_162, %swap3A_163] {strides = array<i32>} : memref<17x64xi32, #tpu.memory_space<vmem>>, vector<16xi32>,
      tpu.vector_store %arg11[%swap3A_162, %swap3A_163], %broadcast_in_dim3A_158 {strides = array<i32>} : memref<17x64xi32, #tpu.memory_space<vmem>>, vector<16xi32>,
      %broadcast_in_dim3A_165 = arith.constant 0 : i32
      %broadcast_in_dim3A_166 = vector.broadcast %broadcast_in_dim3A_165 : i32 to vector<16xi32>
      %mul3A_167 = arith.constant 16 : i32
      %mul3A_168 = arith.muli %scan3A_68, %mul3A_167 : i32
      %swap3A_169 = arith.constant 12 : i32
      %swap3A_170 = arith.index_cast %swap3A_169 : i32 to index
      %swap3A_171 = arith.index_cast %mul3A_168 : i32 to index
      %swap3A_172 = tpu.vector_load %arg11[%swap3A_170, %swap3A_171] {strides = array<i32>} : memref<17x64xi32, #tpu.memory_space<vmem>>, vector<16xi32>,
      tpu.vector_store %arg11[%swap3A_170, %swap3A_171], %broadcast_in_dim3A_166 {strides = array<i32>} : memref<17x64xi32, #tpu.memory_space<vmem>>, vector<16xi32>,
      %broadcast_in_dim3A_173 = arith.constant 0 : i32
      %broadcast_in_dim3A_174 = vector.broadcast %broadcast_in_dim3A_173 : i32 to vector<16xi32>
      %mul3A_175 = arith.constant 16 : i32
      %mul3A_176 = arith.muli %scan3A_68, %mul3A_175 : i32
      %swap3A_177 = arith.constant 13 : i32
      %swap3A_178 = arith.index_cast %swap3A_177 : i32 to index
      %swap3A_179 = arith.index_cast %mul3A_176 : i32 to index
      %swap3A_180 = tpu.vector_load %arg11[%swap3A_178, %swap3A_179] {strides = array<i32>} : memref<17x64xi32, #tpu.memory_space<vmem>>, vector<16xi32>,
      tpu.vector_store %arg11[%swap3A_178, %swap3A_179], %broadcast_in_dim3A_174 {strides = array<i32>} : memref<17x64xi32, #tpu.memory_space<vmem>>, vector<16xi32>,
      %broadcast_in_dim3A_181 = arith.constant 0 : i32
      %broadcast_in_dim3A_182 = vector.broadcast %broadcast_in_dim3A_181 : i32 to vector<16xi32>
      %mul3A_183 = arith.constant 16 : i32
      %mul3A_184 = arith.muli %scan3A_68, %mul3A_183 : i32
      %swap3A_185 = arith.constant 14 : i32
      %swap3A_186 = arith.index_cast %swap3A_185 : i32 to index
      %swap3A_187 = arith.index_cast %mul3A_184 : i32 to index
      %swap3A_188 = tpu.vector_load %arg11[%swap3A_186, %swap3A_187] {strides = array<i32>} : memref<17x64xi32, #tpu.memory_space<vmem>>, vector<16xi32>,
      tpu.vector_store %arg11[%swap3A_186, %swap3A_187], %broadcast_in_dim3A_182 {strides = array<i32>} : memref<17x64xi32, #tpu.memory_space<vmem>>, vector<16xi32>,
      %broadcast_in_dim3A_189 = arith.constant 0 : i32
      %broadcast_in_dim3A_190 = vector.broadcast %broadcast_in_dim3A_189 : i32 to vector<16xi32>
      %mul3A_191 = arith.constant 16 : i32
      %mul3A_192 = arith.muli %scan3A_68, %mul3A_191 : i32
      %swap3A_193 = arith.constant 15 : i32
      %swap3A_194 = arith.index_cast %swap3A_193 : i32 to index
      %swap3A_195 = arith.index_cast %mul3A_192 : i32 to index
      %swap3A_196 = tpu.vector_load %arg11[%swap3A_194, %swap3A_195] {strides = array<i32>} : memref<17x64xi32, #tpu.memory_space<vmem>>, vector<16xi32>,
      tpu.vector_store %arg11[%swap3A_194, %swap3A_195], %broadcast_in_dim3A_190 {strides = array<i32>} : memref<17x64xi32, #tpu.memory_space<vmem>>, vector<16xi32>,
      %broadcast_in_dim3A_197 = arith.constant 0 : i32
      %broadcast_in_dim3A_198 = vector.broadcast %broadcast_in_dim3A_197 : i32 to vector<16xi32>
      %mul3A_199 = arith.constant 16 : i32
      %mul3A_200 = arith.muli %scan3A_68, %mul3A_199 : i32
      %swap3A_201 = arith.constant 16 : i32
      %swap3A_202 = arith.index_cast %swap3A_201 : i32 to index
      %swap3A_203 = arith.index_cast %mul3A_200 : i32 to index
      %swap3A_204 = tpu.vector_load %arg11[%swap3A_202, %swap3A_203] {strides = array<i32>} : memref<17x64xi32, #tpu.memory_space<vmem>>, vector<16xi32>,
      tpu.vector_store %arg11[%swap3A_202, %swap3A_203], %broadcast_in_dim3A_198 {strides = array<i32>} : memref<17x64xi32, #tpu.memory_space<vmem>>, vector<16xi32>,
      %scan3A_205 = arith.constant 0 : i32
      scf.yield %scan3A_205 : i32
    }
    %scan3A_29 = arith.constant 4 : i32
    %barrier3A = arith.constant 0 : index
    tpu.barrier barrier_id(%barrier3A)
    %scan3A_30 = arith.constant 0 : i32
    %scan3A_31 = arith.constant 0 : i32
    %scan3A_32 = arith.constant 0 : i32
    %scan3A_33 = arith.constant 0 : i32
    %scan3A_34 = arith.constant 98 : i32
    %scan3A_35 = arith.addi %scan3A_33, %scan3A_34 : i32
    %scan3A_36 = arith.constant 1 : i32
    %scan3A_37 = scf.for %scan3A_68 = %scan3A_33 to %scan3A_35 step %scan3A_36 iter_args(%scan3A_69 = %scan3A_32) -> (i32)  : i32 {
      %mul3A_70 = arith.constant 1568 : i32
      %mul3A_71 = arith.muli %arg1, %mul3A_70 : i32
      %mul3A_72 = arith.constant 16 : i32
      %mul3A_73 = arith.muli %scan3A_68, %mul3A_72 : i32
      %add3A_74 = arith.addi %mul3A_71, %mul3A_73 : i32
      "tpu.region"() ({
        %run_scoped3A = tpu.sem_alloc : memref<!tpu.dma_semaphore, #tpu.memory_space<semaphore_mem>>
        %dma_start3A = arith.constant 0 : i32
        %dma_start3A_76 = tpu.memref_slice %arg20[%add3A_74, %dma_start3A] : memref<25088x64xf32, #tpu.memory_space<vmem_shared>> -> memref<16x64xf32, #tpu.memory_space<vmem_shared>>
        %dma_start3A_77 = arith.constant 0 : i32
        %dma_start3A_78 = tpu.memref_slice %arg20[%add3A_74, %dma_start3A_77] : memref<25088x64xf32, #tpu.memory_space<vmem_shared>> -> memref<16x64xf32, #tpu.memory_space<vmem_shared>>
        tpu.enqueue_dma source(%arg14 : memref<16x64xf32, #tpu.memory_space<vmem>>) target(%dma_start3A_78 : memref<16x64xf32, #tpu.memory_space<vmem_shared>>) target_semaphore(%run_scoped3A : memref<!tpu.dma_semaphore, #tpu.memory_space<semaphore_mem>>)
        %dma_wait3A = arith.constant 0 : i32
        %dma_wait3A_79 = tpu.memref_slice %arg20[%add3A_74, %dma_wait3A] : memref<25088x64xf32, #tpu.memory_space<vmem_shared>> -> memref<16x64xf32, #tpu.memory_space<vmem_shared>>
        %dma_wait3A_80 = arith.constant 0 : i32
        %dma_wait3A_81 = tpu.memref_slice %arg20[%add3A_74, %dma_wait3A_80] : memref<25088x64xf32, #tpu.memory_space<vmem_shared>> -> memref<16x64xf32, #tpu.memory_space<vmem_shared>>
        tpu.wait_dma2 semaphore(%run_scoped3A : memref<!tpu.dma_semaphore, #tpu.memory_space<semaphore_mem>>) src(%arg14 : memref<16x64xf32, #tpu.memory_space<vmem>>) dst(%dma_wait3A_81 : memref<16x64xf32, #tpu.memory_space<vmem_shared>>)
        tpu.yield
      }) : () -> ()
      %scan3A_75 = arith.constant 0 : i32
      scf.yield %scan3A_75 : i32
    }
    %scan3A_38 = arith.constant 98 : i32
    %mul3A = arith.constant 1568 : i32
    %mul3A_39 = arith.muli %arg1, %mul3A : i32
    "tpu.region"() ({
      %run_scoped3A = tpu.sem_alloc : memref<!tpu.dma_semaphore, #tpu.memory_space<semaphore_mem>>
      %dma_start3A = arith.constant 0 : i32
      %dma_start3A_68 = tpu.memref_slice %arg15[%dma_start3A] : memref<1568xf32, #tpu.memory_space<vmem>> -> memref<1568xf32, #tpu.memory_space<vmem>>
      %dma_start3A_69 = tpu.memref_slice %arg21[%mul3A_39] : memref<25088xf32, #tpu.memory_space<vmem_shared>> -> memref<1568xf32, #tpu.memory_space<vmem_shared>>
      %dma_start3A_70 = tpu.memref_slice %arg21[%mul3A_39] : memref<25088xf32, #tpu.memory_space<vmem_shared>> -> memref<1568xf32, #tpu.memory_space<vmem_shared>>
      %dma_start3A_71 = arith.constant 0 : i32
      %dma_start3A_72 = tpu.memref_slice %arg15[%dma_start3A_71] : memref<1568xf32, #tpu.memory_space<vmem>> -> memref<1568xf32, #tpu.memory_space<vmem>>
      tpu.enqueue_dma source(%dma_start3A_72 : memref<1568xf32, #tpu.memory_space<vmem>>) target(%dma_start3A_70 : memref<1568xf32, #tpu.memory_space<vmem_shared>>) target_semaphore(%run_scoped3A : memref<!tpu.dma_semaphore, #tpu.memory_space<semaphore_mem>>)
      %dma_wait3A = arith.constant 0 : i32
      %dma_wait3A_73 = tpu.memref_slice %arg15[%dma_wait3A] : memref<1568xf32, #tpu.memory_space<vmem>> -> memref<1568xf32, #tpu.memory_space<vmem>>
      %dma_wait3A_74 = tpu.memref_slice %arg21[%mul3A_39] : memref<25088xf32, #tpu.memory_space<vmem_shared>> -> memref<1568xf32, #tpu.memory_space<vmem_shared>>
      %dma_wait3A_75 = tpu.memref_slice %arg21[%mul3A_39] : memref<25088xf32, #tpu.memory_space<vmem_shared>> -> memref<1568xf32, #tpu.memory_space<vmem_shared>>
      %dma_wait3A_76 = arith.constant 0 : i32
      %dma_wait3A_77 = tpu.memref_slice %arg15[%dma_wait3A_76] : memref<1568xf32, #tpu.memory_space<vmem>> -> memref<1568xf32, #tpu.memory_space<vmem>>
      tpu.wait_dma2 semaphore(%run_scoped3A : memref<!tpu.dma_semaphore, #tpu.memory_space<semaphore_mem>>) src(%dma_wait3A_77 : memref<1568xf32, #tpu.memory_space<vmem>>) dst(%dma_wait3A_75 : memref<1568xf32, #tpu.memory_space<vmem_shared>>)
      tpu.yield
    }) : () -> ()
    %barrier3A_40 = arith.constant 0 : index
    tpu.barrier barrier_id(%barrier3A_40)
    %mul3A_41 = arith.constant 2 : i32
    %mul3A_42 = arith.muli %scan3A_31, %mul3A_41 : i32
    %add3A = arith.addi %mul3A_42, %arg0 : i32
    %mul3A_43 = arith.constant 25088 : i32
    %mul3A_44 = arith.muli %add3A, %mul3A_43 : i32
    %min3A = arith.constant 50000 : i32
    %min3A_45 = arith.minsi %mul3A_44, %min3A : i32
    %add3A_46 = arith.constant 25088 : i32
    %add3A_47 = arith.addi %mul3A_44, %add3A_46 : i32
    %min3A_48 = arith.constant 50000 : i32
    %min3A_49 = arith.minsi %add3A_47, %min3A_48 : i32
    %broadcast_in_dim3A = vector.broadcast %min3A_45 : i32 to vector<16xi32>
    %broadcast_in_dim3A_50 = vector.broadcast %min3A_49 : i32 to vector<16xi32>
    %lt3A = arith.cmpi slt, %min3A_45, %min3A_49 : i32
    %convert_element_type3A_51 = arith.extui %lt3A : i1 to i32
    %cond3A_52 = arith.constant 0 : i32
    %cond3A_53 = arith.cmpi ne, %convert_element_type3A_51, %cond3A_52 : i32
    scf.if %cond3A_53 {
      %scan3A_68 = arith.constant 0 : i32
      %scan3A_69 = arith.constant 0 : i32
      %scan3A_70 = arith.constant 50 : i32
      %scan3A_71 = arith.addi %scan3A_69, %scan3A_70 : i32
      %scan3A_72 = arith.constant 1 : i32
      %scan3A_73 = scf.for %scan3A_75 = %scan3A_69 to %scan3A_71 step %scan3A_72 iter_args(%scan3A_76 = %scan3A_68) -> (i32)  : i32 {
        %mul3A_77 = arith.constant 50 : i32
        %mul3A_78 = arith.muli %arg1, %mul3A_77 : i32
        %add3A_79 = arith.addi %mul3A_78, %scan3A_75 : i32
        "tpu.region"() ({
          %run_scoped3A = tpu.sem_alloc : memref<!tpu.dma_semaphore, #tpu.memory_space<semaphore_mem>>
          %dma_start3A_362 = arith.constant 0 : i32
          %dma_start3A_363 = arith.constant 0 : i32
          %dma_start3A_364 = tpu.memref_slice %arg4[%add3A_79, %dma_start3A_362, %dma_start3A_363] : memref<800x16x128xi32, #tpu.memory_space<hbm>> -> memref<1x16x128xi32, #tpu.memory_space<hbm>>
          %dma_start3A_365 = tpu.memref_squeeze %dma_start3A_364 : memref<1x16x128xi32, #tpu.memory_space<hbm>> -> memref<16x128xi32, #tpu.memory_space<hbm>>
          %dma_start3A_366 = arith.constant 0 : i32
          %dma_start3A_367 = arith.constant 0 : i32
          %dma_start3A_368 = tpu.memref_slice %arg4[%add3A_79, %dma_start3A_366, %dma_start3A_367] : memref<800x16x128xi32, #tpu.memory_space<hbm>> -> memref<1x16x128xi32, #tpu.memory_space<hbm>>
          %dma_start3A_369 = tpu.memref_squeeze %dma_start3A_368 : memref<1x16x128xi32, #tpu.memory_space<hbm>> -> memref<16x128xi32, #tpu.memory_space<hbm>>
          tpu.enqueue_dma source(%dma_start3A_369 : memref<16x128xi32, #tpu.memory_space<hbm>>) target(%arg7 : memref<16x128xi32, #tpu.memory_space<vmem>>) target_semaphore(%run_scoped3A : memref<!tpu.dma_semaphore, #tpu.memory_space<semaphore_mem>>)
          %dma_wait3A_370 = arith.constant 0 : i32
          %dma_wait3A_371 = arith.constant 0 : i32
          %dma_wait3A_372 = tpu.memref_slice %arg4[%add3A_79, %dma_wait3A_370, %dma_wait3A_371] : memref<800x16x128xi32, #tpu.memory_space<hbm>> -> memref<1x16x128xi32, #tpu.memory_space<hbm>>
          %dma_wait3A_373 = tpu.memref_squeeze %dma_wait3A_372 : memref<1x16x128xi32, #tpu.memory_space<hbm>> -> memref<16x128xi32, #tpu.memory_space<hbm>>
          %dma_wait3A_374 = arith.constant 0 : i32
          %dma_wait3A_375 = arith.constant 0 : i32
          %dma_wait3A_376 = tpu.memref_slice %arg4[%add3A_79, %dma_wait3A_374, %dma_wait3A_375] : memref<800x16x128xi32, #tpu.memory_space<hbm>> -> memref<1x16x128xi32, #tpu.memory_space<hbm>>
          %dma_wait3A_377 = tpu.memref_squeeze %dma_wait3A_376 : memref<1x16x128xi32, #tpu.memory_space<hbm>> -> memref<16x128xi32, #tpu.memory_space<hbm>>
          tpu.wait_dma2 semaphore(%run_scoped3A : memref<!tpu.dma_semaphore, #tpu.memory_space<semaphore_mem>>) src(%dma_wait3A_377 : memref<16x128xi32, #tpu.memory_space<hbm>>) dst(%arg7 : memref<16x128xi32, #tpu.memory_space<vmem>>)
          tpu.yield
        }) : () -> ()
        %dma_start3A = arith.constant 0 : i32
        %dma_start3A_80 = arith.constant 0 : i32
        %dma_start3A_81 = tpu.memref_slice %arg8[%dma_start3A_80] : memref<1024xf32, #tpu.memory_space<vmem>> -> memref<128xf32, #tpu.memory_space<vmem>>
        %dma_start3A_82 = arith.constant 0 : i32
        %dma_start3A_83 = tpu.memref_slice %arg7[%dma_start3A, %dma_start3A_82] : memref<16x128xi32, #tpu.memory_space<vmem>> -> memref<1x128xi32, #tpu.memory_space<vmem>>
        %dma_start3A_84 = tpu.memref_squeeze %dma_start3A_83 : memref<1x128xi32, #tpu.memory_space<vmem>> -> memref<128xi32, #tpu.memory_space<vmem>>
        %dma_start3A_85 = arith.constant 0 : i32
        %dma_start3A_86 = tpu.memref_slice %arg18[%dma_start3A_85] : memref<50176xf32, #tpu.memory_space<vmem_shared>> -> memref<50176xf32, #tpu.memory_space<vmem_shared>>
        tpu.enqueue_indirect_dma source(%dma_start3A_86 : memref<50176xf32, #tpu.memory_space<vmem_shared>>) target(%dma_start3A_81 : memref<128xf32, #tpu.memory_space<vmem>>) offsets(%dma_start3A_84 : memref<128xi32, #tpu.memory_space<vmem>>) semaphore(%arg22 : memref<!tpu.dma_semaphore, #tpu.memory_space<semaphore_mem>>)
        %dma_start3A_87 = arith.constant 8 : i32
        %dma_start3A_88 = arith.constant 0 : i32
        %dma_start3A_89 = tpu.memref_slice %arg9[%dma_start3A_88] : memref<1024xf32, #tpu.memory_space<vmem>> -> memref<128xf32, #tpu.memory_space<vmem>>
        %dma_start3A_90 = arith.constant 0 : i32
        %dma_start3A_91 = tpu.memref_slice %arg7[%dma_start3A_87, %dma_start3A_90] : memref<16x128xi32, #tpu.memory_space<vmem>> -> memref<1x128xi32, #tpu.memory_space<vmem>>
        %dma_start3A_92 = tpu.memref_squeeze %dma_start3A_91 : memref<1x128xi32, #tpu.memory_space<vmem>> -> memref<128xi32, #tpu.memory_space<vmem>>
        %dma_start3A_93 = arith.constant 0 : i32
        %dma_start3A_94 = tpu.memref_slice %arg19[%dma_start3A_93] : memref<50176xf32, #tpu.memory_space<vmem_shared>> -> memref<50176xf32, #tpu.memory_space<vmem_shared>>
        tpu.enqueue_indirect_dma source(%dma_start3A_94 : memref<50176xf32, #tpu.memory_space<vmem_shared>>) target(%dma_start3A_89 : memref<128xf32, #tpu.memory_space<vmem>>) offsets(%dma_start3A_92 : memref<128xi32, #tpu.memory_space<vmem>>) semaphore(%arg22 : memref<!tpu.dma_semaphore, #tpu.memory_space<semaphore_mem>>)
        %dma_start3A_95 = arith.constant 1 : i32
        %dma_start3A_96 = arith.constant 128 : i32
        %dma_start3A_97 = tpu.memref_slice %arg8[%dma_start3A_96] : memref<1024xf32, #tpu.memory_space<vmem>> -> memref<128xf32, #tpu.memory_space<vmem>>
        %dma_start3A_98 = arith.constant 0 : i32
        %dma_start3A_99 = tpu.memref_slice %arg7[%dma_start3A_95, %dma_start3A_98] : memref<16x128xi32, #tpu.memory_space<vmem>> -> memref<1x128xi32, #tpu.memory_space<vmem>>
        %dma_start3A_100 = tpu.memref_squeeze %dma_start3A_99 : memref<1x128xi32, #tpu.memory_space<vmem>> -> memref<128xi32, #tpu.memory_space<vmem>>
        %dma_start3A_101 = arith.constant 0 : i32
        %dma_start3A_102 = tpu.memref_slice %arg18[%dma_start3A_101] : memref<50176xf32, #tpu.memory_space<vmem_shared>> -> memref<50176xf32, #tpu.memory_space<vmem_shared>>
        tpu.enqueue_indirect_dma source(%dma_start3A_102 : memref<50176xf32, #tpu.memory_space<vmem_shared>>) target(%dma_start3A_97 : memref<128xf32, #tpu.memory_space<vmem>>) offsets(%dma_start3A_100 : memref<128xi32, #tpu.memory_space<vmem>>) semaphore(%arg22 : memref<!tpu.dma_semaphore, #tpu.memory_space<semaphore_mem>>)
        %dma_start3A_103 = arith.constant 9 : i32
        %dma_start3A_104 = arith.constant 128 : i32
        %dma_start3A_105 = tpu.memref_slice %arg9[%dma_start3A_104] : memref<1024xf32, #tpu.memory_space<vmem>> -> memref<128xf32, #tpu.memory_space<vmem>>
        %dma_start3A_106 = arith.constant 0 : i32
        %dma_start3A_107 = tpu.memref_slice %arg7[%dma_start3A_103, %dma_start3A_106] : memref<16x128xi32, #tpu.memory_space<vmem>> -> memref<1x128xi32, #tpu.memory_space<vmem>>
        %dma_start3A_108 = tpu.memref_squeeze %dma_start3A_107 : memref<1x128xi32, #tpu.memory_space<vmem>> -> memref<128xi32, #tpu.memory_space<vmem>>
        %dma_start3A_109 = arith.constant 0 : i32
        %dma_start3A_110 = tpu.memref_slice %arg19[%dma_start3A_109] : memref<50176xf32, #tpu.memory_space<vmem_shared>> -> memref<50176xf32, #tpu.memory_space<vmem_shared>>
        tpu.enqueue_indirect_dma source(%dma_start3A_110 : memref<50176xf32, #tpu.memory_space<vmem_shared>>) target(%dma_start3A_105 : memref<128xf32, #tpu.memory_space<vmem>>) offsets(%dma_start3A_108 : memref<128xi32, #tpu.memory_space<vmem>>) semaphore(%arg22 : memref<!tpu.dma_semaphore, #tpu.memory_space<semaphore_mem>>)
        %dma_start3A_111 = arith.constant 2 : i32
        %dma_start3A_112 = arith.constant 256 : i32
        %dma_start3A_113 = tpu.memref_slice %arg8[%dma_start3A_112] : memref<1024xf32, #tpu.memory_space<vmem>> -> memref<128xf32, #tpu.memory_space<vmem>>
        %dma_start3A_114 = arith.constant 0 : i32
        %dma_start3A_115 = tpu.memref_slice %arg7[%dma_start3A_111, %dma_start3A_114] : memref<16x128xi32, #tpu.memory_space<vmem>> -> memref<1x128xi32, #tpu.memory_space<vmem>>
        %dma_start3A_116 = tpu.memref_squeeze %dma_start3A_115 : memref<1x128xi32, #tpu.memory_space<vmem>> -> memref<128xi32, #tpu.memory_space<vmem>>
        %dma_start3A_117 = arith.constant 0 : i32
        %dma_start3A_118 = tpu.memref_slice %arg18[%dma_start3A_117] : memref<50176xf32, #tpu.memory_space<vmem_shared>> -> memref<50176xf32, #tpu.memory_space<vmem_shared>>
        tpu.enqueue_indirect_dma source(%dma_start3A_118 : memref<50176xf32, #tpu.memory_space<vmem_shared>>) target(%dma_start3A_113 : memref<128xf32, #tpu.memory_space<vmem>>) offsets(%dma_start3A_116 : memref<128xi32, #tpu.memory_space<vmem>>) semaphore(%arg22 : memref<!tpu.dma_semaphore, #tpu.memory_space<semaphore_mem>>)
        %dma_start3A_119 = arith.constant 10 : i32
        %dma_start3A_120 = arith.constant 256 : i32
        %dma_start3A_121 = tpu.memref_slice %arg9[%dma_start3A_120] : memref<1024xf32, #tpu.memory_space<vmem>> -> memref<128xf32, #tpu.memory_space<vmem>>
        %dma_start3A_122 = arith.constant 0 : i32
        %dma_start3A_123 = tpu.memref_slice %arg7[%dma_start3A_119, %dma_start3A_122] : memref<16x128xi32, #tpu.memory_space<vmem>> -> memref<1x128xi32, #tpu.memory_space<vmem>>
        %dma_start3A_124 = tpu.memref_squeeze %dma_start3A_123 : memref<1x128xi32, #tpu.memory_space<vmem>> -> memref<128xi32, #tpu.memory_space<vmem>>
        %dma_start3A_125 = arith.constant 0 : i32
        %dma_start3A_126 = tpu.memref_slice %arg19[%dma_start3A_125] : memref<50176xf32, #tpu.memory_space<vmem_shared>> -> memref<50176xf32, #tpu.memory_space<vmem_shared>>
        tpu.enqueue_indirect_dma source(%dma_start3A_126 : memref<50176xf32, #tpu.memory_space<vmem_shared>>) target(%dma_start3A_121 : memref<128xf32, #tpu.memory_space<vmem>>) offsets(%dma_start3A_124 : memref<128xi32, #tpu.memory_space<vmem>>) semaphore(%arg22 : memref<!tpu.dma_semaphore, #tpu.memory_space<semaphore_mem>>)
        %dma_start3A_127 = arith.constant 3 : i32
        %dma_start3A_128 = arith.constant 384 : i32
        %dma_start3A_129 = tpu.memref_slice %arg8[%dma_start3A_128] : memref<1024xf32, #tpu.memory_space<vmem>> -> memref<128xf32, #tpu.memory_space<vmem>>
        %dma_start3A_130 = arith.constant 0 : i32
        %dma_start3A_131 = tpu.memref_slice %arg7[%dma_start3A_127, %dma_start3A_130] : memref<16x128xi32, #tpu.memory_space<vmem>> -> memref<1x128xi32, #tpu.memory_space<vmem>>
        %dma_start3A_132 = tpu.memref_squeeze %dma_start3A_131 : memref<1x128xi32, #tpu.memory_space<vmem>> -> memref<128xi32, #tpu.memory_space<vmem>>
        %dma_start3A_133 = arith.constant 0 : i32
        %dma_start3A_134 = tpu.memref_slice %arg18[%dma_start3A_133] : memref<50176xf32, #tpu.memory_space<vmem_shared>> -> memref<50176xf32, #tpu.memory_space<vmem_shared>>
        tpu.enqueue_indirect_dma source(%dma_start3A_134 : memref<50176xf32, #tpu.memory_space<vmem_shared>>) target(%dma_start3A_129 : memref<128xf32, #tpu.memory_space<vmem>>) offsets(%dma_start3A_132 : memref<128xi32, #tpu.memory_space<vmem>>) semaphore(%arg22 : memref<!tpu.dma_semaphore, #tpu.memory_space<semaphore_mem>>)
        %dma_start3A_135 = arith.constant 11 : i32
        %dma_start3A_136 = arith.constant 384 : i32
        %dma_start3A_137 = tpu.memref_slice %arg9[%dma_start3A_136] : memref<1024xf32, #tpu.memory_space<vmem>> -> memref<128xf32, #tpu.memory_space<vmem>>
        %dma_start3A_138 = arith.constant 0 : i32
        %dma_start3A_139 = tpu.memref_slice %arg7[%dma_start3A_135, %dma_start3A_138] : memref<16x128xi32, #tpu.memory_space<vmem>> -> memref<1x128xi32, #tpu.memory_space<vmem>>
        %dma_start3A_140 = tpu.memref_squeeze %dma_start3A_139 : memref<1x128xi32, #tpu.memory_space<vmem>> -> memref<128xi32, #tpu.memory_space<vmem>>
        %dma_start3A_141 = arith.constant 0 : i32
        %dma_start3A_142 = tpu.memref_slice %arg19[%dma_start3A_141] : memref<50176xf32, #tpu.memory_space<vmem_shared>> -> memref<50176xf32, #tpu.memory_space<vmem_shared>>
        tpu.enqueue_indirect_dma source(%dma_start3A_142 : memref<50176xf32, #tpu.memory_space<vmem_shared>>) target(%dma_start3A_137 : memref<128xf32, #tpu.memory_space<vmem>>) offsets(%dma_start3A_140 : memref<128xi32, #tpu.memory_space<vmem>>) semaphore(%arg22 : memref<!tpu.dma_semaphore, #tpu.memory_space<semaphore_mem>>)
        %dma_start3A_143 = arith.constant 4 : i32
        %dma_start3A_144 = arith.constant 512 : i32
        %dma_start3A_145 = tpu.memref_slice %arg8[%dma_start3A_144] : memref<1024xf32, #tpu.memory_space<vmem>> -> memref<128xf32, #tpu.memory_space<vmem>>
        %dma_start3A_146 = arith.constant 0 : i32
        %dma_start3A_147 = tpu.memref_slice %arg7[%dma_start3A_143, %dma_start3A_146] : memref<16x128xi32, #tpu.memory_space<vmem>> -> memref<1x128xi32, #tpu.memory_space<vmem>>
        %dma_start3A_148 = tpu.memref_squeeze %dma_start3A_147 : memref<1x128xi32, #tpu.memory_space<vmem>> -> memref<128xi32, #tpu.memory_space<vmem>>
        %dma_start3A_149 = arith.constant 0 : i32
        %dma_start3A_150 = tpu.memref_slice %arg18[%dma_start3A_149] : memref<50176xf32, #tpu.memory_space<vmem_shared>> -> memref<50176xf32, #tpu.memory_space<vmem_shared>>
        tpu.enqueue_indirect_dma source(%dma_start3A_150 : memref<50176xf32, #tpu.memory_space<vmem_shared>>) target(%dma_start3A_145 : memref<128xf32, #tpu.memory_space<vmem>>) offsets(%dma_start3A_148 : memref<128xi32, #tpu.memory_space<vmem>>) semaphore(%arg22 : memref<!tpu.dma_semaphore, #tpu.memory_space<semaphore_mem>>)
        %dma_start3A_151 = arith.constant 12 : i32
        %dma_start3A_152 = arith.constant 512 : i32
        %dma_start3A_153 = tpu.memref_slice %arg9[%dma_start3A_152] : memref<1024xf32, #tpu.memory_space<vmem>> -> memref<128xf32, #tpu.memory_space<vmem>>
        %dma_start3A_154 = arith.constant 0 : i32
        %dma_start3A_155 = tpu.memref_slice %arg7[%dma_start3A_151, %dma_start3A_154] : memref<16x128xi32, #tpu.memory_space<vmem>> -> memref<1x128xi32, #tpu.memory_space<vmem>>
        %dma_start3A_156 = tpu.memref_squeeze %dma_start3A_155 : memref<1x128xi32, #tpu.memory_space<vmem>> -> memref<128xi32, #tpu.memory_space<vmem>>
        %dma_start3A_157 = arith.constant 0 : i32
        %dma_start3A_158 = tpu.memref_slice %arg19[%dma_start3A_157] : memref<50176xf32, #tpu.memory_space<vmem_shared>> -> memref<50176xf32, #tpu.memory_space<vmem_shared>>
        tpu.enqueue_indirect_dma source(%dma_start3A_158 : memref<50176xf32, #tpu.memory_space<vmem_shared>>) target(%dma_start3A_153 : memref<128xf32, #tpu.memory_space<vmem>>) offsets(%dma_start3A_156 : memref<128xi32, #tpu.memory_space<vmem>>) semaphore(%arg22 : memref<!tpu.dma_semaphore, #tpu.memory_space<semaphore_mem>>)
        %dma_start3A_159 = arith.constant 5 : i32
        %dma_start3A_160 = arith.constant 640 : i32
        %dma_start3A_161 = tpu.memref_slice %arg8[%dma_start3A_160] : memref<1024xf32, #tpu.memory_space<vmem>> -> memref<128xf32, #tpu.memory_space<vmem>>
        %dma_start3A_162 = arith.constant 0 : i32
        %dma_start3A_163 = tpu.memref_slice %arg7[%dma_start3A_159, %dma_start3A_162] : memref<16x128xi32, #tpu.memory_space<vmem>> -> memref<1x128xi32, #tpu.memory_space<vmem>>
        %dma_start3A_164 = tpu.memref_squeeze %dma_start3A_163 : memref<1x128xi32, #tpu.memory_space<vmem>> -> memref<128xi32, #tpu.memory_space<vmem>>
        %dma_start3A_165 = arith.constant 0 : i32
        %dma_start3A_166 = tpu.memref_slice %arg18[%dma_start3A_165] : memref<50176xf32, #tpu.memory_space<vmem_shared>> -> memref<50176xf32, #tpu.memory_space<vmem_shared>>
        tpu.enqueue_indirect_dma source(%dma_start3A_166 : memref<50176xf32, #tpu.memory_space<vmem_shared>>) target(%dma_start3A_161 : memref<128xf32, #tpu.memory_space<vmem>>) offsets(%dma_start3A_164 : memref<128xi32, #tpu.memory_space<vmem>>) semaphore(%arg22 : memref<!tpu.dma_semaphore, #tpu.memory_space<semaphore_mem>>)
        %dma_start3A_167 = arith.constant 13 : i32
        %dma_start3A_168 = arith.constant 640 : i32
        %dma_start3A_169 = tpu.memref_slice %arg9[%dma_start3A_168] : memref<1024xf32, #tpu.memory_space<vmem>> -> memref<128xf32, #tpu.memory_space<vmem>>
        %dma_start3A_170 = arith.constant 0 : i32
        %dma_start3A_171 = tpu.memref_slice %arg7[%dma_start3A_167, %dma_start3A_170] : memref<16x128xi32, #tpu.memory_space<vmem>> -> memref<1x128xi32, #tpu.memory_space<vmem>>
        %dma_start3A_172 = tpu.memref_squeeze %dma_start3A_171 : memref<1x128xi32, #tpu.memory_space<vmem>> -> memref<128xi32, #tpu.memory_space<vmem>>
        %dma_start3A_173 = arith.constant 0 : i32
        %dma_start3A_174 = tpu.memref_slice %arg19[%dma_start3A_173] : memref<50176xf32, #tpu.memory_space<vmem_shared>> -> memref<50176xf32, #tpu.memory_space<vmem_shared>>
        tpu.enqueue_indirect_dma source(%dma_start3A_174 : memref<50176xf32, #tpu.memory_space<vmem_shared>>) target(%dma_start3A_169 : memref<128xf32, #tpu.memory_space<vmem>>) offsets(%dma_start3A_172 : memref<128xi32, #tpu.memory_space<vmem>>) semaphore(%arg22 : memref<!tpu.dma_semaphore, #tpu.memory_space<semaphore_mem>>)
        %dma_start3A_175 = arith.constant 6 : i32
        %dma_start3A_176 = arith.constant 768 : i32
        %dma_start3A_177 = tpu.memref_slice %arg8[%dma_start3A_176] : memref<1024xf32, #tpu.memory_space<vmem>> -> memref<128xf32, #tpu.memory_space<vmem>>
        %dma_start3A_178 = arith.constant 0 : i32
        %dma_start3A_179 = tpu.memref_slice %arg7[%dma_start3A_175, %dma_start3A_178] : memref<16x128xi32, #tpu.memory_space<vmem>> -> memref<1x128xi32, #tpu.memory_space<vmem>>
        %dma_start3A_180 = tpu.memref_squeeze %dma_start3A_179 : memref<1x128xi32, #tpu.memory_space<vmem>> -> memref<128xi32, #tpu.memory_space<vmem>>
        %dma_start3A_181 = arith.constant 0 : i32
        %dma_start3A_182 = tpu.memref_slice %arg18[%dma_start3A_181] : memref<50176xf32, #tpu.memory_space<vmem_shared>> -> memref<50176xf32, #tpu.memory_space<vmem_shared>>
        tpu.enqueue_indirect_dma source(%dma_start3A_182 : memref<50176xf32, #tpu.memory_space<vmem_shared>>) target(%dma_start3A_177 : memref<128xf32, #tpu.memory_space<vmem>>) offsets(%dma_start3A_180 : memref<128xi32, #tpu.memory_space<vmem>>) semaphore(%arg22 : memref<!tpu.dma_semaphore, #tpu.memory_space<semaphore_mem>>)
        %dma_start3A_183 = arith.constant 14 : i32
        %dma_start3A_184 = arith.constant 768 : i32
        %dma_start3A_185 = tpu.memref_slice %arg9[%dma_start3A_184] : memref<1024xf32, #tpu.memory_space<vmem>> -> memref<128xf32, #tpu.memory_space<vmem>>
        %dma_start3A_186 = arith.constant 0 : i32
        %dma_start3A_187 = tpu.memref_slice %arg7[%dma_start3A_183, %dma_start3A_186] : memref<16x128xi32, #tpu.memory_space<vmem>> -> memref<1x128xi32, #tpu.memory_space<vmem>>
        %dma_start3A_188 = tpu.memref_squeeze %dma_start3A_187 : memref<1x128xi32, #tpu.memory_space<vmem>> -> memref<128xi32, #tpu.memory_space<vmem>>
        %dma_start3A_189 = arith.constant 0 : i32
        %dma_start3A_190 = tpu.memref_slice %arg19[%dma_start3A_189] : memref<50176xf32, #tpu.memory_space<vmem_shared>> -> memref<50176xf32, #tpu.memory_space<vmem_shared>>
        tpu.enqueue_indirect_dma source(%dma_start3A_190 : memref<50176xf32, #tpu.memory_space<vmem_shared>>) target(%dma_start3A_185 : memref<128xf32, #tpu.memory_space<vmem>>) offsets(%dma_start3A_188 : memref<128xi32, #tpu.memory_space<vmem>>) semaphore(%arg22 : memref<!tpu.dma_semaphore, #tpu.memory_space<semaphore_mem>>)
        %dma_start3A_191 = arith.constant 7 : i32
        %dma_start3A_192 = arith.constant 896 : i32
        %dma_start3A_193 = tpu.memref_slice %arg8[%dma_start3A_192] : memref<1024xf32, #tpu.memory_space<vmem>> -> memref<128xf32, #tpu.memory_space<vmem>>
        %dma_start3A_194 = arith.constant 0 : i32
        %dma_start3A_195 = tpu.memref_slice %arg7[%dma_start3A_191, %dma_start3A_194] : memref<16x128xi32, #tpu.memory_space<vmem>> -> memref<1x128xi32, #tpu.memory_space<vmem>>
        %dma_start3A_196 = tpu.memref_squeeze %dma_start3A_195 : memref<1x128xi32, #tpu.memory_space<vmem>> -> memref<128xi32, #tpu.memory_space<vmem>>
        %dma_start3A_197 = arith.constant 0 : i32
        %dma_start3A_198 = tpu.memref_slice %arg18[%dma_start3A_197] : memref<50176xf32, #tpu.memory_space<vmem_shared>> -> memref<50176xf32, #tpu.memory_space<vmem_shared>>
        tpu.enqueue_indirect_dma source(%dma_start3A_198 : memref<50176xf32, #tpu.memory_space<vmem_shared>>) target(%dma_start3A_193 : memref<128xf32, #tpu.memory_space<vmem>>) offsets(%dma_start3A_196 : memref<128xi32, #tpu.memory_space<vmem>>) semaphore(%arg22 : memref<!tpu.dma_semaphore, #tpu.memory_space<semaphore_mem>>)
        %dma_start3A_199 = arith.constant 15 : i32
        %dma_start3A_200 = arith.constant 896 : i32
        %dma_start3A_201 = tpu.memref_slice %arg9[%dma_start3A_200] : memref<1024xf32, #tpu.memory_space<vmem>> -> memref<128xf32, #tpu.memory_space<vmem>>
        %dma_start3A_202 = arith.constant 0 : i32
        %dma_start3A_203 = tpu.memref_slice %arg7[%dma_start3A_199, %dma_start3A_202] : memref<16x128xi32, #tpu.memory_space<vmem>> -> memref<1x128xi32, #tpu.memory_space<vmem>>
        %dma_start3A_204 = tpu.memref_squeeze %dma_start3A_203 : memref<1x128xi32, #tpu.memory_space<vmem>> -> memref<128xi32, #tpu.memory_space<vmem>>
        %dma_start3A_205 = arith.constant 0 : i32
        %dma_start3A_206 = tpu.memref_slice %arg19[%dma_start3A_205] : memref<50176xf32, #tpu.memory_space<vmem_shared>> -> memref<50176xf32, #tpu.memory_space<vmem_shared>>
        tpu.enqueue_indirect_dma source(%dma_start3A_206 : memref<50176xf32, #tpu.memory_space<vmem_shared>>) target(%dma_start3A_201 : memref<128xf32, #tpu.memory_space<vmem>>) offsets(%dma_start3A_204 : memref<128xi32, #tpu.memory_space<vmem>>) semaphore(%arg22 : memref<!tpu.dma_semaphore, #tpu.memory_space<semaphore_mem>>)
        %dma_wait3A = arith.constant 0 : i32
        %dma_wait3A_207 = arith.constant 0 : i32
        %dma_wait3A_208 = tpu.memref_slice %arg8[%dma_wait3A_207] : memref<1024xf32, #tpu.memory_space<vmem>> -> memref<128xf32, #tpu.memory_space<vmem>>
        %dma_wait3A_209 = arith.constant 0 : i32
        %dma_wait3A_210 = tpu.memref_slice %arg7[%dma_wait3A, %dma_wait3A_209] : memref<16x128xi32, #tpu.memory_space<vmem>> -> memref<1x128xi32, #tpu.memory_space<vmem>>
        %dma_wait3A_211 = tpu.memref_squeeze %dma_wait3A_210 : memref<1x128xi32, #tpu.memory_space<vmem>> -> memref<128xi32, #tpu.memory_space<vmem>>
        %dma_wait3A_212 = arith.constant 0 : i32
        %dma_wait3A_213 = tpu.memref_slice %arg18[%dma_wait3A_212] : memref<50176xf32, #tpu.memory_space<vmem_shared>> -> memref<50176xf32, #tpu.memory_space<vmem_shared>>
        tpu.wait_indirect_dma semaphore(%arg22 : memref<!tpu.dma_semaphore, #tpu.memory_space<semaphore_mem>>) src(%dma_wait3A_213 : memref<50176xf32, #tpu.memory_space<vmem_shared>>) dst(%dma_wait3A_208 : memref<128xf32, #tpu.memory_space<vmem>>)
        %dma_wait3A_214 = arith.constant 8 : i32
        %dma_wait3A_215 = arith.constant 0 : i32
        %dma_wait3A_216 = tpu.memref_slice %arg9[%dma_wait3A_215] : memref<1024xf32, #tpu.memory_space<vmem>> -> memref<128xf32, #tpu.memory_space<vmem>>
        %dma_wait3A_217 = arith.constant 0 : i32
        %dma_wait3A_218 = tpu.memref_slice %arg7[%dma_wait3A_214, %dma_wait3A_217] : memref<16x128xi32, #tpu.memory_space<vmem>> -> memref<1x128xi32, #tpu.memory_space<vmem>>
        %dma_wait3A_219 = tpu.memref_squeeze %dma_wait3A_218 : memref<1x128xi32, #tpu.memory_space<vmem>> -> memref<128xi32, #tpu.memory_space<vmem>>
        %dma_wait3A_220 = arith.constant 0 : i32
        %dma_wait3A_221 = tpu.memref_slice %arg19[%dma_wait3A_220] : memref<50176xf32, #tpu.memory_space<vmem_shared>> -> memref<50176xf32, #tpu.memory_space<vmem_shared>>
        tpu.wait_indirect_dma semaphore(%arg22 : memref<!tpu.dma_semaphore, #tpu.memory_space<semaphore_mem>>) src(%dma_wait3A_221 : memref<50176xf32, #tpu.memory_space<vmem_shared>>) dst(%dma_wait3A_216 : memref<128xf32, #tpu.memory_space<vmem>>)
        %dma_wait3A_222 = arith.constant 1 : i32
        %dma_wait3A_223 = arith.constant 128 : i32
        %dma_wait3A_224 = tpu.memref_slice %arg8[%dma_wait3A_223] : memref<1024xf32, #tpu.memory_space<vmem>> -> memref<128xf32, #tpu.memory_space<vmem>>
        %dma_wait3A_225 = arith.constant 0 : i32
        %dma_wait3A_226 = tpu.memref_slice %arg7[%dma_wait3A_222, %dma_wait3A_225] : memref<16x128xi32, #tpu.memory_space<vmem>> -> memref<1x128xi32, #tpu.memory_space<vmem>>
        %dma_wait3A_227 = tpu.memref_squeeze %dma_wait3A_226 : memref<1x128xi32, #tpu.memory_space<vmem>> -> memref<128xi32, #tpu.memory_space<vmem>>
        %dma_wait3A_228 = arith.constant 0 : i32
        %dma_wait3A_229 = tpu.memref_slice %arg18[%dma_wait3A_228] : memref<50176xf32, #tpu.memory_space<vmem_shared>> -> memref<50176xf32, #tpu.memory_space<vmem_shared>>
        tpu.wait_indirect_dma semaphore(%arg22 : memref<!tpu.dma_semaphore, #tpu.memory_space<semaphore_mem>>) src(%dma_wait3A_229 : memref<50176xf32, #tpu.memory_space<vmem_shared>>) dst(%dma_wait3A_224 : memref<128xf32, #tpu.memory_space<vmem>>)
        %dma_wait3A_230 = arith.constant 9 : i32
        %dma_wait3A_231 = arith.constant 128 : i32
        %dma_wait3A_232 = tpu.memref_slice %arg9[%dma_wait3A_231] : memref<1024xf32, #tpu.memory_space<vmem>> -> memref<128xf32, #tpu.memory_space<vmem>>
        %dma_wait3A_233 = arith.constant 0 : i32
        %dma_wait3A_234 = tpu.memref_slice %arg7[%dma_wait3A_230, %dma_wait3A_233] : memref<16x128xi32, #tpu.memory_space<vmem>> -> memref<1x128xi32, #tpu.memory_space<vmem>>
        %dma_wait3A_235 = tpu.memref_squeeze %dma_wait3A_234 : memref<1x128xi32, #tpu.memory_space<vmem>> -> memref<128xi32, #tpu.memory_space<vmem>>
        %dma_wait3A_236 = arith.constant 0 : i32
        %dma_wait3A_237 = tpu.memref_slice %arg19[%dma_wait3A_236] : memref<50176xf32, #tpu.memory_space<vmem_shared>> -> memref<50176xf32, #tpu.memory_space<vmem_shared>>
        tpu.wait_indirect_dma semaphore(%arg22 : memref<!tpu.dma_semaphore, #tpu.memory_space<semaphore_mem>>) src(%dma_wait3A_237 : memref<50176xf32, #tpu.memory_space<vmem_shared>>) dst(%dma_wait3A_232 : memref<128xf32, #tpu.memory_space<vmem>>)
        %dma_wait3A_238 = arith.constant 2 : i32
        %dma_wait3A_239 = arith.constant 256 : i32
        %dma_wait3A_240 = tpu.memref_slice %arg8[%dma_wait3A_239] : memref<1024xf32, #tpu.memory_space<vmem>> -> memref<128xf32, #tpu.memory_space<vmem>>
        %dma_wait3A_241 = arith.constant 0 : i32
        %dma_wait3A_242 = tpu.memref_slice %arg7[%dma_wait3A_238, %dma_wait3A_241] : memref<16x128xi32, #tpu.memory_space<vmem>> -> memref<1x128xi32, #tpu.memory_space<vmem>>
        %dma_wait3A_243 = tpu.memref_squeeze %dma_wait3A_242 : memref<1x128xi32, #tpu.memory_space<vmem>> -> memref<128xi32, #tpu.memory_space<vmem>>
        %dma_wait3A_244 = arith.constant 0 : i32
        %dma_wait3A_245 = tpu.memref_slice %arg18[%dma_wait3A_244] : memref<50176xf32, #tpu.memory_space<vmem_shared>> -> memref<50176xf32, #tpu.memory_space<vmem_shared>>
        tpu.wait_indirect_dma semaphore(%arg22 : memref<!tpu.dma_semaphore, #tpu.memory_space<semaphore_mem>>) src(%dma_wait3A_245 : memref<50176xf32, #tpu.memory_space<vmem_shared>>) dst(%dma_wait3A_240 : memref<128xf32, #tpu.memory_space<vmem>>)
        %dma_wait3A_246 = arith.constant 10 : i32
        %dma_wait3A_247 = arith.constant 256 : i32
        %dma_wait3A_248 = tpu.memref_slice %arg9[%dma_wait3A_247] : memref<1024xf32, #tpu.memory_space<vmem>> -> memref<128xf32, #tpu.memory_space<vmem>>
        %dma_wait3A_249 = arith.constant 0 : i32
        %dma_wait3A_250 = tpu.memref_slice %arg7[%dma_wait3A_246, %dma_wait3A_249] : memref<16x128xi32, #tpu.memory_space<vmem>> -> memref<1x128xi32, #tpu.memory_space<vmem>>
        %dma_wait3A_251 = tpu.memref_squeeze %dma_wait3A_250 : memref<1x128xi32, #tpu.memory_space<vmem>> -> memref<128xi32, #tpu.memory_space<vmem>>
        %dma_wait3A_252 = arith.constant 0 : i32
        %dma_wait3A_253 = tpu.memref_slice %arg19[%dma_wait3A_252] : memref<50176xf32, #tpu.memory_space<vmem_shared>> -> memref<50176xf32, #tpu.memory_space<vmem_shared>>
        tpu.wait_indirect_dma semaphore(%arg22 : memref<!tpu.dma_semaphore, #tpu.memory_space<semaphore_mem>>) src(%dma_wait3A_253 : memref<50176xf32, #tpu.memory_space<vmem_shared>>) dst(%dma_wait3A_248 : memref<128xf32, #tpu.memory_space<vmem>>)
        %dma_wait3A_254 = arith.constant 3 : i32
        %dma_wait3A_255 = arith.constant 384 : i32
        %dma_wait3A_256 = tpu.memref_slice %arg8[%dma_wait3A_255] : memref<1024xf32, #tpu.memory_space<vmem>> -> memref<128xf32, #tpu.memory_space<vmem>>
        %dma_wait3A_257 = arith.constant 0 : i32
        %dma_wait3A_258 = tpu.memref_slice %arg7[%dma_wait3A_254, %dma_wait3A_257] : memref<16x128xi32, #tpu.memory_space<vmem>> -> memref<1x128xi32, #tpu.memory_space<vmem>>
        %dma_wait3A_259 = tpu.memref_squeeze %dma_wait3A_258 : memref<1x128xi32, #tpu.memory_space<vmem>> -> memref<128xi32, #tpu.memory_space<vmem>>
        %dma_wait3A_260 = arith.constant 0 : i32
        %dma_wait3A_261 = tpu.memref_slice %arg18[%dma_wait3A_260] : memref<50176xf32, #tpu.memory_space<vmem_shared>> -> memref<50176xf32, #tpu.memory_space<vmem_shared>>
        tpu.wait_indirect_dma semaphore(%arg22 : memref<!tpu.dma_semaphore, #tpu.memory_space<semaphore_mem>>) src(%dma_wait3A_261 : memref<50176xf32, #tpu.memory_space<vmem_shared>>) dst(%dma_wait3A_256 : memref<128xf32, #tpu.memory_space<vmem>>)
        %dma_wait3A_262 = arith.constant 11 : i32
        %dma_wait3A_263 = arith.constant 384 : i32
        %dma_wait3A_264 = tpu.memref_slice %arg9[%dma_wait3A_263] : memref<1024xf32, #tpu.memory_space<vmem>> -> memref<128xf32, #tpu.memory_space<vmem>>
        %dma_wait3A_265 = arith.constant 0 : i32
        %dma_wait3A_266 = tpu.memref_slice %arg7[%dma_wait3A_262, %dma_wait3A_265] : memref<16x128xi32, #tpu.memory_space<vmem>> -> memref<1x128xi32, #tpu.memory_space<vmem>>
        %dma_wait3A_267 = tpu.memref_squeeze %dma_wait3A_266 : memref<1x128xi32, #tpu.memory_space<vmem>> -> memref<128xi32, #tpu.memory_space<vmem>>
        %dma_wait3A_268 = arith.constant 0 : i32
        %dma_wait3A_269 = tpu.memref_slice %arg19[%dma_wait3A_268] : memref<50176xf32, #tpu.memory_space<vmem_shared>> -> memref<50176xf32, #tpu.memory_space<vmem_shared>>
        tpu.wait_indirect_dma semaphore(%arg22 : memref<!tpu.dma_semaphore, #tpu.memory_space<semaphore_mem>>) src(%dma_wait3A_269 : memref<50176xf32, #tpu.memory_space<vmem_shared>>) dst(%dma_wait3A_264 : memref<128xf32, #tpu.memory_space<vmem>>)
        %dma_wait3A_270 = arith.constant 4 : i32
        %dma_wait3A_271 = arith.constant 512 : i32
        %dma_wait3A_272 = tpu.memref_slice %arg8[%dma_wait3A_271] : memref<1024xf32, #tpu.memory_space<vmem>> -> memref<128xf32, #tpu.memory_space<vmem>>
        %dma_wait3A_273 = arith.constant 0 : i32
        %dma_wait3A_274 = tpu.memref_slice %arg7[%dma_wait3A_270, %dma_wait3A_273] : memref<16x128xi32, #tpu.memory_space<vmem>> -> memref<1x128xi32, #tpu.memory_space<vmem>>
        %dma_wait3A_275 = tpu.memref_squeeze %dma_wait3A_274 : memref<1x128xi32, #tpu.memory_space<vmem>> -> memref<128xi32, #tpu.memory_space<vmem>>
        %dma_wait3A_276 = arith.constant 0 : i32
        %dma_wait3A_277 = tpu.memref_slice %arg18[%dma_wait3A_276] : memref<50176xf32, #tpu.memory_space<vmem_shared>> -> memref<50176xf32, #tpu.memory_space<vmem_shared>>
        tpu.wait_indirect_dma semaphore(%arg22 : memref<!tpu.dma_semaphore, #tpu.memory_space<semaphore_mem>>) src(%dma_wait3A_277 : memref<50176xf32, #tpu.memory_space<vmem_shared>>) dst(%dma_wait3A_272 : memref<128xf32, #tpu.memory_space<vmem>>)
        %dma_wait3A_278 = arith.constant 12 : i32
        %dma_wait3A_279 = arith.constant 512 : i32
        %dma_wait3A_280 = tpu.memref_slice %arg9[%dma_wait3A_279] : memref<1024xf32, #tpu.memory_space<vmem>> -> memref<128xf32, #tpu.memory_space<vmem>>
        %dma_wait3A_281 = arith.constant 0 : i32
        %dma_wait3A_282 = tpu.memref_slice %arg7[%dma_wait3A_278, %dma_wait3A_281] : memref<16x128xi32, #tpu.memory_space<vmem>> -> memref<1x128xi32, #tpu.memory_space<vmem>>
        %dma_wait3A_283 = tpu.memref_squeeze %dma_wait3A_282 : memref<1x128xi32, #tpu.memory_space<vmem>> -> memref<128xi32, #tpu.memory_space<vmem>>
        %dma_wait3A_284 = arith.constant 0 : i32
        %dma_wait3A_285 = tpu.memref_slice %arg19[%dma_wait3A_284] : memref<50176xf32, #tpu.memory_space<vmem_shared>> -> memref<50176xf32, #tpu.memory_space<vmem_shared>>
        tpu.wait_indirect_dma semaphore(%arg22 : memref<!tpu.dma_semaphore, #tpu.memory_space<semaphore_mem>>) src(%dma_wait3A_285 : memref<50176xf32, #tpu.memory_space<vmem_shared>>) dst(%dma_wait3A_280 : memref<128xf32, #tpu.memory_space<vmem>>)
        %dma_wait3A_286 = arith.constant 5 : i32
        %dma_wait3A_287 = arith.constant 640 : i32
        %dma_wait3A_288 = tpu.memref_slice %arg8[%dma_wait3A_287] : memref<1024xf32, #tpu.memory_space<vmem>> -> memref<128xf32, #tpu.memory_space<vmem>>
        %dma_wait3A_289 = arith.constant 0 : i32
        %dma_wait3A_290 = tpu.memref_slice %arg7[%dma_wait3A_286, %dma_wait3A_289] : memref<16x128xi32, #tpu.memory_space<vmem>> -> memref<1x128xi32, #tpu.memory_space<vmem>>
        %dma_wait3A_291 = tpu.memref_squeeze %dma_wait3A_290 : memref<1x128xi32, #tpu.memory_space<vmem>> -> memref<128xi32, #tpu.memory_space<vmem>>
        %dma_wait3A_292 = arith.constant 0 : i32
        %dma_wait3A_293 = tpu.memref_slice %arg18[%dma_wait3A_292] : memref<50176xf32, #tpu.memory_space<vmem_shared>> -> memref<50176xf32, #tpu.memory_space<vmem_shared>>
        tpu.wait_indirect_dma semaphore(%arg22 : memref<!tpu.dma_semaphore, #tpu.memory_space<semaphore_mem>>) src(%dma_wait3A_293 : memref<50176xf32, #tpu.memory_space<vmem_shared>>) dst(%dma_wait3A_288 : memref<128xf32, #tpu.memory_space<vmem>>)
        %dma_wait3A_294 = arith.constant 13 : i32
        %dma_wait3A_295 = arith.constant 640 : i32
        %dma_wait3A_296 = tpu.memref_slice %arg9[%dma_wait3A_295] : memref<1024xf32, #tpu.memory_space<vmem>> -> memref<128xf32, #tpu.memory_space<vmem>>
        %dma_wait3A_297 = arith.constant 0 : i32
        %dma_wait3A_298 = tpu.memref_slice %arg7[%dma_wait3A_294, %dma_wait3A_297] : memref<16x128xi32, #tpu.memory_space<vmem>> -> memref<1x128xi32, #tpu.memory_space<vmem>>
        %dma_wait3A_299 = tpu.memref_squeeze %dma_wait3A_298 : memref<1x128xi32, #tpu.memory_space<vmem>> -> memref<128xi32, #tpu.memory_space<vmem>>
        %dma_wait3A_300 = arith.constant 0 : i32
        %dma_wait3A_301 = tpu.memref_slice %arg19[%dma_wait3A_300] : memref<50176xf32, #tpu.memory_space<vmem_shared>> -> memref<50176xf32, #tpu.memory_space<vmem_shared>>
        tpu.wait_indirect_dma semaphore(%arg22 : memref<!tpu.dma_semaphore, #tpu.memory_space<semaphore_mem>>) src(%dma_wait3A_301 : memref<50176xf32, #tpu.memory_space<vmem_shared>>) dst(%dma_wait3A_296 : memref<128xf32, #tpu.memory_space<vmem>>)
        %dma_wait3A_302 = arith.constant 6 : i32
        %dma_wait3A_303 = arith.constant 768 : i32
        %dma_wait3A_304 = tpu.memref_slice %arg8[%dma_wait3A_303] : memref<1024xf32, #tpu.memory_space<vmem>> -> memref<128xf32, #tpu.memory_space<vmem>>
        %dma_wait3A_305 = arith.constant 0 : i32
        %dma_wait3A_306 = tpu.memref_slice %arg7[%dma_wait3A_302, %dma_wait3A_305] : memref<16x128xi32, #tpu.memory_space<vmem>> -> memref<1x128xi32, #tpu.memory_space<vmem>>
        %dma_wait3A_307 = tpu.memref_squeeze %dma_wait3A_306 : memref<1x128xi32, #tpu.memory_space<vmem>> -> memref<128xi32, #tpu.memory_space<vmem>>
        %dma_wait3A_308 = arith.constant 0 : i32
        %dma_wait3A_309 = tpu.memref_slice %arg18[%dma_wait3A_308] : memref<50176xf32, #tpu.memory_space<vmem_shared>> -> memref<50176xf32, #tpu.memory_space<vmem_shared>>
        tpu.wait_indirect_dma semaphore(%arg22 : memref<!tpu.dma_semaphore, #tpu.memory_space<semaphore_mem>>) src(%dma_wait3A_309 : memref<50176xf32, #tpu.memory_space<vmem_shared>>) dst(%dma_wait3A_304 : memref<128xf32, #tpu.memory_space<vmem>>)
        %dma_wait3A_310 = arith.constant 14 : i32
        %dma_wait3A_311 = arith.constant 768 : i32
        %dma_wait3A_312 = tpu.memref_slice %arg9[%dma_wait3A_311] : memref<1024xf32, #tpu.memory_space<vmem>> -> memref<128xf32, #tpu.memory_space<vmem>>
        %dma_wait3A_313 = arith.constant 0 : i32
        %dma_wait3A_314 = tpu.memref_slice %arg7[%dma_wait3A_310, %dma_wait3A_313] : memref<16x128xi32, #tpu.memory_space<vmem>> -> memref<1x128xi32, #tpu.memory_space<vmem>>
        %dma_wait3A_315 = tpu.memref_squeeze %dma_wait3A_314 : memref<1x128xi32, #tpu.memory_space<vmem>> -> memref<128xi32, #tpu.memory_space<vmem>>
        %dma_wait3A_316 = arith.constant 0 : i32
        %dma_wait3A_317 = tpu.memref_slice %arg19[%dma_wait3A_316] : memref<50176xf32, #tpu.memory_space<vmem_shared>> -> memref<50176xf32, #tpu.memory_space<vmem_shared>>
        tpu.wait_indirect_dma semaphore(%arg22 : memref<!tpu.dma_semaphore, #tpu.memory_space<semaphore_mem>>) src(%dma_wait3A_317 : memref<50176xf32, #tpu.memory_space<vmem_shared>>) dst(%dma_wait3A_312 : memref<128xf32, #tpu.memory_space<vmem>>)
        %dma_wait3A_318 = arith.constant 7 : i32
        %dma_wait3A_319 = arith.constant 896 : i32
        %dma_wait3A_320 = tpu.memref_slice %arg8[%dma_wait3A_319] : memref<1024xf32, #tpu.memory_space<vmem>> -> memref<128xf32, #tpu.memory_space<vmem>>
        %dma_wait3A_321 = arith.constant 0 : i32
        %dma_wait3A_322 = tpu.memref_slice %arg7[%dma_wait3A_318, %dma_wait3A_321] : memref<16x128xi32, #tpu.memory_space<vmem>> -> memref<1x128xi32, #tpu.memory_space<vmem>>
        %dma_wait3A_323 = tpu.memref_squeeze %dma_wait3A_322 : memref<1x128xi32, #tpu.memory_space<vmem>> -> memref<128xi32, #tpu.memory_space<vmem>>
        %dma_wait3A_324 = arith.constant 0 : i32
        %dma_wait3A_325 = tpu.memref_slice %arg18[%dma_wait3A_324] : memref<50176xf32, #tpu.memory_space<vmem_shared>> -> memref<50176xf32, #tpu.memory_space<vmem_shared>>
        tpu.wait_indirect_dma semaphore(%arg22 : memref<!tpu.dma_semaphore, #tpu.memory_space<semaphore_mem>>) src(%dma_wait3A_325 : memref<50176xf32, #tpu.memory_space<vmem_shared>>) dst(%dma_wait3A_320 : memref<128xf32, #tpu.memory_space<vmem>>)
        %dma_wait3A_326 = arith.constant 15 : i32
        %dma_wait3A_327 = arith.constant 896 : i32
        %dma_wait3A_328 = tpu.memref_slice %arg9[%dma_wait3A_327] : memref<1024xf32, #tpu.memory_space<vmem>> -> memref<128xf32, #tpu.memory_space<vmem>>
        %dma_wait3A_329 = arith.constant 0 : i32
        %dma_wait3A_330 = tpu.memref_slice %arg7[%dma_wait3A_326, %dma_wait3A_329] : memref<16x128xi32, #tpu.memory_space<vmem>> -> memref<1x128xi32, #tpu.memory_space<vmem>>
        %dma_wait3A_331 = tpu.memref_squeeze %dma_wait3A_330 : memref<1x128xi32, #tpu.memory_space<vmem>> -> memref<128xi32, #tpu.memory_space<vmem>>
        %dma_wait3A_332 = arith.constant 0 : i32
        %dma_wait3A_333 = tpu.memref_slice %arg19[%dma_wait3A_332] : memref<50176xf32, #tpu.memory_space<vmem_shared>> -> memref<50176xf32, #tpu.memory_space<vmem_shared>>
        tpu.wait_indirect_dma semaphore(%arg22 : memref<!tpu.dma_semaphore, #tpu.memory_space<semaphore_mem>>) src(%dma_wait3A_333 : memref<50176xf32, #tpu.memory_space<vmem_shared>>) dst(%dma_wait3A_328 : memref<128xf32, #tpu.memory_space<vmem>>)
        %scan3A_334 = arith.constant 0 : i32
        %scan3A_335 = arith.constant 0 : i32
        %scan3A_336 = arith.constant 64 : i32
        %scan3A_337 = arith.addi %scan3A_335, %scan3A_336 : i32
        %scan3A_338 = arith.constant 1 : i32
        scf.for %scan3A_362 = %scan3A_335 to %scan3A_337 step %scan3A_338  : i32 {
          %broadcast_in_dim3A_363 = arith.constant 0.000000e+00 : f32
          %broadcast_in_dim3A_364 = vector.broadcast %broadcast_in_dim3A_363 : f32 to vector<16xf32>
          %mul3A_365 = arith.constant 16 : i32
          %mul3A_366 = arith.muli %scan3A_362, %mul3A_365 : i32
          %swap3A = arith.index_cast %mul3A_366 : i32 to index
          %swap3A_367 = tpu.vector_load %arg12[%swap3A] {strides = array<i32>} : memref<1040xf32, #tpu.memory_space<vmem>>, vector<16xf32>,
          tpu.vector_store %arg12[%swap3A], %broadcast_in_dim3A_364 {strides = array<i32>} : memref<1040xf32, #tpu.memory_space<vmem>>, vector<16xf32>,
        }
        %scan3A_339 = arith.constant 64 : i32
        %broadcast_in_dim3A_340 = arith.constant 0 : i32
        %broadcast_in_dim3A_341 = vector.broadcast %broadcast_in_dim3A_340 : i32 to vector<16xi32>
        %scan3A_342 = arith.constant 0 : i32
        %scan3A_343 = arith.constant 64 : i32
        %scan3A_344 = arith.addi %scan3A_342, %scan3A_343 : i32
        %scan3A_345 = arith.constant 1 : i32
        %scan3A_346 = scf.for %scan3A_362 = %scan3A_342 to %scan3A_344 step %scan3A_345 iter_args(%scan3A_363 = %broadcast_in_dim3A_341) -> (vector<16xi32>)  : i32 {
          %div3A = arith.constant 8 : i32
          %div3A_364 = arith.divsi %scan3A_362, %div3A : i32
          %add3A_365 = arith.constant 8 : i32
          %add3A_366 = arith.addi %div3A_364, %add3A_365 : i32
          %rem3A = arith.constant 8 : i32
          %rem3A_367 = arith.remsi %scan3A_362, %rem3A : i32
          %mul3A_368 = arith.constant 16 : i32
          %mul3A_369 = arith.muli %rem3A_367, %mul3A_368 : i32
          %get3A_370 = arith.index_cast %add3A_366 : i32 to index
          %get3A_371 = arith.index_cast %mul3A_369 : i32 to index
          %get3A_372 = tpu.vector_load %arg7[%get3A_370, %get3A_371] {strides = array<i32>} : memref<16x128xi32, #tpu.memory_space<vmem>>, vector<16xi32>,
          %div3A_373 = arith.constant 8 : i32
          %div3A_374 = arith.divsi %scan3A_362, %div3A_373 : i32
          %rem3A_375 = arith.constant 8 : i32
          %rem3A_376 = arith.remsi %scan3A_362, %rem3A_375 : i32
          %mul3A_377 = arith.constant 16 : i32
          %mul3A_378 = arith.muli %rem3A_376, %mul3A_377 : i32
          %get3A_379 = arith.index_cast %div3A_374 : i32 to index
          %get3A_380 = arith.index_cast %mul3A_378 : i32 to index
          %get3A_381 = tpu.vector_load %arg7[%get3A_379, %get3A_380] {strides = array<i32>} : memref<16x128xi32, #tpu.memory_space<vmem>>, vector<16xi32>,
          %mul3A_382 = arith.constant 16 : i32
          %mul3A_383 = arith.muli %scan3A_362, %mul3A_382 : i32
          %get3A_384 = arith.index_cast %mul3A_383 : i32 to index
          %get3A_385 = tpu.vector_load %arg8[%get3A_384] {strides = array<i32>} : memref<1024xf32, #tpu.memory_space<vmem>>, vector<16xf32>,
          %mul3A_386 = arith.constant 16 : i32
          %mul3A_387 = arith.muli %scan3A_362, %mul3A_386 : i32
          %get3A_388 = arith.index_cast %mul3A_387 : i32 to index
          %get3A_389 = tpu.vector_load %arg9[%get3A_388] {strides = array<i32>} : memref<1024xf32, #tpu.memory_space<vmem>>, vector<16xf32>,
          %add3A_390 = arith.addf %get3A_385, %get3A_389 : vector<16xf32>
          %mul3A_391 = arith.constant 2.000000e-01 : f32
          %mul3A_392 = vector.broadcast %mul3A_391 : f32 to vector<16xf32>
          %mul3A_393 = arith.mulf %mul3A_392, %add3A_390 : vector<16xf32>
          %max3A = arith.maximumf %add3A_390, %mul3A_393 : vector<16xf32>
          %sub3A = arith.subf %max3A, %get3A_2 : vector<16xf32>
          %exp3A = math.exp %sub3A : vector<16xf32>
          %ge3A = arith.cmpi sge, %get3A_372, %broadcast_in_dim3A : vector<16xi32>
          %lt3A_394 = arith.cmpi slt, %get3A_372, %broadcast_in_dim3A_50 : vector<16xi32>
          %and3A = arith.andi %ge3A, %lt3A_394 : vector<16xi1>
          %convert_element_type3A_395 = arith.extui %and3A : vector<16xi1> to vector<16xi32>
          %broadcast_in_dim3A_396 = arith.constant true
          %broadcast_in_dim3A_397 = vector.broadcast %broadcast_in_dim3A_396 : i1 to vector<16xi1>
          %masked_cumsum3A = tpu.scan <sum>, %convert_element_type3A_395 masked %broadcast_in_dim3A_397 : vector<16xi32>, vector<16xi1> -> vector<16xi32>
          %iota3A = tpu.iota {dimensions = array<i32: 0>} : vector<16xi32>
          %add3A_398 = arith.addi %scan3A_363, %masked_cumsum3A : vector<16xi32>
          %sub3A_399 = arith.constant 1 : i32
          %sub3A_400 = vector.broadcast %sub3A_399 : i32 to vector<16xi32>
          %sub3A_401 = arith.subi %add3A_398, %sub3A_400 : vector<16xi32>
          %add3A_402 = arith.constant 1024 : i32
          %add3A_403 = vector.broadcast %add3A_402 : i32 to vector<16xi32>
          %add3A_404 = arith.addi %add3A_403, %iota3A : vector<16xi32>
          %select_n3A = arith.select %and3A, %sub3A_401, %add3A_404 : vector<16xi1>, vector<16xi32>
          %jit3A = arith.constant 0.000000e+00 : f32
          %broadcast_in_dim3A_405 = vector.broadcast %jit3A : f32 to vector<16xf32>
          %select_n3A_406 = arith.select %and3A, %exp3A, %broadcast_in_dim3A_405 : vector<16xi1>, vector<16xf32>
          %sub3A_407 = arith.subi %get3A_372, %broadcast_in_dim3A : vector<16xi32>
          %jit3A_408 = arith.constant 0 : i32
          %broadcast_in_dim3A_409 = vector.broadcast %jit3A_408 : i32 to vector<16xi32>
          %select_n3A_410 = arith.select %and3A, %sub3A_407, %broadcast_in_dim3A_409 : vector<16xi1>, vector<16xi32>
          tpu.vector_store_idx %arg10[%select_n3A], %get3A_381 masked %and3A : memref<1040xi32, #tpu.memory_space<vmem>>[vector<16xi32>], vector<16xi32>, vector<16xi1>
          tpu.vector_store_idx %arg12[%select_n3A], %select_n3A_406 masked %and3A : memref<1040xf32, #tpu.memory_space<vmem>>[vector<16xi32>], vector<16xf32>, vector<16xi1>
          %broadcast_in_dim3A_411 = arith.constant 6 : i32
          %broadcast_in_dim3A_412 = vector.broadcast %broadcast_in_dim3A_411 : i32 to vector<16xi32>
          %shift_right_logical3A = arith.shrui %select_n3A, %broadcast_in_dim3A_412 : vector<16xi32>
          %broadcast_in_dim3A_413 = arith.constant 63 : i32
          %broadcast_in_dim3A_414 = vector.broadcast %broadcast_in_dim3A_413 : i32 to vector<16xi32>
          %and3A_415 = arith.andi %select_n3A, %broadcast_in_dim3A_414 : vector<16xi32>
          tpu.vector_store_idx %arg11[%shift_right_logical3A, %and3A_415], %select_n3A_410 masked %and3A : memref<17x64xi32, #tpu.memory_space<vmem>>[vector<16xi32>, vector<16xi32>], vector<16xi32>, vector<16xi1>
          %all_reduce_population_count3A = tpu.all_reduce %and3A {dim = 0 : i64, kind = #tpu.reduction_kind<sum>} : vector<16xi1> -> vector<16xi32>
          %add3A_416 = arith.addi %scan3A_363, %all_reduce_population_count3A : vector<16xi32>
          scf.yield %add3A_416 : vector<16xi32>
        }
        %scan3A_347 = arith.constant 64 : i32
        %reduce_max3A = arith.constant true
        %reduce_max3A_348 = vector.broadcast %reduce_max3A : i1 to vector<16xi1>
        %reduce_max3A_349 = arith.constant -2147483648 : i32
        %reduce_max3A_350 = vector.broadcast %reduce_max3A_349 : i32 to vector<16xi32>
        %reduce_max3A_351 = arith.xori %scan3A_346, %reduce_max3A_350 : vector<16xi32>
        %reduce_max3A_352 = tpu.scan <max>, %reduce_max3A_351 masked %reduce_max3A_348 : vector<16xi32>, vector<16xi1> -> vector<16xi32>
        %reduce_max3A_353 = arith.xori %reduce_max3A_352, %reduce_max3A_350 : vector<16xi32>
        %reduce_max3A_354 = vector.extract %reduce_max3A_353[15] : i32 from vector<16xi32>
        %scan3A_355 = arith.constant 0 : i32
        %scan3A_356 = arith.constant 0 : i32
        %scan3A_357 = arith.constant 16 : i32
        %scan3A_358 = arith.addi %scan3A_356, %scan3A_357 : i32
        %scan3A_359 = arith.constant 1 : i32
        scf.for %scan3A_362 = %scan3A_356 to %scan3A_358 step %scan3A_359  : i32 {
          %mul3A_363 = arith.constant 64 : i32
          %mul3A_364 = arith.muli %scan3A_362, %mul3A_363 : i32
          %lt3A_365 = arith.cmpi slt, %mul3A_364, %reduce_max3A_354 : i32
          %convert_element_type3A_366 = arith.extui %lt3A_365 : i1 to i32
          %cond3A_367 = arith.constant 0 : i32
          %cond3A_368 = arith.cmpi ne, %convert_element_type3A_366, %cond3A_367 : i32
          scf.if %cond3A_368 {
            %mul3A_369 = arith.constant 64 : i32
            %mul3A_370 = arith.muli %scan3A_362, %mul3A_369 : i32
            %dma_start3A_371 = tpu.memref_slice %arg10[%mul3A_370] : memref<1040xi32, #tpu.memory_space<vmem>> -> memref<64xi32, #tpu.memory_space<vmem>>
            %dma_start3A_372 = arith.constant 0 : i32
            %dma_start3A_373 = arith.constant 0 : i32
            %dma_start3A_374 = tpu.memref_slice %arg2[%dma_start3A_372, %dma_start3A_373] : memref<50176x64xf32, #tpu.memory_space<hbm>> -> memref<50176x64xf32, #tpu.memory_space<hbm>>
            tpu.enqueue_indirect_dma source(%dma_start3A_374 : memref<50176x64xf32, #tpu.memory_space<hbm>>) target(%arg13 : memref<64x64xf32, #tpu.memory_space<vmem>>) offsets(%dma_start3A_371 : memref<64xi32, #tpu.memory_space<vmem>>) semaphore(%arg22 : memref<!tpu.dma_semaphore, #tpu.memory_space<semaphore_mem>>)
            %dma_wait3A_375 = tpu.memref_slice %arg10[%mul3A_370] : memref<1040xi32, #tpu.memory_space<vmem>> -> memref<64xi32, #tpu.memory_space<vmem>>
            %dma_wait3A_376 = arith.constant 0 : i32
            %dma_wait3A_377 = arith.constant 0 : i32
            %dma_wait3A_378 = tpu.memref_slice %arg2[%dma_wait3A_376, %dma_wait3A_377] : memref<50176x64xf32, #tpu.memory_space<hbm>> -> memref<50176x64xf32, #tpu.memory_space<hbm>>
            tpu.wait_indirect_dma semaphore(%arg22 : memref<!tpu.dma_semaphore, #tpu.memory_space<semaphore_mem>>) src(%dma_wait3A_378 : memref<50176x64xf32, #tpu.memory_space<hbm>>) dst(%arg13 : memref<64x64xf32, #tpu.memory_space<vmem>>)
            %scan3A_379 = arith.constant 0 : i32
            %scan3A_380 = arith.constant 0 : i32
            %scan3A_381 = arith.constant 64 : i32
            %scan3A_382 = arith.addi %scan3A_380, %scan3A_381 : i32
            %scan3A_383 = arith.constant 1 : i32
            scf.for %scan3A_387 = %scan3A_380 to %scan3A_382 step %scan3A_383  : i32 {
              %mul3A_388 = arith.constant 64 : i32
              %mul3A_389 = arith.muli %scan3A_362, %mul3A_388 : i32
              %add3A_390 = arith.addi %mul3A_389, %scan3A_387 : i32
              %broadcast_in_dim3A_391 = vector.broadcast %add3A_390 : i32 to vector<16xi32>
              %gather3A = tpu.vector_load_idx %arg12[%broadcast_in_dim3A_391] : memref<1040xf32, #tpu.memory_space<vmem>>[vector<16xi32>], vector<16xf32>,
              %get3A_392 = arith.index_cast %scan3A_387 : i32 to index
              %get3A_393 = arith.constant 0 : index
              %get3A_394 = tpu.vector_load %arg13[%get3A_392, %get3A_393] {strides = array<i32>} : memref<64x64xf32, #tpu.memory_space<vmem>>, vector<16xf32>,
              %mul3A_395 = arith.mulf %get3A_394, %gather3A : vector<16xf32>
              %swap3A = arith.index_cast %scan3A_387 : i32 to index
              %swap3A_396 = arith.constant 0 : index
              %swap3A_397 = tpu.vector_load %arg13[%swap3A, %swap3A_396] {strides = array<i32>} : memref<64x64xf32, #tpu.memory_space<vmem>>, vector<16xf32>,
              tpu.vector_store %arg13[%swap3A, %swap3A_396], %mul3A_395 {strides = array<i32>} : memref<64x64xf32, #tpu.memory_space<vmem>>, vector<16xf32>,
              %get3A_398 = arith.index_cast %scan3A_387 : i32 to index
              %get3A_399 = arith.constant 16 : index
              %get3A_400 = tpu.vector_load %arg13[%get3A_398, %get3A_399] {strides = array<i32>} : memref<64x64xf32, #tpu.memory_space<vmem>>, vector<16xf32>,
              %mul3A_401 = arith.mulf %get3A_400, %gather3A : vector<16xf32>
              %swap3A_402 = arith.index_cast %scan3A_387 : i32 to index
              %swap3A_403 = arith.constant 16 : index
              %swap3A_404 = tpu.vector_load %arg13[%swap3A_402, %swap3A_403] {strides = array<i32>} : memref<64x64xf32, #tpu.memory_space<vmem>>, vector<16xf32>,
              tpu.vector_store %arg13[%swap3A_402, %swap3A_403], %mul3A_401 {strides = array<i32>} : memref<64x64xf32, #tpu.memory_space<vmem>>, vector<16xf32>,
              %get3A_405 = arith.index_cast %scan3A_387 : i32 to index
              %get3A_406 = arith.constant 32 : index
              %get3A_407 = tpu.vector_load %arg13[%get3A_405, %get3A_406] {strides = array<i32>} : memref<64x64xf32, #tpu.memory_space<vmem>>, vector<16xf32>,
              %mul3A_408 = arith.mulf %get3A_407, %gather3A : vector<16xf32>
              %swap3A_409 = arith.index_cast %scan3A_387 : i32 to index
              %swap3A_410 = arith.constant 32 : index
              %swap3A_411 = tpu.vector_load %arg13[%swap3A_409, %swap3A_410] {strides = array<i32>} : memref<64x64xf32, #tpu.memory_space<vmem>>, vector<16xf32>,
              tpu.vector_store %arg13[%swap3A_409, %swap3A_410], %mul3A_408 {strides = array<i32>} : memref<64x64xf32, #tpu.memory_space<vmem>>, vector<16xf32>,
              %get3A_412 = arith.index_cast %scan3A_387 : i32 to index
              %get3A_413 = arith.constant 48 : index
              %get3A_414 = tpu.vector_load %arg13[%get3A_412, %get3A_413] {strides = array<i32>} : memref<64x64xf32, #tpu.memory_space<vmem>>, vector<16xf32>,
              %mul3A_415 = arith.mulf %get3A_414, %gather3A : vector<16xf32>
              %swap3A_416 = arith.index_cast %scan3A_387 : i32 to index
              %swap3A_417 = arith.constant 48 : index
              %swap3A_418 = tpu.vector_load %arg13[%swap3A_416, %swap3A_417] {strides = array<i32>} : memref<64x64xf32, #tpu.memory_space<vmem>>, vector<16xf32>,
              tpu.vector_store %arg13[%swap3A_416, %swap3A_417], %mul3A_415 {strides = array<i32>} : memref<64x64xf32, #tpu.memory_space<vmem>>, vector<16xf32>,
            }
            %scan3A_384 = arith.constant 64 : i32
            "tpu.region"() ({
              %run_scoped3A = tpu.sem_alloc : memref<!tpu.dma_semaphore, #tpu.memory_space<semaphore_mem>>
              %dma_start3A_387 = arith.constant 0 : i32
              %dma_start3A_388 = tpu.memref_slice %arg11[%scan3A_362, %dma_start3A_387] : memref<17x64xi32, #tpu.memory_space<vmem>> -> memref<1x64xi32, #tpu.memory_space<vmem>>
              %dma_start3A_389 = tpu.memref_squeeze %dma_start3A_388 : memref<1x64xi32, #tpu.memory_space<vmem>> -> memref<64xi32, #tpu.memory_space<vmem>>
              %dma_start3A_390 = arith.constant 0 : i32
              %dma_start3A_391 = arith.constant 0 : i32
              %dma_start3A_392 = tpu.memref_slice %arg20[%dma_start3A_390, %dma_start3A_391] : memref<25088x64xf32, #tpu.memory_space<vmem_shared>> -> memref<25088x64xf32, #tpu.memory_space<vmem_shared>>
              tpu.enqueue_indirect_dma source(%arg13 : memref<64x64xf32, #tpu.memory_space<vmem>>) target(%dma_start3A_392 : memref<25088x64xf32, #tpu.memory_space<vmem_shared>>) offsets(%dma_start3A_389 : memref<64xi32, #tpu.memory_space<vmem>>) semaphore(%run_scoped3A : memref<!tpu.dma_semaphore, #tpu.memory_space<semaphore_mem>>) {add = true}
              %dma_wait3A_393 = arith.constant 0 : i32
              %dma_wait3A_394 = tpu.memref_slice %arg11[%scan3A_362, %dma_wait3A_393] : memref<17x64xi32, #tpu.memory_space<vmem>> -> memref<1x64xi32, #tpu.memory_space<vmem>>
              %dma_wait3A_395 = tpu.memref_squeeze %dma_wait3A_394 : memref<1x64xi32, #tpu.memory_space<vmem>> -> memref<64xi32, #tpu.memory_space<vmem>>
              %dma_wait3A_396 = arith.constant 0 : i32
              %dma_wait3A_397 = arith.constant 0 : i32
              %dma_wait3A_398 = tpu.memref_slice %arg20[%dma_wait3A_396, %dma_wait3A_397] : memref<25088x64xf32, #tpu.memory_space<vmem_shared>> -> memref<25088x64xf32, #tpu.memory_space<vmem_shared>>
              tpu.wait_indirect_dma semaphore(%run_scoped3A : memref<!tpu.dma_semaphore, #tpu.memory_space<semaphore_mem>>) src(%arg13 : memref<64x64xf32, #tpu.memory_space<vmem>>) dst(%dma_wait3A_398 : memref<25088x64xf32, #tpu.memory_space<vmem_shared>>)
              tpu.yield
            }) : () -> ()
            %mul3A_385 = arith.constant 64 : i32
            %mul3A_386 = arith.muli %scan3A_362, %mul3A_385 : i32
            "tpu.region"() ({
              %run_scoped3A = tpu.sem_alloc : memref<!tpu.dma_semaphore, #tpu.memory_space<semaphore_mem>>
              %dma_start3A_387 = tpu.memref_slice %arg12[%mul3A_386] : memref<1040xf32, #tpu.memory_space<vmem>> -> memref<64xf32, #tpu.memory_space<vmem>>
              %dma_start3A_388 = arith.constant 0 : i32
              %dma_start3A_389 = tpu.memref_slice %arg11[%scan3A_362, %dma_start3A_388] : memref<17x64xi32, #tpu.memory_space<vmem>> -> memref<1x64xi32, #tpu.memory_space<vmem>>
              %dma_start3A_390 = tpu.memref_squeeze %dma_start3A_389 : memref<1x64xi32, #tpu.memory_space<vmem>> -> memref<64xi32, #tpu.memory_space<vmem>>
              %dma_start3A_391 = arith.constant 0 : i32
              %dma_start3A_392 = tpu.memref_slice %arg21[%dma_start3A_391] : memref<25088xf32, #tpu.memory_space<vmem_shared>> -> memref<25088xf32, #tpu.memory_space<vmem_shared>>
              tpu.enqueue_indirect_dma source(%dma_start3A_387 : memref<64xf32, #tpu.memory_space<vmem>>) target(%dma_start3A_392 : memref<25088xf32, #tpu.memory_space<vmem_shared>>) offsets(%dma_start3A_390 : memref<64xi32, #tpu.memory_space<vmem>>) semaphore(%run_scoped3A : memref<!tpu.dma_semaphore, #tpu.memory_space<semaphore_mem>>) {add = true}
              %dma_wait3A_393 = tpu.memref_slice %arg12[%mul3A_386] : memref<1040xf32, #tpu.memory_space<vmem>> -> memref<64xf32, #tpu.memory_space<vmem>>
              %dma_wait3A_394 = arith.constant 0 : i32
              %dma_wait3A_395 = tpu.memref_slice %arg11[%scan3A_362, %dma_wait3A_394] : memref<17x64xi32, #tpu.memory_space<vmem>> -> memref<1x64xi32, #tpu.memory_space<vmem>>
              %dma_wait3A_396 = tpu.memref_squeeze %dma_wait3A_395 : memref<1x64xi32, #tpu.memory_space<vmem>> -> memref<64xi32, #tpu.memory_space<vmem>>
              %dma_wait3A_397 = arith.constant 0 : i32
              %dma_wait3A_398 = tpu.memref_slice %arg21[%dma_wait3A_397] : memref<25088xf32, #tpu.memory_space<vmem_shared>> -> memref<25088xf32, #tpu.memory_space<vmem_shared>>
              tpu.wait_indirect_dma semaphore(%run_scoped3A : memref<!tpu.dma_semaphore, #tpu.memory_space<semaphore_mem>>) src(%dma_wait3A_393 : memref<64xf32, #tpu.memory_space<vmem>>) dst(%dma_wait3A_398 : memref<25088xf32, #tpu.memory_space<vmem_shared>>)
              tpu.yield
            }) : () -> ()
          } else {
          }
        }
        %scan3A_360 = arith.constant 16 : i32
        %scan3A_361 = arith.constant 0 : i32
        scf.yield %scan3A_361 : i32
      }
      %scan3A_74 = arith.constant 50 : i32
    } else {
    }
    %barrier3A_54 = arith.constant 0 : index
    tpu.barrier barrier_id(%barrier3A_54)
    %mul3A_55 = arith.constant 1568 : i32
    %mul3A_56 = arith.muli %arg1, %mul3A_55 : i32
    %mul3A_57 = arith.constant 1568 : i32
    %mul3A_58 = arith.muli %arg1, %mul3A_57 : i32
    %add3A_59 = arith.addi %mul3A_44, %mul3A_58 : i32
    "tpu.region"() ({
      %run_scoped3A = tpu.sem_alloc : memref<!tpu.dma_semaphore, #tpu.memory_space<semaphore_mem>>
      %dma_start3A = arith.constant 0 : i32
      %dma_start3A_68 = tpu.memref_slice %arg5[%add3A_59, %dma_start3A] : memref<50176x64xf32, #tpu.memory_space<hbm>> -> memref<1568x64xf32, #tpu.memory_space<hbm>>
      %dma_start3A_69 = arith.constant 0 : i32
      %dma_start3A_70 = tpu.memref_slice %arg20[%mul3A_56, %dma_start3A_69] : memref<25088x64xf32, #tpu.memory_space<vmem_shared>> -> memref<1568x64xf32, #tpu.memory_space<vmem_shared>>
      tpu.enqueue_dma source(%dma_start3A_70 : memref<1568x64xf32, #tpu.memory_space<vmem_shared>>) target(%dma_start3A_68 : memref<1568x64xf32, #tpu.memory_space<hbm>>) target_semaphore(%run_scoped3A : memref<!tpu.dma_semaphore, #tpu.memory_space<semaphore_mem>>)
      %dma_wait3A = arith.constant 0 : i32
      %dma_wait3A_71 = tpu.memref_slice %arg5[%add3A_59, %dma_wait3A] : memref<50176x64xf32, #tpu.memory_space<hbm>> -> memref<1568x64xf32, #tpu.memory_space<hbm>>
      %dma_wait3A_72 = arith.constant 0 : i32
      %dma_wait3A_73 = tpu.memref_slice %arg20[%mul3A_56, %dma_wait3A_72] : memref<25088x64xf32, #tpu.memory_space<vmem_shared>> -> memref<1568x64xf32, #tpu.memory_space<vmem_shared>>
      tpu.wait_dma2 semaphore(%run_scoped3A : memref<!tpu.dma_semaphore, #tpu.memory_space<semaphore_mem>>) src(%dma_wait3A_73 : memref<1568x64xf32, #tpu.memory_space<vmem_shared>>) dst(%dma_wait3A_71 : memref<1568x64xf32, #tpu.memory_space<hbm>>)
      tpu.yield
    }) : () -> ()
    %mul3A_60 = arith.constant 1568 : i32
    %mul3A_61 = arith.muli %arg1, %mul3A_60 : i32
    "tpu.region"() ({
      %run_scoped3A = tpu.sem_alloc : memref<!tpu.dma_semaphore, #tpu.memory_space<semaphore_mem>>
      %dma_start3A = arith.constant 0 : i32
      %dma_start3A_68 = tpu.memref_slice %arg16[%dma_start3A] : memref<1568xf32, #tpu.memory_space<vmem>> -> memref<1568xf32, #tpu.memory_space<vmem>>
      %dma_start3A_69 = tpu.memref_slice %arg21[%mul3A_61] : memref<25088xf32, #tpu.memory_space<vmem_shared>> -> memref<1568xf32, #tpu.memory_space<vmem_shared>>
      %dma_start3A_70 = arith.constant 0 : i32
      %dma_start3A_71 = tpu.memref_slice %arg16[%dma_start3A_70] : memref<1568xf32, #tpu.memory_space<vmem>> -> memref<1568xf32, #tpu.memory_space<vmem>>
      %dma_start3A_72 = tpu.memref_slice %arg21[%mul3A_61] : memref<25088xf32, #tpu.memory_space<vmem_shared>> -> memref<1568xf32, #tpu.memory_space<vmem_shared>>
      tpu.enqueue_dma source(%dma_start3A_72 : memref<1568xf32, #tpu.memory_space<vmem_shared>>) target(%dma_start3A_71 : memref<1568xf32, #tpu.memory_space<vmem>>) target_semaphore(%run_scoped3A : memref<!tpu.dma_semaphore, #tpu.memory_space<semaphore_mem>>)
      %dma_wait3A = arith.constant 0 : i32
      %dma_wait3A_73 = tpu.memref_slice %arg16[%dma_wait3A] : memref<1568xf32, #tpu.memory_space<vmem>> -> memref<1568xf32, #tpu.memory_space<vmem>>
      %dma_wait3A_74 = tpu.memref_slice %arg21[%mul3A_61] : memref<25088xf32, #tpu.memory_space<vmem_shared>> -> memref<1568xf32, #tpu.memory_space<vmem_shared>>
      %dma_wait3A_75 = arith.constant 0 : i32
      %dma_wait3A_76 = tpu.memref_slice %arg16[%dma_wait3A_75] : memref<1568xf32, #tpu.memory_space<vmem>> -> memref<1568xf32, #tpu.memory_space<vmem>>
      %dma_wait3A_77 = tpu.memref_slice %arg21[%mul3A_61] : memref<25088xf32, #tpu.memory_space<vmem_shared>> -> memref<1568xf32, #tpu.memory_space<vmem_shared>>
      tpu.wait_dma2 semaphore(%run_scoped3A : memref<!tpu.dma_semaphore, #tpu.memory_space<semaphore_mem>>) src(%dma_wait3A_77 : memref<1568xf32, #tpu.memory_space<vmem_shared>>) dst(%dma_wait3A_76 : memref<1568xf32, #tpu.memory_space<vmem>>)
      tpu.yield
    }) : () -> ()
    %mul3A_62 = arith.constant 1568 : i32
    %mul3A_63 = arith.muli %arg1, %mul3A_62 : i32
    %add3A_64 = arith.addi %mul3A_44, %mul3A_63 : i32
    "tpu.region"() ({
      %run_scoped3A = tpu.sem_alloc : memref<!tpu.dma_semaphore, #tpu.memory_space<semaphore_mem>>
      %dma_start3A = arith.constant 0 : i32
      %dma_start3A_68 = tpu.memref_slice %arg16[%dma_start3A] : memref<1568xf32, #tpu.memory_space<vmem>> -> memref<1568xf32, #tpu.memory_space<vmem>>
      %dma_start3A_69 = tpu.memref_slice %arg6[%add3A_64] : memref<50176xf32, #tpu.memory_space<hbm>> -> memref<1568xf32, #tpu.memory_space<hbm>>
      %dma_start3A_70 = tpu.memref_slice %arg6[%add3A_64] : memref<50176xf32, #tpu.memory_space<hbm>> -> memref<1568xf32, #tpu.memory_space<hbm>>
      %dma_start3A_71 = arith.constant 0 : i32
      %dma_start3A_72 = tpu.memref_slice %arg16[%dma_start3A_71] : memref<1568xf32, #tpu.memory_space<vmem>> -> memref<1568xf32, #tpu.memory_space<vmem>>
      tpu.enqueue_dma source(%dma_start3A_72 : memref<1568xf32, #tpu.memory_space<vmem>>) target(%dma_start3A_70 : memref<1568xf32, #tpu.memory_space<hbm>>) target_semaphore(%run_scoped3A : memref<!tpu.dma_semaphore, #tpu.memory_space<semaphore_mem>>)
      %dma_wait3A = arith.constant 0 : i32
      %dma_wait3A_73 = tpu.memref_slice %arg16[%dma_wait3A] : memref<1568xf32, #tpu.memory_space<vmem>> -> memref<1568xf32, #tpu.memory_space<vmem>>
      %dma_wait3A_74 = tpu.memref_slice %arg6[%add3A_64] : memref<50176xf32, #tpu.memory_space<hbm>> -> memref<1568xf32, #tpu.memory_space<hbm>>
      %dma_wait3A_75 = tpu.memref_slice %arg6[%add3A_64] : memref<50176xf32, #tpu.memory_space<hbm>> -> memref<1568xf32, #tpu.memory_space<hbm>>
      %dma_wait3A_76 = arith.constant 0 : i32
      %dma_wait3A_77 = tpu.memref_slice %arg16[%dma_wait3A_76] : memref<1568xf32, #tpu.memory_space<vmem>> -> memref<1568xf32, #tpu.memory_space<vmem>>
      tpu.wait_dma2 semaphore(%run_scoped3A : memref<!tpu.dma_semaphore, #tpu.memory_space<semaphore_mem>>) src(%dma_wait3A_77 : memref<1568xf32, #tpu.memory_space<vmem>>) dst(%dma_wait3A_75 : memref<1568xf32, #tpu.memory_space<hbm>>)
      tpu.yield
    }) : () -> ()
    %barrier3A_65 = arith.constant 0 : index
    tpu.barrier barrier_id(%barrier3A_65)
    %scan3A_66 = arith.constant 0 : i32
    %scan3A_67 = arith.constant 1 : i32
    return
  }
}

module attributes {stable_mosaic.version = 14 : i64} {
  func.func @body(%arg0: i32, %arg1: memref<512x59xf32, #tpu.memory_space<vmem>>, %arg2: memref<59x128xf32, #tpu.memory_space<vmem>>, %arg3: memref<128x1xf32, #tpu.memory_space<vmem>>, %arg4: memref<128x1xf32, #tpu.memory_space<vmem>>, %arg5: memref<512x128xf32, #tpu.memory_space<vmem>>, %arg6: memref<512x1xf32, #tpu.memory_space<vmem>>, %arg7: memref<512x1xf32, #tpu.memory_space<vmem>>, %arg8: memref<1x2xf32, #tpu.memory_space<vmem>>) attributes {dimension_semantics = [#tpu.dimension_semantics<arbitrary>], iteration_bounds = array<i64: 98>, scalar_prefetch = 0 : i64, scratch_operands = 0 : i64, tpu.core_type = #tpu.core_type<tc>, window_params = [{transform_indices = @transform_0, window_bounds = array<i64: 512, 59>}, {pipeline_mode = #tpu.pipeline_mode<synchronous>, transform_indices = @transform_1, window_bounds = array<i64: 59, 128>}, {pipeline_mode = #tpu.pipeline_mode<synchronous>, transform_indices = @transform_2, window_bounds = array<i64: 128, 1>}, {pipeline_mode = #tpu.pipeline_mode<synchronous>, transform_indices = @transform_3, window_bounds = array<i64: 128, 1>}, {transform_indices = @transform_4, window_bounds = array<i64: 512, 128>}, {transform_indices = @transform_5, window_bounds = array<i64: 512, 1>}, {transform_indices = @transform_6, window_bounds = array<i64: 512, 1>}, {pipeline_mode = #tpu.pipeline_mode<synchronous>, transform_indices = @transform_7, window_bounds = array<i64: 1, 2>}]} {
    %get3A = arith.constant 0 : index
    %get3A_0 = arith.constant 0 : index
    %get3A_1 = vector.load %arg1[%get3A, %get3A_0] : memref<512x59xf32, #tpu.memory_space<vmem>>, vector<512x59xf32>
    %get3A_2 = arith.constant 0 : index
    %get3A_3 = arith.constant 0 : index
    %get3A_4 = vector.load %arg2[%get3A_2, %get3A_3] : memref<59x128xf32, #tpu.memory_space<vmem>>, vector<59x128xf32>
    %dot_general3A = arith.constant dense<0.000000e+00> : vector<512x128xf32>
    %dot_general3A_5 = tpu.matmul %get3A_1, %get3A_4, %dot_general3A {dimension_numbers = #tpu.dot_dimension_numbers<[1], [0], [0], [1], [0, 0, 1, 1], [], []>, transpose_lhs_hint = false} : vector<512x59xf32>, vector<59x128xf32>, vector<512x128xf32> -> vector<512x128xf32>
    %swap3A = arith.constant 0 : index
    %swap3A_6 = arith.constant 0 : index
    %swap3A_7 = vector.load %arg5[%swap3A, %swap3A_6] : memref<512x128xf32, #tpu.memory_space<vmem>>, vector<512x128xf32>
    tpu.vector_store %arg5[%swap3A, %swap3A_6], %dot_general3A_5 {strides = array<i32>} : memref<512x128xf32, #tpu.memory_space<vmem>>, vector<512x128xf32>,
    %get3A_8 = arith.constant 0 : index
    %get3A_9 = arith.constant 0 : index
    %get3A_10 = vector.load %arg3[%get3A_8, %get3A_9] : memref<128x1xf32, #tpu.memory_space<vmem>>, vector<128x1xf32>
    %dot_general3A_11 = arith.constant dense<0.000000e+00> : vector<512x1xf32>
    %dot_general3A_12 = tpu.matmul %dot_general3A_5, %get3A_10, %dot_general3A_11 {dimension_numbers = #tpu.dot_dimension_numbers<[1], [0], [0], [1], [0, 0, 1, 1], [], []>, transpose_lhs_hint = false} : vector<512x128xf32>, vector<128x1xf32>, vector<512x1xf32> -> vector<512x1xf32>
    %get3A_13 = arith.constant 0 : index
    %get3A_14 = arith.constant 0 : index
    %get3A_15 = vector.load %arg4[%get3A_13, %get3A_14] : memref<128x1xf32, #tpu.memory_space<vmem>>, vector<128x1xf32>
    %dot_general3A_16 = arith.constant dense<0.000000e+00> : vector<512x1xf32>
    %dot_general3A_17 = tpu.matmul %dot_general3A_5, %get3A_15, %dot_general3A_16 {dimension_numbers = #tpu.dot_dimension_numbers<[1], [0], [0], [1], [0, 0, 1, 1], [], []>, transpose_lhs_hint = false} : vector<512x128xf32>, vector<128x1xf32>, vector<512x1xf32> -> vector<512x1xf32>
    %swap3A_18 = arith.constant 0 : index
    %swap3A_19 = arith.constant 0 : index
    %swap3A_20 = vector.load %arg6[%swap3A_18, %swap3A_19] : memref<512x1xf32, #tpu.memory_space<vmem>>, vector<512x1xf32>
    tpu.vector_store %arg6[%swap3A_18, %swap3A_19], %dot_general3A_12 {strides = array<i32>} : memref<512x1xf32, #tpu.memory_space<vmem>>, vector<512x1xf32>,
    %swap3A_21 = arith.constant 0 : index
    %swap3A_22 = arith.constant 0 : index
    %swap3A_23 = vector.load %arg7[%swap3A_21, %swap3A_22] : memref<512x1xf32, #tpu.memory_space<vmem>>, vector<512x1xf32>
    tpu.vector_store %arg7[%swap3A_21, %swap3A_22], %dot_general3A_17 {strides = array<i32>} : memref<512x1xf32, #tpu.memory_space<vmem>>, vector<512x1xf32>,
    %reduce_max3A = vector.shape_cast %dot_general3A_12 : vector<512x1xf32> to vector<1x512x1xf32>
    %reduce_max3A_24 = arith.constant dense<0xFF800000> : vector<1xf32>
    %reduce_max3A_25 = vector.multi_reduction <maximumf>, %reduce_max3A, %reduce_max3A_24 [1, 2] : vector<1x512x1xf32> to vector<1xf32>
    %reduce_max3A_26 = vector.shape_cast %reduce_max3A_25 : vector<1xf32> to vector<1x1x1xf32>
    %reduce_max3A_27 = vector.extract %reduce_max3A_26[0, 0, 0] : f32 from vector<1x1x1xf32>
    %reshape3A = vector.broadcast %reduce_max3A_27 : f32 to vector<1x1xf32>
    %reduce_max3A_28 = vector.shape_cast %dot_general3A_17 : vector<512x1xf32> to vector<1x512x1xf32>
    %reduce_max3A_29 = arith.constant dense<0xFF800000> : vector<1xf32>
    %reduce_max3A_30 = vector.multi_reduction <maximumf>, %reduce_max3A_28, %reduce_max3A_29 [1, 2] : vector<1x512x1xf32> to vector<1xf32>
    %reduce_max3A_31 = vector.shape_cast %reduce_max3A_30 : vector<1xf32> to vector<1x1x1xf32>
    %reduce_max3A_32 = vector.extract %reduce_max3A_31[0, 0, 0] : f32 from vector<1x1x1xf32>
    %reshape3A_33 = vector.broadcast %reduce_max3A_32 : f32 to vector<1x1xf32>
    %concatenate3A = tpu.concatenate %reshape3A, %reshape3A_33 in 1 : vector<1x1xf32>, vector<1x1xf32> -> vector<1x2xf32>
    %get3A_34 = arith.constant 0 : index
    %get3A_35 = arith.constant 0 : index
    %get3A_36 = vector.load %arg8[%get3A_34, %get3A_35] : memref<1x2xf32, #tpu.memory_space<vmem>>, vector<1x2xf32>
    %eq3A = arith.constant 0 : i32
    %eq3A_37 = arith.cmpi eq, %arg0, %eq3A : i32
    %max3A = arith.maximumf %get3A_36, %concatenate3A : vector<1x2xf32>
    %select_n3A = arith.select %eq3A_37, %concatenate3A, %max3A : vector<1x2xf32>
    %swap3A_38 = arith.constant 0 : index
    %swap3A_39 = arith.constant 0 : index
    %swap3A_40 = vector.load %arg8[%swap3A_38, %swap3A_39] : memref<1x2xf32, #tpu.memory_space<vmem>>, vector<1x2xf32>
    tpu.vector_store %arg8[%swap3A_38, %swap3A_39], %select_n3A {strides = array<i32>} : memref<1x2xf32, #tpu.memory_space<vmem>>, vector<1x2xf32>,
    return
  }
  func.func @transform_0(%arg0: i32) -> (i32, i32) {
    %c0_i32 = arith.constant 0 : i32
    %c0_i32_0 = arith.constant 0 : i32
    return %arg0, %c0_i32 : i32, i32
  }
  func.func @transform_1(%arg0: i32) -> (i32, i32) {
    %c0_i32 = arith.constant 0 : i32
    %c0_i32_0 = arith.constant 0 : i32
    %c0_i32_1 = arith.constant 0 : i32
    return %c0_i32, %c0_i32_0 : i32, i32
  }
  func.func @transform_2(%arg0: i32) -> (i32, i32) {
    %c0_i32 = arith.constant 0 : i32
    %c0_i32_0 = arith.constant 0 : i32
    %c0_i32_1 = arith.constant 0 : i32
    return %c0_i32, %c0_i32_0 : i32, i32
  }
  func.func @transform_3(%arg0: i32) -> (i32, i32) {
    %c0_i32 = arith.constant 0 : i32
    %c0_i32_0 = arith.constant 0 : i32
    %c0_i32_1 = arith.constant 0 : i32
    return %c0_i32, %c0_i32_0 : i32, i32
  }
  func.func @transform_4(%arg0: i32) -> (i32, i32) {
    %c0_i32 = arith.constant 0 : i32
    %c0_i32_0 = arith.constant 0 : i32
    return %arg0, %c0_i32 : i32, i32
  }
  func.func @transform_5(%arg0: i32) -> (i32, i32) {
    %c0_i32 = arith.constant 0 : i32
    %c0_i32_0 = arith.constant 0 : i32
    return %arg0, %c0_i32 : i32, i32
  }
  func.func @transform_6(%arg0: i32) -> (i32, i32) {
    %c0_i32 = arith.constant 0 : i32
    %c0_i32_0 = arith.constant 0 : i32
    return %arg0, %c0_i32 : i32, i32
  }
  func.func @transform_7(%arg0: i32) -> (i32, i32) {
    %c0_i32 = arith.constant 0 : i32
    %c0_i32_0 = arith.constant 0 : i32
    %c0_i32_1 = arith.constant 0 : i32
    return %c0_i32, %c0_i32_0 : i32, i32
  }
}

module attributes {stable_mosaic.version = 14 : i64} {
  func.func @body(%arg0: i32, %arg1: memref<512x128xf32, #tpu.memory_space<vmem>>, %arg2: memref<512x1xf32, #tpu.memory_space<vmem>>, %arg3: memref<1x128xf32, #tpu.memory_space<vmem>>, %arg4: memref<128x64xf32, #tpu.memory_space<vmem>>, %arg5: memref<64x1xf32, #tpu.memory_space<vmem>>, %arg6: memref<64x1xf32, #tpu.memory_space<vmem>>, %arg7: memref<512x64xf32, #tpu.memory_space<vmem>>, %arg8: memref<512x1xf32, #tpu.memory_space<vmem>>, %arg9: memref<512x1xf32, #tpu.memory_space<vmem>>, %arg10: memref<1x2xf32, #tpu.memory_space<vmem>>) attributes {dimension_semantics = [#tpu.dimension_semantics<arbitrary>], iteration_bounds = array<i64: 98>, scalar_prefetch = 0 : i64, scratch_operands = 0 : i64, tpu.core_type = #tpu.core_type<tc>, window_params = [{transform_indices = @transform_0, window_bounds = array<i64: 512, 128>}, {transform_indices = @transform_1, window_bounds = array<i64: 512, 1>}, {pipeline_mode = #tpu.pipeline_mode<synchronous>, transform_indices = @transform_2, window_bounds = array<i64: 1, 128>}, {pipeline_mode = #tpu.pipeline_mode<synchronous>, transform_indices = @transform_3, window_bounds = array<i64: 128, 64>}, {pipeline_mode = #tpu.pipeline_mode<synchronous>, transform_indices = @transform_4, window_bounds = array<i64: 64, 1>}, {pipeline_mode = #tpu.pipeline_mode<synchronous>, transform_indices = @transform_5, window_bounds = array<i64: 64, 1>}, {transform_indices = @transform_6, window_bounds = array<i64: 512, 64>}, {transform_indices = @transform_7, window_bounds = array<i64: 512, 1>}, {transform_indices = @transform_8, window_bounds = array<i64: 512, 1>}, {pipeline_mode = #tpu.pipeline_mode<synchronous>, transform_indices = @transform_9, window_bounds = array<i64: 1, 2>}]} {
    %get3A = arith.constant 0 : index
    %get3A_0 = arith.constant 0 : index
    %get3A_1 = vector.load %arg2[%get3A, %get3A_0] : memref<512x1xf32, #tpu.memory_space<vmem>>, vector<512x1xf32>
    %gt3A = arith.constant 0.000000e+00 : f32
    %gt3A_2 = vector.broadcast %gt3A : f32 to vector<512x1xf32>
    %gt3A_3 = arith.cmpf ogt, %get3A_1, %gt3A_2 : vector<512x1xf32>
    %get3A_4 = arith.constant 0 : index
    %get3A_5 = arith.constant 0 : index
    %get3A_6 = vector.load %arg1[%get3A_4, %get3A_5] : memref<512x128xf32, #tpu.memory_space<vmem>>, vector<512x128xf32>
    %div3A = vector.broadcast %get3A_1 : vector<512x1xf32> to vector<512x128xf32>
    %div3A_7 = arith.divf %get3A_6, %div3A : vector<512x128xf32>
    %jit3A = arith.constant 0.000000e+00 : f32
    %broadcast_in_dim3A = vector.shape_cast %gt3A_3 : vector<512x1xi1> to vector<512x1xi1>
    %broadcast_in_dim3A_8 = vector.broadcast %broadcast_in_dim3A : vector<512x1xi1> to vector<512x128xi1>
    %broadcast_in_dim3A_9 = vector.broadcast %jit3A : f32 to vector<512x128xf32>
    %select_n3A = arith.select %broadcast_in_dim3A_8, %div3A_7, %broadcast_in_dim3A_9 : vector<512x128xi1>, vector<512x128xf32>
    %get3A_10 = arith.constant 0 : index
    %get3A_11 = arith.constant 0 : index
    %get3A_12 = vector.load %arg3[%get3A_10, %get3A_11] : memref<1x128xf32, #tpu.memory_space<vmem>>, vector<1x128xf32>
    %add3A = vector.broadcast %get3A_12 : vector<1x128xf32> to vector<512x128xf32>
    %add3A_13 = arith.addf %select_n3A, %add3A : vector<512x128xf32>
    %max3A = arith.constant 0.000000e+00 : f32
    %max3A_14 = vector.broadcast %max3A : f32 to vector<512x128xf32>
    %max3A_15 = arith.maximumf %add3A_13, %max3A_14 : vector<512x128xf32>
    %get3A_16 = arith.constant 0 : index
    %get3A_17 = arith.constant 0 : index
    %get3A_18 = vector.load %arg4[%get3A_16, %get3A_17] : memref<128x64xf32, #tpu.memory_space<vmem>>, vector<128x64xf32>
    %dot_general3A = arith.constant dense<0.000000e+00> : vector<512x64xf32>
    %dot_general3A_19 = tpu.matmul %max3A_15, %get3A_18, %dot_general3A {dimension_numbers = #tpu.dot_dimension_numbers<[1], [0], [0], [1], [0, 0, 1, 1], [], []>, transpose_lhs_hint = false} : vector<512x128xf32>, vector<128x64xf32>, vector<512x64xf32> -> vector<512x64xf32>
    %swap3A = arith.constant 0 : index
    %swap3A_20 = arith.constant 0 : index
    %swap3A_21 = vector.load %arg7[%swap3A, %swap3A_20] : memref<512x64xf32, #tpu.memory_space<vmem>>, vector<512x64xf32>
    tpu.vector_store %arg7[%swap3A, %swap3A_20], %dot_general3A_19 {strides = array<i32>} : memref<512x64xf32, #tpu.memory_space<vmem>>, vector<512x64xf32>,
    %get3A_22 = arith.constant 0 : index
    %get3A_23 = arith.constant 0 : index
    %get3A_24 = vector.load %arg5[%get3A_22, %get3A_23] : memref<64x1xf32, #tpu.memory_space<vmem>>, vector<64x1xf32>
    %dot_general3A_25 = arith.constant dense<0.000000e+00> : vector<512x1xf32>
    %dot_general3A_26 = tpu.matmul %dot_general3A_19, %get3A_24, %dot_general3A_25 {dimension_numbers = #tpu.dot_dimension_numbers<[1], [0], [0], [1], [0, 0, 1, 1], [], []>, transpose_lhs_hint = false} : vector<512x64xf32>, vector<64x1xf32>, vector<512x1xf32> -> vector<512x1xf32>
    %get3A_27 = arith.constant 0 : index
    %get3A_28 = arith.constant 0 : index
    %get3A_29 = vector.load %arg6[%get3A_27, %get3A_28] : memref<64x1xf32, #tpu.memory_space<vmem>>, vector<64x1xf32>
    %dot_general3A_30 = arith.constant dense<0.000000e+00> : vector<512x1xf32>
    %dot_general3A_31 = tpu.matmul %dot_general3A_19, %get3A_29, %dot_general3A_30 {dimension_numbers = #tpu.dot_dimension_numbers<[1], [0], [0], [1], [0, 0, 1, 1], [], []>, transpose_lhs_hint = false} : vector<512x64xf32>, vector<64x1xf32>, vector<512x1xf32> -> vector<512x1xf32>
    %swap3A_32 = arith.constant 0 : index
    %swap3A_33 = arith.constant 0 : index
    %swap3A_34 = vector.load %arg8[%swap3A_32, %swap3A_33] : memref<512x1xf32, #tpu.memory_space<vmem>>, vector<512x1xf32>
    tpu.vector_store %arg8[%swap3A_32, %swap3A_33], %dot_general3A_26 {strides = array<i32>} : memref<512x1xf32, #tpu.memory_space<vmem>>, vector<512x1xf32>,
    %swap3A_35 = arith.constant 0 : index
    %swap3A_36 = arith.constant 0 : index
    %swap3A_37 = vector.load %arg9[%swap3A_35, %swap3A_36] : memref<512x1xf32, #tpu.memory_space<vmem>>, vector<512x1xf32>
    tpu.vector_store %arg9[%swap3A_35, %swap3A_36], %dot_general3A_31 {strides = array<i32>} : memref<512x1xf32, #tpu.memory_space<vmem>>, vector<512x1xf32>,
    %reduce_max3A = vector.shape_cast %dot_general3A_26 : vector<512x1xf32> to vector<1x512x1xf32>
    %reduce_max3A_38 = arith.constant dense<0xFF800000> : vector<1xf32>
    %reduce_max3A_39 = vector.multi_reduction <maximumf>, %reduce_max3A, %reduce_max3A_38 [1, 2] : vector<1x512x1xf32> to vector<1xf32>
    %reduce_max3A_40 = vector.shape_cast %reduce_max3A_39 : vector<1xf32> to vector<1x1x1xf32>
    %reduce_max3A_41 = vector.extract %reduce_max3A_40[0, 0, 0] : f32 from vector<1x1x1xf32>
    %reshape3A = vector.broadcast %reduce_max3A_41 : f32 to vector<1x1xf32>
    %reduce_max3A_42 = vector.shape_cast %dot_general3A_31 : vector<512x1xf32> to vector<1x512x1xf32>
    %reduce_max3A_43 = arith.constant dense<0xFF800000> : vector<1xf32>
    %reduce_max3A_44 = vector.multi_reduction <maximumf>, %reduce_max3A_42, %reduce_max3A_43 [1, 2] : vector<1x512x1xf32> to vector<1xf32>
    %reduce_max3A_45 = vector.shape_cast %reduce_max3A_44 : vector<1xf32> to vector<1x1x1xf32>
    %reduce_max3A_46 = vector.extract %reduce_max3A_45[0, 0, 0] : f32 from vector<1x1x1xf32>
    %reshape3A_47 = vector.broadcast %reduce_max3A_46 : f32 to vector<1x1xf32>
    %concatenate3A = tpu.concatenate %reshape3A, %reshape3A_47 in 1 : vector<1x1xf32>, vector<1x1xf32> -> vector<1x2xf32>
    %get3A_48 = arith.constant 0 : index
    %get3A_49 = arith.constant 0 : index
    %get3A_50 = vector.load %arg10[%get3A_48, %get3A_49] : memref<1x2xf32, #tpu.memory_space<vmem>>, vector<1x2xf32>
    %eq3A = arith.constant 0 : i32
    %eq3A_51 = arith.cmpi eq, %arg0, %eq3A : i32
    %max3A_52 = arith.maximumf %get3A_50, %concatenate3A : vector<1x2xf32>
    %select_n3A_53 = arith.select %eq3A_51, %concatenate3A, %max3A_52 : vector<1x2xf32>
    %swap3A_54 = arith.constant 0 : index
    %swap3A_55 = arith.constant 0 : index
    %swap3A_56 = vector.load %arg10[%swap3A_54, %swap3A_55] : memref<1x2xf32, #tpu.memory_space<vmem>>, vector<1x2xf32>
    tpu.vector_store %arg10[%swap3A_54, %swap3A_55], %select_n3A_53 {strides = array<i32>} : memref<1x2xf32, #tpu.memory_space<vmem>>, vector<1x2xf32>,
    return
  }
  func.func @transform_0(%arg0: i32) -> (i32, i32) {
    %c0_i32 = arith.constant 0 : i32
    %c0_i32_0 = arith.constant 0 : i32
    return %arg0, %c0_i32 : i32, i32
  }
  func.func @transform_1(%arg0: i32) -> (i32, i32) {
    %c0_i32 = arith.constant 0 : i32
    %c0_i32_0 = arith.constant 0 : i32
    return %arg0, %c0_i32 : i32, i32
  }
  func.func @transform_2(%arg0: i32) -> (i32, i32) {
    %c0_i32 = arith.constant 0 : i32
    %c0_i32_0 = arith.constant 0 : i32
    %c0_i32_1 = arith.constant 0 : i32
    return %c0_i32, %c0_i32_0 : i32, i32
  }
  func.func @transform_3(%arg0: i32) -> (i32, i32) {
    %c0_i32 = arith.constant 0 : i32
    %c0_i32_0 = arith.constant 0 : i32
    %c0_i32_1 = arith.constant 0 : i32
    return %c0_i32, %c0_i32_0 : i32, i32
  }
  func.func @transform_4(%arg0: i32) -> (i32, i32) {
    %c0_i32 = arith.constant 0 : i32
    %c0_i32_0 = arith.constant 0 : i32
    %c0_i32_1 = arith.constant 0 : i32
    return %c0_i32, %c0_i32_0 : i32, i32
  }
  func.func @transform_5(%arg0: i32) -> (i32, i32) {
    %c0_i32 = arith.constant 0 : i32
    %c0_i32_0 = arith.constant 0 : i32
    %c0_i32_1 = arith.constant 0 : i32
    return %c0_i32, %c0_i32_0 : i32, i32
  }
  func.func @transform_6(%arg0: i32) -> (i32, i32) {
    %c0_i32 = arith.constant 0 : i32
    %c0_i32_0 = arith.constant 0 : i32
    return %arg0, %c0_i32 : i32, i32
  }
  func.func @transform_7(%arg0: i32) -> (i32, i32) {
    %c0_i32 = arith.constant 0 : i32
    %c0_i32_0 = arith.constant 0 : i32
    return %arg0, %c0_i32 : i32, i32
  }
  func.func @transform_8(%arg0: i32) -> (i32, i32) {
    %c0_i32 = arith.constant 0 : i32
    %c0_i32_0 = arith.constant 0 : i32
    return %arg0, %c0_i32 : i32, i32
  }
  func.func @transform_9(%arg0: i32) -> (i32, i32) {
    %c0_i32 = arith.constant 0 : i32
    %c0_i32_0 = arith.constant 0 : i32
    %c0_i32_1 = arith.constant 0 : i32
    return %c0_i32, %c0_i32_0 : i32, i32
  }
}

module attributes {stable_mosaic.version = 14 : i64} {
  func.func @body(%arg0: i32, %arg1: memref<512x64xf32, #tpu.memory_space<vmem>>, %arg2: memref<512x1xf32, #tpu.memory_space<vmem>>, %arg3: memref<1x64xf32, #tpu.memory_space<vmem>>, %arg4: memref<64x64xf32, #tpu.memory_space<vmem>>, %arg5: memref<64x1xf32, #tpu.memory_space<vmem>>, %arg6: memref<64x1xf32, #tpu.memory_space<vmem>>, %arg7: memref<512x64xf32, #tpu.memory_space<vmem>>, %arg8: memref<512x1xf32, #tpu.memory_space<vmem>>, %arg9: memref<512x1xf32, #tpu.memory_space<vmem>>, %arg10: memref<1x2xf32, #tpu.memory_space<vmem>>) attributes {dimension_semantics = [#tpu.dimension_semantics<arbitrary>], iteration_bounds = array<i64: 98>, scalar_prefetch = 0 : i64, scratch_operands = 0 : i64, tpu.core_type = #tpu.core_type<tc>, window_params = [{transform_indices = @transform_0, window_bounds = array<i64: 512, 64>}, {transform_indices = @transform_1, window_bounds = array<i64: 512, 1>}, {pipeline_mode = #tpu.pipeline_mode<synchronous>, transform_indices = @transform_2, window_bounds = array<i64: 1, 64>}, {pipeline_mode = #tpu.pipeline_mode<synchronous>, transform_indices = @transform_3, window_bounds = array<i64: 64, 64>}, {pipeline_mode = #tpu.pipeline_mode<synchronous>, transform_indices = @transform_4, window_bounds = array<i64: 64, 1>}, {pipeline_mode = #tpu.pipeline_mode<synchronous>, transform_indices = @transform_5, window_bounds = array<i64: 64, 1>}, {transform_indices = @transform_6, window_bounds = array<i64: 512, 64>}, {transform_indices = @transform_7, window_bounds = array<i64: 512, 1>}, {transform_indices = @transform_8, window_bounds = array<i64: 512, 1>}, {pipeline_mode = #tpu.pipeline_mode<synchronous>, transform_indices = @transform_9, window_bounds = array<i64: 1, 2>}]} {
    %get3A = arith.constant 0 : index
    %get3A_0 = arith.constant 0 : index
    %get3A_1 = vector.load %arg2[%get3A, %get3A_0] : memref<512x1xf32, #tpu.memory_space<vmem>>, vector<512x1xf32>
    %gt3A = arith.constant 0.000000e+00 : f32
    %gt3A_2 = vector.broadcast %gt3A : f32 to vector<512x1xf32>
    %gt3A_3 = arith.cmpf ogt, %get3A_1, %gt3A_2 : vector<512x1xf32>
    %get3A_4 = arith.constant 0 : index
    %get3A_5 = arith.constant 0 : index
    %get3A_6 = vector.load %arg1[%get3A_4, %get3A_5] : memref<512x64xf32, #tpu.memory_space<vmem>>, vector<512x64xf32>
    %div3A = vector.broadcast %get3A_1 : vector<512x1xf32> to vector<512x64xf32>
    %div3A_7 = arith.divf %get3A_6, %div3A : vector<512x64xf32>
    %jit3A = arith.constant 0.000000e+00 : f32
    %broadcast_in_dim3A = vector.shape_cast %gt3A_3 : vector<512x1xi1> to vector<512x1xi1>
    %broadcast_in_dim3A_8 = vector.broadcast %broadcast_in_dim3A : vector<512x1xi1> to vector<512x64xi1>
    %broadcast_in_dim3A_9 = vector.broadcast %jit3A : f32 to vector<512x64xf32>
    %select_n3A = arith.select %broadcast_in_dim3A_8, %div3A_7, %broadcast_in_dim3A_9 : vector<512x64xi1>, vector<512x64xf32>
    %get3A_10 = arith.constant 0 : index
    %get3A_11 = arith.constant 0 : index
    %get3A_12 = vector.load %arg3[%get3A_10, %get3A_11] : memref<1x64xf32, #tpu.memory_space<vmem>>, vector<1x64xf32>
    %add3A = vector.broadcast %get3A_12 : vector<1x64xf32> to vector<512x64xf32>
    %add3A_13 = arith.addf %select_n3A, %add3A : vector<512x64xf32>
    %max3A = arith.constant 0.000000e+00 : f32
    %max3A_14 = vector.broadcast %max3A : f32 to vector<512x64xf32>
    %max3A_15 = arith.maximumf %add3A_13, %max3A_14 : vector<512x64xf32>
    %get3A_16 = arith.constant 0 : index
    %get3A_17 = arith.constant 0 : index
    %get3A_18 = vector.load %arg4[%get3A_16, %get3A_17] : memref<64x64xf32, #tpu.memory_space<vmem>>, vector<64x64xf32>
    %dot_general3A = arith.constant dense<0.000000e+00> : vector<512x64xf32>
    %dot_general3A_19 = tpu.matmul %max3A_15, %get3A_18, %dot_general3A {dimension_numbers = #tpu.dot_dimension_numbers<[1], [0], [0], [1], [0, 0, 1, 1], [], []>, transpose_lhs_hint = false} : vector<512x64xf32>, vector<64x64xf32>, vector<512x64xf32> -> vector<512x64xf32>
    %swap3A = arith.constant 0 : index
    %swap3A_20 = arith.constant 0 : index
    %swap3A_21 = vector.load %arg7[%swap3A, %swap3A_20] : memref<512x64xf32, #tpu.memory_space<vmem>>, vector<512x64xf32>
    tpu.vector_store %arg7[%swap3A, %swap3A_20], %dot_general3A_19 {strides = array<i32>} : memref<512x64xf32, #tpu.memory_space<vmem>>, vector<512x64xf32>,
    %get3A_22 = arith.constant 0 : index
    %get3A_23 = arith.constant 0 : index
    %get3A_24 = vector.load %arg5[%get3A_22, %get3A_23] : memref<64x1xf32, #tpu.memory_space<vmem>>, vector<64x1xf32>
    %dot_general3A_25 = arith.constant dense<0.000000e+00> : vector<512x1xf32>
    %dot_general3A_26 = tpu.matmul %dot_general3A_19, %get3A_24, %dot_general3A_25 {dimension_numbers = #tpu.dot_dimension_numbers<[1], [0], [0], [1], [0, 0, 1, 1], [], []>, transpose_lhs_hint = false} : vector<512x64xf32>, vector<64x1xf32>, vector<512x1xf32> -> vector<512x1xf32>
    %get3A_27 = arith.constant 0 : index
    %get3A_28 = arith.constant 0 : index
    %get3A_29 = vector.load %arg6[%get3A_27, %get3A_28] : memref<64x1xf32, #tpu.memory_space<vmem>>, vector<64x1xf32>
    %dot_general3A_30 = arith.constant dense<0.000000e+00> : vector<512x1xf32>
    %dot_general3A_31 = tpu.matmul %dot_general3A_19, %get3A_29, %dot_general3A_30 {dimension_numbers = #tpu.dot_dimension_numbers<[1], [0], [0], [1], [0, 0, 1, 1], [], []>, transpose_lhs_hint = false} : vector<512x64xf32>, vector<64x1xf32>, vector<512x1xf32> -> vector<512x1xf32>
    %swap3A_32 = arith.constant 0 : index
    %swap3A_33 = arith.constant 0 : index
    %swap3A_34 = vector.load %arg8[%swap3A_32, %swap3A_33] : memref<512x1xf32, #tpu.memory_space<vmem>>, vector<512x1xf32>
    tpu.vector_store %arg8[%swap3A_32, %swap3A_33], %dot_general3A_26 {strides = array<i32>} : memref<512x1xf32, #tpu.memory_space<vmem>>, vector<512x1xf32>,
    %swap3A_35 = arith.constant 0 : index
    %swap3A_36 = arith.constant 0 : index
    %swap3A_37 = vector.load %arg9[%swap3A_35, %swap3A_36] : memref<512x1xf32, #tpu.memory_space<vmem>>, vector<512x1xf32>
    tpu.vector_store %arg9[%swap3A_35, %swap3A_36], %dot_general3A_31 {strides = array<i32>} : memref<512x1xf32, #tpu.memory_space<vmem>>, vector<512x1xf32>,
    %reduce_max3A = vector.shape_cast %dot_general3A_26 : vector<512x1xf32> to vector<1x512x1xf32>
    %reduce_max3A_38 = arith.constant dense<0xFF800000> : vector<1xf32>
    %reduce_max3A_39 = vector.multi_reduction <maximumf>, %reduce_max3A, %reduce_max3A_38 [1, 2] : vector<1x512x1xf32> to vector<1xf32>
    %reduce_max3A_40 = vector.shape_cast %reduce_max3A_39 : vector<1xf32> to vector<1x1x1xf32>
    %reduce_max3A_41 = vector.extract %reduce_max3A_40[0, 0, 0] : f32 from vector<1x1x1xf32>
    %reshape3A = vector.broadcast %reduce_max3A_41 : f32 to vector<1x1xf32>
    %reduce_max3A_42 = vector.shape_cast %dot_general3A_31 : vector<512x1xf32> to vector<1x512x1xf32>
    %reduce_max3A_43 = arith.constant dense<0xFF800000> : vector<1xf32>
    %reduce_max3A_44 = vector.multi_reduction <maximumf>, %reduce_max3A_42, %reduce_max3A_43 [1, 2] : vector<1x512x1xf32> to vector<1xf32>
    %reduce_max3A_45 = vector.shape_cast %reduce_max3A_44 : vector<1xf32> to vector<1x1x1xf32>
    %reduce_max3A_46 = vector.extract %reduce_max3A_45[0, 0, 0] : f32 from vector<1x1x1xf32>
    %reshape3A_47 = vector.broadcast %reduce_max3A_46 : f32 to vector<1x1xf32>
    %concatenate3A = tpu.concatenate %reshape3A, %reshape3A_47 in 1 : vector<1x1xf32>, vector<1x1xf32> -> vector<1x2xf32>
    %get3A_48 = arith.constant 0 : index
    %get3A_49 = arith.constant 0 : index
    %get3A_50 = vector.load %arg10[%get3A_48, %get3A_49] : memref<1x2xf32, #tpu.memory_space<vmem>>, vector<1x2xf32>
    %eq3A = arith.constant 0 : i32
    %eq3A_51 = arith.cmpi eq, %arg0, %eq3A : i32
    %max3A_52 = arith.maximumf %get3A_50, %concatenate3A : vector<1x2xf32>
    %select_n3A_53 = arith.select %eq3A_51, %concatenate3A, %max3A_52 : vector<1x2xf32>
    %swap3A_54 = arith.constant 0 : index
    %swap3A_55 = arith.constant 0 : index
    %swap3A_56 = vector.load %arg10[%swap3A_54, %swap3A_55] : memref<1x2xf32, #tpu.memory_space<vmem>>, vector<1x2xf32>
    tpu.vector_store %arg10[%swap3A_54, %swap3A_55], %select_n3A_53 {strides = array<i32>} : memref<1x2xf32, #tpu.memory_space<vmem>>, vector<1x2xf32>,
    return
  }
  func.func @transform_0(%arg0: i32) -> (i32, i32) {
    %c0_i32 = arith.constant 0 : i32
    %c0_i32_0 = arith.constant 0 : i32
    return %arg0, %c0_i32 : i32, i32
  }
  func.func @transform_1(%arg0: i32) -> (i32, i32) {
    %c0_i32 = arith.constant 0 : i32
    %c0_i32_0 = arith.constant 0 : i32
    return %arg0, %c0_i32 : i32, i32
  }
  func.func @transform_2(%arg0: i32) -> (i32, i32) {
    %c0_i32 = arith.constant 0 : i32
    %c0_i32_0 = arith.constant 0 : i32
    %c0_i32_1 = arith.constant 0 : i32
    return %c0_i32, %c0_i32_0 : i32, i32
  }
  func.func @transform_3(%arg0: i32) -> (i32, i32) {
    %c0_i32 = arith.constant 0 : i32
    %c0_i32_0 = arith.constant 0 : i32
    %c0_i32_1 = arith.constant 0 : i32
    return %c0_i32, %c0_i32_0 : i32, i32
  }
  func.func @transform_4(%arg0: i32) -> (i32, i32) {
    %c0_i32 = arith.constant 0 : i32
    %c0_i32_0 = arith.constant 0 : i32
    %c0_i32_1 = arith.constant 0 : i32
    return %c0_i32, %c0_i32_0 : i32, i32
  }
  func.func @transform_5(%arg0: i32) -> (i32, i32) {
    %c0_i32 = arith.constant 0 : i32
    %c0_i32_0 = arith.constant 0 : i32
    %c0_i32_1 = arith.constant 0 : i32
    return %c0_i32, %c0_i32_0 : i32, i32
  }
  func.func @transform_6(%arg0: i32) -> (i32, i32) {
    %c0_i32 = arith.constant 0 : i32
    %c0_i32_0 = arith.constant 0 : i32
    return %arg0, %c0_i32 : i32, i32
  }
  func.func @transform_7(%arg0: i32) -> (i32, i32) {
    %c0_i32 = arith.constant 0 : i32
    %c0_i32_0 = arith.constant 0 : i32
    return %arg0, %c0_i32 : i32, i32
  }
  func.func @transform_8(%arg0: i32) -> (i32, i32) {
    %c0_i32 = arith.constant 0 : i32
    %c0_i32_0 = arith.constant 0 : i32
    return %arg0, %c0_i32 : i32, i32
  }
  func.func @transform_9(%arg0: i32) -> (i32, i32) {
    %c0_i32 = arith.constant 0 : i32
    %c0_i32_0 = arith.constant 0 : i32
    %c0_i32_1 = arith.constant 0 : i32
    return %c0_i32, %c0_i32_0 : i32, i32
  }
}

module attributes {stable_mosaic.version = 14 : i64} {
  func.func @body(%arg0: i32, %arg1: memref<512x64xf32, #tpu.memory_space<vmem>>, %arg2: memref<512x1xf32, #tpu.memory_space<vmem>>, %arg3: memref<1x64xf32, #tpu.memory_space<vmem>>, %arg4: memref<512x1xi32, #tpu.memory_space<vmem>>, %arg5: memref<64x64xf32, #tpu.memory_space<vmem>>, %arg6: memref<1x64xf32, #tpu.memory_space<vmem>>, %arg7: memref<64x32xf32, #tpu.memory_space<vmem>>, %arg8: memref<1x32xf32, #tpu.memory_space<vmem>>, %arg9: memref<32x16xf32, #tpu.memory_space<vmem>>, %arg10: memref<1x16xf32, #tpu.memory_space<vmem>>, %arg11: memref<16x1xf32, #tpu.memory_space<vmem>>, %arg12: memref<1x1xf32, #tpu.memory_space<vmem>>, %arg13: memref<64x64xf32, #tpu.memory_space<vmem>>, %arg14: memref<1x64xf32, #tpu.memory_space<vmem>>, %arg15: memref<64x32xf32, #tpu.memory_space<vmem>>, %arg16: memref<1x32xf32, #tpu.memory_space<vmem>>, %arg17: memref<32x16xf32, #tpu.memory_space<vmem>>, %arg18: memref<1x16xf32, #tpu.memory_space<vmem>>, %arg19: memref<16x1xf32, #tpu.memory_space<vmem>>, %arg20: memref<1x1xf32, #tpu.memory_space<vmem>>, %arg21: memref<512x1xf32, #tpu.memory_space<vmem>>, %arg22: memref<64x1xf32, #tpu.memory_space<vmem>>, %arg23: memref<64x64xf32, #tpu.memory_space<vmem>>) attributes {dimension_semantics = [#tpu.dimension_semantics<arbitrary>], iteration_bounds = array<i64: 98>, scalar_prefetch = 0 : i64, scratch_operands = 1 : i64, tpu.core_type = #tpu.core_type<tc>, window_params = [{transform_indices = @transform_0, window_bounds = array<i64: 512, 64>}, {transform_indices = @transform_1, window_bounds = array<i64: 512, 1>}, {pipeline_mode = #tpu.pipeline_mode<synchronous>, transform_indices = @transform_2, window_bounds = array<i64: 1, 64>}, {transform_indices = @transform_3, window_bounds = array<i64: 512, 1>}, {pipeline_mode = #tpu.pipeline_mode<synchronous>, transform_indices = @transform_4, window_bounds = array<i64: 64, 64>}, {pipeline_mode = #tpu.pipeline_mode<synchronous>, transform_indices = @transform_5, window_bounds = array<i64: 1, 64>}, {pipeline_mode = #tpu.pipeline_mode<synchronous>, transform_indices = @transform_6, window_bounds = array<i64: 64, 32>}, {pipeline_mode = #tpu.pipeline_mode<synchronous>, transform_indices = @transform_7, window_bounds = array<i64: 1, 32>}, {pipeline_mode = #tpu.pipeline_mode<synchronous>, transform_indices = @transform_8, window_bounds = array<i64: 32, 16>}, {pipeline_mode = #tpu.pipeline_mode<synchronous>, transform_indices = @transform_9, window_bounds = array<i64: 1, 16>}, {pipeline_mode = #tpu.pipeline_mode<synchronous>, transform_indices = @transform_10, window_bounds = array<i64: 16, 1>}, {pipeline_mode = #tpu.pipeline_mode<synchronous>, transform_indices = @transform_11, window_bounds = array<i64: 1, 1>}, {pipeline_mode = #tpu.pipeline_mode<synchronous>, transform_indices = @transform_12, window_bounds = array<i64: 64, 64>}, {pipeline_mode = #tpu.pipeline_mode<synchronous>, transform_indices = @transform_13, window_bounds = array<i64: 1, 64>}, {pipeline_mode = #tpu.pipeline_mode<synchronous>, transform_indices = @transform_14, window_bounds = array<i64: 64, 32>}, {pipeline_mode = #tpu.pipeline_mode<synchronous>, transform_indices = @transform_15, window_bounds = array<i64: 1, 32>}, {pipeline_mode = #tpu.pipeline_mode<synchronous>, transform_indices = @transform_16, window_bounds = array<i64: 32, 16>}, {pipeline_mode = #tpu.pipeline_mode<synchronous>, transform_indices = @transform_17, window_bounds = array<i64: 1, 16>}, {pipeline_mode = #tpu.pipeline_mode<synchronous>, transform_indices = @transform_18, window_bounds = array<i64: 16, 1>}, {pipeline_mode = #tpu.pipeline_mode<synchronous>, transform_indices = @transform_19, window_bounds = array<i64: 1, 1>}, {transform_indices = @transform_20, window_bounds = array<i64: 512, 1>}, {pipeline_mode = #tpu.pipeline_mode<synchronous>, transform_indices = @transform_21, window_bounds = array<i64: 64, 1>}]} {
    %get3A = arith.constant 0 : index
    %get3A_0 = arith.constant 0 : index
    %get3A_1 = vector.load %arg2[%get3A, %get3A_0] : memref<512x1xf32, #tpu.memory_space<vmem>>, vector<512x1xf32>
    %gt3A = arith.constant 0.000000e+00 : f32
    %gt3A_2 = vector.broadcast %gt3A : f32 to vector<512x1xf32>
    %gt3A_3 = arith.cmpf ogt, %get3A_1, %gt3A_2 : vector<512x1xf32>
    %get3A_4 = arith.constant 0 : index
    %get3A_5 = arith.constant 0 : index
    %get3A_6 = vector.load %arg1[%get3A_4, %get3A_5] : memref<512x64xf32, #tpu.memory_space<vmem>>, vector<512x64xf32>
    %div3A = vector.broadcast %get3A_1 : vector<512x1xf32> to vector<512x64xf32>
    %div3A_7 = arith.divf %get3A_6, %div3A : vector<512x64xf32>
    %jit3A = arith.constant 0.000000e+00 : f32
    %broadcast_in_dim3A = vector.shape_cast %gt3A_3 : vector<512x1xi1> to vector<512x1xi1>
    %broadcast_in_dim3A_8 = vector.broadcast %broadcast_in_dim3A : vector<512x1xi1> to vector<512x64xi1>
    %broadcast_in_dim3A_9 = vector.broadcast %jit3A : f32 to vector<512x64xf32>
    %select_n3A = arith.select %broadcast_in_dim3A_8, %div3A_7, %broadcast_in_dim3A_9 : vector<512x64xi1>, vector<512x64xf32>
    %get3A_10 = arith.constant 0 : index
    %get3A_11 = arith.constant 0 : index
    %get3A_12 = vector.load %arg3[%get3A_10, %get3A_11] : memref<1x64xf32, #tpu.memory_space<vmem>>, vector<1x64xf32>
    %add3A = vector.broadcast %get3A_12 : vector<1x64xf32> to vector<512x64xf32>
    %add3A_13 = arith.addf %select_n3A, %add3A : vector<512x64xf32>
    %max3A = arith.constant 0.000000e+00 : f32
    %max3A_14 = vector.broadcast %max3A : f32 to vector<512x64xf32>
    %max3A_15 = arith.maximumf %add3A_13, %max3A_14 : vector<512x64xf32>
    %get3A_16 = arith.constant 0 : index
    %get3A_17 = arith.constant 0 : index
    %get3A_18 = vector.load %arg5[%get3A_16, %get3A_17] : memref<64x64xf32, #tpu.memory_space<vmem>>, vector<64x64xf32>
    %dot_general3A = arith.constant dense<0.000000e+00> : vector<512x64xf32>
    %dot_general3A_19 = tpu.matmul %max3A_15, %get3A_18, %dot_general3A {dimension_numbers = #tpu.dot_dimension_numbers<[1], [0], [0], [1], [0, 0, 1, 1], [], []>, transpose_lhs_hint = false} : vector<512x64xf32>, vector<64x64xf32>, vector<512x64xf32> -> vector<512x64xf32>
    %get3A_20 = arith.constant 0 : index
    %get3A_21 = arith.constant 0 : index
    %get3A_22 = vector.load %arg6[%get3A_20, %get3A_21] : memref<1x64xf32, #tpu.memory_space<vmem>>, vector<1x64xf32>
    %add3A_23 = vector.broadcast %get3A_22 : vector<1x64xf32> to vector<512x64xf32>
    %add3A_24 = arith.addf %dot_general3A_19, %add3A_23 : vector<512x64xf32>
    %max3A_25 = arith.constant 0.000000e+00 : f32
    %max3A_26 = vector.broadcast %max3A_25 : f32 to vector<512x64xf32>
    %max3A_27 = arith.maximumf %add3A_24, %max3A_26 : vector<512x64xf32>
    %get3A_28 = arith.constant 0 : index
    %get3A_29 = arith.constant 0 : index
    %get3A_30 = vector.load %arg7[%get3A_28, %get3A_29] : memref<64x32xf32, #tpu.memory_space<vmem>>, vector<64x32xf32>
    %dot_general3A_31 = arith.constant dense<0.000000e+00> : vector<512x32xf32>
    %dot_general3A_32 = tpu.matmul %max3A_27, %get3A_30, %dot_general3A_31 {dimension_numbers = #tpu.dot_dimension_numbers<[1], [0], [0], [1], [0, 0, 1, 1], [], []>, transpose_lhs_hint = false} : vector<512x64xf32>, vector<64x32xf32>, vector<512x32xf32> -> vector<512x32xf32>
    %get3A_33 = arith.constant 0 : index
    %get3A_34 = arith.constant 0 : index
    %get3A_35 = vector.load %arg8[%get3A_33, %get3A_34] : memref<1x32xf32, #tpu.memory_space<vmem>>, vector<1x32xf32>
    %add3A_36 = vector.broadcast %get3A_35 : vector<1x32xf32> to vector<512x32xf32>
    %add3A_37 = arith.addf %dot_general3A_32, %add3A_36 : vector<512x32xf32>
    %max3A_38 = arith.constant 0.000000e+00 : f32
    %max3A_39 = vector.broadcast %max3A_38 : f32 to vector<512x32xf32>
    %max3A_40 = arith.maximumf %add3A_37, %max3A_39 : vector<512x32xf32>
    %get3A_41 = arith.constant 0 : index
    %get3A_42 = arith.constant 0 : index
    %get3A_43 = vector.load %arg9[%get3A_41, %get3A_42] : memref<32x16xf32, #tpu.memory_space<vmem>>, vector<32x16xf32>
    %dot_general3A_44 = arith.constant dense<0.000000e+00> : vector<512x16xf32>
    %dot_general3A_45 = tpu.matmul %max3A_40, %get3A_43, %dot_general3A_44 {dimension_numbers = #tpu.dot_dimension_numbers<[1], [0], [0], [1], [0, 0, 1, 1], [], []>, transpose_lhs_hint = false} : vector<512x32xf32>, vector<32x16xf32>, vector<512x16xf32> -> vector<512x16xf32>
    %get3A_46 = arith.constant 0 : index
    %get3A_47 = arith.constant 0 : index
    %get3A_48 = vector.load %arg10[%get3A_46, %get3A_47] : memref<1x16xf32, #tpu.memory_space<vmem>>, vector<1x16xf32>
    %add3A_49 = vector.broadcast %get3A_48 : vector<1x16xf32> to vector<512x16xf32>
    %add3A_50 = arith.addf %dot_general3A_45, %add3A_49 : vector<512x16xf32>
    %max3A_51 = arith.constant 0.000000e+00 : f32
    %max3A_52 = vector.broadcast %max3A_51 : f32 to vector<512x16xf32>
    %max3A_53 = arith.maximumf %add3A_50, %max3A_52 : vector<512x16xf32>
    %get3A_54 = arith.constant 0 : index
    %get3A_55 = arith.constant 0 : index
    %get3A_56 = vector.load %arg11[%get3A_54, %get3A_55] : memref<16x1xf32, #tpu.memory_space<vmem>>, vector<16x1xf32>
    %dot_general3A_57 = arith.constant dense<0.000000e+00> : vector<512x1xf32>
    %dot_general3A_58 = tpu.matmul %max3A_53, %get3A_56, %dot_general3A_57 {dimension_numbers = #tpu.dot_dimension_numbers<[1], [0], [0], [1], [0, 0, 1, 1], [], []>, transpose_lhs_hint = false} : vector<512x16xf32>, vector<16x1xf32>, vector<512x1xf32> -> vector<512x1xf32>
    %get3A_59 = arith.constant 0 : index
    %get3A_60 = arith.constant 0 : index
    %get3A_61 = vector.load %arg12[%get3A_59, %get3A_60] : memref<1x1xf32, #tpu.memory_space<vmem>>, vector<1x1xf32>
    %add3A_62 = vector.broadcast %get3A_61 : vector<1x1xf32> to vector<512x1xf32>
    %add3A_63 = arith.addf %dot_general3A_58, %add3A_62 : vector<512x1xf32>
    %swap3A = arith.constant 0 : index
    %swap3A_64 = arith.constant 0 : index
    %swap3A_65 = vector.load %arg21[%swap3A, %swap3A_64] : memref<512x1xf32, #tpu.memory_space<vmem>>, vector<512x1xf32>
    tpu.vector_store %arg21[%swap3A, %swap3A_64], %add3A_63 {strides = array<i32>} : memref<512x1xf32, #tpu.memory_space<vmem>>, vector<512x1xf32>,
    %iota3A = tpu.iota {dimensions = array<i32: 1>} : vector<1x64xi32>
    %get3A_66 = arith.constant 0 : index
    %get3A_67 = arith.constant 0 : index
    %get3A_68 = vector.load %arg4[%get3A_66, %get3A_67] : memref<512x1xi32, #tpu.memory_space<vmem>>, vector<512x1xi32>
    %eq3A = vector.broadcast %get3A_68 : vector<512x1xi32> to vector<512x64xi32>
    %eq3A_69 = vector.broadcast %iota3A : vector<1x64xi32> to vector<512x64xi32>
    %eq3A_70 = arith.cmpi eq, %eq3A, %eq3A_69 : vector<512x64xi32>
    %convert_element_type3A = arith.extui %eq3A_70 : vector<512x64xi1> to vector<512x64xi32>
    %convert_element_type3A_71 = arith.sitofp %convert_element_type3A : vector<512x64xi32> to vector<512x64xf32>
    %dot_general3A_72 = arith.constant dense<0.000000e+00> : vector<64x64xf32>
    %dot_general3A_73 = tpu.matmul %convert_element_type3A_71, %max3A_15, %dot_general3A_72 {dimension_numbers = #tpu.dot_dimension_numbers<[0], [0], [1], [1], [0, 1, 1, 1], [], []>, transpose_lhs_hint = false} : vector<512x64xf32>, vector<512x64xf32>, vector<64x64xf32> -> vector<64x64xf32>
    %eq3A_74 = arith.constant 0 : i32
    %eq3A_75 = arith.cmpi eq, %arg0, %eq3A_74 : i32
    %convert_element_type3A_76 = arith.extui %eq3A_75 : i1 to i32
    %cond3A = arith.constant 0 : i32
    %cond3A_77 = arith.cmpi ne, %convert_element_type3A_76, %cond3A : i32
    scf.if %cond3A_77 {
      %broadcast_in_dim3A_90 = arith.constant 0.000000e+00 : f32
      %broadcast_in_dim3A_91 = vector.broadcast %broadcast_in_dim3A_90 : f32 to vector<64x64xf32>
      %swap3A_92 = arith.constant 0 : index
      %swap3A_93 = arith.constant 0 : index
      %swap3A_94 = vector.load %arg23[%swap3A_92, %swap3A_93] : memref<64x64xf32, #tpu.memory_space<vmem>>, vector<64x64xf32>
      tpu.vector_store %arg23[%swap3A_92, %swap3A_93], %broadcast_in_dim3A_91 {strides = array<i32>} : memref<64x64xf32, #tpu.memory_space<vmem>>, vector<64x64xf32>,
    } else {
    }
    %get3A_78 = arith.constant 0 : index
    %get3A_79 = arith.constant 0 : index
    %get3A_80 = vector.load %arg23[%get3A_78, %get3A_79] : memref<64x64xf32, #tpu.memory_space<vmem>>, vector<64x64xf32>
    %add3A_81 = arith.addf %get3A_80, %dot_general3A_73 : vector<64x64xf32>
    %swap3A_82 = arith.constant 0 : index
    %swap3A_83 = arith.constant 0 : index
    %swap3A_84 = vector.load %arg23[%swap3A_82, %swap3A_83] : memref<64x64xf32, #tpu.memory_space<vmem>>, vector<64x64xf32>
    tpu.vector_store %arg23[%swap3A_82, %swap3A_83], %add3A_81 {strides = array<i32>} : memref<64x64xf32, #tpu.memory_space<vmem>>, vector<64x64xf32>,
    %eq3A_85 = arith.constant 97 : i32
    %eq3A_86 = arith.cmpi eq, %arg0, %eq3A_85 : i32
    %convert_element_type3A_87 = arith.extui %eq3A_86 : i1 to i32
    %cond3A_88 = arith.constant 0 : i32
    %cond3A_89 = arith.cmpi ne, %convert_element_type3A_87, %cond3A_88 : i32
    scf.if %cond3A_89 {
      %get3A_90 = arith.constant 0 : index
      %get3A_91 = arith.constant 0 : index
      %get3A_92 = vector.load %arg23[%get3A_90, %get3A_91] : memref<64x64xf32, #tpu.memory_space<vmem>>, vector<64x64xf32>
      %get3A_93 = arith.constant 0 : index
      %get3A_94 = arith.constant 0 : index
      %get3A_95 = vector.load %arg13[%get3A_93, %get3A_94] : memref<64x64xf32, #tpu.memory_space<vmem>>, vector<64x64xf32>
      %dot_general3A_96 = arith.constant dense<0.000000e+00> : vector<64x64xf32>
      %dot_general3A_97 = tpu.matmul %get3A_92, %get3A_95, %dot_general3A_96 {dimension_numbers = #tpu.dot_dimension_numbers<[1], [0], [0], [1], [0, 0, 1, 1], [], []>, transpose_lhs_hint = false} : vector<64x64xf32>, vector<64x64xf32>, vector<64x64xf32> -> vector<64x64xf32>
      %get3A_98 = arith.constant 0 : index
      %get3A_99 = arith.constant 0 : index
      %get3A_100 = vector.load %arg14[%get3A_98, %get3A_99] : memref<1x64xf32, #tpu.memory_space<vmem>>, vector<1x64xf32>
      %add3A_101 = vector.broadcast %get3A_100 : vector<1x64xf32> to vector<64x64xf32>
      %add3A_102 = arith.addf %dot_general3A_97, %add3A_101 : vector<64x64xf32>
      %max3A_103 = arith.constant 0.000000e+00 : f32
      %max3A_104 = vector.broadcast %max3A_103 : f32 to vector<64x64xf32>
      %max3A_105 = arith.maximumf %add3A_102, %max3A_104 : vector<64x64xf32>
      %get3A_106 = arith.constant 0 : index
      %get3A_107 = arith.constant 0 : index
      %get3A_108 = vector.load %arg15[%get3A_106, %get3A_107] : memref<64x32xf32, #tpu.memory_space<vmem>>, vector<64x32xf32>
      %dot_general3A_109 = arith.constant dense<0.000000e+00> : vector<64x32xf32>
      %dot_general3A_110 = tpu.matmul %max3A_105, %get3A_108, %dot_general3A_109 {dimension_numbers = #tpu.dot_dimension_numbers<[1], [0], [0], [1], [0, 0, 1, 1], [], []>, transpose_lhs_hint = false} : vector<64x64xf32>, vector<64x32xf32>, vector<64x32xf32> -> vector<64x32xf32>
      %get3A_111 = arith.constant 0 : index
      %get3A_112 = arith.constant 0 : index
      %get3A_113 = vector.load %arg16[%get3A_111, %get3A_112] : memref<1x32xf32, #tpu.memory_space<vmem>>, vector<1x32xf32>
      %add3A_114 = vector.broadcast %get3A_113 : vector<1x32xf32> to vector<64x32xf32>
      %add3A_115 = arith.addf %dot_general3A_110, %add3A_114 : vector<64x32xf32>
      %max3A_116 = arith.constant 0.000000e+00 : f32
      %max3A_117 = vector.broadcast %max3A_116 : f32 to vector<64x32xf32>
      %max3A_118 = arith.maximumf %add3A_115, %max3A_117 : vector<64x32xf32>
      %get3A_119 = arith.constant 0 : index
      %get3A_120 = arith.constant 0 : index
      %get3A_121 = vector.load %arg17[%get3A_119, %get3A_120] : memref<32x16xf32, #tpu.memory_space<vmem>>, vector<32x16xf32>
      %dot_general3A_122 = arith.constant dense<0.000000e+00> : vector<64x16xf32>
      %dot_general3A_123 = tpu.matmul %max3A_118, %get3A_121, %dot_general3A_122 {dimension_numbers = #tpu.dot_dimension_numbers<[1], [0], [0], [1], [0, 0, 1, 1], [], []>, transpose_lhs_hint = false} : vector<64x32xf32>, vector<32x16xf32>, vector<64x16xf32> -> vector<64x16xf32>
      %get3A_124 = arith.constant 0 : index
      %get3A_125 = arith.constant 0 : index
      %get3A_126 = vector.load %arg18[%get3A_124, %get3A_125] : memref<1x16xf32, #tpu.memory_space<vmem>>, vector<1x16xf32>
      %add3A_127 = vector.broadcast %get3A_126 : vector<1x16xf32> to vector<64x16xf32>
      %add3A_128 = arith.addf %dot_general3A_123, %add3A_127 : vector<64x16xf32>
      %max3A_129 = arith.constant 0.000000e+00 : f32
      %max3A_130 = vector.broadcast %max3A_129 : f32 to vector<64x16xf32>
      %max3A_131 = arith.maximumf %add3A_128, %max3A_130 : vector<64x16xf32>
      %get3A_132 = arith.constant 0 : index
      %get3A_133 = arith.constant 0 : index
      %get3A_134 = vector.load %arg19[%get3A_132, %get3A_133] : memref<16x1xf32, #tpu.memory_space<vmem>>, vector<16x1xf32>
      %dot_general3A_135 = arith.constant dense<0.000000e+00> : vector<64x1xf32>
      %dot_general3A_136 = tpu.matmul %max3A_131, %get3A_134, %dot_general3A_135 {dimension_numbers = #tpu.dot_dimension_numbers<[1], [0], [0], [1], [0, 0, 1, 1], [], []>, transpose_lhs_hint = false} : vector<64x16xf32>, vector<16x1xf32>, vector<64x1xf32> -> vector<64x1xf32>
      %get3A_137 = arith.constant 0 : index
      %get3A_138 = arith.constant 0 : index
      %get3A_139 = vector.load %arg20[%get3A_137, %get3A_138] : memref<1x1xf32, #tpu.memory_space<vmem>>, vector<1x1xf32>
      %add3A_140 = vector.broadcast %get3A_139 : vector<1x1xf32> to vector<64x1xf32>
      %add3A_141 = arith.addf %dot_general3A_136, %add3A_140 : vector<64x1xf32>
      %swap3A_142 = arith.constant 0 : index
      %swap3A_143 = arith.constant 0 : index
      %swap3A_144 = vector.load %arg22[%swap3A_142, %swap3A_143] : memref<64x1xf32, #tpu.memory_space<vmem>>, vector<64x1xf32>
      tpu.vector_store %arg22[%swap3A_142, %swap3A_143], %add3A_141 {strides = array<i32>} : memref<64x1xf32, #tpu.memory_space<vmem>>, vector<64x1xf32>,
    } else {
    }
    return
  }
  func.func @transform_0(%arg0: i32) -> (i32, i32) {
    %c0_i32 = arith.constant 0 : i32
    %c0_i32_0 = arith.constant 0 : i32
    return %arg0, %c0_i32 : i32, i32
  }
  func.func @transform_1(%arg0: i32) -> (i32, i32) {
    %c0_i32 = arith.constant 0 : i32
    %c0_i32_0 = arith.constant 0 : i32
    return %arg0, %c0_i32 : i32, i32
  }
  func.func @transform_2(%arg0: i32) -> (i32, i32) {
    %c0_i32 = arith.constant 0 : i32
    %c0_i32_0 = arith.constant 0 : i32
    %c0_i32_1 = arith.constant 0 : i32
    return %c0_i32, %c0_i32_0 : i32, i32
  }
  func.func @transform_3(%arg0: i32) -> (i32, i32) {
    %c0_i32 = arith.constant 0 : i32
    %c0_i32_0 = arith.constant 0 : i32
    return %arg0, %c0_i32 : i32, i32
  }
  func.func @transform_4(%arg0: i32) -> (i32, i32) {
    %c0_i32 = arith.constant 0 : i32
    %c0_i32_0 = arith.constant 0 : i32
    %c0_i32_1 = arith.constant 0 : i32
    return %c0_i32, %c0_i32_0 : i32, i32
  }
  func.func @transform_5(%arg0: i32) -> (i32, i32) {
    %c0_i32 = arith.constant 0 : i32
    %c0_i32_0 = arith.constant 0 : i32
    %c0_i32_1 = arith.constant 0 : i32
    return %c0_i32, %c0_i32_0 : i32, i32
  }
  func.func @transform_6(%arg0: i32) -> (i32, i32) {
    %c0_i32 = arith.constant 0 : i32
    %c0_i32_0 = arith.constant 0 : i32
    %c0_i32_1 = arith.constant 0 : i32
    return %c0_i32, %c0_i32_0 : i32, i32
  }
  func.func @transform_7(%arg0: i32) -> (i32, i32) {
    %c0_i32 = arith.constant 0 : i32
    %c0_i32_0 = arith.constant 0 : i32
    %c0_i32_1 = arith.constant 0 : i32
    return %c0_i32, %c0_i32_0 : i32, i32
  }
  func.func @transform_8(%arg0: i32) -> (i32, i32) {
    %c0_i32 = arith.constant 0 : i32
    %c0_i32_0 = arith.constant 0 : i32
    %c0_i32_1 = arith.constant 0 : i32
    return %c0_i32, %c0_i32_0 : i32, i32
  }
  func.func @transform_9(%arg0: i32) -> (i32, i32) {
    %c0_i32 = arith.constant 0 : i32
    %c0_i32_0 = arith.constant 0 : i32
    %c0_i32_1 = arith.constant 0 : i32
    return %c0_i32, %c0_i32_0 : i32, i32
  }
  func.func @transform_10(%arg0: i32) -> (i32, i32) {
    %c0_i32 = arith.constant 0 : i32
    %c0_i32_0 = arith.constant 0 : i32
    %c0_i32_1 = arith.constant 0 : i32
    return %c0_i32, %c0_i32_0 : i32, i32
  }
  func.func @transform_11(%arg0: i32) -> (i32, i32) {
    %c0_i32 = arith.constant 0 : i32
    %c0_i32_0 = arith.constant 0 : i32
    %c0_i32_1 = arith.constant 0 : i32
    return %c0_i32, %c0_i32_0 : i32, i32
  }
  func.func @transform_12(%arg0: i32) -> (i32, i32) {
    %c0_i32 = arith.constant 0 : i32
    %c0_i32_0 = arith.constant 0 : i32
    %c0_i32_1 = arith.constant 0 : i32
    return %c0_i32, %c0_i32_0 : i32, i32
  }
  func.func @transform_13(%arg0: i32) -> (i32, i32) {
    %c0_i32 = arith.constant 0 : i32
    %c0_i32_0 = arith.constant 0 : i32
    %c0_i32_1 = arith.constant 0 : i32
    return %c0_i32, %c0_i32_0 : i32, i32
  }
  func.func @transform_14(%arg0: i32) -> (i32, i32) {
    %c0_i32 = arith.constant 0 : i32
    %c0_i32_0 = arith.constant 0 : i32
    %c0_i32_1 = arith.constant 0 : i32
    return %c0_i32, %c0_i32_0 : i32, i32
  }
  func.func @transform_15(%arg0: i32) -> (i32, i32) {
    %c0_i32 = arith.constant 0 : i32
    %c0_i32_0 = arith.constant 0 : i32
    %c0_i32_1 = arith.constant 0 : i32
    return %c0_i32, %c0_i32_0 : i32, i32
  }
  func.func @transform_16(%arg0: i32) -> (i32, i32) {
    %c0_i32 = arith.constant 0 : i32
    %c0_i32_0 = arith.constant 0 : i32
    %c0_i32_1 = arith.constant 0 : i32
    return %c0_i32, %c0_i32_0 : i32, i32
  }
  func.func @transform_17(%arg0: i32) -> (i32, i32) {
    %c0_i32 = arith.constant 0 : i32
    %c0_i32_0 = arith.constant 0 : i32
    %c0_i32_1 = arith.constant 0 : i32
    return %c0_i32, %c0_i32_0 : i32, i32
  }
  func.func @transform_18(%arg0: i32) -> (i32, i32) {
    %c0_i32 = arith.constant 0 : i32
    %c0_i32_0 = arith.constant 0 : i32
    %c0_i32_1 = arith.constant 0 : i32
    return %c0_i32, %c0_i32_0 : i32, i32
  }
  func.func @transform_19(%arg0: i32) -> (i32, i32) {
    %c0_i32 = arith.constant 0 : i32
    %c0_i32_0 = arith.constant 0 : i32
    %c0_i32_1 = arith.constant 0 : i32
    return %c0_i32, %c0_i32_0 : i32, i32
  }
  func.func @transform_20(%arg0: i32) -> (i32, i32) {
    %c0_i32 = arith.constant 0 : i32
    %c0_i32_0 = arith.constant 0 : i32
    return %arg0, %c0_i32 : i32, i32
  }
  func.func @transform_21(%arg0: i32) -> (i32, i32) {
    %c0_i32 = arith.constant 0 : i32
    %c0_i32_0 = arith.constant 0 : i32
    %c0_i32_1 = arith.constant 0 : i32
    return %c0_i32, %c0_i32_0 : i32, i32
  }
}

</mosaic_0001>

<sc_bundles>
// kernel: kernel.12.cloned.1.call-start
scs
__scs_entry_jumppad:
0x0: {  	(pc) =	sbr.rel $0x88, $3  }
0x1: {  	(tag) =	ssettag $0x0;
	lr =	simm.s32 $0x1  }
0x2: {  	[smem:$0x3F82] =	sst lr;
	_ =	strace $0xD0000000  }
0x3: {  	_ = 	snop  }
0x4: {  	_ = 	snop  }
0x5: {  	_ = 	snop  }
0x6: {  	_ = 	snop  }
0x7: {  	_ = 	snop  }
__scs_overlays_trampoline_lowered:
0x8: {  	[smem:$0x3F91] =	sst s0  }
0x9: {  	[smem:$0x3F92] =	sst s1  }
0xa: {  	[smem:$0x3F93] =	sst s2  }
0xb: {  	[smem:$0x3F94] =	sst s3  }
0xc: {  	[smem:$0x3F95] =	sst s4  }
0xd: {  	[smem:$0x3F96] =	sst s5  }
0xe: {  	[smem:$0x3F97] =	sst s6  }
0xf: {  	[smem:$0x3F98] =	sst s7  }
0x10: {  	[smem:$0x3F99] =	sst s8  }
0x11: {  	[smem:$0x3F9A] =	sst s9;
	s0 =	simm.s32 @!p0 $0x0  }
0x12: {  	s1 =	sld [smem:$0x3F80];
	s0 =	simm.s32 @p0 $0x1  }
0x13: {  	[smem:$0x3F9B] =	sst s0;
	s0 =	simm.s32 @!p1 $0x0  }
0x14: {  	s2 =	sld [smem:$0x3F7F];
	s0 =	simm.s32 @p1 $0x1  }
0x15: {  	[smem:$0x3F9C] =	sst s0;
	s0 =	simm.s32 @!p2 $0x0  }
0x16: {  	s3 =	sld [smem:$0x3FDB];
	s0 =	simm.s32 @p2 $0x1  }
0x17: {  	s4 =	simm.s32 $0x1BF5;
	[smem:$0x3F9E] =	sst s0  }
0x18: {  	s0 =	sld [smem:$0x3F81];
	_ =	swait.ge [sflag:s4], $0x0  }
0x19: {  	s7 =	sld [smem:$0x3F82]  }
0x1a: {  	s8 =	sadd.s32 $0xFFFFE003, lr  }
0x1b: {  	s9 =	sadd.s32 $0xFFFFFEF7, lr;
	s5 =	simm.s32 $0xFFFFFFFF;
	p2 =	slt.u32 s8, $0xFFFFF086  }
0x1c: {  	p1 =	slt.u32 s9, $0xF7A;
	s5 =	simm.s32 @!p2 $0x0  }
0x1d: {  	s5 =	simm.s32 @p1 $0x1;
	p0 =	seq.s32 s7, s2  }
0x1e: {  	s7 =	smul.u32 @!p0 $0xF7A, s2;
	p2 =	seq.s32 @!p0 s5, $0x0  }
0x1f: {  	s9 =	smul.u32 $0xF7A, s1;
	s8 =	simm.s32 @!p0 $0x1BF5;
	p2 =	por !p2, p0  }
0x20: {  	[sflag:s8] =	ssyncset.s32 @!p0 $0xFFFFF086;
	s6 =	sadd.s32 @!p0 s3, s7;
	s7 =	simm.s32 @!p0 $0x108  }
0x21: {  	s3 =	sadd.s32 s3, s9;
	s6 =	sadd.s32 @!p0 $0x88, s6;
	s7 =	simm.s32 @p2 $0x1082  }
0x22: {  	[simem:s7], [sflag:s8] =	dma.local @!p0 [hbm:s6], $0xF7A  }
0x23: {  	s9 =	sor.u32 $0xD0000000, s2;
	s6 =	simm.s32 $0x108;
	_ =	swait.ge @!p0 [sflag:s8], $0x0  }
0x24: {  	s3 =	sadd.s32 $0x88, s3;
	s6 =	simm.s32 @!p1 $0x1082;
	[sflag:s4] =	ssyncset.s32 $0xFFFFF086  }
0x25: {  	[simem:s6], [sflag:s4] =	dma.local [hbm:s3], $0xF7A  }
0x26: {  	[smem:$0x3F82] =	sst s1;
	(tag) =	ssettag s2;
	_ =	strace s9  }
0x27: {  	s1 =	sld [smem:$0x3F92]  }
0x28: {  	s2 =	sld [smem:$0x3F93]  }
0x29: {  	s4 =	sld [smem:$0x3F95]  }
0x2a: {  	p0 =	seq.s32 s5, $0x0;
	s5 =	sld [smem:$0x3F96]  }
0x2b: {  	s6 =	sld [smem:$0x3F97]  }
0x2c: {  	s7 =	sld [smem:$0x3F98]  }
0x2d: {  	s3 =	simm.s32 $0x108;
	s8 =	sld [smem:$0x3F99]  }
0x2e: {  	s3 =	simm.s32 @!p0 $0x1082;
	s9 =	sld [smem:$0x3F9A]  }
0x2f: {  	lr =	sadd.s32 s0, s3;
	s0 =	sld [smem:$0x3F91]  }
0x30: {  	s3 =	sld [smem:$0x3F94]  }
0x31: {  	[smem:$0x3F9D] =	sst s10  }
0x32: {  	s10 =	sld [smem:$0x3F9B];
	_ =	sdelay $0x3  }
0x33: {  	p0 =	seq.s32 s10, $0x1;
	s10 =	sld [smem:$0x3F9D];
	_ =	sdelay $0x3  }
0x34: {  	[smem:$0x3F9D] =	sst s10  }
0x35: {  	s10 =	sld [smem:$0x3F9C];
	_ =	sdelay $0x3  }
0x36: {  	p1 =	seq.s32 s10, $0x1;
	s10 =	sld [smem:$0x3F9D];
	_ =	sdelay $0x3  }
0x37: {  	[smem:$0x3F9D] =	sst s10  }
0x38: {  	s10 =	sld [smem:$0x3F9E]  }
0x39: {  	_ = 	snop;
	(pc) =	sbr.ind lr, $3  }
0x3a: {  	_ = 	snop  }
0x3b: {  	_ = 	snop  }
0x3c: {  	p2 =	seq.s32 s10, $0x1;
	s10 =	sld [smem:$0x3F9D]  }
0x3d: {  	_ =	shalt  }
0x3e: {  	_ =	shalt  }
0x3f: {  	_ =	shalt  }
0x40: {  	_ =	shalt  }
0x41: {  	_ =	shalt  }
0x42: {  	_ =	shalt  }
0x43: {  	_ =	shalt  }
0x44: {  	_ =	shalt  }
0x45: {  	_ =	shalt  }
0x46: {  	_ =	shalt  }
0x47: {  	_ =	shalt  }
0x48: {  	_ =	shalt  }
0x49: {  	_ =	shalt  }
0x4a: {  	_ =	shalt  }
0x4b: {  	_ =	shalt  }
0x4c: {  	_ =	shalt  }
0x4d: {  	_ =	shalt  }
0x4e: {  	_ =	shalt  }
0x4f: {  	_ =	shalt  }
0x50: {  	_ =	shalt  }
0x51: {  	_ =	shalt  }
0x52: {  	_ =	shalt  }
0x53: {  	_ =	shalt  }
0x54: {  	_ =	shalt  }
0x55: {  	_ =	shalt  }
0x56: {  	_ =	shalt  }
0x57: {  	_ =	shalt  }
0x58: {  	_ =	shalt  }
0x59: {  	_ =	shalt  }
0x5a: {  	_ =	shalt  }
0x5b: {  	_ =	shalt  }
0x5c: {  	_ =	shalt  }
0x5d: {  	_ =	shalt  }
0x5e: {  	_ =	shalt  }
0x5f: {  	_ =	shalt  }
0x60: {  	_ =	shalt  }
0x61: {  	_ =	shalt  }
0x62: {  	_ =	shalt  }
0x63: {  	_ =	shalt  }
0x64: {  	_ =	shalt  }
0x65: {  	_ =	shalt  }
0x66: {  	_ =	shalt  }
0x67: {  	_ =	shalt  }
0x68: {  	_ =	shalt  }
0x69: {  	_ =	shalt  }
0x6a: {  	_ =	shalt  }
0x6b: {  	_ =	shalt  }
0x6c: {  	_ =	shalt  }
0x6d: {  	_ =	shalt  }
0x6e: {  	_ =	shalt  }
0x6f: {  	_ =	shalt  }
0x70: {  	_ =	shalt  }
0x71: {  	_ =	shalt  }
0x72: {  	_ =	shalt  }
0x73: {  	_ =	shalt  }
0x74: {  	_ =	shalt  }
0x75: {  	_ =	shalt  }
0x76: {  	_ =	shalt  }
0x77: {  	_ =	shalt  }
0x78: {  	_ =	shalt  }
0x79: {  	_ =	shalt  }
0x7a: {  	_ =	shalt  }
0x7b: {  	_ =	shalt  }
0x7c: {  	_ =	shalt  }
0x7d: {  	_ =	shalt  }
0x7e: {  	_ =	shalt  }
0x7f: {  	_ =	shalt  }
0x80: {  	_ =	shalt  }
0x81: {  	_ =	shalt  }
0x82: {  	_ =	shalt  }
0x83: {  	_ =	shalt  }
0x84: {  	_ =	shalt  }
0x85: {  	_ =	shalt  }
0x86: {  	_ =	shalt  }
0x87: {  	_ =	shalt  }
.Lfunc_end0:
.L_simem_size_0:
called_computation.1_lowered:
.L_overlay_start_0:
0x88: {  	s2 =	sld [smem:$0x3FD9]  }
0x89: {  	s3 =	sld [smem:$0x3FFE];
	_ =	sdelay $0x1  }
0x8a: {  	s1 =	srdreg.scid  }
0x8b: {  	s0 =	sand.u32 $0x1, s1  }
0x8c: {  	s16 =	sshll.u32 s0, $0xA;
	s2 =	sadd.s32 s3, s2  }
0x8d: {  	s2 =	sadd.s32 s2, s16  }
0x8e: {  	[smem:$0x3FA9] =	sst s2  }
0x8f: {  	_ = 	snop  }
0x90: {  	(tm) =	ssettm $0x1  }
0x91: {  	s17 =	sld [smem:$0x3FFB];
	_ =	sdelay $0x3  }
0x92: {  	_ =	strace s17  }
0x93: {  	s2 =	sld [smem:$0x3FFC];
	_ =	sdelay $0x3  }
0x94: {  	_ =	strace s2  }
0x95: {  	s2 =	sld [smem:$0x3FFD];
	_ =	sdelay $0x3  }
0x96: {  	_ =	strace s2  }
0x97: {  	_ =	strace $0x8FFFFFFF  }
0x98: {  	s18 =	sld [smem:$0x3FDB];
	_ =	sdelay $0x1  }
0x99: {  	s19 =	simm.s32 $_scs_section_size  }
0x9a: {  	s4 =	simm.s32 $_size__tile_overlayer_lowered;
	s5 =	simm.s32 $_tile_overlayer_lowered  }
0x9b: {  	s22 =	simm.s32 $0x1BFF;
	s21 =	sshll.u32 s5, $0x1;
	s2 =	sadd.s32 s19, s18  }
0x9c: {  	s6 =	simm.s32 $0x0;
	s20 =	sshll.u32 s4, $0x1;
	s4 =	sadd.s32 s21, s2  }
0x9d: {  	[timem:s6], [sflag:s22] =	dma.local [hbm:s4], s20  }
0x9e: {  	_ =	swait.ge [sflag:s22], s20  }
0x9f: {  	s3 =	ssub.s32 $0x0, s20;
	[sflag:s22] =	ssyncset.done $0x0  }
0xa0: {  	[sflag:s22] =	ssyncadd.s32 s3;
	_ =	sdelay $0x1  }
0xa1: {  	s23 =	simm.s32 $0x1B8B  }
0xa2: {  	_ =	swait.ge [sflag:s23], $0x1  }
0xa3: {  	[sflag:s23] =	ssyncset.done $0x0  }
0xa4: {  	s25 =	simm.s32 $0x1B8E;
	s24 =	sld [smem:$0x3FFE];
	[sflag:s23] =	ssyncadd.s32 $0xFFFFFFFF  }
0xa5: {  	s26 =	simm.s32 $execute0_lowered;
	[smem:$0x3FD2] =	sst s25  }
0xa6: {  	s4 =	sshll.u32 s26, $0x1;
	_ =	strace $0x80000049;
	[dreg:$0x1] =	wrdreg $0xFFFFFFFF  }
0xa7: {  	s28 =	simm.s32 $_size_execute0_lowered;
	s2 =	sadd.s32 s2, s4;
	[dreg:$0x0] =	wrdreg $0x0  }
0xa8: {  	s4 =	sshll.u32 s28, $0x1;
	[dreg:$0x2] =	wrdreg s2  }
0xa9: {  	[dreg:$0x3] =	wrdreg s4  }
0xaa: {  	[dreg:$0x4] =	wrdreg $0xC0  }
0xab: {  	_ =	task [dreg:s6], $0x5FFFF  }
0xac: {  	[dreg:$0x1] =	wrdreg $0xFFFFFFFF  }
0xad: {  	[dreg:$0x0] =	wrdreg $0x60  }
0xae: {  	[dreg:$0x2] =	wrdreg s24  }
0xaf: {  	[dreg:$0x3] =	wrdreg $0x3CB00  }
0xb0: {  	[dreg:$0x4] =	wrdreg $0x48F00  }
0xb1: {  	[dreg:$0x5] =	wrdreg $0x55300  }
0xb2: {  	[dreg:$0x6] =	wrdreg $0x1DD300  }
0xb3: {  	[dreg:$0x7] =	wrdreg $0x9  }
0xb4: {  	_ =	task.clear_ibuf [dreg:s6], $0x8FFFF;
	_ =	strace $0x90000049  }
0xb5: {  	s29 =	simm.s32 $0x9;
	_ =	strace $0x8000004B  }
0xb6: {  	_ =	swait.ge [sflag:s29], $0x1  }
0xb7: {  	[sflag:s29] =	ssyncadd.s32 $0xFFFFFFFF  }
0xb8: {  	_ =	strace $0x9000004B  }
0xb9: {  	_ =	sfence  }
0xba: {  	s30 =	sld [smem:$0x0];
	_ =	sdelay $0x2  }
0xbb: {  	s31 =	sshll.u32 s1, $0xD;
	s1 =	sshrl.u32 s1, $0x2  }
0xbc: {  	s3 =	sand.u32 $0x4000, s31;
	s1 =	sadd.s32 s1, s30  }
0xbd: {  	s0 =	sor.u32 s3, s0;
	s1 =	sshll.u32 s1, $0x11  }
0xbe: {  	s0 =	sor.u32 s1, s0  }
0xbf: {  	s0 =	sadd.s32 $0x8F2B, s0  }
0xc0: {  	[sflag:s0] =	ssyncadd.remote.s32 $0x1  }
0xc1: {  	_ =	sfence.sel $0xFFFF  }
0xc2: {  	[dreg:$0x0] =	wrdreg $0xFFFFFFFF;
	(pc) =	sbr.abs _section_cstart, $3  }
0xc3: {  	[dreg:$0x1] =	wrdreg $0xFFFFFFFF  }
0xc4: {  	_ =	task.clear_ibuf [dreg:s6], $0x2FFFF;
	_ =	strace $0x9FFFFFFF  }
0xc5: {  	(tm) =	ssettm $0x7FFFFFFF  }
tec
execute0_lowered:
.L_overlay_start_1:
0x0: {  	(tag) =	ssettag $0x1  }
0x1: {  	s3 =	rddreg [dreg:$0x0]  }
0x2: {  	s0 =	rddreg [dreg:$0x1]  }
0x3: {  	s1 =	rddreg [dreg:$0x2]  }
0x4: {  	s2 =	rddreg [dreg:$0x3];
	s4 =	srdreg.scid  }
0x5: {  	s15 =	stileid.u32;
	s5 =	rddreg [dreg:$0x4]  }
0x6: {  	s19 =	simm.s32 $0x0;
	s21 =	simm.s32 $0x2;
	s22 =	simm.s32 $0x2C60  }
0x7: {  	s24 =	simm.s32 $0x80;
	s20 =	simm.s32 $0xB80;
	s23 =	simm.s32 $0x780  }
0x8: {  	s16 =	simm.s32 $0x1C60;
	s17 =	simm.s32 $0x3;
	s4 =	sand.u32 $0x1, s4  }
0x9: {  	s6 =	smul.u32 $0x620, s15;
	[smem:$0x7FF] =	sst s19;
	s7 =	sadd.s32 $0x39600, s3  }
0xa: {  	s9 =	sadd.s32 $0x9B600, s3;
	s12 =	smul.u32 $0x62000, s15;
	s25 =	sadd.s32 $0x9CE80, s3  }
0xb: {  	s14 =	smul.u32 $0x32, s15;
	p0 =	sne.s32 s15, $0x0;
	s15 =	simm.s32 $0x40  }
0xc: {  	s11 =	smul.u32 $0x6200, s4;
	_ =	strace $0x8000004A;
	[dreg:$0x6] =	wrdreg s9  }
0xd: {  	s9 =	sadd.s32 $0x7600, s3;
	s4 =	ssub.s32 $0x2, s4;
	[dreg:$0x7] =	wrdreg s25  }
0xe: {  	s13 =	sshrl.u32 s4, $0x1;
	s12 =	sshrl.u32 s12, $0x2;
	s25 =	sadd.s32 s6, s5  }
0xf: {  	s8 =	sadd.s32 s6, s11;
	s4 =	ssub.s32 s4, s13;
	s12 =	sadd.s32 s12, s2  }
0x10: {  	s26 =	smin.u32 s11, $0x6150;
	s6 =	simm.s32 $0x1;
	s13 =	simm.s32 $0x0  }
0x11: {  	[dreg:$0x9] =	wrdreg s25;
	s10 =	sshll.u32 s8, $0x3;
	s8 =	sshrl.u32 s8, $0x3  }
0x12: {  	s28 =	sadd.s32 $0x6200, s26;
	s31 =	smax.u32 s4, $0x1;
	s10 =	sadd.s32 s10, s3  }
0x13: {  	s8 =	sadd.s32 s8, s3;
	s3 =	sadd.s32 $0x9E700, s3;
	[dreg:$0xc] =	wrdreg s31  }
.Ltmp0:
0x14: {  	[dreg:$0x8] =	wrdreg s3;
	s29 =	sadd.s32 $0xA0200, s10;
	(pc) =	sbr.rel .LBB2_1-.Ltmp0, $4  }
0x15: {  	s4 =	simm.s32 $0xF80;
	s30 =	sadd.s32 $0x9E800, s8;
	[dreg:$0xa] =	wrdreg s29  }
0x16: {  	p1 =	sge.u32 s11, s28;
	s3 =	sshrl.u32 @!p0 s0, $0x3;
	[dreg:$0xb] =	wrdreg s30  }
0x17: {  	v4 =	vlaneseq.u32;
	v2 =	vimm.f32 $0.0e+00;
	v0 =	vmov s11;
	s11 =	simm.s32 $0x1410;
	[dreg:$0xd] =	wrdreg s3;
	s3 =	sshrl.u32 @!p0 s1, $0x3  }
0x18: {  	v3 =	vimm.s32 $0x0;
	v4 =	vor.u32 $0x400, v4;
	v1 =	vmov s28;
	s8 =	simm.s32 $0x1000;
	s10 =	simm.s32 $0x1850;
	[dreg:$0xe] =	wrdreg s3  }
.LBB2_19:
0x19: {  	s3 =	stileid.u32  }
0x1a: {  	[bflag:$0x0] =	sbarrier.arrive $0xFFFF;
	s3 =	sshll.u32 s3, $0x6  }
0x1b: {  	s13 =	sshrl.u32 s12, $0x3;
	s18 =	rddreg [dreg:$0xa];
	s3 =	sor.u32 $0x1C02, s3  }
0x1c: {  	[hbm:s18], [sflag:s3] =	dma.local [spmem:s13], $0x3100  }
0x1d: {  	_ =	swait.ge [sflag:s21], $0x3100  }
0x1e: {  	[sflag:s21] =	ssyncset.done $0x0  }
0x1f: {  	s28 =	simm.s32 $0x3680;
	s25 =	rddreg [dreg:$0x9];
	[sflag:s21] =	ssyncadd.s32 $0xFFFFCF00  }
0x20: {  	[tilespmem:s28], [sflag:$0x2] =	stream.linear.gather [spmem:s25], $0x620, $0x38;
	[tilespmem:$0x1E350] =	vst v63  }
0x21: {  	_ =	swait.ge [sflag:s21], $0x620  }
0x22: {  	[sflag:s21] =	ssyncset.done $0x0  }
0x23: {  	s19 =	simm.s32 $0x0;
	s29 =	rddreg [dreg:$0xb];
	[sflag:s21] =	ssyncadd.s32 $0xFFFFF9E0  }
0x24: {  	[hbm4b:s29+s19] =	stream.linear.scatter [tilespmem:s28], [sflag:$0x2], $0x620, $0x38;
	[tilespmem:$0x1E350] =	vst v63  }
0x25: {  	_ =	swait.ge [sflag:s21], $0x620  }
0x26: {  	s30 =	rddreg [dreg:$0xf]  }
0x27: {  	s31 =	rddreg [dreg:$0xc];
	s13 =	sadd.s32 $0x1, s30  }
0x28: {  	p2 =	sne.s32 s13, s31  }
.Ltmp1:
0x29: {  	_ = 	snop;
	(pc) =	sbr.rel @!p2 .LBB2_20-.Ltmp1, $3  }
0x2a: {  	[sflag:s21] =	ssyncset.done $0x0  }
0x2b: {  	[sflag:s21] =	ssyncadd.s32 $0xFFFFF9E0  }
0x2c: {  	[bflag:$0x0] =	sbarrier.arrive $0xFFFF;
	_ =	sdelay $0x1  }
.LBB2_1:
0x2d: {  	[dreg:$0xf] =	wrdreg s13  }
0x2e: {  	s3 =	rddreg [dreg:$0x6]  }
0x2f: {  	s13 =	simm.s32 @!p0 $0x1C02;
	s18 =	rddreg [dreg:$0xd]  }
0x30: {  	[spmem:s18], [sflag:s13] =	dma.local @!p0 [hbm:s3], $0x1880  }
0x31: {  	s18 =	simm.s32 @!p0 $0x2  }
0x32: {  	_ =	swait.ge @!p0 [sflag:s18], $0x1880  }
0x33: {  	[sflag:s18] =	ssyncset.done @!p0 $0x0;
	s3 =	rddreg [dreg:$0x7]  }
0x34: {  	s26 =	rddreg [dreg:$0xe];
	[sflag:s18] =	ssyncadd.s32 @!p0 $0xFFFFE780  }
0x35: {  	[spmem:s26], [sflag:s13] =	dma.local @!p0 [hbm:s3], $0x1880  }
0x36: {  	_ =	swait.ge @!p0 [sflag:s18], $0x1880  }
0x37: {  	[sflag:s18] =	ssyncset.done @!p0 $0x0  }
0x38: {  	s31 =	simm.s32 $0x3CA0;
	s30 =	rddreg [dreg:$0x8];
	[sflag:s18] =	ssyncadd.s32 @!p0 $0xFFFFE780  }
0x39: {  	[tilespmem:s31], [sflag:$0x2] =	stream.linear.gather [hbm4b:s30+s19], $0x10, $0x38;
	[tilespmem:$0x1E350] =	vst v63  }
0x3a: {  	_ =	swait.ge [sflag:s21], $0x10  }
0x3b: {  	[sflag:s21] =	ssyncset.done $0x0  }
0x3c: {  	[sflag:s21] =	ssyncadd.s32 $0xFFFFFFF0  }
0x3d: {  	[tilespmem:$0x2C60] =	vst v2  }
0x3e: {  	[tilespmem:$0x2C70] =	vst v2  }
0x3f: {  	[tilespmem:$0x2C80] =	vst v2  }
0x40: {  	[tilespmem:$0x2C90] =	vst v2  }
0x41: {  	[tilespmem:$0x2CA0] =	vst v2  }
0x42: {  	[tilespmem:$0x2CB0] =	vst v2  }
0x43: {  	[tilespmem:$0x2CC0] =	vst v2  }
0x44: {  	[tilespmem:$0x2CD0] =	vst v2  }
0x45: {  	[tilespmem:$0x2CE0] =	vst v2  }
0x46: {  	[tilespmem:$0x2CF0] =	vst v2  }
0x47: {  	[tilespmem:$0x2D00] =	vst v2  }
0x48: {  	[tilespmem:$0x2D10] =	vst v2  }
0x49: {  	[tilespmem:$0x2D20] =	vst v2  }
0x4a: {  	[tilespmem:$0x2D30] =	vst v2  }
0x4b: {  	[tilespmem:$0x2D40] =	vst v2  }
0x4c: {  	[tilespmem:$0x2D50] =	vst v2  }
0x4d: {  	[tilespmem:$0x2D60] =	vst v2  }
0x4e: {  	[tilespmem:$0x2D70] =	vst v2  }
0x4f: {  	[tilespmem:$0x2D80] =	vst v2  }
0x50: {  	[tilespmem:$0x2D90] =	vst v2  }
0x51: {  	[tilespmem:$0x2DA0] =	vst v2  }
0x52: {  	[tilespmem:$0x2DB0] =	vst v2  }
0x53: {  	[tilespmem:$0x2DC0] =	vst v2  }
0x54: {  	[tilespmem:$0x2DD0] =	vst v2  }
0x55: {  	[tilespmem:$0x2DE0] =	vst v2  }
0x56: {  	[tilespmem:$0x2DF0] =	vst v2  }
0x57: {  	[tilespmem:$0x2E00] =	vst v2  }
0x58: {  	[tilespmem:$0x2E10] =	vst v2  }
0x59: {  	[tilespmem:$0x2E20] =	vst v2  }
0x5a: {  	[tilespmem:$0x2E30] =	vst v2  }
0x5b: {  	[tilespmem:$0x2E40] =	vst v2  }
0x5c: {  	[tilespmem:$0x2E50] =	vst v2  }
0x5d: {  	[tilespmem:$0x2E60] =	vst v2  }
0x5e: {  	[tilespmem:$0x2E70] =	vst v2  }
0x5f: {  	[tilespmem:$0x2E80] =	vst v2  }
0x60: {  	[tilespmem:$0x2E90] =	vst v2  }
0x61: {  	[tilespmem:$0x2EA0] =	vst v2  }
0x62: {  	[tilespmem:$0x2EB0] =	vst v2  }
0x63: {  	[tilespmem:$0x2EC0] =	vst v2  }
0x64: {  	[tilespmem:$0x2ED0] =	vst v2  }
0x65: {  	[tilespmem:$0x2EE0] =	vst v2  }
0x66: {  	[tilespmem:$0x2EF0] =	vst v2  }
0x67: {  	[tilespmem:$0x2F00] =	vst v2  }
0x68: {  	[tilespmem:$0x2F10] =	vst v2  }
0x69: {  	[tilespmem:$0x2F20] =	vst v2  }
0x6a: {  	[tilespmem:$0x2F30] =	vst v2  }
0x6b: {  	[tilespmem:$0x2F40] =	vst v2  }
0x6c: {  	[tilespmem:$0x2F50] =	vst v2  }
0x6d: {  	[tilespmem:$0x2F60] =	vst v2  }
0x6e: {  	[tilespmem:$0x2F70] =	vst v2  }
0x6f: {  	[tilespmem:$0x2F80] =	vst v2  }
0x70: {  	[tilespmem:$0x2F90] =	vst v2  }
0x71: {  	[tilespmem:$0x2FA0] =	vst v2  }
0x72: {  	[tilespmem:$0x2FB0] =	vst v2  }
0x73: {  	[tilespmem:$0x2FC0] =	vst v2  }
0x74: {  	[tilespmem:$0x2FD0] =	vst v2  }
0x75: {  	[tilespmem:$0x2FE0] =	vst v2  }
0x76: {  	[tilespmem:$0x2FF0] =	vst v2  }
0x77: {  	[tilespmem:$0x3000] =	vst v2  }
0x78: {  	[tilespmem:$0x3010] =	vst v2  }
0x79: {  	[tilespmem:$0x3020] =	vst v2  }
0x7a: {  	[tilespmem:$0x3030] =	vst v2  }
0x7b: {  	[tilespmem:$0x3040] =	vst v2  }
0x7c: {  	s13 =	simm.s32 $0x0;
	v5 =	vld [tilespmem:$0x3CA0];
	[tilespmem:$0x3050] =	vst v2  }
.LBB2_2:
0x7d: {  	p2 =	sne.s32 s13, $0x1840  }
.Ltmp2:
0x7e: {  	_ = 	snop;
	(pc) =	sbr.rel @p2 .LBB2_2-.Ltmp2, $3  }
0x7f: {  	_ =	sdelay $0x1  }
0x80: {  	s18 =	sshra.s32 s13, $0x2  }
0x81: {  	s13 =	sadd.s32 $0x40, s13;
	[tilespmem:s18+$0x3060] =	vst v2  }
0x82: {  	s13 =	simm.s32 $0x40;
	s18 =	simm.s32 $0x0  }
.LBB2_4:
0x83: {  	p2 =	sne.s32 s13, $0x1000;
	[tilespmem:s18+$0x1000] =	vst v3;
	s19 =	smov.u32 s13;
	s13 =	sadd.s32 $0x40, s13  }
.Ltmp3:
0x84: {  	[tilespmem:s18+$0x1850] =	vst v2;
	(pc) =	sbr.rel @p2 .LBB2_4-.Ltmp3, $2  }
0x85: {  	_ =	sdelay $0x2  }
0x86: {  	s18 =	sshra.s32 s19, $0x2  }
0x87: {  	[tilespmem:s18+$0x1000] =	vst v3  }
0x88: {  	[tilespmem:s18+$0x1850] =	vst v2  }
0x89: {  	[tilespmem:$0x1410] =	vst v3  }
0x8a: {  	[tilespmem:$0x1450] =	vst v3  }
0x8b: {  	[tilespmem:$0x1490] =	vst v3  }
0x8c: {  	[tilespmem:$0x14D0] =	vst v3  }
0x8d: {  	[tilespmem:$0x1510] =	vst v3  }
0x8e: {  	[tilespmem:$0x1550] =	vst v3  }
0x8f: {  	[tilespmem:$0x1590] =	vst v3  }
0x90: {  	[tilespmem:$0x15D0] =	vst v3  }
0x91: {  	[tilespmem:$0x1610] =	vst v3  }
0x92: {  	[tilespmem:$0x1650] =	vst v3  }
0x93: {  	[tilespmem:$0x1690] =	vst v3  }
0x94: {  	[tilespmem:$0x16D0] =	vst v3  }
0x95: {  	[tilespmem:$0x1710] =	vst v3  }
0x96: {  	[tilespmem:$0x1750] =	vst v3  }
0x97: {  	[tilespmem:$0x1790] =	vst v3  }
0x98: {  	[tilespmem:$0x17D0] =	vst v3  }
0x99: {  	[tilespmem:$0x1810] =	vst v3  }
0x9a: {  	[tilespmem:$0x1420] =	vst v3  }
0x9b: {  	[tilespmem:$0x1460] =	vst v3  }
0x9c: {  	[tilespmem:$0x14A0] =	vst v3  }
0x9d: {  	[tilespmem:$0x14E0] =	vst v3  }
0x9e: {  	[tilespmem:$0x1520] =	vst v3  }
0x9f: {  	[tilespmem:$0x1560] =	vst v3  }
0xa0: {  	[tilespmem:$0x15A0] =	vst v3  }
0xa1: {  	[tilespmem:$0x15E0] =	vst v3  }
0xa2: {  	[tilespmem:$0x1620] =	vst v3  }
0xa3: {  	[tilespmem:$0x1660] =	vst v3  }
0xa4: {  	[tilespmem:$0x16A0] =	vst v3  }
0xa5: {  	[tilespmem:$0x16E0] =	vst v3  }
0xa6: {  	[tilespmem:$0x1720] =	vst v3  }
0xa7: {  	[tilespmem:$0x1760] =	vst v3  }
0xa8: {  	[tilespmem:$0x17A0] =	vst v3  }
0xa9: {  	[tilespmem:$0x17E0] =	vst v3  }
0xaa: {  	[tilespmem:$0x1820] =	vst v3  }
0xab: {  	[tilespmem:$0x1430] =	vst v3  }
0xac: {  	[tilespmem:$0x1470] =	vst v3  }
0xad: {  	[tilespmem:$0x14B0] =	vst v3  }
0xae: {  	[tilespmem:$0x14F0] =	vst v3  }
0xaf: {  	[tilespmem:$0x1530] =	vst v3  }
0xb0: {  	[tilespmem:$0x1570] =	vst v3  }
0xb1: {  	[tilespmem:$0x15B0] =	vst v3  }
0xb2: {  	[tilespmem:$0x15F0] =	vst v3  }
0xb3: {  	[tilespmem:$0x1630] =	vst v3  }
0xb4: {  	[tilespmem:$0x1670] =	vst v3  }
0xb5: {  	[tilespmem:$0x16B0] =	vst v3  }
0xb6: {  	[tilespmem:$0x16F0] =	vst v3  }
0xb7: {  	[tilespmem:$0x1730] =	vst v3  }
0xb8: {  	[tilespmem:$0x1770] =	vst v3  }
0xb9: {  	[tilespmem:$0x17B0] =	vst v3  }
0xba: {  	[tilespmem:$0x17F0] =	vst v3  }
0xbb: {  	[tilespmem:$0x1830] =	vst v3  }
0xbc: {  	[tilespmem:$0x1440] =	vst v3  }
0xbd: {  	[tilespmem:$0x1480] =	vst v3  }
0xbe: {  	[tilespmem:$0x14C0] =	vst v3  }
0xbf: {  	[tilespmem:$0x1500] =	vst v3  }
0xc0: {  	[tilespmem:$0x1540] =	vst v3  }
0xc1: {  	[tilespmem:$0x1580] =	vst v3  }
0xc2: {  	[tilespmem:$0x15C0] =	vst v3  }
0xc3: {  	[tilespmem:$0x1600] =	vst v3  }
0xc4: {  	[tilespmem:$0x1640] =	vst v3  }
0xc5: {  	[tilespmem:$0x1680] =	vst v3  }
0xc6: {  	[tilespmem:$0x16C0] =	vst v3  }
0xc7: {  	[tilespmem:$0x1700] =	vst v3  }
0xc8: {  	[tilespmem:$0x1740] =	vst v3  }
0xc9: {  	[tilespmem:$0x1780] =	vst v3  }
0xca: {  	[tilespmem:$0x17C0] =	vst v3  }
0xcb: {  	[tilespmem:$0x1800] =	vst v3  }
0xcc: {  	[tilespmem:$0x1840] =	vst v3  }
0xcd: {  	s13 =	sadd.s32 $0x0, s12;
	[bflag:$0x0] =	sbarrier.arrive $0xFFFF  }
0xce: {  	[spmem:s13] =	stream.linear.scatter [tilespmem:s22], [sflag:$0x2], $0x400, $0x38;
	[tilespmem:$0x1E350] =	vst v63  }
0xcf: {  	s13 =	simm.s32 $0x1000;
	_ =	swait.ge [sflag:s21], $0x400  }
.LBB2_6:
0xd0: {  	s18 =	sshra.s32 s13, $0x2;
	[sflag:s21] =	ssyncset.done $0x0;
	p2 =	sne.s32 s13, $0x61000  }
.Ltmp4:
0xd1: {  	s18 =	sadd.s32 s18, s12;
	[sflag:s21] =	ssyncadd.s32 $0xFFFFFC00;
	(pc) =	sbr.rel @p2 .LBB2_6-.Ltmp4, $3  }
0xd2: {  	[spmem:s18] =	stream.linear.scatter [tilespmem:s22], [sflag:$0x2], $0x400, $0x38;
	[tilespmem:$0x1E350] =	vst v63  }
0xd3: {  	s13 =	sadd.s32 $0x1000, s13;
	_ =	sdelay $0x1  }
0xd4: {  	_ =	swait.ge [sflag:s21], $0x400  }
0xd5: {  	[sflag:s21] =	ssyncset.done $0x0  }
0xd6: {  	s3 =	simm.s32 $0x3060;
	[sflag:s21] =	ssyncadd.s32 $0xFFFFFC00  }
0xd7: {  	[spmem:s25] =	stream.linear.scatter [tilespmem:s3], [sflag:$0x2], $0x620, $0x38;
	[tilespmem:$0x1E350] =	vst v63  }
.Ltmp5:
0xd8: {  	_ =	swait.ge [sflag:s21], $0x620;
	(pc) =	sbr.rel @p1 .LBB2_19-.Ltmp5, $4  }
.Ltmp6:
0xd9: {  	[sflag:s21] =	ssyncset.done $0x0;
	(pc) =	sbr.rel @!p1 .LBB2_8-.Ltmp6, $4  }
0xda: {  	[sflag:s21] =	ssyncadd.s32 $0xFFFFF9E0  }
0xdb: {  	[bflag:$0x0] =	sbarrier.arrive $0xFFFF  }
0xdc: {  	s18 =	simm.s32 $0x0;
	s19 =	simm.s32 $0x0  }
0xdd: {  	_ = 	snop  }
.LBB2_18:
0xde: {  	s19 =	sadd.s32 $0x1, s19  }
0xdf: {  	p2 =	sne.s32 s19, $0x32  }
.Ltmp7:
0xe0: {  	_ = 	snop;
	(pc) =	sbr.rel @!p2 .LBB2_19-.Ltmp7, $1  }
0xe1: {  	_ =	sdelay $0x3  }
.LBB2_8:
0xe2: {  	s13 =	sadd.s32 s14, s19  }
0xe3: {  	s13 =	sshll.u32 s13, $0x8  }
0xe4: {  	s13 =	sadd.s32 s9, s13  }
0xe5: {  	[tilespmem:s18], [sflag:$0x2] =	stream.linear.gather [hbm4b:s13+s18], $0x800, $0x38;
	[tilespmem:$0x1E350] =	vst v63  }
0xe6: {  	_ =	swait.ge [sflag:s21], $0x800  }
0xe7: {  	[sflag:s21] =	ssyncset.done $0x0  }
0xe8: {  	s3 =	simm.s32 $0x800;
	[sflag:s21] =	ssyncadd.s32 $0xFFFFF800  }
0xe9: {  	[tilespmem:s3], [sflag:$0x1] =	stream.indirect.gather [spmem:s0], $0x1, s18, s24, $0xb8;
	[tilespmem:$0x1E350] =	vst v63  }
0xea: {  	s25 =	simm.s32 $0xC00;
	s13 =	simm.s32 $0x400  }
0xeb: {  	[tilespmem:s25], [sflag:$0x1] =	stream.indirect.gather [spmem:s1], $0x1, s13, s24, $0xb8;
	[tilespmem:$0x1E350] =	vst v63  }
0xec: {  	s26 =	simm.s32 $0x880  }
0xed: {  	[tilespmem:s26], [sflag:$0x1] =	stream.indirect.gather [spmem:s0], $0x1, s24, s24, $0xb8;
	[tilespmem:$0x1E350] =	vst v63  }
0xee: {  	s28 =	simm.s32 $0x480;
	s29 =	simm.s32 $0xC80  }
0xef: {  	[tilespmem:s29], [sflag:$0x1] =	stream.indirect.gather [spmem:s1], $0x1, s28, s24, $0xb8;
	[tilespmem:$0x1E350] =	vst v63  }
0xf0: {  	s30 =	simm.s32 $0x100;
	s31 =	simm.s32 $0x900  }
0xf1: {  	[tilespmem:s31], [sflag:$0x1] =	stream.indirect.gather [spmem:s0], $0x1, s30, s24, $0xb8;
	[tilespmem:$0x1E350] =	vst v63  }
0xf2: {  	s25 =	simm.s32 $0x500;
	s26 =	simm.s32 $0xD00  }
0xf3: {  	[tilespmem:s26], [sflag:$0x1] =	stream.indirect.gather [spmem:s1], $0x1, s25, s24, $0xb8;
	[tilespmem:$0x1E350] =	vst v63  }
0xf4: {  	s28 =	simm.s32 $0x180;
	s29 =	simm.s32 $0x980  }
0xf5: {  	[tilespmem:s29], [sflag:$0x1] =	stream.indirect.gather [spmem:s0], $0x1, s28, s24, $0xb8;
	[tilespmem:$0x1E350] =	vst v63  }
0xf6: {  	s30 =	simm.s32 $0x580;
	s31 =	simm.s32 $0xD80  }
0xf7: {  	[tilespmem:s31], [sflag:$0x1] =	stream.indirect.gather [spmem:s1], $0x1, s30, s24, $0xb8;
	[tilespmem:$0x1E350] =	vst v63  }
0xf8: {  	s25 =	simm.s32 $0x200;
	s26 =	simm.s32 $0xA00  }
0xf9: {  	[tilespmem:s26], [sflag:$0x1] =	stream.indirect.gather [spmem:s0], $0x1, s25, s24, $0xb8;
	[tilespmem:$0x1E350] =	vst v63  }
0xfa: {  	s28 =	simm.s32 $0x600;
	s29 =	simm.s32 $0xE00  }
0xfb: {  	[tilespmem:s29], [sflag:$0x1] =	stream.indirect.gather [spmem:s1], $0x1, s28, s24, $0xb8;
	[tilespmem:$0x1E350] =	vst v63  }
0xfc: {  	s30 =	simm.s32 $0x280;
	s31 =	simm.s32 $0xA80  }
0xfd: {  	[tilespmem:s31], [sflag:$0x1] =	stream.indirect.gather [spmem:s0], $0x1, s30, s24, $0xb8;
	[tilespmem:$0x1E350] =	vst v63  }
0xfe: {  	s13 =	simm.s32 $0x680;
	s25 =	simm.s32 $0xE80  }
0xff: {  	[tilespmem:s25], [sflag:$0x1] =	stream.indirect.gather [spmem:s1], $0x1, s13, s24, $0xb8;
	[tilespmem:$0x1E350] =	vst v63  }
0x100: {  	s26 =	simm.s32 $0x300;
	s28 =	simm.s32 $0xB00  }
0x101: {  	[tilespmem:s28], [sflag:$0x1] =	stream.indirect.gather [spmem:s0], $0x1, s26, s24, $0xb8;
	[tilespmem:$0x1E350] =	vst v63  }
0x102: {  	s29 =	simm.s32 $0x700;
	s30 =	simm.s32 $0xF00  }
0x103: {  	[tilespmem:s30], [sflag:$0x1] =	stream.indirect.gather [spmem:s1], $0x1, s29, s24, $0xb8;
	[tilespmem:$0x1E350] =	vst v63  }
0x104: {  	s31 =	simm.s32 $0x380  }
0x105: {  	[tilespmem:s20], [sflag:$0x1] =	stream.indirect.gather [spmem:s0], $0x1, s31, s24, $0xb8;
	[tilespmem:$0x1E350] =	vst v63  }
0x106: {  	_ = 	snop  }
0x107: {  	[tilespmem:s4], [sflag:$0x1] =	stream.indirect.gather [spmem:s1], $0x1, s23, s24, $0xb8;
	[tilespmem:$0x1E350] =	vst v63  }
0x108: {  	_ =	swait.ge [sflag:s6], $0x80  }
0x109: {  	[sflag:s6] =	ssyncset.done $0x0  }
0x10a: {  	[sflag:s6] =	ssyncadd.s32 $0xFFFFFF80  }
0x10b: {  	_ =	swait.ge [sflag:s6], $0x80  }
0x10c: {  	[sflag:s6] =	ssyncset.done $0x0  }
0x10d: {  	[sflag:s6] =	ssyncadd.s32 $0xFFFFFF80  }
0x10e: {  	_ =	swait.ge [sflag:s6], $0x80  }
0x10f: {  	[sflag:s6] =	ssyncset.done $0x0  }
0x110: {  	[sflag:s6] =	ssyncadd.s32 $0xFFFFFF80  }
0x111: {  	_ =	swait.ge [sflag:s6], $0x80  }
0x112: {  	[sflag:s6] =	ssyncset.done $0x0  }
0x113: {  	[sflag:s6] =	ssyncadd.s32 $0xFFFFFF80  }
0x114: {  	_ =	swait.ge [sflag:s6], $0x80  }
0x115: {  	[sflag:s6] =	ssyncset.done $0x0  }
0x116: {  	[sflag:s6] =	ssyncadd.s32 $0xFFFFFF80  }
0x117: {  	_ =	swait.ge [sflag:s6], $0x80  }
0x118: {  	[sflag:s6] =	ssyncset.done $0x0  }
0x119: {  	[sflag:s6] =	ssyncadd.s32 $0xFFFFFF80  }
0x11a: {  	_ =	swait.ge [sflag:s6], $0x80  }
0x11b: {  	[sflag:s6] =	ssyncset.done $0x0  }
0x11c: {  	[sflag:s6] =	ssyncadd.s32 $0xFFFFFF80  }
0x11d: {  	_ =	swait.ge [sflag:s6], $0x80  }
0x11e: {  	[sflag:s6] =	ssyncset.done $0x0  }
0x11f: {  	[sflag:s6] =	ssyncadd.s32 $0xFFFFFF80  }
0x120: {  	_ =	swait.ge [sflag:s6], $0x80  }
0x121: {  	[sflag:s6] =	ssyncset.done $0x0  }
0x122: {  	[sflag:s6] =	ssyncadd.s32 $0xFFFFFF80  }
0x123: {  	_ =	swait.ge [sflag:s6], $0x80  }
0x124: {  	[sflag:s6] =	ssyncset.done $0x0  }
0x125: {  	[sflag:s6] =	ssyncadd.s32 $0xFFFFFF80  }
0x126: {  	_ =	swait.ge [sflag:s6], $0x80  }
0x127: {  	[sflag:s6] =	ssyncset.done $0x0  }
0x128: {  	[sflag:s6] =	ssyncadd.s32 $0xFFFFFF80  }
0x129: {  	_ =	swait.ge [sflag:s6], $0x80  }
0x12a: {  	[sflag:s6] =	ssyncset.done $0x0  }
0x12b: {  	[sflag:s6] =	ssyncadd.s32 $0xFFFFFF80  }
0x12c: {  	_ =	swait.ge [sflag:s6], $0x80  }
0x12d: {  	[sflag:s6] =	ssyncset.done $0x0  }
0x12e: {  	[sflag:s6] =	ssyncadd.s32 $0xFFFFFF80  }
0x12f: {  	_ =	swait.ge [sflag:s6], $0x80  }
0x130: {  	[sflag:s6] =	ssyncset.done $0x0  }
0x131: {  	[sflag:s6] =	ssyncadd.s32 $0xFFFFFF80  }
0x132: {  	_ =	swait.ge [sflag:s6], $0x80  }
0x133: {  	[sflag:s6] =	ssyncset.done $0x0  }
0x134: {  	[sflag:s6] =	ssyncadd.s32 $0xFFFFFF80  }
0x135: {  	_ =	swait.ge [sflag:s6], $0x80  }
0x136: {  	[sflag:s6] =	ssyncset.done $0x0  }
0x137: {  	s13 =	simm.s32 $0x0;
	[sflag:s6] =	ssyncadd.s32 $0xFFFFFF80  }
.LBB2_9:
0x138: {  	p2 =	sne.s32 s13, $0xFC0  }
.Ltmp8:
0x139: {  	_ = 	snop;
	(pc) =	sbr.rel @p2 .LBB2_9-.Ltmp8, $3  }
0x13a: {  	_ =	sdelay $0x1  }
0x13b: {  	s25 =	sshra.s32 s13, $0x2  }
0x13c: {  	s13 =	sadd.s32 $0x40, s13;
	[tilespmem:s25+$0x1850] =	vst v2  }
0x13d: {  	s25 =	simm.s32 $0x0  }
0x13e: {  	s13 =	simm.s32 $0x0;
	s26 =	simm.s32 $0x0;
	v6 =	vld [tilespmem:s25+$0x800]  }
0x13f: {  	s28 =	sand.u32 $0x70, s13;
	s26 =	sand.u32 $0x380, s26;
	v7 =	vld [tilespmem:s25+$0xC00]  }
0x140: {  	s31 =	sor.u32 s28, s26  }
0x141: {  	v8 =	vld [tilespmem:s31+$0x400];
	_ =	sdelay $0x2  }
0x142: {  	v6 =	vadd.f32 v7, v6;
	_ =	sdelay $0x1  }
0x143: {  	vm0 =	vge.s32 v8, v0;
	vm1 =	vlt.s32 v8, v1;
	v7 =	vmul.f32 $2.000000030e-01, v6  }
0x144: {  	vm0 =	vmand vm0, vm1  }
0x145: {  	v9 =	vsel vm0, $0x1, v3;
	v6 =	vmax.f32 v6, v7  }
0x146: {  	(xrf0) =	vadd.scan.msk.s32 $0xffff, v9;
	v6 =	vsub.f32 v6, v5;
	_ =	sdelay $0x1  }
0x147: {  	v6 =	vmul.f32 $1.442695020e+00, v6;
	_ =	sdelay $0x1  }
0x148: {  	(erf) = vpow2.f32 v6;
	_ =	sdelay $0x1  }
0x149: {  	v6 =	vimm.s32 $0x0;
	v7, _, _ =	vpop (xrf0)  }
0x14a: {  	v7 =	vadd.s32 v7, v6  }
0x14b: {  	v7 =	vadd.s32 $0xFFFFFFFF, v7  }
0x14c: {  	v9 =	vld [tilespmem:s31+$0x0];
	v7 =	vsel vm0, v7, v4;
	_ =	sdelay $0x2  }
0x14d: {  	v10 =	vmpcnt.ones.xlane vm0  }
0x14e: {  	v8 =	vsub.s32 v8, v0;
	v11 =	vpop (erf)  }
0x14f: {  	s25 =	simm.s32 $0x10;
	v8 =	vnsel vm0, $0x0, v8;
	v6 =	vadd.s32 v6, v10;
	[tilespmem:v7+s8+$0x0] =	vst.idx.msk vm0, v9;
	v9 =	vnsel vm0, $0x0, v11  }
.LBB2_11:
0x150: {  	p2 =	sne.s32 s25, $0x3F0  }
0x151: {  	[tilespmem:v7+s10+$0x0] =	vst.idx.msk vm0, v9;
	s13 =	sadd.s32 $0x40, s13;
	v9 =	vmov v6;
	s26 =	smov.u32 s25;
	s25 =	sadd.s32 $0x10, s25  }
0x152: {  	s28 =	sshrl.u32 s13, $0x2;
	s29 =	sshra.s32 s13, $0x2;
	[tilespmem:v7+s11+$0x0] =	vst.idx.msk vm0, v8  }
0x153: {  	s26 =	sand.u32 $0x70, s26;
	s28 =	sand.u32 $0x380, s28;
	v7 =	vld [tilespmem:s29+$0x800]  }
0x154: {  	s26 =	sor.u32 s26, s28;
	v8 =	vld [tilespmem:s29+$0xC00]  }
0x155: {  	v10 =	vld [tilespmem:s26+$0x400];
	_ =	sdelay $0x3  }
0x156: {  	v7 =	vadd.f32 v8, v7  }
0x157: {  	vm0 =	vge.s32 v10, v0;
	vm1 =	vlt.s32 v10, v1  }
0x158: {  	v8 =	vmul.f32 $2.000000030e-01, v7;
	vm0 =	vmand vm0, vm1  }
0x159: {  	v11 =	vsel vm0, $0x1, v3;
	v12 =	vmpcnt.ones.xlane vm0  }
0x15a: {  	v7 =	vmax.f32 v7, v8;
	(xrf0) =	vadd.scan.msk.s32 $0xffff, v11  }
0x15b: {  	v7 =	vsub.f32 v7, v5;
	v6 =	vadd.s32 v6, v12;
	_ =	sdelay $0x1  }
0x15c: {  	v8 =	vmul.f32 $1.442695020e+00, v7;
	_ =	sdelay $0x1  }
0x15d: {  	(erf) = vpow2.f32 v8  }
0x15e: {  	v7, _, _ =	vpop (xrf0)  }
0x15f: {  	v7 =	vadd.s32 v7, v9  }
0x160: {  	v7 =	vadd.s32 $0xFFFFFFFF, v7  }
0x161: {  	v8 =	vld [tilespmem:s26+$0x0];
	v7 =	vsel vm0, v7, v4;
	_ =	sdelay $0x1  }
.Ltmp9:
0x162: {  	(pc) =	sbr.rel @p2 .LBB2_11-.Ltmp9, $3  }
0x163: {  	_ =	sdelay $0x1  }
0x164: {  	v10 =	vsub.s32 v10, v0;
	[tilespmem:v7+s8+$0x0] =	vst.idx.msk vm0, v8;
	v8 =	vpop (erf)  }
0x165: {  	v9 =	vnsel vm0, $0x0, v8;
	v8 =	vnsel vm0, $0x0, v10  }
0x166: {  	v6 =	vxor.u32 $0x80000000, v6  }
0x167: {  	(xrf0) =	vmax.scan.msk.u32 $0xffff, v6;
	_ =	sdelay $0x5  }
0x168: {  	v6, _, _ =	vpop (xrf0)  }
0x169: {  	(v2sf) =	vpush v6, $0xF;
	_ =	sdelay $0xb  }
.Ltmp10:
0x16a: {  	_ = 	snop;
	(pc) =	sbr.rel .LBB2_13-.Ltmp10, $3  }
0x16b: {  	_ =	sdelay $0x1  }
0x16c: {  	[tilespmem:v7+s10+$0x0] =	vst.idx.msk vm0, v9;
	s13 =	spop (v2sf)  }
0x16d: {  	s25 =	simm.s32 $0x0;
	s26 =	simm.s32 $0x0;
	[tilespmem:v7+s11+$0x0] =	vst.idx.msk vm0, v8;
	s13 =	sxor.u32 $0x80000000, s13  }
.LBB2_16:
0x16e: {  	[tilespmem:s29+$0x10] =	vst v10  }
0x16f: {  	s3 =	sadd.s32 $0x40, s31;
	[tilespmem:s29+$0xFFFFFFE0] =	vst v7  }
0x170: {  	v7 =	vld [tilespmem:s3+$0xFFFFFFF0];
	[tilespmem:s29+$0xFFFFFFF0] =	vst v9  }
0x171: {  	v9 =	vld [tilespmem:s3+$0x10];
	[tilespmem:s29+$0x0] =	vst v8  }
0x172: {  	v6 =	vld.idx.msk [tilespmem:v6+s10+$0x0], $0xffff  }
0x173: {  	v8 =	vld [tilespmem:s3+$0xFFFFFFE0];
	_ =	sdelay $0x1  }
0x174: {  	v10 =	vld [tilespmem:s3+$0x0];
	_ =	sdelay $0x1  }
0x175: {  	v9 =	vmul.f32 v9, v6  }
0x176: {  	v8 =	vmul.f32 v8, v6  }
0x177: {  	v7 =	vmul.f32 v7, v6;
	[tilespmem:s3+$0x10] =	vst v9  }
0x178: {  	v6 =	vmul.f32 v10, v6;
	[tilespmem:s3+$0xFFFFFFE0] =	vst v8  }
0x179: {  	[tilespmem:s3+$0xFFFFFFF0] =	vst v7  }
0x17a: {  	s30 =	sadd.s32 $0x1410, s28;
	[tilespmem:s3+$0x0] =	vst v6  }
0x17b: {  	[spmem:s2] =	stream.indirect.scatter.add.f32 [tilespmem:s16], [sflag:$0x3], $0x40, s30, s15, $0xb8;
	[tilespmem:$0x1E350] =	vst v63  }
0x17c: {  	_ =	swait.ge [sflag:s17], $0x1000  }
0x17d: {  	[sflag:s17] =	ssyncset.done $0x0  }
0x17e: {  	s31 =	sadd.s32 $0x1850, s28;
	[sflag:s17] =	ssyncadd.s32 $0xFFFFF000  }
0x17f: {  	[spmem:s5] =	stream.indirect.scatter.add.f32 [tilespmem:s31], [sflag:$0x2], $0x1, s30, s15, $0xb8;
	[tilespmem:$0x1E350] =	vst v63  }
0x180: {  	_ =	swait.ge [sflag:s21], $0x40  }
0x181: {  	[sflag:s21] =	ssyncset.done $0x0  }
0x182: {  	[sflag:s21] =	ssyncadd.s32 $0xFFFFFFC0  }
.LBB2_17:
0x183: {  	s26 =	sadd.s32 $0x1, s26  }
0x184: {  	p2 =	sne.s32 s26, $0x10  }
.Ltmp11:
0x185: {  	_ = 	snop;
	(pc) =	sbr.rel @!p2 .LBB2_18-.Ltmp11, $2  }
0x186: {  	_ =	sdelay $0x2  }
0x187: {  	s25 =	sadd.s32 $0x40, s25  }
.LBB2_13:
0x188: {  	s28 =	sshll.u32 s26, $0x6  }
0x189: {  	p2 =	sge.s32 s28, s13  }
.Ltmp12:
0x18a: {  	_ = 	snop;
	(pc) =	sbr.rel @p2 .LBB2_17-.Ltmp12, $1  }
0x18b: {  	_ =	sdelay $0x3  }
0x18c: {  	s29 =	sadd.s32 $0x1000, s28  }
0x18d: {  	[tilespmem:s16], [sflag:$0x1] =	stream.indirect.gather [hbm4b:s7+s15], $0x40, s29, s15, $0xb8;
	[tilespmem:$0x1E350] =	vst v63  }
0x18e: {  	s29 =	sadd.s32 $0x0, s25  }
0x18f: {  	_ =	swait.ge [sflag:s6], $0x1000;
	v6 =	vmov s29  }
0x190: {  	[sflag:s6] =	ssyncset.done $0x0  }
0x191: {  	s29 =	simm.s32 $0x1C80;
	[sflag:s6] =	ssyncadd.s32 $0xFFFFF000  }
0x192: {  	v8 =	vld [tilespmem:s29+$0xFFFFFFF0]  }
0x193: {  	v9 =	vld [tilespmem:s29+$0x10]  }
0x194: {  	v11 =	vld.idx.msk [tilespmem:v6+s10+$0x0], $0xffff  }
0x195: {  	v6 =	vld [tilespmem:s29+$0xFFFFFFE0]  }
0x196: {  	v12 =	vld [tilespmem:s29+$0x0];
	_ =	sdelay $0x3  }
0x197: {  	s31 =	sadd.s32 $0x1, s25;
	v7 =	vmul.f32 v6, v11;
	v10 =	vmul.f32 v9, v11  }
0x198: {  	s30 =	simm.s32 $0x2;
	v6 =	vmov s31;
	v9 =	vmul.f32 v8, v11;
	v8 =	vmul.f32 v12, v11;
	s31 =	simm.s32 $0x1C80  }
.LBB2_15:
0x199: {  	p2 =	sne.s32 s30, $0x3F  }
0x19a: {  	[tilespmem:s29+$0x10] =	vst v10;
	s31 =	sadd.s32 $0x40, s31;
	s3 =	smov.u32 s30;
	s30 =	sadd.s32 $0x1, s30  }
0x19b: {  	[tilespmem:s29+$0xFFFFFFE0] =	vst v7  }
0x19c: {  	v11 =	vld [tilespmem:s31+$0xFFFFFFF0];
	[tilespmem:s29+$0xFFFFFFF0] =	vst v9  }
0x19d: {  	v9 =	vld [tilespmem:s31+$0x10];
	[tilespmem:s29+$0x0] =	vst v8;
	s29 =	smov.u32 s31  }
0x19e: {  	v8 =	vld.idx.msk [tilespmem:v6+s10+$0x0], $0xffff  }
0x19f: {  	v6 =	vld [tilespmem:s31+$0xFFFFFFE0]  }
0x1a0: {  	v12 =	vld [tilespmem:s31+$0x0]  }
.Ltmp13:
0x1a1: {  	(pc) =	sbr.rel @p2 .LBB2_15-.Ltmp13, $3  }
0x1a2: {  	_ =	sdelay $0x1  }
0x1a3: {  	s3 =	sadd.s32 s3, s25;
	v10 =	vmul.f32 v9, v8;
	v7 =	vmul.f32 v6, v8  }
0x1a4: {  	v9 =	vmul.f32 v11, v8;
	v6 =	vmov s3;
	v8 =	vmul.f32 v12, v8  }
.Ltmp14:
0x1a5: {  	_ = 	snop;
	(pc) =	sbr.rel .LBB2_16-.Ltmp14, $1  }
0x1a6: {  	_ =	sdelay $0x3  }
.LBB2_20:
0x1a7: {  	_ =	sfence.sel $0x180000  }
0x1a8: {  	[bflag:$0x0] =	sbarrier.arrive $0xFFFF  }
0x1a9: {  	_ =	strace $0x9000004A  }
0x1aa: {  	[bflag:$0x2] =	sbarrier.arrive $0xFFFF  }
0x1ab: {  	s0 =	rddreg [dreg:$0x5]  }
0x1ac: {  	s0 =	sadd.s32 @!p0 $0x100000, s0  }
0x1ad: {  	[sflag:s0] =	ssyncadd.tile.s32 @!p0 $0x1;
	_ =	shalt  }
.Lfunc_end2:
_tile_overlayer_lowered:
.L_overlay_start_2:
0x1ae: {  	(tag) =	ssettag $0x2  }
0x1af: {  	s0 =	rddreg [dreg:$0x0];
	s2 =	stileid.u32  }
0x1b0: {  	s1 =	rddreg [dreg:$0x1];
	p0 =	sne.s32 s2, $0x0  }
0x1b1: {  	s3 =	rddreg [dreg:$0x2];
	[bflag:$0x3] =	sbarrier.arrive $0xFFFF;
	s2 =	simm.s32 @!p0 $0x1C02  }
0x1b2: {  	[timem:s3], [sflag:s2] =	dma.local @!p0 [hbm:s0], s1  }
0x1b3: {  	s0 =	simm.s32 @!p0 $0x2  }
0x1b4: {  	_ =	swait.ge @!p0 [sflag:s0], s1  }
0x1b5: {  	s1 =	ssub.s32 @!p0 $0x0, s1;
	[sflag:s0] =	ssyncset.done @!p0 $0x0  }
0x1b6: {  	[sflag:s0] =	ssyncadd.s32 @!p0 s1  }
0x1b7: {  	[bflag:$0x3] =	sbarrier.arrive $0xFFFF  }
0x1b8: {  	_ =	shalt  }

// kernel: kernel.15.cloned.1.call-start
scs
__scs_entry_jumppad:
0x0: {  	(pc) =	sbr.rel $0x88, $3  }
0x1: {  	(tag) =	ssettag $0x0;
	lr =	simm.s32 $0x1  }
0x2: {  	[smem:$0x3F82] =	sst lr;
	_ =	strace $0xD0000000  }
0x3: {  	_ = 	snop  }
0x4: {  	_ = 	snop  }
0x5: {  	_ = 	snop  }
0x6: {  	_ = 	snop  }
0x7: {  	_ = 	snop  }
__scs_overlays_trampoline_lowered:
0x8: {  	[smem:$0x3F91] =	sst s0  }
0x9: {  	[smem:$0x3F92] =	sst s1  }
0xa: {  	[smem:$0x3F93] =	sst s2  }
0xb: {  	[smem:$0x3F94] =	sst s3  }
0xc: {  	[smem:$0x3F95] =	sst s4  }
0xd: {  	[smem:$0x3F96] =	sst s5  }
0xe: {  	[smem:$0x3F97] =	sst s6  }
0xf: {  	[smem:$0x3F98] =	sst s7  }
0x10: {  	[smem:$0x3F99] =	sst s8  }
0x11: {  	[smem:$0x3F9A] =	sst s9;
	s0 =	simm.s32 @!p0 $0x0  }
0x12: {  	s1 =	sld [smem:$0x3F80];
	s0 =	simm.s32 @p0 $0x1  }
0x13: {  	[smem:$0x3F9B] =	sst s0;
	s0 =	simm.s32 @!p1 $0x0  }
0x14: {  	s2 =	sld [smem:$0x3F7F];
	s0 =	simm.s32 @p1 $0x1  }
0x15: {  	[smem:$0x3F9C] =	sst s0;
	s0 =	simm.s32 @!p2 $0x0  }
0x16: {  	s3 =	sld [smem:$0x3FDB];
	s0 =	simm.s32 @p2 $0x1  }
0x17: {  	s4 =	simm.s32 $0x1BF5;
	[smem:$0x3F9E] =	sst s0  }
0x18: {  	s0 =	sld [smem:$0x3F81];
	_ =	swait.ge [sflag:s4], $0x0  }
0x19: {  	s7 =	sld [smem:$0x3F82]  }
0x1a: {  	s8 =	sadd.s32 $0xFFFFE003, lr  }
0x1b: {  	s9 =	sadd.s32 $0xFFFFFEF7, lr;
	s5 =	simm.s32 $0xFFFFFFFF;
	p2 =	slt.u32 s8, $0xFFFFF086  }
0x1c: {  	p1 =	slt.u32 s9, $0xF7A;
	s5 =	simm.s32 @!p2 $0x0  }
0x1d: {  	s5 =	simm.s32 @p1 $0x1;
	p0 =	seq.s32 s7, s2  }
0x1e: {  	s7 =	smul.u32 @!p0 $0xF7A, s2;
	p2 =	seq.s32 @!p0 s5, $0x0  }
0x1f: {  	s9 =	smul.u32 $0xF7A, s1;
	s8 =	simm.s32 @!p0 $0x1BF5;
	p2 =	por !p2, p0  }
0x20: {  	[sflag:s8] =	ssyncset.s32 @!p0 $0xFFFFF086;
	s6 =	sadd.s32 @!p0 s3, s7;
	s7 =	simm.s32 @!p0 $0x108  }
0x21: {  	s3 =	sadd.s32 s3, s9;
	s6 =	sadd.s32 @!p0 $0x88, s6;
	s7 =	simm.s32 @p2 $0x1082  }
0x22: {  	[simem:s7], [sflag:s8] =	dma.local @!p0 [hbm:s6], $0xF7A  }
0x23: {  	s9 =	sor.u32 $0xD0000000, s2;
	s6 =	simm.s32 $0x108;
	_ =	swait.ge @!p0 [sflag:s8], $0x0  }
0x24: {  	s3 =	sadd.s32 $0x88, s3;
	s6 =	simm.s32 @!p1 $0x1082;
	[sflag:s4] =	ssyncset.s32 $0xFFFFF086  }
0x25: {  	[simem:s6], [sflag:s4] =	dma.local [hbm:s3], $0xF7A  }
0x26: {  	[smem:$0x3F82] =	sst s1;
	(tag) =	ssettag s2;
	_ =	strace s9  }
0x27: {  	s1 =	sld [smem:$0x3F92]  }
0x28: {  	s2 =	sld [smem:$0x3F93]  }
0x29: {  	s4 =	sld [smem:$0x3F95]  }
0x2a: {  	p0 =	seq.s32 s5, $0x0;
	s5 =	sld [smem:$0x3F96]  }
0x2b: {  	s6 =	sld [smem:$0x3F97]  }
0x2c: {  	s7 =	sld [smem:$0x3F98]  }
0x2d: {  	s3 =	simm.s32 $0x108;
	s8 =	sld [smem:$0x3F99]  }
0x2e: {  	s3 =	simm.s32 @!p0 $0x1082;
	s9 =	sld [smem:$0x3F9A]  }
0x2f: {  	lr =	sadd.s32 s0, s3;
	s0 =	sld [smem:$0x3F91]  }
0x30: {  	s3 =	sld [smem:$0x3F94]  }
0x31: {  	[smem:$0x3F9D] =	sst s10  }
0x32: {  	s10 =	sld [smem:$0x3F9B];
	_ =	sdelay $0x3  }
0x33: {  	p0 =	seq.s32 s10, $0x1;
	s10 =	sld [smem:$0x3F9D];
	_ =	sdelay $0x3  }
0x34: {  	[smem:$0x3F9D] =	sst s10  }
0x35: {  	s10 =	sld [smem:$0x3F9C];
	_ =	sdelay $0x3  }
0x36: {  	p1 =	seq.s32 s10, $0x1;
	s10 =	sld [smem:$0x3F9D];
	_ =	sdelay $0x3  }
0x37: {  	[smem:$0x3F9D] =	sst s10  }
0x38: {  	s10 =	sld [smem:$0x3F9E]  }
0x39: {  	_ = 	snop;
	(pc) =	sbr.ind lr, $3  }
0x3a: {  	_ = 	snop  }
0x3b: {  	_ = 	snop  }
0x3c: {  	p2 =	seq.s32 s10, $0x1;
	s10 =	sld [smem:$0x3F9D]  }
0x3d: {  	_ =	shalt  }
0x3e: {  	_ =	shalt  }
0x3f: {  	_ =	shalt  }
0x40: {  	_ =	shalt  }
0x41: {  	_ =	shalt  }
0x42: {  	_ =	shalt  }
0x43: {  	_ =	shalt  }
0x44: {  	_ =	shalt  }
0x45: {  	_ =	shalt  }
0x46: {  	_ =	shalt  }
0x47: {  	_ =	shalt  }
0x48: {  	_ =	shalt  }
0x49: {  	_ =	shalt  }
0x4a: {  	_ =	shalt  }
0x4b: {  	_ =	shalt  }
0x4c: {  	_ =	shalt  }
0x4d: {  	_ =	shalt  }
0x4e: {  	_ =	shalt  }
0x4f: {  	_ =	shalt  }
0x50: {  	_ =	shalt  }
0x51: {  	_ =	shalt  }
0x52: {  	_ =	shalt  }
0x53: {  	_ =	shalt  }
0x54: {  	_ =	shalt  }
0x55: {  	_ =	shalt  }
0x56: {  	_ =	shalt  }
0x57: {  	_ =	shalt  }
0x58: {  	_ =	shalt  }
0x59: {  	_ =	shalt  }
0x5a: {  	_ =	shalt  }
0x5b: {  	_ =	shalt  }
0x5c: {  	_ =	shalt  }
0x5d: {  	_ =	shalt  }
0x5e: {  	_ =	shalt  }
0x5f: {  	_ =	shalt  }
0x60: {  	_ =	shalt  }
0x61: {  	_ =	shalt  }
0x62: {  	_ =	shalt  }
0x63: {  	_ =	shalt  }
0x64: {  	_ =	shalt  }
0x65: {  	_ =	shalt  }
0x66: {  	_ =	shalt  }
0x67: {  	_ =	shalt  }
0x68: {  	_ =	shalt  }
0x69: {  	_ =	shalt  }
0x6a: {  	_ =	shalt  }
0x6b: {  	_ =	shalt  }
0x6c: {  	_ =	shalt  }
0x6d: {  	_ =	shalt  }
0x6e: {  	_ =	shalt  }
0x6f: {  	_ =	shalt  }
0x70: {  	_ =	shalt  }
0x71: {  	_ =	shalt  }
0x72: {  	_ =	shalt  }
0x73: {  	_ =	shalt  }
0x74: {  	_ =	shalt  }
0x75: {  	_ =	shalt  }
0x76: {  	_ =	shalt  }
0x77: {  	_ =	shalt  }
0x78: {  	_ =	shalt  }
0x79: {  	_ =	shalt  }
0x7a: {  	_ =	shalt  }
0x7b: {  	_ =	shalt  }
0x7c: {  	_ =	shalt  }
0x7d: {  	_ =	shalt  }
0x7e: {  	_ =	shalt  }
0x7f: {  	_ =	shalt  }
0x80: {  	_ =	shalt  }
0x81: {  	_ =	shalt  }
0x82: {  	_ =	shalt  }
0x83: {  	_ =	shalt  }
0x84: {  	_ =	shalt  }
0x85: {  	_ =	shalt  }
0x86: {  	_ =	shalt  }
0x87: {  	_ =	shalt  }
.Lfunc_end0:
.L_simem_size_0:
called_computation.2_lowered:
.L_overlay_start_0:
0x88: {  	s2 =	sld [smem:$0x3FD9]  }
0x89: {  	s3 =	sld [smem:$0x3FFE];
	_ =	sdelay $0x1  }
0x8a: {  	s1 =	srdreg.scid  }
0x8b: {  	s0 =	sand.u32 $0x1, s1  }
0x8c: {  	s16 =	sshll.u32 s0, $0xA;
	s2 =	sadd.s32 s3, s2  }
0x8d: {  	s2 =	sadd.s32 s2, s16  }
0x8e: {  	[smem:$0x3FA9] =	sst s2  }
0x8f: {  	_ = 	snop  }
0x90: {  	(tm) =	ssettm $0x1  }
0x91: {  	s17 =	sld [smem:$0x3FFB];
	_ =	sdelay $0x3  }
0x92: {  	_ =	strace s17  }
0x93: {  	s2 =	sld [smem:$0x3FFC];
	_ =	sdelay $0x3  }
0x94: {  	_ =	strace s2  }
0x95: {  	s2 =	sld [smem:$0x3FFD];
	_ =	sdelay $0x3  }
0x96: {  	_ =	strace s2  }
0x97: {  	_ =	strace $0x8FFFFFFF  }
0x98: {  	s18 =	sld [smem:$0x3FDB];
	_ =	sdelay $0x1  }
0x99: {  	s19 =	simm.s32 $_scs_section_size  }
0x9a: {  	s4 =	simm.s32 $_size__tile_overlayer_lowered;
	s5 =	simm.s32 $_tile_overlayer_lowered  }
0x9b: {  	s22 =	simm.s32 $0x1BFF;
	s21 =	sshll.u32 s5, $0x1;
	s2 =	sadd.s32 s19, s18  }
0x9c: {  	s6 =	simm.s32 $0x0;
	s20 =	sshll.u32 s4, $0x1;
	s4 =	sadd.s32 s21, s2  }
0x9d: {  	[timem:s6], [sflag:s22] =	dma.local [hbm:s4], s20  }
0x9e: {  	_ =	swait.ge [sflag:s22], s20  }
0x9f: {  	s3 =	ssub.s32 $0x0, s20;
	[sflag:s22] =	ssyncset.done $0x0  }
0xa0: {  	[sflag:s22] =	ssyncadd.s32 s3;
	_ =	sdelay $0x1  }
0xa1: {  	s23 =	simm.s32 $0x1B8B  }
0xa2: {  	_ =	swait.ge [sflag:s23], $0x1  }
0xa3: {  	[sflag:s23] =	ssyncset.done $0x0  }
0xa4: {  	s25 =	simm.s32 $0x1B8E;
	s24 =	sld [smem:$0x3FFE];
	[sflag:s23] =	ssyncadd.s32 $0xFFFFFFFF  }
0xa5: {  	s26 =	simm.s32 $execute0_lowered;
	[smem:$0x3FD2] =	sst s25  }
0xa6: {  	s4 =	sshll.u32 s26, $0x1;
	_ =	strace $0x8000004C;
	[dreg:$0x1] =	wrdreg $0xFFFFFFFF  }
0xa7: {  	s28 =	simm.s32 $_size_execute0_lowered;
	s2 =	sadd.s32 s2, s4;
	[dreg:$0x0] =	wrdreg $0x0  }
0xa8: {  	s4 =	sshll.u32 s28, $0x1;
	[dreg:$0x2] =	wrdreg s2  }
0xa9: {  	[dreg:$0x3] =	wrdreg s4  }
0xaa: {  	[dreg:$0x4] =	wrdreg $0xC0  }
0xab: {  	_ =	task [dreg:s6], $0x5FFFF  }
0xac: {  	[dreg:$0x1] =	wrdreg $0xFFFFFFFF  }
0xad: {  	[dreg:$0x0] =	wrdreg $0x60  }
0xae: {  	[dreg:$0x2] =	wrdreg s24  }
0xaf: {  	[dreg:$0x3] =	wrdreg $0x3CB00  }
0xb0: {  	[dreg:$0x4] =	wrdreg $0x48F00  }
0xb1: {  	[dreg:$0x5] =	wrdreg $0x55300  }
0xb2: {  	[dreg:$0x6] =	wrdreg $0x1DD300  }
0xb3: {  	[dreg:$0x7] =	wrdreg $0x9  }
0xb4: {  	_ =	task.clear_ibuf [dreg:s6], $0x8FFFF;
	_ =	strace $0x9000004C  }
0xb5: {  	s29 =	simm.s32 $0x9;
	_ =	strace $0x8000004E  }
0xb6: {  	_ =	swait.ge [sflag:s29], $0x1  }
0xb7: {  	[sflag:s29] =	ssyncadd.s32 $0xFFFFFFFF  }
0xb8: {  	_ =	strace $0x9000004E  }
0xb9: {  	_ =	sfence  }
0xba: {  	s30 =	sld [smem:$0x0];
	_ =	sdelay $0x2  }
0xbb: {  	s31 =	sshll.u32 s1, $0xD;
	s1 =	sshrl.u32 s1, $0x2  }
0xbc: {  	s3 =	sand.u32 $0x4000, s31;
	s1 =	sadd.s32 s1, s30  }
0xbd: {  	s0 =	sor.u32 s3, s0;
	s1 =	sshll.u32 s1, $0x11  }
0xbe: {  	s0 =	sor.u32 s1, s0  }
0xbf: {  	s0 =	sadd.s32 $0x8F2B, s0  }
0xc0: {  	[sflag:s0] =	ssyncadd.remote.s32 $0x1  }
0xc1: {  	_ =	sfence.sel $0xFFFF  }
0xc2: {  	[dreg:$0x0] =	wrdreg $0xFFFFFFFF;
	(pc) =	sbr.abs _section_cstart, $3  }
0xc3: {  	[dreg:$0x1] =	wrdreg $0xFFFFFFFF  }
0xc4: {  	_ =	task.clear_ibuf [dreg:s6], $0x2FFFF;
	_ =	strace $0x9FFFFFFF  }
0xc5: {  	(tm) =	ssettm $0x7FFFFFFF  }
tec
execute0_lowered:
.L_overlay_start_1:
0x0: {  	(tag) =	ssettag $0x1  }
0x1: {  	s3 =	rddreg [dreg:$0x0]  }
0x2: {  	s0 =	rddreg [dreg:$0x1]  }
0x3: {  	s1 =	rddreg [dreg:$0x2]  }
0x4: {  	s2 =	rddreg [dreg:$0x3];
	s4 =	srdreg.scid  }
0x5: {  	s15 =	stileid.u32;
	s5 =	rddreg [dreg:$0x4]  }
0x6: {  	s19 =	simm.s32 $0x0;
	s21 =	simm.s32 $0x2;
	s22 =	simm.s32 $0x2C60  }
0x7: {  	s24 =	simm.s32 $0x80;
	s20 =	simm.s32 $0xB80;
	s23 =	simm.s32 $0x780  }
0x8: {  	s16 =	simm.s32 $0x1C60;
	s17 =	simm.s32 $0x3;
	s4 =	sand.u32 $0x1, s4  }
0x9: {  	s6 =	smul.u32 $0x620, s15;
	[smem:$0x7FF] =	sst s19;
	s7 =	sadd.s32 $0x39600, s3  }
0xa: {  	s9 =	sadd.s32 $0x9B600, s3;
	s12 =	smul.u32 $0x62000, s15;
	s25 =	sadd.s32 $0x9CE80, s3  }
0xb: {  	s14 =	smul.u32 $0x32, s15;
	p0 =	sne.s32 s15, $0x0;
	s15 =	simm.s32 $0x40  }
0xc: {  	s11 =	smul.u32 $0x6200, s4;
	_ =	strace $0x8000004D;
	[dreg:$0x6] =	wrdreg s9  }
0xd: {  	s9 =	sadd.s32 $0x7600, s3;
	s4 =	ssub.s32 $0x2, s4;
	[dreg:$0x7] =	wrdreg s25  }
0xe: {  	s13 =	sshrl.u32 s4, $0x1;
	s12 =	sshrl.u32 s12, $0x2;
	s25 =	sadd.s32 s6, s5  }
0xf: {  	s8 =	sadd.s32 s6, s11;
	s4 =	ssub.s32 s4, s13;
	s12 =	sadd.s32 s12, s2  }
0x10: {  	s26 =	smin.u32 s11, $0x6150;
	s6 =	simm.s32 $0x1;
	s13 =	simm.s32 $0x0  }
0x11: {  	[dreg:$0x9] =	wrdreg s25;
	s10 =	sshll.u32 s8, $0x3;
	s8 =	sshrl.u32 s8, $0x3  }
0x12: {  	s28 =	sadd.s32 $0x6200, s26;
	s31 =	smax.u32 s4, $0x1;
	s10 =	sadd.s32 s10, s3  }
0x13: {  	s8 =	sadd.s32 s8, s3;
	s3 =	sadd.s32 $0x9E700, s3;
	[dreg:$0xc] =	wrdreg s31  }
.Ltmp0:
0x14: {  	[dreg:$0x8] =	wrdreg s3;
	s29 =	sadd.s32 $0xA0200, s10;
	(pc) =	sbr.rel .LBB2_1-.Ltmp0, $4  }
0x15: {  	s4 =	simm.s32 $0xF80;
	s30 =	sadd.s32 $0x9E800, s8;
	[dreg:$0xa] =	wrdreg s29  }
0x16: {  	p1 =	sge.u32 s11, s28;
	s3 =	sshrl.u32 @!p0 s0, $0x3;
	[dreg:$0xb] =	wrdreg s30  }
0x17: {  	v4 =	vlaneseq.u32;
	v2 =	vimm.f32 $0.0e+00;
	v0 =	vmov s11;
	s11 =	simm.s32 $0x1410;
	[dreg:$0xd] =	wrdreg s3;
	s3 =	sshrl.u32 @!p0 s1, $0x3  }
0x18: {  	v3 =	vimm.s32 $0x0;
	v4 =	vor.u32 $0x400, v4;
	v1 =	vmov s28;
	s8 =	simm.s32 $0x1000;
	s10 =	simm.s32 $0x1850;
	[dreg:$0xe] =	wrdreg s3  }
.LBB2_19:
0x19: {  	s3 =	stileid.u32  }
0x1a: {  	[bflag:$0x0] =	sbarrier.arrive $0xFFFF;
	s3 =	sshll.u32 s3, $0x6  }
0x1b: {  	s13 =	sshrl.u32 s12, $0x3;
	s18 =	rddreg [dreg:$0xa];
	s3 =	sor.u32 $0x1C02, s3  }
0x1c: {  	[hbm:s18], [sflag:s3] =	dma.local [spmem:s13], $0x3100  }
0x1d: {  	_ =	swait.ge [sflag:s21], $0x3100  }
0x1e: {  	[sflag:s21] =	ssyncset.done $0x0  }
0x1f: {  	s28 =	simm.s32 $0x3680;
	s25 =	rddreg [dreg:$0x9];
	[sflag:s21] =	ssyncadd.s32 $0xFFFFCF00  }
0x20: {  	[tilespmem:s28], [sflag:$0x2] =	stream.linear.gather [spmem:s25], $0x620, $0x38;
	[tilespmem:$0x1E350] =	vst v63  }
0x21: {  	_ =	swait.ge [sflag:s21], $0x620  }
0x22: {  	[sflag:s21] =	ssyncset.done $0x0  }
0x23: {  	s19 =	simm.s32 $0x0;
	s29 =	rddreg [dreg:$0xb];
	[sflag:s21] =	ssyncadd.s32 $0xFFFFF9E0  }
0x24: {  	[hbm4b:s29+s19] =	stream.linear.scatter [tilespmem:s28], [sflag:$0x2], $0x620, $0x38;
	[tilespmem:$0x1E350] =	vst v63  }
0x25: {  	_ =	swait.ge [sflag:s21], $0x620  }
0x26: {  	s30 =	rddreg [dreg:$0xf]  }
0x27: {  	s31 =	rddreg [dreg:$0xc];
	s13 =	sadd.s32 $0x1, s30  }
0x28: {  	p2 =	sne.s32 s13, s31  }
.Ltmp1:
0x29: {  	_ = 	snop;
	(pc) =	sbr.rel @!p2 .LBB2_20-.Ltmp1, $3  }
0x2a: {  	[sflag:s21] =	ssyncset.done $0x0  }
0x2b: {  	[sflag:s21] =	ssyncadd.s32 $0xFFFFF9E0  }
0x2c: {  	[bflag:$0x0] =	sbarrier.arrive $0xFFFF;
	_ =	sdelay $0x1  }
.LBB2_1:
0x2d: {  	[dreg:$0xf] =	wrdreg s13  }
0x2e: {  	s3 =	rddreg [dreg:$0x6]  }
0x2f: {  	s13 =	simm.s32 @!p0 $0x1C02;
	s18 =	rddreg [dreg:$0xd]  }
0x30: {  	[spmem:s18], [sflag:s13] =	dma.local @!p0 [hbm:s3], $0x1880  }
0x31: {  	s18 =	simm.s32 @!p0 $0x2  }
0x32: {  	_ =	swait.ge @!p0 [sflag:s18], $0x1880  }
0x33: {  	[sflag:s18] =	ssyncset.done @!p0 $0x0;
	s3 =	rddreg [dreg:$0x7]  }
0x34: {  	s26 =	rddreg [dreg:$0xe];
	[sflag:s18] =	ssyncadd.s32 @!p0 $0xFFFFE780  }
0x35: {  	[spmem:s26], [sflag:s13] =	dma.local @!p0 [hbm:s3], $0x1880  }
0x36: {  	_ =	swait.ge @!p0 [sflag:s18], $0x1880  }
0x37: {  	[sflag:s18] =	ssyncset.done @!p0 $0x0  }
0x38: {  	s31 =	simm.s32 $0x3CA0;
	s30 =	rddreg [dreg:$0x8];
	[sflag:s18] =	ssyncadd.s32 @!p0 $0xFFFFE780  }
0x39: {  	[tilespmem:s31], [sflag:$0x2] =	stream.linear.gather [hbm4b:s30+s19], $0x10, $0x38;
	[tilespmem:$0x1E350] =	vst v63  }
0x3a: {  	_ =	swait.ge [sflag:s21], $0x10  }
0x3b: {  	[sflag:s21] =	ssyncset.done $0x0  }
0x3c: {  	[sflag:s21] =	ssyncadd.s32 $0xFFFFFFF0  }
0x3d: {  	[tilespmem:$0x2C60] =	vst v2  }
0x3e: {  	[tilespmem:$0x2C70] =	vst v2  }
0x3f: {  	[tilespmem:$0x2C80] =	vst v2  }
0x40: {  	[tilespmem:$0x2C90] =	vst v2  }
0x41: {  	[tilespmem:$0x2CA0] =	vst v2  }
0x42: {  	[tilespmem:$0x2CB0] =	vst v2  }
0x43: {  	[tilespmem:$0x2CC0] =	vst v2  }
0x44: {  	[tilespmem:$0x2CD0] =	vst v2  }
0x45: {  	[tilespmem:$0x2CE0] =	vst v2  }
0x46: {  	[tilespmem:$0x2CF0] =	vst v2  }
0x47: {  	[tilespmem:$0x2D00] =	vst v2  }
0x48: {  	[tilespmem:$0x2D10] =	vst v2  }
0x49: {  	[tilespmem:$0x2D20] =	vst v2  }
0x4a: {  	[tilespmem:$0x2D30] =	vst v2  }
0x4b: {  	[tilespmem:$0x2D40] =	vst v2  }
0x4c: {  	[tilespmem:$0x2D50] =	vst v2  }
0x4d: {  	[tilespmem:$0x2D60] =	vst v2  }
0x4e: {  	[tilespmem:$0x2D70] =	vst v2  }
0x4f: {  	[tilespmem:$0x2D80] =	vst v2  }
0x50: {  	[tilespmem:$0x2D90] =	vst v2  }
0x51: {  	[tilespmem:$0x2DA0] =	vst v2  }
0x52: {  	[tilespmem:$0x2DB0] =	vst v2  }
0x53: {  	[tilespmem:$0x2DC0] =	vst v2  }
0x54: {  	[tilespmem:$0x2DD0] =	vst v2  }
0x55: {  	[tilespmem:$0x2DE0] =	vst v2  }
0x56: {  	[tilespmem:$0x2DF0] =	vst v2  }
0x57: {  	[tilespmem:$0x2E00] =	vst v2  }
0x58: {  	[tilespmem:$0x2E10] =	vst v2  }
0x59: {  	[tilespmem:$0x2E20] =	vst v2  }
0x5a: {  	[tilespmem:$0x2E30] =	vst v2  }
0x5b: {  	[tilespmem:$0x2E40] =	vst v2  }
0x5c: {  	[tilespmem:$0x2E50] =	vst v2  }
0x5d: {  	[tilespmem:$0x2E60] =	vst v2  }
0x5e: {  	[tilespmem:$0x2E70] =	vst v2  }
0x5f: {  	[tilespmem:$0x2E80] =	vst v2  }
0x60: {  	[tilespmem:$0x2E90] =	vst v2  }
0x61: {  	[tilespmem:$0x2EA0] =	vst v2  }
0x62: {  	[tilespmem:$0x2EB0] =	vst v2  }
0x63: {  	[tilespmem:$0x2EC0] =	vst v2  }
0x64: {  	[tilespmem:$0x2ED0] =	vst v2  }
0x65: {  	[tilespmem:$0x2EE0] =	vst v2  }
0x66: {  	[tilespmem:$0x2EF0] =	vst v2  }
0x67: {  	[tilespmem:$0x2F00] =	vst v2  }
0x68: {  	[tilespmem:$0x2F10] =	vst v2  }
0x69: {  	[tilespmem:$0x2F20] =	vst v2  }
0x6a: {  	[tilespmem:$0x2F30] =	vst v2  }
0x6b: {  	[tilespmem:$0x2F40] =	vst v2  }
0x6c: {  	[tilespmem:$0x2F50] =	vst v2  }
0x6d: {  	[tilespmem:$0x2F60] =	vst v2  }
0x6e: {  	[tilespmem:$0x2F70] =	vst v2  }
0x6f: {  	[tilespmem:$0x2F80] =	vst v2  }
0x70: {  	[tilespmem:$0x2F90] =	vst v2  }
0x71: {  	[tilespmem:$0x2FA0] =	vst v2  }
0x72: {  	[tilespmem:$0x2FB0] =	vst v2  }
0x73: {  	[tilespmem:$0x2FC0] =	vst v2  }
0x74: {  	[tilespmem:$0x2FD0] =	vst v2  }
0x75: {  	[tilespmem:$0x2FE0] =	vst v2  }
0x76: {  	[tilespmem:$0x2FF0] =	vst v2  }
0x77: {  	[tilespmem:$0x3000] =	vst v2  }
0x78: {  	[tilespmem:$0x3010] =	vst v2  }
0x79: {  	[tilespmem:$0x3020] =	vst v2  }
0x7a: {  	[tilespmem:$0x3030] =	vst v2  }
0x7b: {  	[tilespmem:$0x3040] =	vst v2  }
0x7c: {  	s13 =	simm.s32 $0x0;
	v5 =	vld [tilespmem:$0x3CA0];
	[tilespmem:$0x3050] =	vst v2  }
.LBB2_2:
0x7d: {  	p2 =	sne.s32 s13, $0x1840  }
.Ltmp2:
0x7e: {  	_ = 	snop;
	(pc) =	sbr.rel @p2 .LBB2_2-.Ltmp2, $3  }
0x7f: {  	_ =	sdelay $0x1  }
0x80: {  	s18 =	sshra.s32 s13, $0x2  }
0x81: {  	s13 =	sadd.s32 $0x40, s13;
	[tilespmem:s18+$0x3060] =	vst v2  }
0x82: {  	s13 =	simm.s32 $0x40;
	s18 =	simm.s32 $0x0  }
.LBB2_4:
0x83: {  	p2 =	sne.s32 s13, $0x1000;
	[tilespmem:s18+$0x1000] =	vst v3;
	s19 =	smov.u32 s13;
	s13 =	sadd.s32 $0x40, s13  }
.Ltmp3:
0x84: {  	[tilespmem:s18+$0x1850] =	vst v2;
	(pc) =	sbr.rel @p2 .LBB2_4-.Ltmp3, $2  }
0x85: {  	_ =	sdelay $0x2  }
0x86: {  	s18 =	sshra.s32 s19, $0x2  }
0x87: {  	[tilespmem:s18+$0x1000] =	vst v3  }
0x88: {  	[tilespmem:s18+$0x1850] =	vst v2  }
0x89: {  	[tilespmem:$0x1410] =	vst v3  }
0x8a: {  	[tilespmem:$0x1450] =	vst v3  }
0x8b: {  	[tilespmem:$0x1490] =	vst v3  }
0x8c: {  	[tilespmem:$0x14D0] =	vst v3  }
0x8d: {  	[tilespmem:$0x1510] =	vst v3  }
0x8e: {  	[tilespmem:$0x1550] =	vst v3  }
0x8f: {  	[tilespmem:$0x1590] =	vst v3  }
0x90: {  	[tilespmem:$0x15D0] =	vst v3  }
0x91: {  	[tilespmem:$0x1610] =	vst v3  }
0x92: {  	[tilespmem:$0x1650] =	vst v3  }
0x93: {  	[tilespmem:$0x1690] =	vst v3  }
0x94: {  	[tilespmem:$0x16D0] =	vst v3  }
0x95: {  	[tilespmem:$0x1710] =	vst v3  }
0x96: {  	[tilespmem:$0x1750] =	vst v3  }
0x97: {  	[tilespmem:$0x1790] =	vst v3  }
0x98: {  	[tilespmem:$0x17D0] =	vst v3  }
0x99: {  	[tilespmem:$0x1810] =	vst v3  }
0x9a: {  	[tilespmem:$0x1420] =	vst v3  }
0x9b: {  	[tilespmem:$0x1460] =	vst v3  }
0x9c: {  	[tilespmem:$0x14A0] =	vst v3  }
0x9d: {  	[tilespmem:$0x14E0] =	vst v3  }
0x9e: {  	[tilespmem:$0x1520] =	vst v3  }
0x9f: {  	[tilespmem:$0x1560] =	vst v3  }
0xa0: {  	[tilespmem:$0x15A0] =	vst v3  }
0xa1: {  	[tilespmem:$0x15E0] =	vst v3  }
0xa2: {  	[tilespmem:$0x1620] =	vst v3  }
0xa3: {  	[tilespmem:$0x1660] =	vst v3  }
0xa4: {  	[tilespmem:$0x16A0] =	vst v3  }
0xa5: {  	[tilespmem:$0x16E0] =	vst v3  }
0xa6: {  	[tilespmem:$0x1720] =	vst v3  }
0xa7: {  	[tilespmem:$0x1760] =	vst v3  }
0xa8: {  	[tilespmem:$0x17A0] =	vst v3  }
0xa9: {  	[tilespmem:$0x17E0] =	vst v3  }
0xaa: {  	[tilespmem:$0x1820] =	vst v3  }
0xab: {  	[tilespmem:$0x1430] =	vst v3  }
0xac: {  	[tilespmem:$0x1470] =	vst v3  }
0xad: {  	[tilespmem:$0x14B0] =	vst v3  }
0xae: {  	[tilespmem:$0x14F0] =	vst v3  }
0xaf: {  	[tilespmem:$0x1530] =	vst v3  }
0xb0: {  	[tilespmem:$0x1570] =	vst v3  }
0xb1: {  	[tilespmem:$0x15B0] =	vst v3  }
0xb2: {  	[tilespmem:$0x15F0] =	vst v3  }
0xb3: {  	[tilespmem:$0x1630] =	vst v3  }
0xb4: {  	[tilespmem:$0x1670] =	vst v3  }
0xb5: {  	[tilespmem:$0x16B0] =	vst v3  }
0xb6: {  	[tilespmem:$0x16F0] =	vst v3  }
0xb7: {  	[tilespmem:$0x1730] =	vst v3  }
0xb8: {  	[tilespmem:$0x1770] =	vst v3  }
0xb9: {  	[tilespmem:$0x17B0] =	vst v3  }
0xba: {  	[tilespmem:$0x17F0] =	vst v3  }
0xbb: {  	[tilespmem:$0x1830] =	vst v3  }
0xbc: {  	[tilespmem:$0x1440] =	vst v3  }
0xbd: {  	[tilespmem:$0x1480] =	vst v3  }
0xbe: {  	[tilespmem:$0x14C0] =	vst v3  }
0xbf: {  	[tilespmem:$0x1500] =	vst v3  }
0xc0: {  	[tilespmem:$0x1540] =	vst v3  }
0xc1: {  	[tilespmem:$0x1580] =	vst v3  }
0xc2: {  	[tilespmem:$0x15C0] =	vst v3  }
0xc3: {  	[tilespmem:$0x1600] =	vst v3  }
0xc4: {  	[tilespmem:$0x1640] =	vst v3  }
0xc5: {  	[tilespmem:$0x1680] =	vst v3  }
0xc6: {  	[tilespmem:$0x16C0] =	vst v3  }
0xc7: {  	[tilespmem:$0x1700] =	vst v3  }
0xc8: {  	[tilespmem:$0x1740] =	vst v3  }
0xc9: {  	[tilespmem:$0x1780] =	vst v3  }
0xca: {  	[tilespmem:$0x17C0] =	vst v3  }
0xcb: {  	[tilespmem:$0x1800] =	vst v3  }
0xcc: {  	[tilespmem:$0x1840] =	vst v3  }
0xcd: {  	s13 =	sadd.s32 $0x0, s12;
	[bflag:$0x0] =	sbarrier.arrive $0xFFFF  }
0xce: {  	[spmem:s13] =	stream.linear.scatter [tilespmem:s22], [sflag:$0x2], $0x400, $0x38;
	[tilespmem:$0x1E350] =	vst v63  }
0xcf: {  	s13 =	simm.s32 $0x1000;
	_ =	swait.ge [sflag:s21], $0x400  }
.LBB2_6:
0xd0: {  	s18 =	sshra.s32 s13, $0x2;
	[sflag:s21] =	ssyncset.done $0x0;
	p2 =	sne.s32 s13, $0x61000  }
.Ltmp4:
0xd1: {  	s18 =	sadd.s32 s18, s12;
	[sflag:s21] =	ssyncadd.s32 $0xFFFFFC00;
	(pc) =	sbr.rel @p2 .LBB2_6-.Ltmp4, $3  }
0xd2: {  	[spmem:s18] =	stream.linear.scatter [tilespmem:s22], [sflag:$0x2], $0x400, $0x38;
	[tilespmem:$0x1E350] =	vst v63  }
0xd3: {  	s13 =	sadd.s32 $0x1000, s13;
	_ =	sdelay $0x1  }
0xd4: {  	_ =	swait.ge [sflag:s21], $0x400  }
0xd5: {  	[sflag:s21] =	ssyncset.done $0x0  }
0xd6: {  	s3 =	simm.s32 $0x3060;
	[sflag:s21] =	ssyncadd.s32 $0xFFFFFC00  }
0xd7: {  	[spmem:s25] =	stream.linear.scatter [tilespmem:s3], [sflag:$0x2], $0x620, $0x38;
	[tilespmem:$0x1E350] =	vst v63  }
.Ltmp5:
0xd8: {  	_ =	swait.ge [sflag:s21], $0x620;
	(pc) =	sbr.rel @p1 .LBB2_19-.Ltmp5, $4  }
.Ltmp6:
0xd9: {  	[sflag:s21] =	ssyncset.done $0x0;
	(pc) =	sbr.rel @!p1 .LBB2_8-.Ltmp6, $4  }
0xda: {  	[sflag:s21] =	ssyncadd.s32 $0xFFFFF9E0  }
0xdb: {  	[bflag:$0x0] =	sbarrier.arrive $0xFFFF  }
0xdc: {  	s18 =	simm.s32 $0x0;
	s19 =	simm.s32 $0x0  }
0xdd: {  	_ = 	snop  }
.LBB2_18:
0xde: {  	s19 =	sadd.s32 $0x1, s19  }
0xdf: {  	p2 =	sne.s32 s19, $0x32  }
.Ltmp7:
0xe0: {  	_ = 	snop;
	(pc) =	sbr.rel @!p2 .LBB2_19-.Ltmp7, $1  }
0xe1: {  	_ =	sdelay $0x3  }
.LBB2_8:
0xe2: {  	s13 =	sadd.s32 s14, s19  }
0xe3: {  	s13 =	sshll.u32 s13, $0x8  }
0xe4: {  	s13 =	sadd.s32 s9, s13  }
0xe5: {  	[tilespmem:s18], [sflag:$0x2] =	stream.linear.gather [hbm4b:s13+s18], $0x800, $0x38;
	[tilespmem:$0x1E350] =	vst v63  }
0xe6: {  	_ =	swait.ge [sflag:s21], $0x800  }
0xe7: {  	[sflag:s21] =	ssyncset.done $0x0  }
0xe8: {  	s3 =	simm.s32 $0x800;
	[sflag:s21] =	ssyncadd.s32 $0xFFFFF800  }
0xe9: {  	[tilespmem:s3], [sflag:$0x1] =	stream.indirect.gather [spmem:s0], $0x1, s18, s24, $0xb8;
	[tilespmem:$0x1E350] =	vst v63  }
0xea: {  	s25 =	simm.s32 $0xC00;
	s13 =	simm.s32 $0x400  }
0xeb: {  	[tilespmem:s25], [sflag:$0x1] =	stream.indirect.gather [spmem:s1], $0x1, s13, s24, $0xb8;
	[tilespmem:$0x1E350] =	vst v63  }
0xec: {  	s26 =	simm.s32 $0x880  }
0xed: {  	[tilespmem:s26], [sflag:$0x1] =	stream.indirect.gather [spmem:s0], $0x1, s24, s24, $0xb8;
	[tilespmem:$0x1E350] =	vst v63  }
0xee: {  	s28 =	simm.s32 $0x480;
	s29 =	simm.s32 $0xC80  }
0xef: {  	[tilespmem:s29], [sflag:$0x1] =	stream.indirect.gather [spmem:s1], $0x1, s28, s24, $0xb8;
	[tilespmem:$0x1E350] =	vst v63  }
0xf0: {  	s30 =	simm.s32 $0x100;
	s31 =	simm.s32 $0x900  }
0xf1: {  	[tilespmem:s31], [sflag:$0x1] =	stream.indirect.gather [spmem:s0], $0x1, s30, s24, $0xb8;
	[tilespmem:$0x1E350] =	vst v63  }
0xf2: {  	s25 =	simm.s32 $0x500;
	s26 =	simm.s32 $0xD00  }
0xf3: {  	[tilespmem:s26], [sflag:$0x1] =	stream.indirect.gather [spmem:s1], $0x1, s25, s24, $0xb8;
	[tilespmem:$0x1E350] =	vst v63  }
0xf4: {  	s28 =	simm.s32 $0x180;
	s29 =	simm.s32 $0x980  }
0xf5: {  	[tilespmem:s29], [sflag:$0x1] =	stream.indirect.gather [spmem:s0], $0x1, s28, s24, $0xb8;
	[tilespmem:$0x1E350] =	vst v63  }
0xf6: {  	s30 =	simm.s32 $0x580;
	s31 =	simm.s32 $0xD80  }
0xf7: {  	[tilespmem:s31], [sflag:$0x1] =	stream.indirect.gather [spmem:s1], $0x1, s30, s24, $0xb8;
	[tilespmem:$0x1E350] =	vst v63  }
0xf8: {  	s25 =	simm.s32 $0x200;
	s26 =	simm.s32 $0xA00  }
0xf9: {  	[tilespmem:s26], [sflag:$0x1] =	stream.indirect.gather [spmem:s0], $0x1, s25, s24, $0xb8;
	[tilespmem:$0x1E350] =	vst v63  }
0xfa: {  	s28 =	simm.s32 $0x600;
	s29 =	simm.s32 $0xE00  }
0xfb: {  	[tilespmem:s29], [sflag:$0x1] =	stream.indirect.gather [spmem:s1], $0x1, s28, s24, $0xb8;
	[tilespmem:$0x1E350] =	vst v63  }
0xfc: {  	s30 =	simm.s32 $0x280;
	s31 =	simm.s32 $0xA80  }
0xfd: {  	[tilespmem:s31], [sflag:$0x1] =	stream.indirect.gather [spmem:s0], $0x1, s30, s24, $0xb8;
	[tilespmem:$0x1E350] =	vst v63  }
0xfe: {  	s13 =	simm.s32 $0x680;
	s25 =	simm.s32 $0xE80  }
0xff: {  	[tilespmem:s25], [sflag:$0x1] =	stream.indirect.gather [spmem:s1], $0x1, s13, s24, $0xb8;
	[tilespmem:$0x1E350] =	vst v63  }
0x100: {  	s26 =	simm.s32 $0x300;
	s28 =	simm.s32 $0xB00  }
0x101: {  	[tilespmem:s28], [sflag:$0x1] =	stream.indirect.gather [spmem:s0], $0x1, s26, s24, $0xb8;
	[tilespmem:$0x1E350] =	vst v63  }
0x102: {  	s29 =	simm.s32 $0x700;
	s30 =	simm.s32 $0xF00  }
0x103: {  	[tilespmem:s30], [sflag:$0x1] =	stream.indirect.gather [spmem:s1], $0x1, s29, s24, $0xb8;
	[tilespmem:$0x1E350] =	vst v63  }
0x104: {  	s31 =	simm.s32 $0x380  }
0x105: {  	[tilespmem:s20], [sflag:$0x1] =	stream.indirect.gather [spmem:s0], $0x1, s31, s24, $0xb8;
	[tilespmem:$0x1E350] =	vst v63  }
0x106: {  	_ = 	snop  }
0x107: {  	[tilespmem:s4], [sflag:$0x1] =	stream.indirect.gather [spmem:s1], $0x1, s23, s24, $0xb8;
	[tilespmem:$0x1E350] =	vst v63  }
0x108: {  	_ =	swait.ge [sflag:s6], $0x80  }
0x109: {  	[sflag:s6] =	ssyncset.done $0x0  }
0x10a: {  	[sflag:s6] =	ssyncadd.s32 $0xFFFFFF80  }
0x10b: {  	_ =	swait.ge [sflag:s6], $0x80  }
0x10c: {  	[sflag:s6] =	ssyncset.done $0x0  }
0x10d: {  	[sflag:s6] =	ssyncadd.s32 $0xFFFFFF80  }
0x10e: {  	_ =	swait.ge [sflag:s6], $0x80  }
0x10f: {  	[sflag:s6] =	ssyncset.done $0x0  }
0x110: {  	[sflag:s6] =	ssyncadd.s32 $0xFFFFFF80  }
0x111: {  	_ =	swait.ge [sflag:s6], $0x80  }
0x112: {  	[sflag:s6] =	ssyncset.done $0x0  }
0x113: {  	[sflag:s6] =	ssyncadd.s32 $0xFFFFFF80  }
0x114: {  	_ =	swait.ge [sflag:s6], $0x80  }
0x115: {  	[sflag:s6] =	ssyncset.done $0x0  }
0x116: {  	[sflag:s6] =	ssyncadd.s32 $0xFFFFFF80  }
0x117: {  	_ =	swait.ge [sflag:s6], $0x80  }
0x118: {  	[sflag:s6] =	ssyncset.done $0x0  }
0x119: {  	[sflag:s6] =	ssyncadd.s32 $0xFFFFFF80  }
0x11a: {  	_ =	swait.ge [sflag:s6], $0x80  }
0x11b: {  	[sflag:s6] =	ssyncset.done $0x0  }
0x11c: {  	[sflag:s6] =	ssyncadd.s32 $0xFFFFFF80  }
0x11d: {  	_ =	swait.ge [sflag:s6], $0x80  }
0x11e: {  	[sflag:s6] =	ssyncset.done $0x0  }
0x11f: {  	[sflag:s6] =	ssyncadd.s32 $0xFFFFFF80  }
0x120: {  	_ =	swait.ge [sflag:s6], $0x80  }
0x121: {  	[sflag:s6] =	ssyncset.done $0x0  }
0x122: {  	[sflag:s6] =	ssyncadd.s32 $0xFFFFFF80  }
0x123: {  	_ =	swait.ge [sflag:s6], $0x80  }
0x124: {  	[sflag:s6] =	ssyncset.done $0x0  }
0x125: {  	[sflag:s6] =	ssyncadd.s32 $0xFFFFFF80  }
0x126: {  	_ =	swait.ge [sflag:s6], $0x80  }
0x127: {  	[sflag:s6] =	ssyncset.done $0x0  }
0x128: {  	[sflag:s6] =	ssyncadd.s32 $0xFFFFFF80  }
0x129: {  	_ =	swait.ge [sflag:s6], $0x80  }
0x12a: {  	[sflag:s6] =	ssyncset.done $0x0  }
0x12b: {  	[sflag:s6] =	ssyncadd.s32 $0xFFFFFF80  }
0x12c: {  	_ =	swait.ge [sflag:s6], $0x80  }
0x12d: {  	[sflag:s6] =	ssyncset.done $0x0  }
0x12e: {  	[sflag:s6] =	ssyncadd.s32 $0xFFFFFF80  }
0x12f: {  	_ =	swait.ge [sflag:s6], $0x80  }
0x130: {  	[sflag:s6] =	ssyncset.done $0x0  }
0x131: {  	[sflag:s6] =	ssyncadd.s32 $0xFFFFFF80  }
0x132: {  	_ =	swait.ge [sflag:s6], $0x80  }
0x133: {  	[sflag:s6] =	ssyncset.done $0x0  }
0x134: {  	[sflag:s6] =	ssyncadd.s32 $0xFFFFFF80  }
0x135: {  	_ =	swait.ge [sflag:s6], $0x80  }
0x136: {  	[sflag:s6] =	ssyncset.done $0x0  }
0x137: {  	s13 =	simm.s32 $0x0;
	[sflag:s6] =	ssyncadd.s32 $0xFFFFFF80  }
.LBB2_9:
0x138: {  	p2 =	sne.s32 s13, $0xFC0  }
.Ltmp8:
0x139: {  	_ = 	snop;
	(pc) =	sbr.rel @p2 .LBB2_9-.Ltmp8, $3  }
0x13a: {  	_ =	sdelay $0x1  }
0x13b: {  	s25 =	sshra.s32 s13, $0x2  }
0x13c: {  	s13 =	sadd.s32 $0x40, s13;
	[tilespmem:s25+$0x1850] =	vst v2  }
0x13d: {  	s25 =	simm.s32 $0x0  }
0x13e: {  	s13 =	simm.s32 $0x0;
	s26 =	simm.s32 $0x0;
	v6 =	vld [tilespmem:s25+$0x800]  }
0x13f: {  	s28 =	sand.u32 $0x70, s13;
	s26 =	sand.u32 $0x380, s26;
	v7 =	vld [tilespmem:s25+$0xC00]  }
0x140: {  	s31 =	sor.u32 s28, s26  }
0x141: {  	v8 =	vld [tilespmem:s31+$0x400];
	_ =	sdelay $0x2  }
0x142: {  	v6 =	vadd.f32 v7, v6;
	_ =	sdelay $0x1  }
0x143: {  	vm0 =	vge.s32 v8, v0;
	vm1 =	vlt.s32 v8, v1;
	v7 =	vmul.f32 $2.000000030e-01, v6  }
0x144: {  	vm0 =	vmand vm0, vm1  }
0x145: {  	v9 =	vsel vm0, $0x1, v3;
	v6 =	vmax.f32 v6, v7  }
0x146: {  	(xrf0) =	vadd.scan.msk.s32 $0xffff, v9;
	v6 =	vsub.f32 v6, v5;
	_ =	sdelay $0x1  }
0x147: {  	v6 =	vmul.f32 $1.442695020e+00, v6;
	_ =	sdelay $0x1  }
0x148: {  	(erf) = vpow2.f32 v6;
	_ =	sdelay $0x1  }
0x149: {  	v6 =	vimm.s32 $0x0;
	v7, _, _ =	vpop (xrf0)  }
0x14a: {  	v7 =	vadd.s32 v7, v6  }
0x14b: {  	v7 =	vadd.s32 $0xFFFFFFFF, v7  }
0x14c: {  	v9 =	vld [tilespmem:s31+$0x0];
	v7 =	vsel vm0, v7, v4;
	_ =	sdelay $0x2  }
0x14d: {  	v10 =	vmpcnt.ones.xlane vm0  }
0x14e: {  	v8 =	vsub.s32 v8, v0;
	v11 =	vpop (erf)  }
0x14f: {  	s25 =	simm.s32 $0x10;
	v8 =	vnsel vm0, $0x0, v8;
	v6 =	vadd.s32 v6, v10;
	[tilespmem:v7+s8+$0x0] =	vst.idx.msk vm0, v9;
	v9 =	vnsel vm0, $0x0, v11  }
.LBB2_11:
0x150: {  	p2 =	sne.s32 s25, $0x3F0  }
0x151: {  	[tilespmem:v7+s10+$0x0] =	vst.idx.msk vm0, v9;
	s13 =	sadd.s32 $0x40, s13;
	v9 =	vmov v6;
	s26 =	smov.u32 s25;
	s25 =	sadd.s32 $0x10, s25  }
0x152: {  	s28 =	sshrl.u32 s13, $0x2;
	s29 =	sshra.s32 s13, $0x2;
	[tilespmem:v7+s11+$0x0] =	vst.idx.msk vm0, v8  }
0x153: {  	s26 =	sand.u32 $0x70, s26;
	s28 =	sand.u32 $0x380, s28;
	v7 =	vld [tilespmem:s29+$0x800]  }
0x154: {  	s26 =	sor.u32 s26, s28;
	v8 =	vld [tilespmem:s29+$0xC00]  }
0x155: {  	v10 =	vld [tilespmem:s26+$0x400];
	_ =	sdelay $0x3  }
0x156: {  	v7 =	vadd.f32 v8, v7  }
0x157: {  	vm0 =	vge.s32 v10, v0;
	vm1 =	vlt.s32 v10, v1  }
0x158: {  	v8 =	vmul.f32 $2.000000030e-01, v7;
	vm0 =	vmand vm0, vm1  }
0x159: {  	v11 =	vsel vm0, $0x1, v3;
	v12 =	vmpcnt.ones.xlane vm0  }
0x15a: {  	v7 =	vmax.f32 v7, v8;
	(xrf0) =	vadd.scan.msk.s32 $0xffff, v11  }
0x15b: {  	v7 =	vsub.f32 v7, v5;
	v6 =	vadd.s32 v6, v12;
	_ =	sdelay $0x1  }
0x15c: {  	v8 =	vmul.f32 $1.442695020e+00, v7;
	_ =	sdelay $0x1  }
0x15d: {  	(erf) = vpow2.f32 v8  }
0x15e: {  	v7, _, _ =	vpop (xrf0)  }
0x15f: {  	v7 =	vadd.s32 v7, v9  }
0x160: {  	v7 =	vadd.s32 $0xFFFFFFFF, v7  }
0x161: {  	v8 =	vld [tilespmem:s26+$0x0];
	v7 =	vsel vm0, v7, v4;
	_ =	sdelay $0x1  }
.Ltmp9:
0x162: {  	(pc) =	sbr.rel @p2 .LBB2_11-.Ltmp9, $3  }
0x163: {  	_ =	sdelay $0x1  }
0x164: {  	v10 =	vsub.s32 v10, v0;
	[tilespmem:v7+s8+$0x0] =	vst.idx.msk vm0, v8;
	v8 =	vpop (erf)  }
0x165: {  	v9 =	vnsel vm0, $0x0, v8;
	v8 =	vnsel vm0, $0x0, v10  }
0x166: {  	v6 =	vxor.u32 $0x80000000, v6  }
0x167: {  	(xrf0) =	vmax.scan.msk.u32 $0xffff, v6;
	_ =	sdelay $0x5  }
0x168: {  	v6, _, _ =	vpop (xrf0)  }
0x169: {  	(v2sf) =	vpush v6, $0xF;
	_ =	sdelay $0xb  }
.Ltmp10:
0x16a: {  	_ = 	snop;
	(pc) =	sbr.rel .LBB2_13-.Ltmp10, $3  }
0x16b: {  	_ =	sdelay $0x1  }
0x16c: {  	[tilespmem:v7+s10+$0x0] =	vst.idx.msk vm0, v9;
	s13 =	spop (v2sf)  }
0x16d: {  	s25 =	simm.s32 $0x0;
	s26 =	simm.s32 $0x0;
	[tilespmem:v7+s11+$0x0] =	vst.idx.msk vm0, v8;
	s13 =	sxor.u32 $0x80000000, s13  }
.LBB2_16:
0x16e: {  	[tilespmem:s29+$0x10] =	vst v10  }
0x16f: {  	s3 =	sadd.s32 $0x40, s31;
	[tilespmem:s29+$0xFFFFFFE0] =	vst v7  }
0x170: {  	v7 =	vld [tilespmem:s3+$0xFFFFFFF0];
	[tilespmem:s29+$0xFFFFFFF0] =	vst v9  }
0x171: {  	v9 =	vld [tilespmem:s3+$0x10];
	[tilespmem:s29+$0x0] =	vst v8  }
0x172: {  	v6 =	vld.idx.msk [tilespmem:v6+s10+$0x0], $0xffff  }
0x173: {  	v8 =	vld [tilespmem:s3+$0xFFFFFFE0];
	_ =	sdelay $0x1  }
0x174: {  	v10 =	vld [tilespmem:s3+$0x0];
	_ =	sdelay $0x1  }
0x175: {  	v9 =	vmul.f32 v9, v6  }
0x176: {  	v8 =	vmul.f32 v8, v6  }
0x177: {  	v7 =	vmul.f32 v7, v6;
	[tilespmem:s3+$0x10] =	vst v9  }
0x178: {  	v6 =	vmul.f32 v10, v6;
	[tilespmem:s3+$0xFFFFFFE0] =	vst v8  }
0x179: {  	[tilespmem:s3+$0xFFFFFFF0] =	vst v7  }
0x17a: {  	s30 =	sadd.s32 $0x1410, s28;
	[tilespmem:s3+$0x0] =	vst v6  }
0x17b: {  	[spmem:s2] =	stream.indirect.scatter.add.f32 [tilespmem:s16], [sflag:$0x3], $0x40, s30, s15, $0xb8;
	[tilespmem:$0x1E350] =	vst v63  }
0x17c: {  	_ =	swait.ge [sflag:s17], $0x1000  }
0x17d: {  	[sflag:s17] =	ssyncset.done $0x0  }
0x17e: {  	s31 =	sadd.s32 $0x1850, s28;
	[sflag:s17] =	ssyncadd.s32 $0xFFFFF000  }
0x17f: {  	[spmem:s5] =	stream.indirect.scatter.add.f32 [tilespmem:s31], [sflag:$0x2], $0x1, s30, s15, $0xb8;
	[tilespmem:$0x1E350] =	vst v63  }
0x180: {  	_ =	swait.ge [sflag:s21], $0x40  }
0x181: {  	[sflag:s21] =	ssyncset.done $0x0  }
0x182: {  	[sflag:s21] =	ssyncadd.s32 $0xFFFFFFC0  }
.LBB2_17:
0x183: {  	s26 =	sadd.s32 $0x1, s26  }
0x184: {  	p2 =	sne.s32 s26, $0x10  }
.Ltmp11:
0x185: {  	_ = 	snop;
	(pc) =	sbr.rel @!p2 .LBB2_18-.Ltmp11, $2  }
0x186: {  	_ =	sdelay $0x2  }
0x187: {  	s25 =	sadd.s32 $0x40, s25  }
.LBB2_13:
0x188: {  	s28 =	sshll.u32 s26, $0x6  }
0x189: {  	p2 =	sge.s32 s28, s13  }
.Ltmp12:
0x18a: {  	_ = 	snop;
	(pc) =	sbr.rel @p2 .LBB2_17-.Ltmp12, $1  }
0x18b: {  	_ =	sdelay $0x3  }
0x18c: {  	s29 =	sadd.s32 $0x1000, s28  }
0x18d: {  	[tilespmem:s16], [sflag:$0x1] =	stream.indirect.gather [hbm4b:s7+s15], $0x40, s29, s15, $0xb8;
	[tilespmem:$0x1E350] =	vst v63  }
0x18e: {  	s29 =	sadd.s32 $0x0, s25  }
0x18f: {  	_ =	swait.ge [sflag:s6], $0x1000;
	v6 =	vmov s29  }
0x190: {  	[sflag:s6] =	ssyncset.done $0x0  }
0x191: {  	s29 =	simm.s32 $0x1C80;
	[sflag:s6] =	ssyncadd.s32 $0xFFFFF000  }
0x192: {  	v8 =	vld [tilespmem:s29+$0xFFFFFFF0]  }
0x193: {  	v9 =	vld [tilespmem:s29+$0x10]  }
0x194: {  	v11 =	vld.idx.msk [tilespmem:v6+s10+$0x0], $0xffff  }
0x195: {  	v6 =	vld [tilespmem:s29+$0xFFFFFFE0]  }
0x196: {  	v12 =	vld [tilespmem:s29+$0x0];
	_ =	sdelay $0x3  }
0x197: {  	s31 =	sadd.s32 $0x1, s25;
	v7 =	vmul.f32 v6, v11;
	v10 =	vmul.f32 v9, v11  }
0x198: {  	s30 =	simm.s32 $0x2;
	v6 =	vmov s31;
	v9 =	vmul.f32 v8, v11;
	v8 =	vmul.f32 v12, v11;
	s31 =	simm.s32 $0x1C80  }
.LBB2_15:
0x199: {  	p2 =	sne.s32 s30, $0x3F  }
0x19a: {  	[tilespmem:s29+$0x10] =	vst v10;
	s31 =	sadd.s32 $0x40, s31;
	s3 =	smov.u32 s30;
	s30 =	sadd.s32 $0x1, s30  }
0x19b: {  	[tilespmem:s29+$0xFFFFFFE0] =	vst v7  }
0x19c: {  	v11 =	vld [tilespmem:s31+$0xFFFFFFF0];
	[tilespmem:s29+$0xFFFFFFF0] =	vst v9  }
0x19d: {  	v9 =	vld [tilespmem:s31+$0x10];
	[tilespmem:s29+$0x0] =	vst v8;
	s29 =	smov.u32 s31  }
0x19e: {  	v8 =	vld.idx.msk [tilespmem:v6+s10+$0x0], $0xffff  }
0x19f: {  	v6 =	vld [tilespmem:s31+$0xFFFFFFE0]  }
0x1a0: {  	v12 =	vld [tilespmem:s31+$0x0]  }
.Ltmp13:
0x1a1: {  	(pc) =	sbr.rel @p2 .LBB2_15-.Ltmp13, $3  }
0x1a2: {  	_ =	sdelay $0x1  }
0x1a3: {  	s3 =	sadd.s32 s3, s25;
	v10 =	vmul.f32 v9, v8;
	v7 =	vmul.f32 v6, v8  }
0x1a4: {  	v9 =	vmul.f32 v11, v8;
	v6 =	vmov s3;
	v8 =	vmul.f32 v12, v8  }
.Ltmp14:
0x1a5: {  	_ = 	snop;
	(pc) =	sbr.rel .LBB2_16-.Ltmp14, $1  }
0x1a6: {  	_ =	sdelay $0x3  }
.LBB2_20:
0x1a7: {  	_ =	sfence.sel $0x180000  }
0x1a8: {  	[bflag:$0x0] =	sbarrier.arrive $0xFFFF  }
0x1a9: {  	_ =	strace $0x9000004D  }
0x1aa: {  	[bflag:$0x2] =	sbarrier.arrive $0xFFFF  }
0x1ab: {  	s0 =	rddreg [dreg:$0x5]  }
0x1ac: {  	s0 =	sadd.s32 @!p0 $0x100000, s0  }
0x1ad: {  	[sflag:s0] =	ssyncadd.tile.s32 @!p0 $0x1;
	_ =	shalt  }
.Lfunc_end2:
_tile_overlayer_lowered:
.L_overlay_start_2:
0x1ae: {  	(tag) =	ssettag $0x2  }
0x1af: {  	s0 =	rddreg [dreg:$0x0];
	s2 =	stileid.u32  }
0x1b0: {  	s1 =	rddreg [dreg:$0x1];
	p0 =	sne.s32 s2, $0x0  }
0x1b1: {  	s3 =	rddreg [dreg:$0x2];
	[bflag:$0x3] =	sbarrier.arrive $0xFFFF;
	s2 =	simm.s32 @!p0 $0x1C02  }
0x1b2: {  	[timem:s3], [sflag:s2] =	dma.local @!p0 [hbm:s0], s1  }
0x1b3: {  	s0 =	simm.s32 @!p0 $0x2  }
0x1b4: {  	_ =	swait.ge @!p0 [sflag:s0], s1  }
0x1b5: {  	s1 =	ssub.s32 @!p0 $0x0, s1;
	[sflag:s0] =	ssyncset.done @!p0 $0x0  }
0x1b6: {  	[sflag:s0] =	ssyncadd.s32 @!p0 s1  }
0x1b7: {  	[bflag:$0x3] =	sbarrier.arrive $0xFFFF  }
0x1b8: {  	_ =	shalt  }

// kernel: kernel.9.cloned.1.call-start
scs
__scs_entry_jumppad:
0x0: {  	(pc) =	sbr.rel $0x88, $3  }
0x1: {  	(tag) =	ssettag $0x0;
	lr =	simm.s32 $0x1  }
0x2: {  	[smem:$0x3F82] =	sst lr;
	_ =	strace $0xD0000000  }
0x3: {  	_ = 	snop  }
0x4: {  	_ = 	snop  }
0x5: {  	_ = 	snop  }
0x6: {  	_ = 	snop  }
0x7: {  	_ = 	snop  }
__scs_overlays_trampoline_lowered:
0x8: {  	[smem:$0x3F91] =	sst s0  }
0x9: {  	[smem:$0x3F92] =	sst s1  }
0xa: {  	[smem:$0x3F93] =	sst s2  }
0xb: {  	[smem:$0x3F94] =	sst s3  }
0xc: {  	[smem:$0x3F95] =	sst s4  }
0xd: {  	[smem:$0x3F96] =	sst s5  }
0xe: {  	[smem:$0x3F97] =	sst s6  }
0xf: {  	[smem:$0x3F98] =	sst s7  }
0x10: {  	[smem:$0x3F99] =	sst s8  }
0x11: {  	[smem:$0x3F9A] =	sst s9;
	s0 =	simm.s32 @!p0 $0x0  }
0x12: {  	s1 =	sld [smem:$0x3F80];
	s0 =	simm.s32 @p0 $0x1  }
0x13: {  	[smem:$0x3F9B] =	sst s0;
	s0 =	simm.s32 @!p1 $0x0  }
0x14: {  	s2 =	sld [smem:$0x3F7F];
	s0 =	simm.s32 @p1 $0x1  }
0x15: {  	[smem:$0x3F9C] =	sst s0;
	s0 =	simm.s32 @!p2 $0x0  }
0x16: {  	s3 =	sld [smem:$0x3FDB];
	s0 =	simm.s32 @p2 $0x1  }
0x17: {  	s4 =	simm.s32 $0x1BF5;
	[smem:$0x3F9E] =	sst s0  }
0x18: {  	s0 =	sld [smem:$0x3F81];
	_ =	swait.ge [sflag:s4], $0x0  }
0x19: {  	s7 =	sld [smem:$0x3F82]  }
0x1a: {  	s8 =	sadd.s32 $0xFFFFE003, lr  }
0x1b: {  	s9 =	sadd.s32 $0xFFFFFEF7, lr;
	s5 =	simm.s32 $0xFFFFFFFF;
	p2 =	slt.u32 s8, $0xFFFFF086  }
0x1c: {  	p1 =	slt.u32 s9, $0xF7A;
	s5 =	simm.s32 @!p2 $0x0  }
0x1d: {  	s5 =	simm.s32 @p1 $0x1;
	p0 =	seq.s32 s7, s2  }
0x1e: {  	s7 =	smul.u32 @!p0 $0xF7A, s2;
	p2 =	seq.s32 @!p0 s5, $0x0  }
0x1f: {  	s9 =	smul.u32 $0xF7A, s1;
	s8 =	simm.s32 @!p0 $0x1BF5;
	p2 =	por !p2, p0  }
0x20: {  	[sflag:s8] =	ssyncset.s32 @!p0 $0xFFFFF086;
	s6 =	sadd.s32 @!p0 s3, s7;
	s7 =	simm.s32 @!p0 $0x108  }
0x21: {  	s3 =	sadd.s32 s3, s9;
	s6 =	sadd.s32 @!p0 $0x88, s6;
	s7 =	simm.s32 @p2 $0x1082  }
0x22: {  	[simem:s7], [sflag:s8] =	dma.local @!p0 [hbm:s6], $0xF7A  }
0x23: {  	s9 =	sor.u32 $0xD0000000, s2;
	s6 =	simm.s32 $0x108;
	_ =	swait.ge @!p0 [sflag:s8], $0x0  }
0x24: {  	s3 =	sadd.s32 $0x88, s3;
	s6 =	simm.s32 @!p1 $0x1082;
	[sflag:s4] =	ssyncset.s32 $0xFFFFF086  }
0x25: {  	[simem:s6], [sflag:s4] =	dma.local [hbm:s3], $0xF7A  }
0x26: {  	[smem:$0x3F82] =	sst s1;
	(tag) =	ssettag s2;
	_ =	strace s9  }
0x27: {  	s1 =	sld [smem:$0x3F92]  }
0x28: {  	s2 =	sld [smem:$0x3F93]  }
0x29: {  	s4 =	sld [smem:$0x3F95]  }
0x2a: {  	p0 =	seq.s32 s5, $0x0;
	s5 =	sld [smem:$0x3F96]  }
0x2b: {  	s6 =	sld [smem:$0x3F97]  }
0x2c: {  	s7 =	sld [smem:$0x3F98]  }
0x2d: {  	s3 =	simm.s32 $0x108;
	s8 =	sld [smem:$0x3F99]  }
0x2e: {  	s3 =	simm.s32 @!p0 $0x1082;
	s9 =	sld [smem:$0x3F9A]  }
0x2f: {  	lr =	sadd.s32 s0, s3;
	s0 =	sld [smem:$0x3F91]  }
0x30: {  	s3 =	sld [smem:$0x3F94]  }
0x31: {  	[smem:$0x3F9D] =	sst s10  }
0x32: {  	s10 =	sld [smem:$0x3F9B];
	_ =	sdelay $0x3  }
0x33: {  	p0 =	seq.s32 s10, $0x1;
	s10 =	sld [smem:$0x3F9D];
	_ =	sdelay $0x3  }
0x34: {  	[smem:$0x3F9D] =	sst s10  }
0x35: {  	s10 =	sld [smem:$0x3F9C];
	_ =	sdelay $0x3  }
0x36: {  	p1 =	seq.s32 s10, $0x1;
	s10 =	sld [smem:$0x3F9D];
	_ =	sdelay $0x3  }
0x37: {  	[smem:$0x3F9D] =	sst s10  }
0x38: {  	s10 =	sld [smem:$0x3F9E]  }
0x39: {  	_ = 	snop;
	(pc) =	sbr.ind lr, $3  }
0x3a: {  	_ = 	snop  }
0x3b: {  	_ = 	snop  }
0x3c: {  	p2 =	seq.s32 s10, $0x1;
	s10 =	sld [smem:$0x3F9D]  }
0x3d: {  	_ =	shalt  }
0x3e: {  	_ =	shalt  }
0x3f: {  	_ =	shalt  }
0x40: {  	_ =	shalt  }
0x41: {  	_ =	shalt  }
0x42: {  	_ =	shalt  }
0x43: {  	_ =	shalt  }
0x44: {  	_ =	shalt  }
0x45: {  	_ =	shalt  }
0x46: {  	_ =	shalt  }
0x47: {  	_ =	shalt  }
0x48: {  	_ =	shalt  }
0x49: {  	_ =	shalt  }
0x4a: {  	_ =	shalt  }
0x4b: {  	_ =	shalt  }
0x4c: {  	_ =	shalt  }
0x4d: {  	_ =	shalt  }
0x4e: {  	_ =	shalt  }
0x4f: {  	_ =	shalt  }
0x50: {  	_ =	shalt  }
0x51: {  	_ =	shalt  }
0x52: {  	_ =	shalt  }
0x53: {  	_ =	shalt  }
0x54: {  	_ =	shalt  }
0x55: {  	_ =	shalt  }
0x56: {  	_ =	shalt  }
0x57: {  	_ =	shalt  }
0x58: {  	_ =	shalt  }
0x59: {  	_ =	shalt  }
0x5a: {  	_ =	shalt  }
0x5b: {  	_ =	shalt  }
0x5c: {  	_ =	shalt  }
0x5d: {  	_ =	shalt  }
0x5e: {  	_ =	shalt  }
0x5f: {  	_ =	shalt  }
0x60: {  	_ =	shalt  }
0x61: {  	_ =	shalt  }
0x62: {  	_ =	shalt  }
0x63: {  	_ =	shalt  }
0x64: {  	_ =	shalt  }
0x65: {  	_ =	shalt  }
0x66: {  	_ =	shalt  }
0x67: {  	_ =	shalt  }
0x68: {  	_ =	shalt  }
0x69: {  	_ =	shalt  }
0x6a: {  	_ =	shalt  }
0x6b: {  	_ =	shalt  }
0x6c: {  	_ =	shalt  }
0x6d: {  	_ =	shalt  }
0x6e: {  	_ =	shalt  }
0x6f: {  	_ =	shalt  }
0x70: {  	_ =	shalt  }
0x71: {  	_ =	shalt  }
0x72: {  	_ =	shalt  }
0x73: {  	_ =	shalt  }
0x74: {  	_ =	shalt  }
0x75: {  	_ =	shalt  }
0x76: {  	_ =	shalt  }
0x77: {  	_ =	shalt  }
0x78: {  	_ =	shalt  }
0x79: {  	_ =	shalt  }
0x7a: {  	_ =	shalt  }
0x7b: {  	_ =	shalt  }
0x7c: {  	_ =	shalt  }
0x7d: {  	_ =	shalt  }
0x7e: {  	_ =	shalt  }
0x7f: {  	_ =	shalt  }
0x80: {  	_ =	shalt  }
0x81: {  	_ =	shalt  }
0x82: {  	_ =	shalt  }
0x83: {  	_ =	shalt  }
0x84: {  	_ =	shalt  }
0x85: {  	_ =	shalt  }
0x86: {  	_ =	shalt  }
0x87: {  	_ =	shalt  }
.Lfunc_end0:
.L_simem_size_0:
called_computation_lowered:
.L_overlay_start_0:
0x88: {  	s2 =	sld [smem:$0x3FD9]  }
0x89: {  	s3 =	sld [smem:$0x3FFE];
	_ =	sdelay $0x1  }
0x8a: {  	s1 =	srdreg.scid  }
0x8b: {  	s0 =	sand.u32 $0x1, s1  }
0x8c: {  	s16 =	sshll.u32 s0, $0xA;
	s2 =	sadd.s32 s3, s2  }
0x8d: {  	s2 =	sadd.s32 s2, s16  }
0x8e: {  	[smem:$0x3FA9] =	sst s2  }
0x8f: {  	_ = 	snop  }
0x90: {  	(tm) =	ssettm $0x1  }
0x91: {  	s17 =	sld [smem:$0x3FFB];
	_ =	sdelay $0x3  }
0x92: {  	_ =	strace s17  }
0x93: {  	s2 =	sld [smem:$0x3FFC];
	_ =	sdelay $0x3  }
0x94: {  	_ =	strace s2  }
0x95: {  	s2 =	sld [smem:$0x3FFD];
	_ =	sdelay $0x3  }
0x96: {  	_ =	strace s2  }
0x97: {  	_ =	strace $0x8FFFFFFF  }
0x98: {  	s18 =	sld [smem:$0x3FDB];
	_ =	sdelay $0x1  }
0x99: {  	s19 =	simm.s32 $_scs_section_size  }
0x9a: {  	s4 =	simm.s32 $_size__tile_overlayer_lowered;
	s5 =	simm.s32 $_tile_overlayer_lowered  }
0x9b: {  	s22 =	simm.s32 $0x1BFF;
	s21 =	sshll.u32 s5, $0x1;
	s2 =	sadd.s32 s19, s18  }
0x9c: {  	s6 =	simm.s32 $0x0;
	s20 =	sshll.u32 s4, $0x1;
	s4 =	sadd.s32 s21, s2  }
0x9d: {  	[timem:s6], [sflag:s22] =	dma.local [hbm:s4], s20  }
0x9e: {  	_ =	swait.ge [sflag:s22], s20  }
0x9f: {  	s3 =	ssub.s32 $0x0, s20;
	[sflag:s22] =	ssyncset.done $0x0  }
0xa0: {  	[sflag:s22] =	ssyncadd.s32 s3;
	_ =	sdelay $0x1  }
0xa1: {  	s23 =	simm.s32 $0x1B8B  }
0xa2: {  	_ =	swait.ge [sflag:s23], $0x1  }
0xa3: {  	[sflag:s23] =	ssyncset.done $0x0  }
0xa4: {  	s25 =	simm.s32 $0x1B8E;
	s24 =	sld [smem:$0x3FFE];
	[sflag:s23] =	ssyncadd.s32 $0xFFFFFFFF  }
0xa5: {  	s26 =	simm.s32 $execute0_lowered;
	[smem:$0x3FD2] =	sst s25  }
0xa6: {  	s4 =	sshll.u32 s26, $0x1;
	_ =	strace $0x80000046;
	[dreg:$0x1] =	wrdreg $0xFFFFFFFF  }
0xa7: {  	s28 =	simm.s32 $_size_execute0_lowered;
	s2 =	sadd.s32 s2, s4;
	[dreg:$0x0] =	wrdreg $0x0  }
0xa8: {  	s4 =	sshll.u32 s28, $0x1;
	[dreg:$0x2] =	wrdreg s2  }
0xa9: {  	[dreg:$0x3] =	wrdreg s4  }
0xaa: {  	[dreg:$0x4] =	wrdreg $0xC0  }
0xab: {  	_ =	task [dreg:s6], $0x5FFFF  }
0xac: {  	[dreg:$0x1] =	wrdreg $0xFFFFFFFF  }
0xad: {  	[dreg:$0x0] =	wrdreg $0x60  }
0xae: {  	[dreg:$0x2] =	wrdreg s24  }
0xaf: {  	[dreg:$0x3] =	wrdreg $0x50B00  }
0xb0: {  	[dreg:$0x4] =	wrdreg $0x5CF00  }
0xb1: {  	[dreg:$0x5] =	wrdreg $0x69300  }
0xb2: {  	[dreg:$0x6] =	wrdreg $0x1F1300  }
0xb3: {  	[dreg:$0x7] =	wrdreg $0x9  }
0xb4: {  	_ =	task.clear_ibuf [dreg:s6], $0x8FFFF;
	_ =	strace $0x90000046  }
0xb5: {  	s29 =	simm.s32 $0x9;
	_ =	strace $0x80000048  }
0xb6: {  	_ =	swait.ge [sflag:s29], $0x1  }
0xb7: {  	[sflag:s29] =	ssyncadd.s32 $0xFFFFFFFF  }
0xb8: {  	_ =	strace $0x90000048  }
0xb9: {  	_ =	sfence  }
0xba: {  	s30 =	sld [smem:$0x0];
	_ =	sdelay $0x2  }
0xbb: {  	s31 =	sshll.u32 s1, $0xD;
	s1 =	sshrl.u32 s1, $0x2  }
0xbc: {  	s3 =	sand.u32 $0x4000, s31;
	s1 =	sadd.s32 s1, s30  }
0xbd: {  	s0 =	sor.u32 s3, s0;
	s1 =	sshll.u32 s1, $0x11  }
0xbe: {  	s0 =	sor.u32 s1, s0  }
0xbf: {  	s0 =	sadd.s32 $0x8F2B, s0  }
0xc0: {  	[sflag:s0] =	ssyncadd.remote.s32 $0x1  }
0xc1: {  	_ =	sfence.sel $0xFFFF  }
0xc2: {  	[dreg:$0x0] =	wrdreg $0xFFFFFFFF;
	(pc) =	sbr.abs _section_cstart, $3  }
0xc3: {  	[dreg:$0x1] =	wrdreg $0xFFFFFFFF  }
0xc4: {  	_ =	task.clear_ibuf [dreg:s6], $0x2FFFF;
	_ =	strace $0x9FFFFFFF  }
0xc5: {  	(tm) =	ssettm $0x7FFFFFFF  }
tec
execute0_lowered:
.L_overlay_start_1:
0x0: {  	(tag) =	ssettag $0x1  }
0x1: {  	s0 =	rddreg [dreg:$0x0]  }
0x2: {  	s1 =	rddreg [dreg:$0x1]  }
0x3: {  	s2 =	rddreg [dreg:$0x2]  }
0x4: {  	s3 =	rddreg [dreg:$0x3]  }
0x5: {  	s4 =	rddreg [dreg:$0x4];
	s5 =	simm.s32 $0x0  }
0x6: {  	s24 =	srdreg.scid;
	s10 =	stileid.u32;
	s23 =	simm.s32 $0x2  }
0x7: {  	s14 =	simm.s32 $0xB80;
	s15 =	simm.s32 $0x780;
	s19 =	simm.s32 $0xF80  }
0x8: {  	s20 =	simm.s32 $0x1;
	s21 =	simm.s32 $0x1000;
	[smem:$0x7FF] =	sst s5  }
0x9: {  	s6 =	sadd.s32 $0x253600, s0;
	s7 =	sadd.s32 $0x39600, s0;
	s5 =	sand.u32 $0x1, s24  }
0xa: {  	s9 =	sadd.s32 $0x7600, s0;
	s25 =	sadd.s32 $0x3E200, s0;
	s8 =	smul.u32 $0x62000, s10  }
0xb: {  	s11 =	sadd.s32 $0x3C800, s0;
	_ =	strace $0x80000047;
	[dreg:$0x6] =	wrdreg s7  }
0xc: {  	s28 =	smul.u32 $0x310, s10;
	s29 =	sadd.s32 $0x3AE80, s0;
	[dreg:$0x7] =	wrdreg s5  }
0xd: {  	s0 =	sadd.s32 $0x3C700, s0;
	p0 =	sne.s32 s10, $0x0;
	[dreg:$0x8] =	wrdreg s25  }
0xe: {  	s18 =	smul.u32 $0x32, s10;
	s24 =	simm.s32 $0x3C60;
	[dreg:$0x9] =	wrdreg s11  }
0xf: {  	s10 =	simm.s32 $0x1850;
	s5 =	ssub.s32 $0x2, s5;
	[dreg:$0xb] =	wrdreg s29  }
0x10: {  	[dreg:$0xc] =	wrdreg s0;
	s0 =	sshrl.u32 @!p0 s1, $0x3;
	s25 =	simm.s32 $0x40  }
0x11: {  	s11 =	simm.s32 $0x3;
	s7 =	simm.s32 $0x0;
	s26 =	sshrl.u32 s5, $0x1  }
.Ltmp0:
0x12: {  	s30 =	sshrl.u32 s8, $0x2;
	[dreg:$0xa] =	wrdreg s28;
	(pc) =	sbr.rel .LBB2_1-.Ltmp0, $4  }
0x13: {  	s17 =	sadd.s32 s28, s4;
	[dreg:$0xf] =	wrdreg s0;
	s0 =	sshrl.u32 @!p0 s2, $0x3  }
0x14: {  	s8 =	simm.s32 $0x1C60;
	s5 =	ssub.s32 s5, s26;
	[dreg:$0x10] =	wrdreg s0  }
0x15: {  	v2 =	vlaneseq.u32;
	s16 =	sadd.s32 s30, s3;
	[dreg:$0xd] =	wrdreg s17;
	s31 =	smax.u32 s5, $0x1  }
0x16: {  	v0 =	vimm.f32 $0.0e+00;
	v1 =	vimm.s32 $0x0;
	v2 =	vor.u32 $0x400, v2;
	s26 =	simm.s32 $0x80;
	s5 =	simm.s32 $0x1410;
	[dreg:$0xe] =	wrdreg s31  }
.LBB2_24:
0x17: {  	s7 =	rddreg [dreg:$0x11]  }
0x18: {  	s0 =	rddreg [dreg:$0xe];
	s7 =	sadd.s32 $0x1, s7  }
0x19: {  	p1 =	sne.s32 s7, s0  }
.Ltmp1:
0x1a: {  	_ = 	snop;
	(pc) =	sbr.rel @!p1 .LBB2_25-.Ltmp1, $1  }
0x1b: {  	_ =	sdelay $0x3  }
.LBB2_1:
0x1c: {  	[dreg:$0x11] =	wrdreg s7  }
0x1d: {  	s7 =	rddreg [dreg:$0x6]  }
0x1e: {  	s0 =	simm.s32 @!p0 $0x1C02;
	s12 =	rddreg [dreg:$0xf]  }
0x1f: {  	[spmem:s12], [sflag:s0] =	dma.local @!p0 [hbm:s7], $0x1880  }
0x20: {  	s12 =	simm.s32 @!p0 $0x2  }
0x21: {  	_ =	swait.ge @!p0 [sflag:s12], $0x1880  }
0x22: {  	[sflag:s12] =	ssyncset.done @!p0 $0x0;
	s7 =	rddreg [dreg:$0xb]  }
0x23: {  	s13 =	rddreg [dreg:$0x10];
	[sflag:s12] =	ssyncadd.s32 @!p0 $0xFFFFE780  }
0x24: {  	[spmem:s13], [sflag:s0] =	dma.local @!p0 [hbm:s7], $0x1880  }
0x25: {  	_ =	swait.ge @!p0 [sflag:s12], $0x1880  }
0x26: {  	s29 =	simm.s32 $0x0;
	[sflag:s12] =	ssyncset.done @!p0 $0x0  }
0x27: {  	s31 =	simm.s32 $0x50A0;
	s30 =	rddreg [dreg:$0xc];
	[sflag:s12] =	ssyncadd.s32 @!p0 $0xFFFFE780  }
0x28: {  	[tilespmem:s31], [sflag:$0x2] =	stream.linear.gather [hbm4b:s30+s29], $0x10, $0x38;
	[tilespmem:$0x1F440] =	vst v63  }
0x29: {  	_ =	swait.ge [sflag:s23], $0x10  }
0x2a: {  	[sflag:s23] =	ssyncset.done $0x0  }
0x2b: {  	[sflag:s23] =	ssyncadd.s32 $0xFFFFFFF0  }
0x2c: {  	s0 =	simm.s32 $0x0;
	s12 =	simm.s32 $0x200;
	v3 =	vld [tilespmem:$0x50A0]  }
.LBB2_2:
0x2d: {  	p1 =	sne.s32 s12, $0x1E00;
	[tilespmem:s0+$0x3CD0] =	vst v0  }
0x2e: {  	[tilespmem:s0+$0x3C60] =	vst v0  }
0x2f: {  	[tilespmem:s0+$0x3C70] =	vst v0  }
.Ltmp2:
0x30: {  	[tilespmem:s0+$0x3C80] =	vst v0;
	(pc) =	sbr.rel @p1 .LBB2_2-.Ltmp2, $4  }
0x31: {  	[tilespmem:s0+$0x3C90] =	vst v0  }
0x32: {  	[tilespmem:s0+$0x3CA0] =	vst v0  }
0x33: {  	[tilespmem:s0+$0x3CB0] =	vst v0  }
0x34: {  	[tilespmem:s0+$0x3CC0] =	vst v0;
	s0 =	sshra.s32 s12, $0x2;
	s12 =	sadd.s32 $0x200, s12  }
0x35: {  	[tilespmem:s0+$0x3CD0] =	vst v0  }
0x36: {  	[tilespmem:s0+$0x3C60] =	vst v0  }
0x37: {  	[tilespmem:s0+$0x3C70] =	vst v0  }
0x38: {  	[tilespmem:s0+$0x3C80] =	vst v0  }
0x39: {  	[tilespmem:s0+$0x3C90] =	vst v0  }
0x3a: {  	[tilespmem:s0+$0x3CA0] =	vst v0  }
0x3b: {  	[tilespmem:s0+$0x3CB0] =	vst v0  }
0x3c: {  	[tilespmem:s0+$0x3CC0] =	vst v0;
	s0 =	simm.s32 $0x40;
	s12 =	simm.s32 $0x0  }
.LBB2_4:
0x3d: {  	p1 =	sne.s32 s0, $0x1840;
	[tilespmem:s12+$0x4460] =	vst v0;
	s12 =	smov.u32 s0;
	s0 =	sadd.s32 $0x40, s0  }
.Ltmp3:
0x3e: {  	(pc) =	sbr.rel @p1 .LBB2_4-.Ltmp3, $2  }
0x3f: {  	_ =	sdelay $0x2  }
0x40: {  	s12 =	sshra.s32 s12, $0x2  }
0x41: {  	[tilespmem:s12+$0x4460] =	vst v0;
	s0 =	simm.s32 $0x40;
	s12 =	simm.s32 $0x0  }
.LBB2_6:
0x42: {  	p1 =	sne.s32 s0, $0x1000;
	[tilespmem:s12+$0x1000] =	vst v1;
	s13 =	smov.u32 s0;
	s0 =	sadd.s32 $0x40, s0  }
.Ltmp4:
0x43: {  	[tilespmem:s12+$0x1850] =	vst v0;
	(pc) =	sbr.rel @p1 .LBB2_6-.Ltmp4, $2  }
0x44: {  	_ =	sdelay $0x2  }
0x45: {  	s12 =	sshra.s32 s13, $0x2  }
0x46: {  	[tilespmem:s12+$0x1000] =	vst v1  }
0x47: {  	[tilespmem:s12+$0x1850] =	vst v0  }
0x48: {  	[tilespmem:$0x1410] =	vst v1  }
0x49: {  	[tilespmem:$0x1450] =	vst v1  }
0x4a: {  	[tilespmem:$0x1490] =	vst v1  }
0x4b: {  	[tilespmem:$0x14D0] =	vst v1  }
0x4c: {  	[tilespmem:$0x1510] =	vst v1  }
0x4d: {  	[tilespmem:$0x1550] =	vst v1  }
0x4e: {  	[tilespmem:$0x1590] =	vst v1  }
0x4f: {  	[tilespmem:$0x15D0] =	vst v1  }
0x50: {  	[tilespmem:$0x1610] =	vst v1  }
0x51: {  	[tilespmem:$0x1650] =	vst v1  }
0x52: {  	[tilespmem:$0x1690] =	vst v1  }
0x53: {  	[tilespmem:$0x16D0] =	vst v1  }
0x54: {  	[tilespmem:$0x1710] =	vst v1  }
0x55: {  	[tilespmem:$0x1750] =	vst v1  }
0x56: {  	[tilespmem:$0x1790] =	vst v1  }
0x57: {  	[tilespmem:$0x17D0] =	vst v1  }
0x58: {  	[tilespmem:$0x1810] =	vst v1  }
0x59: {  	[tilespmem:$0x1420] =	vst v1  }
0x5a: {  	[tilespmem:$0x1460] =	vst v1  }
0x5b: {  	[tilespmem:$0x14A0] =	vst v1  }
0x5c: {  	[tilespmem:$0x14E0] =	vst v1  }
0x5d: {  	[tilespmem:$0x1520] =	vst v1  }
0x5e: {  	[tilespmem:$0x1560] =	vst v1  }
0x5f: {  	[tilespmem:$0x15A0] =	vst v1  }
0x60: {  	[tilespmem:$0x15E0] =	vst v1  }
0x61: {  	[tilespmem:$0x1620] =	vst v1  }
0x62: {  	[tilespmem:$0x1660] =	vst v1  }
0x63: {  	[tilespmem:$0x16A0] =	vst v1  }
0x64: {  	[tilespmem:$0x16E0] =	vst v1  }
0x65: {  	[tilespmem:$0x1720] =	vst v1  }
0x66: {  	[tilespmem:$0x1760] =	vst v1  }
0x67: {  	[tilespmem:$0x17A0] =	vst v1  }
0x68: {  	[tilespmem:$0x17E0] =	vst v1  }
0x69: {  	[tilespmem:$0x1820] =	vst v1  }
0x6a: {  	[tilespmem:$0x1430] =	vst v1  }
0x6b: {  	[tilespmem:$0x1470] =	vst v1  }
0x6c: {  	[tilespmem:$0x14B0] =	vst v1  }
0x6d: {  	[tilespmem:$0x14F0] =	vst v1  }
0x6e: {  	[tilespmem:$0x1530] =	vst v1  }
0x6f: {  	[tilespmem:$0x1570] =	vst v1  }
0x70: {  	[tilespmem:$0x15B0] =	vst v1  }
0x71: {  	[tilespmem:$0x15F0] =	vst v1  }
0x72: {  	[tilespmem:$0x1630] =	vst v1  }
0x73: {  	[tilespmem:$0x1670] =	vst v1  }
0x74: {  	[tilespmem:$0x16B0] =	vst v1  }
0x75: {  	[tilespmem:$0x16F0] =	vst v1  }
0x76: {  	[tilespmem:$0x1730] =	vst v1  }
0x77: {  	[tilespmem:$0x1770] =	vst v1  }
0x78: {  	[tilespmem:$0x17B0] =	vst v1  }
0x79: {  	[tilespmem:$0x17F0] =	vst v1  }
0x7a: {  	[tilespmem:$0x1830] =	vst v1  }
0x7b: {  	[tilespmem:$0x1440] =	vst v1  }
0x7c: {  	[tilespmem:$0x1480] =	vst v1  }
0x7d: {  	[tilespmem:$0x14C0] =	vst v1  }
0x7e: {  	[tilespmem:$0x1500] =	vst v1  }
0x7f: {  	[tilespmem:$0x1540] =	vst v1  }
0x80: {  	[tilespmem:$0x1580] =	vst v1  }
0x81: {  	[tilespmem:$0x15C0] =	vst v1  }
0x82: {  	[tilespmem:$0x1600] =	vst v1  }
0x83: {  	[tilespmem:$0x1640] =	vst v1  }
0x84: {  	[tilespmem:$0x1680] =	vst v1  }
0x85: {  	[tilespmem:$0x16C0] =	vst v1  }
0x86: {  	[tilespmem:$0x1700] =	vst v1  }
0x87: {  	[tilespmem:$0x1740] =	vst v1  }
0x88: {  	[tilespmem:$0x1780] =	vst v1  }
.Ltmp5:
0x89: {  	[tilespmem:$0x17C0] =	vst v1;
	(pc) =	sbr.rel .LBB2_8-.Ltmp5, $4  }
0x8a: {  	[tilespmem:$0x1800] =	vst v1  }
0x8b: {  	[tilespmem:$0x1840] =	vst v1  }
0x8c: {  	[bflag:$0x0] =	sbarrier.arrive $0xFFFF  }
0x8d: {  	s0 =	simm.s32 $0x0;
	p2 =	por $0x1, $0x1  }
.LBB2_23:
0x8e: {  	s0 =	rddreg [dreg:$0xa]  }
0x8f: {  	s7 =	rddreg [dreg:$0x12]  }
0x90: {  	[bflag:$0x0] =	sbarrier.arrive $0xFFFF;
	s12 =	stileid.u32;
	s7 =	sadd.s32 s0, s7  }
0x91: {  	s12 =	sshll.u32 s12, $0x6;
	s13 =	rddreg [dreg:$0x8];
	s0 =	sshll.u32 s7, $0x4  }
0x92: {  	s28 =	sshrl.u32 s16, $0x3;
	s12 =	sor.u32 $0x1C02, s12;
	s0 =	sadd.s32 s13, s0  }
0x93: {  	[hbm:s0], [sflag:s12] =	dma.local [spmem:s28], $0x3100  }
0x94: {  	s0 =	simm.s32 $0x2  }
0x95: {  	_ =	swait.ge [sflag:s0], $0x3100  }
0x96: {  	[sflag:s0] =	ssyncset.done $0x0  }
0x97: {  	s29 =	simm.s32 $0x4A80;
	s17 =	rddreg [dreg:$0xd];
	[sflag:s0] =	ssyncadd.s32 $0xFFFFCF00  }
0x98: {  	[tilespmem:s29], [sflag:$0x2] =	stream.linear.gather [spmem:s17], $0x310, $0x38;
	[tilespmem:$0x1F440] =	vst v63  }
0x99: {  	_ =	swait.ge [sflag:s0], $0x310  }
0x9a: {  	s7 =	sshrl.u32 s7, $0x3;
	[sflag:s0] =	ssyncset.done $0x0;
	s30 =	rddreg [dreg:$0x9]  }
0x9b: {  	s31 =	simm.s32 $0x0;
	[sflag:s0] =	ssyncadd.s32 $0xFFFFFCF0;
	s7 =	sadd.s32 s30, s7  }
0x9c: {  	[hbm4b:s7+s31] =	stream.linear.scatter [tilespmem:s29], [sflag:$0x2], $0x310, $0x38;
	[tilespmem:$0x1F440] =	vst v63  }
.Ltmp6:
0x9d: {  	_ =	swait.ge [sflag:s0], $0x310;
	(pc) =	sbr.rel @!p1 .LBB2_24-.Ltmp6, $4  }
0x9e: {  	[sflag:s0] =	ssyncset.done $0x0  }
0x9f: {  	[sflag:s0] =	ssyncadd.s32 $0xFFFFFCF0  }
0xa0: {  	[bflag:$0x0] =	sbarrier.arrive $0xFFFF  }
0xa1: {  	p2 =	por $0x0, $0x0  }
.LBB2_8:
0xa2: {  	s12 =	sadd.s32 $0x0, s16  }
0xa3: {  	[spmem:s12] =	stream.linear.scatter [tilespmem:s24], [sflag:$0x2], $0x800, $0x38;
	[tilespmem:$0x1F440] =	vst v63  }
0xa4: {  	p1 =	por p2, p2;
	s12 =	simm.s32 $0x2000;
	_ =	swait.ge [sflag:s23], $0x800  }
.LBB2_9:
0xa5: {  	s13 =	sshra.s32 s12, $0x2;
	[sflag:s23] =	ssyncset.done $0x0;
	p2 =	sne.s32 s12, $0x60000  }
.Ltmp7:
0xa6: {  	s13 =	sadd.s32 s13, s16;
	[sflag:s23] =	ssyncadd.s32 $0xFFFFF800;
	(pc) =	sbr.rel @p2 .LBB2_9-.Ltmp7, $3  }
0xa7: {  	[spmem:s13] =	stream.linear.scatter [tilespmem:s24], [sflag:$0x2], $0x800, $0x38;
	[tilespmem:$0x1F440] =	vst v63  }
0xa8: {  	s12 =	sadd.s32 $0x2000, s12;
	_ =	sdelay $0x1  }
0xa9: {  	_ =	swait.ge [sflag:s23], $0x800  }
0xaa: {  	s7 =	rddreg [dreg:$0x7]  }
0xab: {  	[sflag:s23] =	ssyncset.done $0x0;
	s0 =	sor.u32 s7, s0  }
0xac: {  	s30 =	simm.s32 $0x4460;
	[sflag:s23] =	ssyncadd.s32 $0xFFFFF800;
	s7 =	smul.u32 $0x3100, s0  }
0xad: {  	[spmem:s17] =	stream.linear.scatter [tilespmem:s30], [sflag:$0x2], $0x310, $0x38;
	[tilespmem:$0x1F440] =	vst v63  }
0xae: {  	s31 =	smin.u32 s7, $0x9250  }
0xaf: {  	s0 =	sadd.s32 $0x3100, s31  }
0xb0: {  	p2 =	sge.u32 s7, s0  }
.Ltmp8:
0xb1: {  	_ =	swait.ge [sflag:s23], $0x310;
	(pc) =	sbr.rel @p2 .LBB2_23-.Ltmp8, $3  }
0xb2: {  	[sflag:s23] =	ssyncset.done $0x0  }
0xb3: {  	[dreg:$0x12] =	wrdreg s7;
	[sflag:s23] =	ssyncadd.s32 $0xFFFFFCF0  }
0xb4: {  	[bflag:$0x0] =	sbarrier.arrive $0xFFFF;
	_ =	sdelay $0x1  }
.Ltmp9:
0xb5: {  	(pc) =	sbr.rel .LBB2_12-.Ltmp9, $3  }
0xb6: {  	_ =	sdelay $0x1  }
0xb7: {  	s7 =	rddreg [dreg:$0x12]  }
0xb8: {  	v5 =	vmov s0;
	s12 =	simm.s32 $0x0;
	s13 =	simm.s32 $0x0;
	v4 =	vmov s7  }
.LBB2_22:
0xb9: {  	s13 =	sadd.s32 $0x1, s13  }
0xba: {  	p2 =	sne.s32 s13, $0x32  }
.Ltmp10:
0xbb: {  	_ = 	snop;
	(pc) =	sbr.rel @!p2 .LBB2_23-.Ltmp10, $1  }
0xbc: {  	_ =	sdelay $0x3  }
.LBB2_12:
0xbd: {  	s0 =	sadd.s32 s18, s13  }
0xbe: {  	s0 =	sshll.u32 s0, $0x8  }
0xbf: {  	s0 =	sadd.s32 s9, s0  }
0xc0: {  	[tilespmem:s12], [sflag:$0x2] =	stream.linear.gather [hbm4b:s0+s12], $0x800, $0x38;
	[tilespmem:$0x1F440] =	vst v63  }
0xc1: {  	_ =	swait.ge [sflag:s23], $0x800  }
0xc2: {  	[sflag:s23] =	ssyncset.done $0x0  }
0xc3: {  	s7 =	simm.s32 $0x800;
	[sflag:s23] =	ssyncadd.s32 $0xFFFFF800  }
0xc4: {  	[tilespmem:s7], [sflag:$0x1] =	stream.indirect.gather [spmem:s1], $0x1, s12, s26, $0xb8;
	[tilespmem:$0x1F440] =	vst v63  }
0xc5: {  	s17 =	simm.s32 $0x400;
	s7 =	simm.s32 $0xC00  }
0xc6: {  	[tilespmem:s7], [sflag:$0x1] =	stream.indirect.gather [spmem:s2], $0x1, s17, s26, $0xb8;
	[tilespmem:$0x1F440] =	vst v63  }
0xc7: {  	s22 =	simm.s32 $0x880  }
0xc8: {  	[tilespmem:s22], [sflag:$0x1] =	stream.indirect.gather [spmem:s1], $0x1, s26, s26, $0xb8;
	[tilespmem:$0x1F440] =	vst v63  }
0xc9: {  	s28 =	simm.s32 $0x480;
	s29 =	simm.s32 $0xC80  }
0xca: {  	[tilespmem:s29], [sflag:$0x1] =	stream.indirect.gather [spmem:s2], $0x1, s28, s26, $0xb8;
	[tilespmem:$0x1F440] =	vst v63  }
0xcb: {  	s30 =	simm.s32 $0x100;
	s31 =	simm.s32 $0x900  }
0xcc: {  	[tilespmem:s31], [sflag:$0x1] =	stream.indirect.gather [spmem:s1], $0x1, s30, s26, $0xb8;
	[tilespmem:$0x1F440] =	vst v63  }
0xcd: {  	s17 =	simm.s32 $0x500;
	s22 =	simm.s32 $0xD00  }
0xce: {  	[tilespmem:s22], [sflag:$0x1] =	stream.indirect.gather [spmem:s2], $0x1, s17, s26, $0xb8;
	[tilespmem:$0x1F440] =	vst v63  }
0xcf: {  	s28 =	simm.s32 $0x180;
	s29 =	simm.s32 $0x980  }
0xd0: {  	[tilespmem:s29], [sflag:$0x1] =	stream.indirect.gather [spmem:s1], $0x1, s28, s26, $0xb8;
	[tilespmem:$0x1F440] =	vst v63  }
0xd1: {  	s30 =	simm.s32 $0x580;
	s31 =	simm.s32 $0xD80  }
0xd2: {  	[tilespmem:s31], [sflag:$0x1] =	stream.indirect.gather [spmem:s2], $0x1, s30, s26, $0xb8;
	[tilespmem:$0x1F440] =	vst v63  }
0xd3: {  	s17 =	simm.s32 $0x200;
	s22 =	simm.s32 $0xA00  }
0xd4: {  	[tilespmem:s22], [sflag:$0x1] =	stream.indirect.gather [spmem:s1], $0x1, s17, s26, $0xb8;
	[tilespmem:$0x1F440] =	vst v63  }
0xd5: {  	s28 =	simm.s32 $0x600;
	s29 =	simm.s32 $0xE00  }
0xd6: {  	[tilespmem:s29], [sflag:$0x1] =	stream.indirect.gather [spmem:s2], $0x1, s28, s26, $0xb8;
	[tilespmem:$0x1F440] =	vst v63  }
0xd7: {  	s30 =	simm.s32 $0x280;
	s31 =	simm.s32 $0xA80  }
0xd8: {  	[tilespmem:s31], [sflag:$0x1] =	stream.indirect.gather [spmem:s1], $0x1, s30, s26, $0xb8;
	[tilespmem:$0x1F440] =	vst v63  }
0xd9: {  	s7 =	simm.s32 $0x680;
	s17 =	simm.s32 $0xE80  }
0xda: {  	[tilespmem:s17], [sflag:$0x1] =	stream.indirect.gather [spmem:s2], $0x1, s7, s26, $0xb8;
	[tilespmem:$0x1F440] =	vst v63  }
0xdb: {  	s22 =	simm.s32 $0x300;
	s28 =	simm.s32 $0xB00  }
0xdc: {  	[tilespmem:s28], [sflag:$0x1] =	stream.indirect.gather [spmem:s1], $0x1, s22, s26, $0xb8;
	[tilespmem:$0x1F440] =	vst v63  }
0xdd: {  	s29 =	simm.s32 $0x700;
	s30 =	simm.s32 $0xF00  }
0xde: {  	[tilespmem:s30], [sflag:$0x1] =	stream.indirect.gather [spmem:s2], $0x1, s29, s26, $0xb8;
	[tilespmem:$0x1F440] =	vst v63  }
0xdf: {  	s31 =	simm.s32 $0x380  }
0xe0: {  	[tilespmem:s14], [sflag:$0x1] =	stream.indirect.gather [spmem:s1], $0x1, s31, s26, $0xb8;
	[tilespmem:$0x1F440] =	vst v63  }
0xe1: {  	_ = 	snop  }
0xe2: {  	[tilespmem:s19], [sflag:$0x1] =	stream.indirect.gather [spmem:s2], $0x1, s15, s26, $0xb8;
	[tilespmem:$0x1F440] =	vst v63  }
0xe3: {  	_ =	swait.ge [sflag:s20], $0x80  }
0xe4: {  	[sflag:s20] =	ssyncset.done $0x0  }
0xe5: {  	[sflag:s20] =	ssyncadd.s32 $0xFFFFFF80  }
0xe6: {  	_ =	swait.ge [sflag:s20], $0x80  }
0xe7: {  	[sflag:s20] =	ssyncset.done $0x0  }
0xe8: {  	[sflag:s20] =	ssyncadd.s32 $0xFFFFFF80  }
0xe9: {  	_ =	swait.ge [sflag:s20], $0x80  }
0xea: {  	[sflag:s20] =	ssyncset.done $0x0  }
0xeb: {  	[sflag:s20] =	ssyncadd.s32 $0xFFFFFF80  }
0xec: {  	_ =	swait.ge [sflag:s20], $0x80  }
0xed: {  	[sflag:s20] =	ssyncset.done $0x0  }
0xee: {  	[sflag:s20] =	ssyncadd.s32 $0xFFFFFF80  }
0xef: {  	_ =	swait.ge [sflag:s20], $0x80  }
0xf0: {  	[sflag:s20] =	ssyncset.done $0x0  }
0xf1: {  	[sflag:s20] =	ssyncadd.s32 $0xFFFFFF80  }
0xf2: {  	_ =	swait.ge [sflag:s20], $0x80  }
0xf3: {  	[sflag:s20] =	ssyncset.done $0x0  }
0xf4: {  	[sflag:s20] =	ssyncadd.s32 $0xFFFFFF80  }
0xf5: {  	_ =	swait.ge [sflag:s20], $0x80  }
0xf6: {  	[sflag:s20] =	ssyncset.done $0x0  }
0xf7: {  	[sflag:s20] =	ssyncadd.s32 $0xFFFFFF80  }
0xf8: {  	_ =	swait.ge [sflag:s20], $0x80  }
0xf9: {  	[sflag:s20] =	ssyncset.done $0x0  }
0xfa: {  	[sflag:s20] =	ssyncadd.s32 $0xFFFFFF80  }
0xfb: {  	_ =	swait.ge [sflag:s20], $0x80  }
0xfc: {  	[sflag:s20] =	ssyncset.done $0x0  }
0xfd: {  	[sflag:s20] =	ssyncadd.s32 $0xFFFFFF80  }
0xfe: {  	_ =	swait.ge [sflag:s20], $0x80  }
0xff: {  	[sflag:s20] =	ssyncset.done $0x0  }
0x100: {  	[sflag:s20] =	ssyncadd.s32 $0xFFFFFF80  }
0x101: {  	_ =	swait.ge [sflag:s20], $0x80  }
0x102: {  	[sflag:s20] =	ssyncset.done $0x0  }
0x103: {  	[sflag:s20] =	ssyncadd.s32 $0xFFFFFF80  }
0x104: {  	_ =	swait.ge [sflag:s20], $0x80  }
0x105: {  	[sflag:s20] =	ssyncset.done $0x0  }
0x106: {  	[sflag:s20] =	ssyncadd.s32 $0xFFFFFF80  }
0x107: {  	_ =	swait.ge [sflag:s20], $0x80  }
0x108: {  	[sflag:s20] =	ssyncset.done $0x0  }
0x109: {  	[sflag:s20] =	ssyncadd.s32 $0xFFFFFF80  }
0x10a: {  	_ =	swait.ge [sflag:s20], $0x80  }
0x10b: {  	[sflag:s20] =	ssyncset.done $0x0  }
0x10c: {  	[sflag:s20] =	ssyncadd.s32 $0xFFFFFF80  }
0x10d: {  	_ =	swait.ge [sflag:s20], $0x80  }
0x10e: {  	[sflag:s20] =	ssyncset.done $0x0  }
0x10f: {  	[sflag:s20] =	ssyncadd.s32 $0xFFFFFF80  }
0x110: {  	_ =	swait.ge [sflag:s20], $0x80  }
0x111: {  	[sflag:s20] =	ssyncset.done $0x0  }
0x112: {  	s0 =	simm.s32 $0x0;
	[sflag:s20] =	ssyncadd.s32 $0xFFFFFF80  }
.LBB2_13:
0x113: {  	p2 =	sne.s32 s0, $0xFC0  }
.Ltmp11:
0x114: {  	_ = 	snop;
	(pc) =	sbr.rel @p2 .LBB2_13-.Ltmp11, $3  }
0x115: {  	_ =	sdelay $0x1  }
0x116: {  	s17 =	sshra.s32 s0, $0x2  }
0x117: {  	s0 =	sadd.s32 $0x40, s0;
	[tilespmem:s17+$0x1850] =	vst v0  }
0x118: {  	s0 =	simm.s32 $0x0  }
0x119: {  	s17 =	simm.s32 $0x0;
	s22 =	simm.s32 $0x0;
	v6 =	vld [tilespmem:s0+$0x800]  }
0x11a: {  	s28 =	sand.u32 $0x70, s17;
	s22 =	sand.u32 $0x380, s22;
	v7 =	vld [tilespmem:s0+$0xC00]  }
0x11b: {  	s31 =	sor.u32 s28, s22  }
0x11c: {  	v8 =	vld [tilespmem:s31+$0x400];
	_ =	sdelay $0x2  }
0x11d: {  	v6 =	vadd.f32 v7, v6;
	_ =	sdelay $0x1  }
0x11e: {  	vm0 =	vge.s32 v8, v4;
	vm1 =	vlt.s32 v8, v5;
	v7 =	vmul.f32 $2.000000030e-01, v6  }
0x11f: {  	vm0 =	vmand vm0, vm1  }
0x120: {  	v9 =	vsel vm0, $0x1, v1;
	v6 =	vmax.f32 v6, v7  }
0x121: {  	(xrf0) =	vadd.scan.msk.s32 $0xffff, v9;
	v6 =	vsub.f32 v6, v3;
	_ =	sdelay $0x1  }
0x122: {  	v6 =	vmul.f32 $1.442695020e+00, v6;
	_ =	sdelay $0x1  }
0x123: {  	(erf) = vpow2.f32 v6;
	_ =	sdelay $0x1  }
0x124: {  	v6 =	vimm.s32 $0x0;
	v7, _, _ =	vpop (xrf0)  }
0x125: {  	v7 =	vadd.s32 v7, v6  }
0x126: {  	v7 =	vadd.s32 $0xFFFFFFFF, v7  }
0x127: {  	v9 =	vld [tilespmem:s31+$0x0];
	v7 =	vsel vm0, v7, v2;
	_ =	sdelay $0x2  }
0x128: {  	v10 =	vmpcnt.ones.xlane vm0  }
0x129: {  	v8 =	vsub.s32 v8, v4;
	v11 =	vpop (erf)  }
0x12a: {  	s28 =	simm.s32 $0x10;
	v8 =	vnsel vm0, $0x0, v8;
	v6 =	vadd.s32 v6, v10;
	[tilespmem:v7+s21+$0x0] =	vst.idx.msk vm0, v9;
	v9 =	vnsel vm0, $0x0, v11  }
.LBB2_15:
0x12b: {  	p2 =	sne.s32 s28, $0x3F0  }
0x12c: {  	[tilespmem:v7+s10+$0x0] =	vst.idx.msk vm0, v9;
	s17 =	sadd.s32 $0x40, s17;
	v9 =	vmov v6;
	s0 =	smov.u32 s28;
	s28 =	sadd.s32 $0x10, s28  }
0x12d: {  	s22 =	sshrl.u32 s17, $0x2;
	s29 =	sshra.s32 s17, $0x2;
	[tilespmem:v7+s5+$0x0] =	vst.idx.msk vm0, v8  }
0x12e: {  	s0 =	sand.u32 $0x70, s0;
	s22 =	sand.u32 $0x380, s22;
	v7 =	vld [tilespmem:s29+$0x800]  }
0x12f: {  	s0 =	sor.u32 s0, s22;
	v8 =	vld [tilespmem:s29+$0xC00]  }
0x130: {  	v10 =	vld [tilespmem:s0+$0x400];
	_ =	sdelay $0x3  }
0x131: {  	v7 =	vadd.f32 v8, v7  }
0x132: {  	vm0 =	vge.s32 v10, v4;
	vm1 =	vlt.s32 v10, v5  }
0x133: {  	v8 =	vmul.f32 $2.000000030e-01, v7;
	vm0 =	vmand vm0, vm1  }
0x134: {  	v11 =	vsel vm0, $0x1, v1;
	v12 =	vmpcnt.ones.xlane vm0  }
0x135: {  	v7 =	vmax.f32 v7, v8;
	(xrf0) =	vadd.scan.msk.s32 $0xffff, v11  }
0x136: {  	v7 =	vsub.f32 v7, v3;
	v6 =	vadd.s32 v6, v12;
	_ =	sdelay $0x1  }
0x137: {  	v8 =	vmul.f32 $1.442695020e+00, v7;
	_ =	sdelay $0x1  }
0x138: {  	(erf) = vpow2.f32 v8  }
0x139: {  	v7, _, _ =	vpop (xrf0)  }
0x13a: {  	v7 =	vadd.s32 v7, v9  }
0x13b: {  	v7 =	vadd.s32 $0xFFFFFFFF, v7  }
0x13c: {  	v8 =	vld [tilespmem:s0+$0x0];
	v7 =	vsel vm0, v7, v2;
	_ =	sdelay $0x1  }
.Ltmp12:
0x13d: {  	(pc) =	sbr.rel @p2 .LBB2_15-.Ltmp12, $3  }
0x13e: {  	_ =	sdelay $0x1  }
0x13f: {  	v10 =	vsub.s32 v10, v4;
	[tilespmem:v7+s21+$0x0] =	vst.idx.msk vm0, v8;
	v8 =	vpop (erf)  }
0x140: {  	v9 =	vnsel vm0, $0x0, v8;
	v8 =	vnsel vm0, $0x0, v10  }
0x141: {  	v6 =	vxor.u32 $0x80000000, v6  }
0x142: {  	(xrf0) =	vmax.scan.msk.u32 $0xffff, v6;
	_ =	sdelay $0x5  }
0x143: {  	v6, _, _ =	vpop (xrf0)  }
0x144: {  	(v2sf) =	vpush v6, $0xF;
	_ =	sdelay $0xb  }
.Ltmp13:
0x145: {  	_ = 	snop;
	(pc) =	sbr.rel .LBB2_17-.Ltmp13, $3  }
0x146: {  	_ =	sdelay $0x1  }
0x147: {  	[tilespmem:v7+s10+$0x0] =	vst.idx.msk vm0, v9;
	s0 =	spop (v2sf)  }
0x148: {  	s28 =	simm.s32 $0x0;
	s29 =	simm.s32 $0x0;
	[tilespmem:v7+s5+$0x0] =	vst.idx.msk vm0, v8;
	s17 =	sxor.u32 $0x80000000, s0  }
.LBB2_21:
0x149: {  	s29 =	sadd.s32 $0x1, s29  }
0x14a: {  	p2 =	sne.s32 s29, $0x10  }
.Ltmp14:
0x14b: {  	_ = 	snop;
	(pc) =	sbr.rel @!p2 .LBB2_22-.Ltmp14, $2  }
0x14c: {  	_ =	sdelay $0x2  }
0x14d: {  	s28 =	sadd.s32 $0x40, s28  }
.LBB2_17:
0x14e: {  	s30 =	sshll.u32 s29, $0x6  }
0x14f: {  	p2 =	sge.s32 s30, s17  }
.Ltmp15:
0x150: {  	_ = 	snop;
	(pc) =	sbr.rel @p2 .LBB2_21-.Ltmp15, $1  }
0x151: {  	_ =	sdelay $0x3  }
0x152: {  	s0 =	sadd.s32 $0x1000, s30  }
0x153: {  	[tilespmem:s8], [sflag:$0x1] =	stream.indirect.gather [hbm4b:s6+s25], $0x80, s0, s25, $0xb8;
	[tilespmem:$0x1F440] =	vst v63  }
0x154: {  	s22 =	sadd.s32 $0x0, s28;
	_ =	swait.ge [sflag:s20], $0x2000  }
0x155: {  	v6 =	vmov s22;
	[sflag:s20] =	ssyncset.done $0x0  }
0x156: {  	s31 =	simm.s32 $0x1CA0;
	[sflag:s20] =	ssyncadd.s32 $0xFFFFE000  }
0x157: {  	v10 =	vld [tilespmem:s31+$0x30]  }
0x158: {  	v13 =	vld [tilespmem:s31+$0x10]  }
0x159: {  	v11 =	vld [tilespmem:s31+$0xFFFFFFC0]  }
0x15a: {  	v7 =	vld.idx.msk [tilespmem:v6+s10+$0x0], $0xffff  }
0x15b: {  	v15 =	vld [tilespmem:s31+$0xFFFFFFE0]  }
0x15c: {  	v8 =	vld [tilespmem:s31+$0x20]  }
0x15d: {  	v9 =	vld [tilespmem:s31+$0xFFFFFFD0]  }
0x15e: {  	v6 =	vld [tilespmem:s31+$0xFFFFFFF0]  }
0x15f: {  	v14 =	vmul.f32 v10, v7;
	v10 =	vld [tilespmem:s31+$0x0]  }
0x160: {  	v12 =	vmul.f32 v11, v7  }
0x161: {  	s0 =	simm.s32 $0x1;
	s22 =	simm.s32 $0x1CA0;
	v11 =	vmul.f32 v15, v7;
	v13 =	vmul.f32 v13, v7  }
.LBB2_19:
0x162: {  	p2 =	sne.s32 s0, $0x3F  }
0x163: {  	v9 =	vmul.f32 v9, v7;
	v8 =	vmul.f32 v8, v7;
	[tilespmem:s31+$0x30] =	vst v14;
	s22 =	sadd.s32 $0x80, s22;
	s7 =	smov.u32 s0;
	s0 =	sadd.s32 $0x1, s0  }
0x164: {  	[tilespmem:s31+$0xFFFFFFC0] =	vst v12;
	v12 =	vmul.f32 v6, v7;
	v7 =	vmul.f32 v10, v7  }
0x165: {  	s7 =	sadd.s32 s7, s28;
	[tilespmem:s31+$0x10] =	vst v13  }
0x166: {  	v10 =	vmov s7;
	[tilespmem:s31+$0xFFFFFFE0] =	vst v11  }
0x167: {  	v6 =	vld [tilespmem:s22+$0xFFFFFFF0];
	[tilespmem:s31+$0xFFFFFFF0] =	vst v12  }
0x168: {  	v11 =	vld [tilespmem:s22+$0x30];
	[tilespmem:s31+$0x0] =	vst v7  }
0x169: {  	v13 =	vld [tilespmem:s22+$0x10];
	[tilespmem:s31+$0x20] =	vst v8  }
0x16a: {  	v12 =	vld [tilespmem:s22+$0xFFFFFFC0];
	[tilespmem:s31+$0xFFFFFFD0] =	vst v9;
	s31 =	smov.u32 s22  }
0x16b: {  	v7 =	vld.idx.msk [tilespmem:v10+s10+$0x0], $0xffff  }
0x16c: {  	v15 =	vld [tilespmem:s22+$0xFFFFFFE0]  }
0x16d: {  	v8 =	vld [tilespmem:s22+$0x20]  }
.Ltmp16:
0x16e: {  	v9 =	vld [tilespmem:s22+$0xFFFFFFD0];
	(pc) =	sbr.rel @p2 .LBB2_19-.Ltmp16, $3  }
0x16f: {  	v10 =	vld [tilespmem:s22+$0x0];
	_ =	sdelay $0x1  }
0x170: {  	v12 =	vmul.f32 v12, v7;
	v14 =	vmul.f32 v11, v7  }
0x171: {  	v13 =	vmul.f32 v13, v7;
	v11 =	vmul.f32 v15, v7  }
0x172: {  	[tilespmem:s31+$0x30] =	vst v14  }
0x173: {  	[tilespmem:s31+$0xFFFFFFC0] =	vst v12  }
0x174: {  	v6 =	vmul.f32 v6, v7;
	[tilespmem:s31+$0x10] =	vst v13  }
0x175: {  	v8 =	vmul.f32 v8, v7;
	[tilespmem:s31+$0xFFFFFFE0] =	vst v11  }
0x176: {  	v10 =	vmul.f32 v10, v7;
	[tilespmem:s31+$0xFFFFFFF0] =	vst v6  }
0x177: {  	v6 =	vmul.f32 v9, v7;
	[tilespmem:s31+$0x20] =	vst v8  }
0x178: {  	[tilespmem:s31+$0x0] =	vst v10  }
0x179: {  	s0 =	sadd.s32 $0x1410, s30;
	[tilespmem:s31+$0xFFFFFFD0] =	vst v6  }
0x17a: {  	[spmem:s3] =	stream.indirect.scatter.add.f32 [tilespmem:s8], [sflag:$0x3], $0x80, s0, s25, $0xb8;
	[tilespmem:$0x1F440] =	vst v63  }
0x17b: {  	_ =	swait.ge [sflag:s11], $0x2000  }
0x17c: {  	[sflag:s11] =	ssyncset.done $0x0  }
.Ltmp17:
0x17d: {  	s7 =	sadd.s32 $0x1850, s30;
	[sflag:s11] =	ssyncadd.s32 $0xFFFFE000;
	(pc) =	sbr.rel .LBB2_21-.Ltmp17, $4  }
0x17e: {  	[spmem:s4] =	stream.indirect.scatter.add.f32 [tilespmem:s7], [sflag:$0x2], $0x1, s0, s25, $0xb8;
	[tilespmem:$0x1F440] =	vst v63  }
0x17f: {  	_ =	swait.ge [sflag:s23], $0x40  }
0x180: {  	[sflag:s23] =	ssyncset.done $0x0  }
0x181: {  	[sflag:s23] =	ssyncadd.s32 $0xFFFFFFC0  }
.LBB2_25:
0x182: {  	_ =	sfence.sel $0x180000  }
0x183: {  	[bflag:$0x0] =	sbarrier.arrive $0xFFFF  }
0x184: {  	_ =	strace $0x90000047  }
0x185: {  	[bflag:$0x2] =	sbarrier.arrive $0xFFFF  }
0x186: {  	s0 =	rddreg [dreg:$0x5]  }
0x187: {  	s0 =	sadd.s32 @!p0 $0x100000, s0  }
0x188: {  	[sflag:s0] =	ssyncadd.tile.s32 @!p0 $0x1;
	_ =	shalt  }
.Lfunc_end2:
_tile_overlayer_lowered:
.L_overlay_start_2:
0x189: {  	(tag) =	ssettag $0x2  }
0x18a: {  	s0 =	rddreg [dreg:$0x0];
	s2 =	stileid.u32  }
0x18b: {  	s1 =	rddreg [dreg:$0x1];
	p0 =	sne.s32 s2, $0x0  }
0x18c: {  	s3 =	rddreg [dreg:$0x2];
	[bflag:$0x3] =	sbarrier.arrive $0xFFFF;
	s2 =	simm.s32 @!p0 $0x1C02  }
0x18d: {  	[timem:s3], [sflag:s2] =	dma.local @!p0 [hbm:s0], s1  }
0x18e: {  	s0 =	simm.s32 @!p0 $0x2  }
0x18f: {  	_ =	swait.ge @!p0 [sflag:s0], s1  }
0x190: {  	s1 =	ssub.s32 @!p0 $0x0, s1;
	[sflag:s0] =	ssyncset.done @!p0 $0x0  }
0x191: {  	[sflag:s0] =	ssyncadd.s32 @!p0 s1  }
0x192: {  	[bflag:$0x3] =	sbarrier.arrive $0xFFFF  }
0x193: {  	_ =	shalt  }

</sc_bundles>
